<compile_context>
chip_gen: v7x
topology: tpu7x:2x2x1
jax: 0.10.2.dev20260603
libtpu: 0.0.44.dev20260713+nightly
codegen_flags: <defaults>
</compile_context>

<pallas_src>
import functools

import jax
import jax.numpy as jnp
from jax import lax
from jax.experimental import pallas as pl
from jax.experimental.pallas import tpu as pltpu
from jax.experimental.pallas import tpu_sc as plsc

N_NODES = 10000
N_EDGES = 320000
D_FEAT = 128
D_EDGE = 16
D_HID = 128
D_OUT = 128

NC = 2
NS = 16
FH = D_EDGE // NC
NFS = 4
FPT = FH // NFS
NGRP = NS // NFS
CBLK = N_EDGES // 128
GBLK = CBLK // NGRP
CB = 125
NCHUNK = GBLK // CB
N_PAD = 10240
NPB = N_PAD // 128


def _seg_sum_sc(ei_v, ea_v4):
    mesh = plsc.VectorSubcoreMesh(core_axis_name="c", subcore_axis_name="s")

    @functools.partial(
        pl.kernel,
        mesh=mesh,
        out_type=jax.ShapeDtypeStruct((NGRP, NC, NPB, FH, 128), jnp.float32),
        scratch_types=[
            pltpu.VMEM((2, CB, 1, 128), jnp.int32),
            pltpu.VMEM((2, CB, FPT, 128), jnp.float32),
            pltpu.VMEM((FPT, NPB, 1, 128), jnp.float32),
            pltpu.SemaphoreType.DMA,
            pltpu.SemaphoreType.DMA,
            pltpu.SemaphoreType.DMA,
            pltpu.SemaphoreType.DMA,
        ],
        compiler_params=pltpu.CompilerParams(
            use_tc_tiling_on_sc=False, needs_layout_passes=False),
    )
    def k(idx_hbm, ea_hbm, out_hbm, idx_v, val_v, agg_v, si0, si1, sv0, sv1):
        cid = lax.axis_index("c")
        sid = lax.axis_index("s")
        fq = sid // NGRP
        grp = sid % NGRP
        cbase = grp * GBLK
        sis = (si0, si1)
        svs = (sv0, sv1)

        def start(j):
            b = j % 2
            c0 = cbase + j * CB
            ci = pltpu.async_copy(
                idx_hbm.at[pl.ds(c0, CB), pl.ds(0, 1)], idx_v.at[b], sis[b])
            cv = pltpu.async_copy(
                ea_hbm.at[cid, pl.ds(c0, CB), pl.ds(fq * FPT, FPT)],
                val_v.at[b], svs[b])
            return ci, cv

        pend = start(0)

        zrow = jnp.zeros((16,), jnp.float32)

        def zb(c, carry):
            for f in range(FPT):
                for l in range(8):
                    agg_v[f, c, 0, pl.ds(l * 16, 16)] = zrow
            return carry

        lax.fori_loop(0, NPB, zb, 0)

        zi = jnp.zeros((16,), jnp.int32)
        for j in range(NCHUNK):
            b = j % 2
            ci, cv = pend
            ci.wait()
            cv.wait()
            if j + 1 < NCHUNK:
                pend = start(j + 1)

            @plsc.parallel_loop(0, CB, unroll=3)
            def step(c):
                for l in range(8):
                    idxv = idx_v[b, c, 0, pl.ds(l * 16, 16)]
                    hi = idxv >> 7
                    lo = idxv & 127
                    for f in range(FPT):
                        valv = val_v[b, c, f, pl.ds(l * 16, 16)]
                        plsc.addupdate_scatter(
                            agg_v.at[f], [hi, zi, lo], valv)

        for f in range(FPT):
            pltpu.sync_copy(
                agg_v.at[f],
                out_hbm.at[grp, cid, pl.ds(0, NPB),
                           pl.ds(fq * FPT + f, 1)])

    return k(ei_v, ea_v4)


ROW_BLK = 10240
N_BLK = N_PAD // ROW_BLK


def _row_spec():
    return pl.BlockSpec((ROW_BLK, D_FEAT), lambda i: (i, 0))


def _full(shape):
    return pl.BlockSpec(shape, lambda i: (0,) * len(shape))


def _dense_body(x_r, xl_r, z_r, wx_r, wl_r, wz_r, b1_r, o_r):
    acc = jnp.dot(x_r[...], wx_r[...], preferred_element_type=jnp.float32)
    acc = acc + jnp.dot(xl_r[...], wl_r[...], preferred_element_type=jnp.float32)
    acc = acc + jnp.dot(z_r[...], wz_r[...], preferred_element_type=jnp.float32)
    o_r[...] = (acc + b1_r[...]).astype(jnp.bfloat16)


def _mlp_dense(x, xl, z, wx, wl, wz, b1):
    return pl.pallas_call(
        _dense_body,
        grid=(N_BLK,),
        in_specs=[
            _row_spec(), _row_spec(), _row_spec(),
            _full((D_FEAT, D_HID)), _full((D_FEAT, D_HID)),
            _full((D_FEAT, D_HID)), _full((1, D_HID)),
        ],
        out_specs=pl.BlockSpec((ROW_BLK, D_HID), lambda i: (i, 0)),
        out_shape=jax.ShapeDtypeStruct((N_NODES, D_HID), jnp.bfloat16),
        compiler_params=pltpu.CompilerParams(
            dimension_semantics=("arbitrary",),
        ),
    )(x, xl, z, wx, wl, wz, b1)


def _final_body(acc_r, parts_r, wa_r, w2_r, b2_r, o_r):
    p = parts_r[...]
    agg_t = p[0] + p[1]
    for i in range(2, NGRP):
        agg_t = agg_t + p[i]
    acc = acc_r[...].astype(jnp.float32) + lax.dot_general(
        agg_t, wa_r[...], (((0,), (0,)), ((), ())),
        preferred_element_type=jnp.float32)
    h = jnp.maximum(acc, 0.0)
    o_r[...] = jnp.dot(h, w2_r[...], preferred_element_type=jnp.float32) + b2_r[...]


def _mlp_final(acc, parts, wa, w2, b2):
    parts_spec = pl.BlockSpec((NGRP, D_EDGE, ROW_BLK), lambda i: (0, 0, i))
    return pl.pallas_call(
        _final_body,
        grid=(N_BLK,),
        in_specs=[
            pl.BlockSpec((ROW_BLK, D_HID), lambda i: (i, 0)), parts_spec,
            _full((D_EDGE, D_HID)), _full((D_HID, D_OUT)), _full((1, D_OUT)),
        ],
        out_specs=pl.BlockSpec((ROW_BLK, D_OUT), lambda i: (i, 0)),
        out_shape=jax.ShapeDtypeStruct((N_NODES, D_OUT), jnp.float32),
        compiler_params=pltpu.CompilerParams(
            dimension_semantics=("arbitrary",),
        ),
    )(acc, parts, wa, w2, b2)


def kernel(x, x_lstm, encoded_z_gnss, edge_index, edge_attr, W1, b1, W2, b2):
    ei = edge_index.astype(jnp.int32)
    ei_v = ei.reshape(2, CBLK, 128).transpose(1, 0, 2)
    ea_v4 = edge_attr.reshape(CBLK, 128, NC, FH).transpose(2, 0, 3, 1)
    parts5 = _seg_sum_sc(ei_v, ea_v4)
    parts = parts5.transpose(0, 1, 3, 2, 4).reshape(NGRP, D_EDGE, N_PAD)
    wx = W1[0:D_FEAT]
    wl = W1[D_FEAT:2 * D_FEAT]
    wz = W1[2 * D_FEAT:3 * D_FEAT]
    wa = W1[3 * D_FEAT:]
    acc = _mlp_dense(x, x_lstm, encoded_z_gnss, wx, wl, wz,
                     b1.reshape(1, D_HID))
    return _mlp_final(acc, parts, wa, W2, b2.reshape(1, D_OUT))

# --- scband reference (transcript-rebuilt; emitter-appended) ---
"""Pipeline reference for scband-node-model-bp-50242527429369 (READ-ONLY COPY).

The authoritative reference and input builder live on the scoring server;
editing this copy changes nothing except your own understanding.
"""

import jax, jax.numpy as jnp
import numpy as np

N_NODES = 10000
N_EDGES = 320000
D_FEAT = 128
D_EDGE = 16
D_CAT = D_FEAT * 3 + D_EDGE  # 400
D_HID = 128
D_OUT = 128


def setup_inputs(seed: int = 0) -> dict:
    key = jax.random.key(seed)
    ks = jax.random.split(key, 10)
    x = jax.random.normal(ks[0], (N_NODES, D_FEAT), dtype=jnp.float32)
    x_lstm = jax.random.normal(ks[1], (N_NODES, D_FEAT), dtype=jnp.float32)
    encoded_z_gnss = jax.random.normal(ks[2], (N_NODES, D_FEAT), dtype=jnp.float32)
    edge_index = jax.random.randint(ks[3], (2, N_EDGES), 0, N_NODES, dtype=jnp.int64 if jax.config.jax_enable_x64 else jnp.int32)
    edge_attr = jax.random.normal(ks[4], (N_EDGES, D_EDGE), dtype=jnp.float32)
    # node_mlp params: Linear(400->128), ReLU, Linear(128->128)
    W1 = jax.random.normal(ks[5], (D_CAT, D_HID), dtype=jnp.float32) * (1.0 / np.sqrt(D_CAT))
    b1 = jnp.zeros((D_HID,), dtype=jnp.float32)
    W2 = jax.random.normal(ks[6], (D_HID, D_OUT), dtype=jnp.float32) * (1.0 / np.sqrt(D_HID))
    b2 = jnp.zeros((D_OUT,), dtype=jnp.float32)
    return {"x": x, "x_lstm": x_lstm, "encoded_z_gnss": encoded_z_gnss,
            "edge_index": edge_index, "edge_attr": edge_attr,
            "W1": W1, "b1": b1, "W2": W2, "b2": b2}


def reference(x, x_lstm, encoded_z_gnss, edge_index, edge_attr, W1, b1, W2, b2):
    row = edge_index[0]
    # node_agg_fn: scatter-add edge_attr into per-node slots (dim_size = x.size(0))
    agg = jax.ops.segment_sum(edge_attr, row, num_segments=x.shape[0])
    out = jnp.concatenate([x, x_lstm, encoded_z_gnss, agg], axis=1)
    # node_mlp: Linear -> ReLU -> Linear
    h = jnp.maximum(out @ W1 + b1, 0.0)
    y = h @ W2 + b2
    return y

if __name__ == "__main__":
    import jax
    _d = setup_inputs()
    print(jax.jit(kernel)(*tuple(_d.values())))

</pallas_src>

<mosaic_0001>
#map = affine_map<(d0, d1) -> (0, 0, 0)>
#map1 = affine_map<(d0, d1) -> (0, 0, 0, 0)>
#map2 = affine_map<(d0, d1) -> (0, 0, 0, 0, 0)>
module attributes {stable_mosaic.version = 14 : i64} {
  func.func @k(%arg0: i32, %arg1: i32, %arg2: memref<2500x2x128xi32, #tpu.memory_space<hbm>>, %arg3: memref<2x2500x8x128xf32, #tpu.memory_space<hbm>>, %arg4: memref<4x2x80x8x128xf32, #tpu.memory_space<hbm>>, %arg5: memref<2x125x1x128xi32, #tpu.memory_space<vmem>>, %arg6: memref<2x125x2x128xf32, #tpu.memory_space<vmem>>, %arg7: memref<2x80x1x128xf32, #tpu.memory_space<vmem>>, %arg8: memref<!tpu.dma_semaphore, #tpu.memory_space<semaphore_mem>>, %arg9: memref<!tpu.dma_semaphore, #tpu.memory_space<semaphore_mem>>, %arg10: memref<!tpu.dma_semaphore, #tpu.memory_space<semaphore_mem>>, %arg11: memref<!tpu.dma_semaphore, #tpu.memory_space<semaphore_mem>>) attributes {dimension_semantics = [#tpu.dimension_semantics<core_parallel>, #tpu.dimension_semantics<subcore_parallel>], iteration_bounds = array<i64: 2, 16>, scalar_prefetch = 0 : i64, scratch_operands = 7 : i64, tpu.core_type = #tpu.core_type<sc_vector_subcore>, window_params = [{transform_indices = #map}, {transform_indices = #map1}, {transform_indices = #map2}]} {
    %jit3A = arith.constant 4 : i32
    %div3A = arith.divsi %arg1, %jit3A : i32
    %sign3A = arith.constant 0 : i32
    %sign3A_0 = arith.cmpi sgt, %arg1, %sign3A : i32
    %sign3A_1 = arith.extui %sign3A_0 : i1 to i32
    %sign3A_2 = arith.constant 0 : i32
    %sign3A_3 = arith.cmpi slt, %arg1, %sign3A_2 : i32
    %sign3A_4 = arith.extui %sign3A_3 : i1 to i32
    %sign3A_5 = arith.subi %sign3A_1, %sign3A_4 : i32
    %sign3A_6 = arith.constant 0 : i32
    %sign3A_7 = arith.cmpi sgt, %jit3A, %sign3A_6 : i32
    %sign3A_8 = arith.extui %sign3A_7 : i1 to i32
    %sign3A_9 = arith.constant 0 : i32
    %sign3A_10 = arith.cmpi slt, %jit3A, %sign3A_9 : i32
    %sign3A_11 = arith.extui %sign3A_10 : i1 to i32
    %sign3A_12 = arith.subi %sign3A_8, %sign3A_11 : i32
    %ne3A = arith.cmpi ne, %sign3A_5, %sign3A_12 : i32
    %rem3A = arith.remsi %arg1, %jit3A : i32
    %ne3A_13 = arith.constant 0 : i32
    %ne3A_14 = arith.cmpi ne, %rem3A, %ne3A_13 : i32
    %and3A = arith.andi %ne3A, %ne3A_14 : i1
    %sub3A = arith.constant 1 : i32
    %sub3A_15 = arith.subi %div3A, %sub3A : i32
    %select_n3A = arith.select %and3A, %sub3A_15, %div3A : i32
    %jit3A_16 = arith.constant 4 : i32
    %eq3A = arith.constant 0 : i32
    %eq3A_17 = arith.cmpi eq, %jit3A_16, %eq3A : i32
    %jit3A_18 = arith.constant 1 : i32
    %select_n3A_19 = arith.select %eq3A_17, %jit3A_18, %jit3A_16 : i32
    %rem3A_20 = arith.remsi %arg1, %select_n3A_19 : i32
    %ne3A_21 = arith.constant 0 : i32
    %ne3A_22 = arith.cmpi ne, %rem3A_20, %ne3A_21 : i32
    %lt3A = arith.constant 0 : i32
    %lt3A_23 = arith.cmpi slt, %rem3A_20, %lt3A : i32
    %lt3A_24 = arith.constant 0 : i32
    %lt3A_25 = arith.cmpi slt, %select_n3A_19, %lt3A_24 : i32
    %ne3A_26 = arith.xori %lt3A_23, %lt3A_25 : i1
    %and3A_27 = arith.andi %ne3A_26, %ne3A_22 : i1
    %add3A = arith.addi %rem3A_20, %select_n3A_19 : i32
    %select_n3A_28 = arith.select %and3A_27, %add3A, %rem3A_20 : i32
    %mul3A = arith.constant 625 : i32
    %mul3A_29 = arith.muli %select_n3A_28, %mul3A : i32
    %add3A_30 = arith.constant 0 : i32
    %add3A_31 = arith.addi %mul3A_29, %add3A_30 : i32
    %dma_start3A = arith.constant 0 : i32
    %dma_start3A_32 = arith.constant 0 : i32
    %dma_start3A_33 = arith.constant 0 : i32
    %dma_start3A_34 = arith.constant 0 : i32
    %dma_start3A_35 = tpu.memref_slice %arg5[%dma_start3A, %dma_start3A_32, %dma_start3A_33, %dma_start3A_34] : memref<2x125x1x128xi32, #tpu.memory_space<vmem>> -> memref<1x125x1x128xi32, #tpu.memory_space<vmem>>
    %dma_start3A_36 = tpu.memref_squeeze %dma_start3A_35 : memref<1x125x1x128xi32, #tpu.memory_space<vmem>> -> memref<125x1x128xi32, #tpu.memory_space<vmem>>
    %dma_start3A_37 = arith.constant 0 : i32
    %dma_start3A_38 = arith.constant 0 : i32
    %dma_start3A_39 = tpu.memref_slice %arg2[%add3A_31, %dma_start3A_37, %dma_start3A_38] : memref<2500x2x128xi32, #tpu.memory_space<hbm>> -> memref<125x1x128xi32, #tpu.memory_space<hbm>>
    %dma_start3A_40 = arith.constant 0 : i32
    %dma_start3A_41 = arith.constant 0 : i32
    %dma_start3A_42 = arith.constant 0 : i32
    %dma_start3A_43 = tpu.memref_slice %arg5[%dma_start3A, %dma_start3A_40, %dma_start3A_41, %dma_start3A_42] : memref<2x125x1x128xi32, #tpu.memory_space<vmem>> -> memref<1x125x1x128xi32, #tpu.memory_space<vmem>>
    %dma_start3A_44 = tpu.memref_squeeze %dma_start3A_43 : memref<1x125x1x128xi32, #tpu.memory_space<vmem>> -> memref<125x1x128xi32, #tpu.memory_space<vmem>>
    %dma_start3A_45 = arith.constant 0 : i32
    %dma_start3A_46 = arith.constant 0 : i32
    %dma_start3A_47 = tpu.memref_slice %arg2[%add3A_31, %dma_start3A_45, %dma_start3A_46] : memref<2500x2x128xi32, #tpu.memory_space<hbm>> -> memref<125x1x128xi32, #tpu.memory_space<hbm>>
    tpu.enqueue_dma source(%dma_start3A_47 : memref<125x1x128xi32, #tpu.memory_space<hbm>>) target(%dma_start3A_44 : memref<125x1x128xi32, #tpu.memory_space<vmem>>) target_semaphore(%arg8 : memref<!tpu.dma_semaphore, #tpu.memory_space<semaphore_mem>>)
    %mul3A_48 = arith.constant 2 : i32
    %mul3A_49 = arith.muli %select_n3A, %mul3A_48 : i32
    %dma_start3A_50 = arith.constant 0 : i32
    %dma_start3A_51 = arith.constant 0 : i32
    %dma_start3A_52 = arith.constant 0 : i32
    %dma_start3A_53 = arith.constant 0 : i32
    %dma_start3A_54 = tpu.memref_slice %arg6[%dma_start3A_50, %dma_start3A_51, %dma_start3A_52, %dma_start3A_53] : memref<2x125x2x128xf32, #tpu.memory_space<vmem>> -> memref<1x125x2x128xf32, #tpu.memory_space<vmem>>
    %dma_start3A_55 = tpu.memref_squeeze %dma_start3A_54 : memref<1x125x2x128xf32, #tpu.memory_space<vmem>> -> memref<125x2x128xf32, #tpu.memory_space<vmem>>
    %dma_start3A_56 = arith.constant 0 : i32
    %dma_start3A_57 = tpu.memref_slice %arg3[%arg0, %add3A_31, %mul3A_49, %dma_start3A_56] : memref<2x2500x8x128xf32, #tpu.memory_space<hbm>> -> memref<1x125x2x128xf32, #tpu.memory_space<hbm>>
    %dma_start3A_58 = tpu.memref_squeeze %dma_start3A_57 : memref<1x125x2x128xf32, #tpu.memory_space<hbm>> -> memref<125x2x128xf32, #tpu.memory_space<hbm>>
    %dma_start3A_59 = arith.constant 0 : i32
    %dma_start3A_60 = arith.constant 0 : i32
    %dma_start3A_61 = arith.constant 0 : i32
    %dma_start3A_62 = tpu.memref_slice %arg6[%dma_start3A_50, %dma_start3A_59, %dma_start3A_60, %dma_start3A_61] : memref<2x125x2x128xf32, #tpu.memory_space<vmem>> -> memref<1x125x2x128xf32, #tpu.memory_space<vmem>>
    %dma_start3A_63 = tpu.memref_squeeze %dma_start3A_62 : memref<1x125x2x128xf32, #tpu.memory_space<vmem>> -> memref<125x2x128xf32, #tpu.memory_space<vmem>>
    %dma_start3A_64 = arith.constant 0 : i32
    %dma_start3A_65 = tpu.memref_slice %arg3[%arg0, %add3A_31, %mul3A_49, %dma_start3A_64] : memref<2x2500x8x128xf32, #tpu.memory_space<hbm>> -> memref<1x125x2x128xf32, #tpu.memory_space<hbm>>
    %dma_start3A_66 = tpu.memref_squeeze %dma_start3A_65 : memref<1x125x2x128xf32, #tpu.memory_space<hbm>> -> memref<125x2x128xf32, #tpu.memory_space<hbm>>
    tpu.enqueue_dma source(%dma_start3A_66 : memref<125x2x128xf32, #tpu.memory_space<hbm>>) target(%dma_start3A_63 : memref<125x2x128xf32, #tpu.memory_space<vmem>>) target_semaphore(%arg10 : memref<!tpu.dma_semaphore, #tpu.memory_space<semaphore_mem>>)
    %broadcast_in_dim3A = arith.constant 0.000000e+00 : f32
    %broadcast_in_dim3A_67 = vector.broadcast %broadcast_in_dim3A : f32 to vector<16xf32>
    %scan3A = arith.constant 0 : i32
    %scan3A_68 = arith.constant 0 : i32
    %scan3A_69 = arith.constant 80 : i32
    %scan3A_70 = arith.addi %scan3A_68, %scan3A_69 : i32
    %scan3A_71 = arith.constant 1 : i32
    scf.for %scan3A_419 = %scan3A_68 to %scan3A_70 step %scan3A_71  : i32 {
      %swap3A = arith.constant 0 : i32
      %swap3A_420 = arith.constant 0 : i32
      %swap3A_421 = arith.index_cast %swap3A : i32 to index
      %swap3A_422 = arith.index_cast %scan3A_419 : i32 to index
      %swap3A_423 = arith.index_cast %swap3A_420 : i32 to index
      %swap3A_424 = arith.constant 0 : index
      %swap3A_425 = tpu.vector_load %arg7[%swap3A_421, %swap3A_422, %swap3A_423, %swap3A_424] {strides = array<i32>} : memref<2x80x1x128xf32, #tpu.memory_space<vmem>>, vector<16xf32>,
      tpu.vector_store %arg7[%swap3A_421, %swap3A_422, %swap3A_423, %swap3A_424], %broadcast_in_dim3A_67 {strides = array<i32>} : memref<2x80x1x128xf32, #tpu.memory_space<vmem>>, vector<16xf32>,
      %swap3A_426 = arith.constant 0 : i32
      %swap3A_427 = arith.constant 0 : i32
      %swap3A_428 = arith.index_cast %swap3A_426 : i32 to index
      %swap3A_429 = arith.index_cast %scan3A_419 : i32 to index
      %swap3A_430 = arith.index_cast %swap3A_427 : i32 to index
      %swap3A_431 = arith.constant 16 : index
      %swap3A_432 = tpu.vector_load %arg7[%swap3A_428, %swap3A_429, %swap3A_430, %swap3A_431] {strides = array<i32>} : memref<2x80x1x128xf32, #tpu.memory_space<vmem>>, vector<16xf32>,
      tpu.vector_store %arg7[%swap3A_428, %swap3A_429, %swap3A_430, %swap3A_431], %broadcast_in_dim3A_67 {strides = array<i32>} : memref<2x80x1x128xf32, #tpu.memory_space<vmem>>, vector<16xf32>,
      %swap3A_433 = arith.constant 0 : i32
      %swap3A_434 = arith.constant 0 : i32
      %swap3A_435 = arith.index_cast %swap3A_433 : i32 to index
      %swap3A_436 = arith.index_cast %scan3A_419 : i32 to index
      %swap3A_437 = arith.index_cast %swap3A_434 : i32 to index
      %swap3A_438 = arith.constant 32 : index
      %swap3A_439 = tpu.vector_load %arg7[%swap3A_435, %swap3A_436, %swap3A_437, %swap3A_438] {strides = array<i32>} : memref<2x80x1x128xf32, #tpu.memory_space<vmem>>, vector<16xf32>,
      tpu.vector_store %arg7[%swap3A_435, %swap3A_436, %swap3A_437, %swap3A_438], %broadcast_in_dim3A_67 {strides = array<i32>} : memref<2x80x1x128xf32, #tpu.memory_space<vmem>>, vector<16xf32>,
      %swap3A_440 = arith.constant 0 : i32
      %swap3A_441 = arith.constant 0 : i32
      %swap3A_442 = arith.index_cast %swap3A_440 : i32 to index
      %swap3A_443 = arith.index_cast %scan3A_419 : i32 to index
      %swap3A_444 = arith.index_cast %swap3A_441 : i32 to index
      %swap3A_445 = arith.constant 48 : index
      %swap3A_446 = tpu.vector_load %arg7[%swap3A_442, %swap3A_443, %swap3A_444, %swap3A_445] {strides = array<i32>} : memref<2x80x1x128xf32, #tpu.memory_space<vmem>>, vector<16xf32>,
      tpu.vector_store %arg7[%swap3A_442, %swap3A_443, %swap3A_444, %swap3A_445], %broadcast_in_dim3A_67 {strides = array<i32>} : memref<2x80x1x128xf32, #tpu.memory_space<vmem>>, vector<16xf32>,
      %swap3A_447 = arith.constant 0 : i32
      %swap3A_448 = arith.constant 0 : i32
      %swap3A_449 = arith.index_cast %swap3A_447 : i32 to index
      %swap3A_450 = arith.index_cast %scan3A_419 : i32 to index
      %swap3A_451 = arith.index_cast %swap3A_448 : i32 to index
      %swap3A_452 = arith.constant 64 : index
      %swap3A_453 = tpu.vector_load %arg7[%swap3A_449, %swap3A_450, %swap3A_451, %swap3A_452] {strides = array<i32>} : memref<2x80x1x128xf32, #tpu.memory_space<vmem>>, vector<16xf32>,
      tpu.vector_store %arg7[%swap3A_449, %swap3A_450, %swap3A_451, %swap3A_452], %broadcast_in_dim3A_67 {strides = array<i32>} : memref<2x80x1x128xf32, #tpu.memory_space<vmem>>, vector<16xf32>,
      %swap3A_454 = arith.constant 0 : i32
      %swap3A_455 = arith.constant 0 : i32
      %swap3A_456 = arith.index_cast %swap3A_454 : i32 to index
      %swap3A_457 = arith.index_cast %scan3A_419 : i32 to index
      %swap3A_458 = arith.index_cast %swap3A_455 : i32 to index
      %swap3A_459 = arith.constant 80 : index
      %swap3A_460 = tpu.vector_load %arg7[%swap3A_456, %swap3A_457, %swap3A_458, %swap3A_459] {strides = array<i32>} : memref<2x80x1x128xf32, #tpu.memory_space<vmem>>, vector<16xf32>,
      tpu.vector_store %arg7[%swap3A_456, %swap3A_457, %swap3A_458, %swap3A_459], %broadcast_in_dim3A_67 {strides = array<i32>} : memref<2x80x1x128xf32, #tpu.memory_space<vmem>>, vector<16xf32>,
      %swap3A_461 = arith.constant 0 : i32
      %swap3A_462 = arith.constant 0 : i32
      %swap3A_463 = arith.index_cast %swap3A_461 : i32 to index
      %swap3A_464 = arith.index_cast %scan3A_419 : i32 to index
      %swap3A_465 = arith.index_cast %swap3A_462 : i32 to index
      %swap3A_466 = arith.constant 96 : index
      %swap3A_467 = tpu.vector_load %arg7[%swap3A_463, %swap3A_464, %swap3A_465, %swap3A_466] {strides = array<i32>} : memref<2x80x1x128xf32, #tpu.memory_space<vmem>>, vector<16xf32>,
      tpu.vector_store %arg7[%swap3A_463, %swap3A_464, %swap3A_465, %swap3A_466], %broadcast_in_dim3A_67 {strides = array<i32>} : memref<2x80x1x128xf32, #tpu.memory_space<vmem>>, vector<16xf32>,
      %swap3A_468 = arith.constant 0 : i32
      %swap3A_469 = arith.constant 0 : i32
      %swap3A_470 = arith.index_cast %swap3A_468 : i32 to index
      %swap3A_471 = arith.index_cast %scan3A_419 : i32 to index
      %swap3A_472 = arith.index_cast %swap3A_469 : i32 to index
      %swap3A_473 = arith.constant 112 : index
      %swap3A_474 = tpu.vector_load %arg7[%swap3A_470, %swap3A_471, %swap3A_472, %swap3A_473] {strides = array<i32>} : memref<2x80x1x128xf32, #tpu.memory_space<vmem>>, vector<16xf32>,
      tpu.vector_store %arg7[%swap3A_470, %swap3A_471, %swap3A_472, %swap3A_473], %broadcast_in_dim3A_67 {strides = array<i32>} : memref<2x80x1x128xf32, #tpu.memory_space<vmem>>, vector<16xf32>,
      %swap3A_475 = arith.constant 1 : i32
      %swap3A_476 = arith.constant 0 : i32
      %swap3A_477 = arith.index_cast %swap3A_475 : i32 to index
      %swap3A_478 = arith.index_cast %scan3A_419 : i32 to index
      %swap3A_479 = arith.index_cast %swap3A_476 : i32 to index
      %swap3A_480 = arith.constant 0 : index
      %swap3A_481 = tpu.vector_load %arg7[%swap3A_477, %swap3A_478, %swap3A_479, %swap3A_480] {strides = array<i32>} : memref<2x80x1x128xf32, #tpu.memory_space<vmem>>, vector<16xf32>,
      tpu.vector_store %arg7[%swap3A_477, %swap3A_478, %swap3A_479, %swap3A_480], %broadcast_in_dim3A_67 {strides = array<i32>} : memref<2x80x1x128xf32, #tpu.memory_space<vmem>>, vector<16xf32>,
      %swap3A_482 = arith.constant 1 : i32
      %swap3A_483 = arith.constant 0 : i32
      %swap3A_484 = arith.index_cast %swap3A_482 : i32 to index
      %swap3A_485 = arith.index_cast %scan3A_419 : i32 to index
      %swap3A_486 = arith.index_cast %swap3A_483 : i32 to index
      %swap3A_487 = arith.constant 16 : index
      %swap3A_488 = tpu.vector_load %arg7[%swap3A_484, %swap3A_485, %swap3A_486, %swap3A_487] {strides = array<i32>} : memref<2x80x1x128xf32, #tpu.memory_space<vmem>>, vector<16xf32>,
      tpu.vector_store %arg7[%swap3A_484, %swap3A_485, %swap3A_486, %swap3A_487], %broadcast_in_dim3A_67 {strides = array<i32>} : memref<2x80x1x128xf32, #tpu.memory_space<vmem>>, vector<16xf32>,
      %swap3A_489 = arith.constant 1 : i32
      %swap3A_490 = arith.constant 0 : i32
      %swap3A_491 = arith.index_cast %swap3A_489 : i32 to index
      %swap3A_492 = arith.index_cast %scan3A_419 : i32 to index
      %swap3A_493 = arith.index_cast %swap3A_490 : i32 to index
      %swap3A_494 = arith.constant 32 : index
      %swap3A_495 = tpu.vector_load %arg7[%swap3A_491, %swap3A_492, %swap3A_493, %swap3A_494] {strides = array<i32>} : memref<2x80x1x128xf32, #tpu.memory_space<vmem>>, vector<16xf32>,
      tpu.vector_store %arg7[%swap3A_491, %swap3A_492, %swap3A_493, %swap3A_494], %broadcast_in_dim3A_67 {strides = array<i32>} : memref<2x80x1x128xf32, #tpu.memory_space<vmem>>, vector<16xf32>,
      %swap3A_496 = arith.constant 1 : i32
      %swap3A_497 = arith.constant 0 : i32
      %swap3A_498 = arith.index_cast %swap3A_496 : i32 to index
      %swap3A_499 = arith.index_cast %scan3A_419 : i32 to index
      %swap3A_500 = arith.index_cast %swap3A_497 : i32 to index
      %swap3A_501 = arith.constant 48 : index
      %swap3A_502 = tpu.vector_load %arg7[%swap3A_498, %swap3A_499, %swap3A_500, %swap3A_501] {strides = array<i32>} : memref<2x80x1x128xf32, #tpu.memory_space<vmem>>, vector<16xf32>,
      tpu.vector_store %arg7[%swap3A_498, %swap3A_499, %swap3A_500, %swap3A_501], %broadcast_in_dim3A_67 {strides = array<i32>} : memref<2x80x1x128xf32, #tpu.memory_space<vmem>>, vector<16xf32>,
      %swap3A_503 = arith.constant 1 : i32
      %swap3A_504 = arith.constant 0 : i32
      %swap3A_505 = arith.index_cast %swap3A_503 : i32 to index
      %swap3A_506 = arith.index_cast %scan3A_419 : i32 to index
      %swap3A_507 = arith.index_cast %swap3A_504 : i32 to index
      %swap3A_508 = arith.constant 64 : index
      %swap3A_509 = tpu.vector_load %arg7[%swap3A_505, %swap3A_506, %swap3A_507, %swap3A_508] {strides = array<i32>} : memref<2x80x1x128xf32, #tpu.memory_space<vmem>>, vector<16xf32>,
      tpu.vector_store %arg7[%swap3A_505, %swap3A_506, %swap3A_507, %swap3A_508], %broadcast_in_dim3A_67 {strides = array<i32>} : memref<2x80x1x128xf32, #tpu.memory_space<vmem>>, vector<16xf32>,
      %swap3A_510 = arith.constant 1 : i32
      %swap3A_511 = arith.constant 0 : i32
      %swap3A_512 = arith.index_cast %swap3A_510 : i32 to index
      %swap3A_513 = arith.index_cast %scan3A_419 : i32 to index
      %swap3A_514 = arith.index_cast %swap3A_511 : i32 to index
      %swap3A_515 = arith.constant 80 : index
      %swap3A_516 = tpu.vector_load %arg7[%swap3A_512, %swap3A_513, %swap3A_514, %swap3A_515] {strides = array<i32>} : memref<2x80x1x128xf32, #tpu.memory_space<vmem>>, vector<16xf32>,
      tpu.vector_store %arg7[%swap3A_512, %swap3A_513, %swap3A_514, %swap3A_515], %broadcast_in_dim3A_67 {strides = array<i32>} : memref<2x80x1x128xf32, #tpu.memory_space<vmem>>, vector<16xf32>,
      %swap3A_517 = arith.constant 1 : i32
      %swap3A_518 = arith.constant 0 : i32
      %swap3A_519 = arith.index_cast %swap3A_517 : i32 to index
      %swap3A_520 = arith.index_cast %scan3A_419 : i32 to index
      %swap3A_521 = arith.index_cast %swap3A_518 : i32 to index
      %swap3A_522 = arith.constant 96 : index
      %swap3A_523 = tpu.vector_load %arg7[%swap3A_519, %swap3A_520, %swap3A_521, %swap3A_522] {strides = array<i32>} : memref<2x80x1x128xf32, #tpu.memory_space<vmem>>, vector<16xf32>,
      tpu.vector_store %arg7[%swap3A_519, %swap3A_520, %swap3A_521, %swap3A_522], %broadcast_in_dim3A_67 {strides = array<i32>} : memref<2x80x1x128xf32, #tpu.memory_space<vmem>>, vector<16xf32>,
      %swap3A_524 = arith.constant 1 : i32
      %swap3A_525 = arith.constant 0 : i32
      %swap3A_526 = arith.index_cast %swap3A_524 : i32 to index
      %swap3A_527 = arith.index_cast %scan3A_419 : i32 to index
      %swap3A_528 = arith.index_cast %swap3A_525 : i32 to index
      %swap3A_529 = arith.constant 112 : index
      %swap3A_530 = tpu.vector_load %arg7[%swap3A_526, %swap3A_527, %swap3A_528, %swap3A_529] {strides = array<i32>} : memref<2x80x1x128xf32, #tpu.memory_space<vmem>>, vector<16xf32>,
      tpu.vector_store %arg7[%swap3A_526, %swap3A_527, %swap3A_528, %swap3A_529], %broadcast_in_dim3A_67 {strides = array<i32>} : memref<2x80x1x128xf32, #tpu.memory_space<vmem>>, vector<16xf32>,
    }
    %scan3A_72 = arith.constant 80 : i32
    %broadcast_in_dim3A_73 = arith.constant 0 : i32
    %broadcast_in_dim3A_74 = vector.broadcast %broadcast_in_dim3A_73 : i32 to vector<16xi32>
    %dma_wait3A = arith.constant 0 : i32
    %dma_wait3A_75 = arith.constant 0 : i32
    %dma_wait3A_76 = arith.constant 0 : i32
    %dma_wait3A_77 = arith.constant 0 : i32
    %dma_wait3A_78 = tpu.memref_slice %arg5[%dma_wait3A, %dma_wait3A_75, %dma_wait3A_76, %dma_wait3A_77] : memref<2x125x1x128xi32, #tpu.memory_space<vmem>> -> memref<1x125x1x128xi32, #tpu.memory_space<vmem>>
    %dma_wait3A_79 = tpu.memref_squeeze %dma_wait3A_78 : memref<1x125x1x128xi32, #tpu.memory_space<vmem>> -> memref<125x1x128xi32, #tpu.memory_space<vmem>>
    %dma_wait3A_80 = arith.constant 0 : i32
    %dma_wait3A_81 = arith.constant 0 : i32
    %dma_wait3A_82 = tpu.memref_slice %arg2[%add3A_31, %dma_wait3A_80, %dma_wait3A_81] : memref<2500x2x128xi32, #tpu.memory_space<hbm>> -> memref<125x1x128xi32, #tpu.memory_space<hbm>>
    %dma_wait3A_83 = arith.constant 0 : i32
    %dma_wait3A_84 = arith.constant 0 : i32
    %dma_wait3A_85 = arith.constant 0 : i32
    %dma_wait3A_86 = tpu.memref_slice %arg5[%dma_wait3A, %dma_wait3A_83, %dma_wait3A_84, %dma_wait3A_85] : memref<2x125x1x128xi32, #tpu.memory_space<vmem>> -> memref<1x125x1x128xi32, #tpu.memory_space<vmem>>
    %dma_wait3A_87 = tpu.memref_squeeze %dma_wait3A_86 : memref<1x125x1x128xi32, #tpu.memory_space<vmem>> -> memref<125x1x128xi32, #tpu.memory_space<vmem>>
    %dma_wait3A_88 = arith.constant 0 : i32
    %dma_wait3A_89 = arith.constant 0 : i32
    %dma_wait3A_90 = tpu.memref_slice %arg2[%add3A_31, %dma_wait3A_88, %dma_wait3A_89] : memref<2500x2x128xi32, #tpu.memory_space<hbm>> -> memref<125x1x128xi32, #tpu.memory_space<hbm>>
    tpu.wait_dma2 semaphore(%arg8 : memref<!tpu.dma_semaphore, #tpu.memory_space<semaphore_mem>>) src(%dma_wait3A_90 : memref<125x1x128xi32, #tpu.memory_space<hbm>>) dst(%dma_wait3A_87 : memref<125x1x128xi32, #tpu.memory_space<vmem>>)
    %dma_wait3A_91 = arith.constant 0 : i32
    %dma_wait3A_92 = arith.constant 0 : i32
    %dma_wait3A_93 = arith.constant 0 : i32
    %dma_wait3A_94 = arith.constant 0 : i32
    %dma_wait3A_95 = tpu.memref_slice %arg6[%dma_wait3A_91, %dma_wait3A_92, %dma_wait3A_93, %dma_wait3A_94] : memref<2x125x2x128xf32, #tpu.memory_space<vmem>> -> memref<1x125x2x128xf32, #tpu.memory_space<vmem>>
    %dma_wait3A_96 = tpu.memref_squeeze %dma_wait3A_95 : memref<1x125x2x128xf32, #tpu.memory_space<vmem>> -> memref<125x2x128xf32, #tpu.memory_space<vmem>>
    %dma_wait3A_97 = arith.constant 0 : i32
    %dma_wait3A_98 = tpu.memref_slice %arg3[%arg0, %add3A_31, %mul3A_49, %dma_wait3A_97] : memref<2x2500x8x128xf32, #tpu.memory_space<hbm>> -> memref<1x125x2x128xf32, #tpu.memory_space<hbm>>
    %dma_wait3A_99 = tpu.memref_squeeze %dma_wait3A_98 : memref<1x125x2x128xf32, #tpu.memory_space<hbm>> -> memref<125x2x128xf32, #tpu.memory_space<hbm>>
    %dma_wait3A_100 = arith.constant 0 : i32
    %dma_wait3A_101 = arith.constant 0 : i32
    %dma_wait3A_102 = arith.constant 0 : i32
    %dma_wait3A_103 = tpu.memref_slice %arg6[%dma_wait3A_91, %dma_wait3A_100, %dma_wait3A_101, %dma_wait3A_102] : memref<2x125x2x128xf32, #tpu.memory_space<vmem>> -> memref<1x125x2x128xf32, #tpu.memory_space<vmem>>
    %dma_wait3A_104 = tpu.memref_squeeze %dma_wait3A_103 : memref<1x125x2x128xf32, #tpu.memory_space<vmem>> -> memref<125x2x128xf32, #tpu.memory_space<vmem>>
    %dma_wait3A_105 = arith.constant 0 : i32
    %dma_wait3A_106 = tpu.memref_slice %arg3[%arg0, %add3A_31, %mul3A_49, %dma_wait3A_105] : memref<2x2500x8x128xf32, #tpu.memory_space<hbm>> -> memref<1x125x2x128xf32, #tpu.memory_space<hbm>>
    %dma_wait3A_107 = tpu.memref_squeeze %dma_wait3A_106 : memref<1x125x2x128xf32, #tpu.memory_space<hbm>> -> memref<125x2x128xf32, #tpu.memory_space<hbm>>
    tpu.wait_dma2 semaphore(%arg10 : memref<!tpu.dma_semaphore, #tpu.memory_space<semaphore_mem>>) src(%dma_wait3A_107 : memref<125x2x128xf32, #tpu.memory_space<hbm>>) dst(%dma_wait3A_104 : memref<125x2x128xf32, #tpu.memory_space<vmem>>)
    %add3A_108 = arith.constant 125 : i32
    %add3A_109 = arith.addi %mul3A_29, %add3A_108 : i32
    %dma_start3A_110 = arith.constant 1 : i32
    %dma_start3A_111 = arith.constant 0 : i32
    %dma_start3A_112 = arith.constant 0 : i32
    %dma_start3A_113 = arith.constant 0 : i32
    %dma_start3A_114 = tpu.memref_slice %arg5[%dma_start3A_110, %dma_start3A_111, %dma_start3A_112, %dma_start3A_113] : memref<2x125x1x128xi32, #tpu.memory_space<vmem>> -> memref<1x125x1x128xi32, #tpu.memory_space<vmem>>
    %dma_start3A_115 = tpu.memref_squeeze %dma_start3A_114 : memref<1x125x1x128xi32, #tpu.memory_space<vmem>> -> memref<125x1x128xi32, #tpu.memory_space<vmem>>
    %dma_start3A_116 = arith.constant 0 : i32
    %dma_start3A_117 = arith.constant 0 : i32
    %dma_start3A_118 = tpu.memref_slice %arg2[%add3A_109, %dma_start3A_116, %dma_start3A_117] : memref<2500x2x128xi32, #tpu.memory_space<hbm>> -> memref<125x1x128xi32, #tpu.memory_space<hbm>>
    %dma_start3A_119 = arith.constant 0 : i32
    %dma_start3A_120 = arith.constant 0 : i32
    %dma_start3A_121 = arith.constant 0 : i32
    %dma_start3A_122 = tpu.memref_slice %arg5[%dma_start3A_110, %dma_start3A_119, %dma_start3A_120, %dma_start3A_121] : memref<2x125x1x128xi32, #tpu.memory_space<vmem>> -> memref<1x125x1x128xi32, #tpu.memory_space<vmem>>
    %dma_start3A_123 = tpu.memref_squeeze %dma_start3A_122 : memref<1x125x1x128xi32, #tpu.memory_space<vmem>> -> memref<125x1x128xi32, #tpu.memory_space<vmem>>
    %dma_start3A_124 = arith.constant 0 : i32
    %dma_start3A_125 = arith.constant 0 : i32
    %dma_start3A_126 = tpu.memref_slice %arg2[%add3A_109, %dma_start3A_124, %dma_start3A_125] : memref<2500x2x128xi32, #tpu.memory_space<hbm>> -> memref<125x1x128xi32, #tpu.memory_space<hbm>>
    tpu.enqueue_dma source(%dma_start3A_126 : memref<125x1x128xi32, #tpu.memory_space<hbm>>) target(%dma_start3A_123 : memref<125x1x128xi32, #tpu.memory_space<vmem>>) target_semaphore(%arg9 : memref<!tpu.dma_semaphore, #tpu.memory_space<semaphore_mem>>)
    %mul3A_127 = arith.constant 2 : i32
    %mul3A_128 = arith.muli %select_n3A, %mul3A_127 : i32
    %dma_start3A_129 = arith.constant 1 : i32
    %dma_start3A_130 = arith.constant 0 : i32
    %dma_start3A_131 = arith.constant 0 : i32
    %dma_start3A_132 = arith.constant 0 : i32
    %dma_start3A_133 = tpu.memref_slice %arg6[%dma_start3A_129, %dma_start3A_130, %dma_start3A_131, %dma_start3A_132] : memref<2x125x2x128xf32, #tpu.memory_space<vmem>> -> memref<1x125x2x128xf32, #tpu.memory_space<vmem>>
    %dma_start3A_134 = tpu.memref_squeeze %dma_start3A_133 : memref<1x125x2x128xf32, #tpu.memory_space<vmem>> -> memref<125x2x128xf32, #tpu.memory_space<vmem>>
    %dma_start3A_135 = arith.constant 0 : i32
    %dma_start3A_136 = tpu.memref_slice %arg3[%arg0, %add3A_109, %mul3A_128, %dma_start3A_135] : memref<2x2500x8x128xf32, #tpu.memory_space<hbm>> -> memref<1x125x2x128xf32, #tpu.memory_space<hbm>>
    %dma_start3A_137 = tpu.memref_squeeze %dma_start3A_136 : memref<1x125x2x128xf32, #tpu.memory_space<hbm>> -> memref<125x2x128xf32, #tpu.memory_space<hbm>>
    %dma_start3A_138 = arith.constant 0 : i32
    %dma_start3A_139 = arith.constant 0 : i32
    %dma_start3A_140 = arith.constant 0 : i32
    %dma_start3A_141 = tpu.memref_slice %arg6[%dma_start3A_129, %dma_start3A_138, %dma_start3A_139, %dma_start3A_140] : memref<2x125x2x128xf32, #tpu.memory_space<vmem>> -> memref<1x125x2x128xf32, #tpu.memory_space<vmem>>
    %dma_start3A_142 = tpu.memref_squeeze %dma_start3A_141 : memref<1x125x2x128xf32, #tpu.memory_space<vmem>> -> memref<125x2x128xf32, #tpu.memory_space<vmem>>
    %dma_start3A_143 = arith.constant 0 : i32
    %dma_start3A_144 = tpu.memref_slice %arg3[%arg0, %add3A_109, %mul3A_128, %dma_start3A_143] : memref<2x2500x8x128xf32, #tpu.memory_space<hbm>> -> memref<1x125x2x128xf32, #tpu.memory_space<hbm>>
    %dma_start3A_145 = tpu.memref_squeeze %dma_start3A_144 : memref<1x125x2x128xf32, #tpu.memory_space<hbm>> -> memref<125x2x128xf32, #tpu.memory_space<hbm>>
    tpu.enqueue_dma source(%dma_start3A_145 : memref<125x2x128xf32, #tpu.memory_space<hbm>>) target(%dma_start3A_142 : memref<125x2x128xf32, #tpu.memory_space<vmem>>) target_semaphore(%arg11 : memref<!tpu.dma_semaphore, #tpu.memory_space<semaphore_mem>>)
    %parallel_loop3A = arith.constant 0 : i32
    %parallel_loop3A_146 = arith.constant 125 : i32
    %parallel_loop3A_147 = arith.constant 1 : i32
    scf.for %parallel_loop3A_419 = %parallel_loop3A to %parallel_loop3A_146 step %parallel_loop3A_147  : i32 {
      %parallel_loop3A_420 = arith.constant 0 : i32
      %parallel_loop3A_421 = arith.constant 0 : i32
      %parallel_loop3A_422 = arith.index_cast %parallel_loop3A_420 : i32 to index
      %parallel_loop3A_423 = arith.index_cast %parallel_loop3A_419 : i32 to index
      %parallel_loop3A_424 = arith.index_cast %parallel_loop3A_421 : i32 to index
      %parallel_loop3A_425 = arith.constant 0 : index
      %parallel_loop3A_426 = tpu.vector_load %arg5[%parallel_loop3A_422, %parallel_loop3A_423, %parallel_loop3A_424, %parallel_loop3A_425] {strides = array<i32>} : memref<2x125x1x128xi32, #tpu.memory_space<vmem>>, vector<16xi32>,
      %parallel_loop3A_427 = arith.constant 7 : i32
      %parallel_loop3A_428 = vector.broadcast %parallel_loop3A_427 : i32 to vector<16xi32>
      %parallel_loop3A_429 = arith.shrsi %parallel_loop3A_426, %parallel_loop3A_428 : vector<16xi32>
      %parallel_loop3A_430 = arith.constant 127 : i32
      %parallel_loop3A_431 = vector.broadcast %parallel_loop3A_430 : i32 to vector<16xi32>
      %parallel_loop3A_432 = arith.andi %parallel_loop3A_426, %parallel_loop3A_431 : vector<16xi32>
      %parallel_loop3A_433 = arith.constant 0 : i32
      %parallel_loop3A_434 = arith.constant 0 : i32
      %parallel_loop3A_435 = arith.index_cast %parallel_loop3A_433 : i32 to index
      %parallel_loop3A_436 = arith.index_cast %parallel_loop3A_419 : i32 to index
      %parallel_loop3A_437 = arith.index_cast %parallel_loop3A_434 : i32 to index
      %parallel_loop3A_438 = arith.constant 0 : index
      %parallel_loop3A_439 = tpu.vector_load %arg6[%parallel_loop3A_435, %parallel_loop3A_436, %parallel_loop3A_437, %parallel_loop3A_438] {strides = array<i32>} : memref<2x125x2x128xf32, #tpu.memory_space<vmem>>, vector<16xf32>,
      %parallel_loop3A_440 = arith.constant 0 : i32
      %parallel_loop3A_441 = arith.constant 0 : i32
      %parallel_loop3A_442 = arith.constant 0 : i32
      %parallel_loop3A_443 = arith.constant 0 : i32
      %parallel_loop3A_444 = tpu.memref_slice %arg7[%parallel_loop3A_440, %parallel_loop3A_441, %parallel_loop3A_442, %parallel_loop3A_443] : memref<2x80x1x128xf32, #tpu.memory_space<vmem>> -> memref<1x80x1x128xf32, #tpu.memory_space<vmem>>
      %parallel_loop3A_445 = tpu.memref_squeeze %parallel_loop3A_444 : memref<1x80x1x128xf32, #tpu.memory_space<vmem>> -> memref<80x1x128xf32, #tpu.memory_space<vmem>>
      tpu.vector_store_idx %parallel_loop3A_445[%parallel_loop3A_429, %broadcast_in_dim3A_74, %parallel_loop3A_432], %parallel_loop3A_439 {add = true} : memref<80x1x128xf32, #tpu.memory_space<vmem>>[vector<16xi32>, vector<16xi32>, vector<16xi32>], vector<16xf32>,
      %parallel_loop3A_446 = arith.constant 0 : i32
      %parallel_loop3A_447 = arith.constant 1 : i32
      %parallel_loop3A_448 = arith.index_cast %parallel_loop3A_446 : i32 to index
      %parallel_loop3A_449 = arith.index_cast %parallel_loop3A_419 : i32 to index
      %parallel_loop3A_450 = arith.index_cast %parallel_loop3A_447 : i32 to index
      %parallel_loop3A_451 = arith.constant 0 : index
      %parallel_loop3A_452 = tpu.vector_load %arg6[%parallel_loop3A_448, %parallel_loop3A_449, %parallel_loop3A_450, %parallel_loop3A_451] {strides = array<i32>} : memref<2x125x2x128xf32, #tpu.memory_space<vmem>>, vector<16xf32>,
      %parallel_loop3A_453 = arith.constant 1 : i32
      %parallel_loop3A_454 = arith.constant 0 : i32
      %parallel_loop3A_455 = arith.constant 0 : i32
      %parallel_loop3A_456 = arith.constant 0 : i32
      %parallel_loop3A_457 = tpu.memref_slice %arg7[%parallel_loop3A_453, %parallel_loop3A_454, %parallel_loop3A_455, %parallel_loop3A_456] : memref<2x80x1x128xf32, #tpu.memory_space<vmem>> -> memref<1x80x1x128xf32, #tpu.memory_space<vmem>>
      %parallel_loop3A_458 = tpu.memref_squeeze %parallel_loop3A_457 : memref<1x80x1x128xf32, #tpu.memory_space<vmem>> -> memref<80x1x128xf32, #tpu.memory_space<vmem>>
      tpu.vector_store_idx %parallel_loop3A_458[%parallel_loop3A_429, %broadcast_in_dim3A_74, %parallel_loop3A_432], %parallel_loop3A_452 {add = true} : memref<80x1x128xf32, #tpu.memory_space<vmem>>[vector<16xi32>, vector<16xi32>, vector<16xi32>], vector<16xf32>,
      %parallel_loop3A_459 = arith.constant 0 : i32
      %parallel_loop3A_460 = arith.constant 0 : i32
      %parallel_loop3A_461 = arith.index_cast %parallel_loop3A_459 : i32 to index
      %parallel_loop3A_462 = arith.index_cast %parallel_loop3A_419 : i32 to index
      %parallel_loop3A_463 = arith.index_cast %parallel_loop3A_460 : i32 to index
      %parallel_loop3A_464 = arith.constant 16 : index
      %parallel_loop3A_465 = tpu.vector_load %arg5[%parallel_loop3A_461, %parallel_loop3A_462, %parallel_loop3A_463, %parallel_loop3A_464] {strides = array<i32>} : memref<2x125x1x128xi32, #tpu.memory_space<vmem>>, vector<16xi32>,
      %parallel_loop3A_466 = arith.constant 7 : i32
      %parallel_loop3A_467 = vector.broadcast %parallel_loop3A_466 : i32 to vector<16xi32>
      %parallel_loop3A_468 = arith.shrsi %parallel_loop3A_465, %parallel_loop3A_467 : vector<16xi32>
      %parallel_loop3A_469 = arith.constant 127 : i32
      %parallel_loop3A_470 = vector.broadcast %parallel_loop3A_469 : i32 to vector<16xi32>
      %parallel_loop3A_471 = arith.andi %parallel_loop3A_465, %parallel_loop3A_470 : vector<16xi32>
      %parallel_loop3A_472 = arith.constant 0 : i32
      %parallel_loop3A_473 = arith.constant 0 : i32
      %parallel_loop3A_474 = arith.index_cast %parallel_loop3A_472 : i32 to index
      %parallel_loop3A_475 = arith.index_cast %parallel_loop3A_419 : i32 to index
      %parallel_loop3A_476 = arith.index_cast %parallel_loop3A_473 : i32 to index
      %parallel_loop3A_477 = arith.constant 16 : index
      %parallel_loop3A_478 = tpu.vector_load %arg6[%parallel_loop3A_474, %parallel_loop3A_475, %parallel_loop3A_476, %parallel_loop3A_477] {strides = array<i32>} : memref<2x125x2x128xf32, #tpu.memory_space<vmem>>, vector<16xf32>,
      %parallel_loop3A_479 = arith.constant 0 : i32
      %parallel_loop3A_480 = arith.constant 0 : i32
      %parallel_loop3A_481 = arith.constant 0 : i32
      %parallel_loop3A_482 = arith.constant 0 : i32
      %parallel_loop3A_483 = tpu.memref_slice %arg7[%parallel_loop3A_479, %parallel_loop3A_480, %parallel_loop3A_481, %parallel_loop3A_482] : memref<2x80x1x128xf32, #tpu.memory_space<vmem>> -> memref<1x80x1x128xf32, #tpu.memory_space<vmem>>
      %parallel_loop3A_484 = tpu.memref_squeeze %parallel_loop3A_483 : memref<1x80x1x128xf32, #tpu.memory_space<vmem>> -> memref<80x1x128xf32, #tpu.memory_space<vmem>>
      tpu.vector_store_idx %parallel_loop3A_484[%parallel_loop3A_468, %broadcast_in_dim3A_74, %parallel_loop3A_471], %parallel_loop3A_478 {add = true} : memref<80x1x128xf32, #tpu.memory_space<vmem>>[vector<16xi32>, vector<16xi32>, vector<16xi32>], vector<16xf32>,
      %parallel_loop3A_485 = arith.constant 0 : i32
      %parallel_loop3A_486 = arith.constant 1 : i32
      %parallel_loop3A_487 = arith.index_cast %parallel_loop3A_485 : i32 to index
      %parallel_loop3A_488 = arith.index_cast %parallel_loop3A_419 : i32 to index
      %parallel_loop3A_489 = arith.index_cast %parallel_loop3A_486 : i32 to index
      %parallel_loop3A_490 = arith.constant 16 : index
      %parallel_loop3A_491 = tpu.vector_load %arg6[%parallel_loop3A_487, %parallel_loop3A_488, %parallel_loop3A_489, %parallel_loop3A_490] {strides = array<i32>} : memref<2x125x2x128xf32, #tpu.memory_space<vmem>>, vector<16xf32>,
      %parallel_loop3A_492 = arith.constant 1 : i32
      %parallel_loop3A_493 = arith.constant 0 : i32
      %parallel_loop3A_494 = arith.constant 0 : i32
      %parallel_loop3A_495 = arith.constant 0 : i32
      %parallel_loop3A_496 = tpu.memref_slice %arg7[%parallel_loop3A_492, %parallel_loop3A_493, %parallel_loop3A_494, %parallel_loop3A_495] : memref<2x80x1x128xf32, #tpu.memory_space<vmem>> -> memref<1x80x1x128xf32, #tpu.memory_space<vmem>>
      %parallel_loop3A_497 = tpu.memref_squeeze %parallel_loop3A_496 : memref<1x80x1x128xf32, #tpu.memory_space<vmem>> -> memref<80x1x128xf32, #tpu.memory_space<vmem>>
      tpu.vector_store_idx %parallel_loop3A_497[%parallel_loop3A_468, %broadcast_in_dim3A_74, %parallel_loop3A_471], %parallel_loop3A_491 {add = true} : memref<80x1x128xf32, #tpu.memory_space<vmem>>[vector<16xi32>, vector<16xi32>, vector<16xi32>], vector<16xf32>,
      %parallel_loop3A_498 = arith.constant 0 : i32
      %parallel_loop3A_499 = arith.constant 0 : i32
      %parallel_loop3A_500 = arith.index_cast %parallel_loop3A_498 : i32 to index
      %parallel_loop3A_501 = arith.index_cast %parallel_loop3A_419 : i32 to index
      %parallel_loop3A_502 = arith.index_cast %parallel_loop3A_499 : i32 to index
      %parallel_loop3A_503 = arith.constant 32 : index
      %parallel_loop3A_504 = tpu.vector_load %arg5[%parallel_loop3A_500, %parallel_loop3A_501, %parallel_loop3A_502, %parallel_loop3A_503] {strides = array<i32>} : memref<2x125x1x128xi32, #tpu.memory_space<vmem>>, vector<16xi32>,
      %parallel_loop3A_505 = arith.constant 7 : i32
      %parallel_loop3A_506 = vector.broadcast %parallel_loop3A_505 : i32 to vector<16xi32>
      %parallel_loop3A_507 = arith.shrsi %parallel_loop3A_504, %parallel_loop3A_506 : vector<16xi32>
      %parallel_loop3A_508 = arith.constant 127 : i32
      %parallel_loop3A_509 = vector.broadcast %parallel_loop3A_508 : i32 to vector<16xi32>
      %parallel_loop3A_510 = arith.andi %parallel_loop3A_504, %parallel_loop3A_509 : vector<16xi32>
      %parallel_loop3A_511 = arith.constant 0 : i32
      %parallel_loop3A_512 = arith.constant 0 : i32
      %parallel_loop3A_513 = arith.index_cast %parallel_loop3A_511 : i32 to index
      %parallel_loop3A_514 = arith.index_cast %parallel_loop3A_419 : i32 to index
      %parallel_loop3A_515 = arith.index_cast %parallel_loop3A_512 : i32 to index
      %parallel_loop3A_516 = arith.constant 32 : index
      %parallel_loop3A_517 = tpu.vector_load %arg6[%parallel_loop3A_513, %parallel_loop3A_514, %parallel_loop3A_515, %parallel_loop3A_516] {strides = array<i32>} : memref<2x125x2x128xf32, #tpu.memory_space<vmem>>, vector<16xf32>,
      %parallel_loop3A_518 = arith.constant 0 : i32
      %parallel_loop3A_519 = arith.constant 0 : i32
      %parallel_loop3A_520 = arith.constant 0 : i32
      %parallel_loop3A_521 = arith.constant 0 : i32
      %parallel_loop3A_522 = tpu.memref_slice %arg7[%parallel_loop3A_518, %parallel_loop3A_519, %parallel_loop3A_520, %parallel_loop3A_521] : memref<2x80x1x128xf32, #tpu.memory_space<vmem>> -> memref<1x80x1x128xf32, #tpu.memory_space<vmem>>
      %parallel_loop3A_523 = tpu.memref_squeeze %parallel_loop3A_522 : memref<1x80x1x128xf32, #tpu.memory_space<vmem>> -> memref<80x1x128xf32, #tpu.memory_space<vmem>>
      tpu.vector_store_idx %parallel_loop3A_523[%parallel_loop3A_507, %broadcast_in_dim3A_74, %parallel_loop3A_510], %parallel_loop3A_517 {add = true} : memref<80x1x128xf32, #tpu.memory_space<vmem>>[vector<16xi32>, vector<16xi32>, vector<16xi32>], vector<16xf32>,
      %parallel_loop3A_524 = arith.constant 0 : i32
      %parallel_loop3A_525 = arith.constant 1 : i32
      %parallel_loop3A_526 = arith.index_cast %parallel_loop3A_524 : i32 to index
      %parallel_loop3A_527 = arith.index_cast %parallel_loop3A_419 : i32 to index
      %parallel_loop3A_528 = arith.index_cast %parallel_loop3A_525 : i32 to index
      %parallel_loop3A_529 = arith.constant 32 : index
      %parallel_loop3A_530 = tpu.vector_load %arg6[%parallel_loop3A_526, %parallel_loop3A_527, %parallel_loop3A_528, %parallel_loop3A_529] {strides = array<i32>} : memref<2x125x2x128xf32, #tpu.memory_space<vmem>>, vector<16xf32>,
      %parallel_loop3A_531 = arith.constant 1 : i32
      %parallel_loop3A_532 = arith.constant 0 : i32
      %parallel_loop3A_533 = arith.constant 0 : i32
      %parallel_loop3A_534 = arith.constant 0 : i32
      %parallel_loop3A_535 = tpu.memref_slice %arg7[%parallel_loop3A_531, %parallel_loop3A_532, %parallel_loop3A_533, %parallel_loop3A_534] : memref<2x80x1x128xf32, #tpu.memory_space<vmem>> -> memref<1x80x1x128xf32, #tpu.memory_space<vmem>>
      %parallel_loop3A_536 = tpu.memref_squeeze %parallel_loop3A_535 : memref<1x80x1x128xf32, #tpu.memory_space<vmem>> -> memref<80x1x128xf32, #tpu.memory_space<vmem>>
      tpu.vector_store_idx %parallel_loop3A_536[%parallel_loop3A_507, %broadcast_in_dim3A_74, %parallel_loop3A_510], %parallel_loop3A_530 {add = true} : memref<80x1x128xf32, #tpu.memory_space<vmem>>[vector<16xi32>, vector<16xi32>, vector<16xi32>], vector<16xf32>,
      %parallel_loop3A_537 = arith.constant 0 : i32
      %parallel_loop3A_538 = arith.constant 0 : i32
      %parallel_loop3A_539 = arith.index_cast %parallel_loop3A_537 : i32 to index
      %parallel_loop3A_540 = arith.index_cast %parallel_loop3A_419 : i32 to index
      %parallel_loop3A_541 = arith.index_cast %parallel_loop3A_538 : i32 to index
      %parallel_loop3A_542 = arith.constant 48 : index
      %parallel_loop3A_543 = tpu.vector_load %arg5[%parallel_loop3A_539, %parallel_loop3A_540, %parallel_loop3A_541, %parallel_loop3A_542] {strides = array<i32>} : memref<2x125x1x128xi32, #tpu.memory_space<vmem>>, vector<16xi32>,
      %parallel_loop3A_544 = arith.constant 7 : i32
      %parallel_loop3A_545 = vector.broadcast %parallel_loop3A_544 : i32 to vector<16xi32>
      %parallel_loop3A_546 = arith.shrsi %parallel_loop3A_543, %parallel_loop3A_545 : vector<16xi32>
      %parallel_loop3A_547 = arith.constant 127 : i32
      %parallel_loop3A_548 = vector.broadcast %parallel_loop3A_547 : i32 to vector<16xi32>
      %parallel_loop3A_549 = arith.andi %parallel_loop3A_543, %parallel_loop3A_548 : vector<16xi32>
      %parallel_loop3A_550 = arith.constant 0 : i32
      %parallel_loop3A_551 = arith.constant 0 : i32
      %parallel_loop3A_552 = arith.index_cast %parallel_loop3A_550 : i32 to index
      %parallel_loop3A_553 = arith.index_cast %parallel_loop3A_419 : i32 to index
      %parallel_loop3A_554 = arith.index_cast %parallel_loop3A_551 : i32 to index
      %parallel_loop3A_555 = arith.constant 48 : index
      %parallel_loop3A_556 = tpu.vector_load %arg6[%parallel_loop3A_552, %parallel_loop3A_553, %parallel_loop3A_554, %parallel_loop3A_555] {strides = array<i32>} : memref<2x125x2x128xf32, #tpu.memory_space<vmem>>, vector<16xf32>,
      %parallel_loop3A_557 = arith.constant 0 : i32
      %parallel_loop3A_558 = arith.constant 0 : i32
      %parallel_loop3A_559 = arith.constant 0 : i32
      %parallel_loop3A_560 = arith.constant 0 : i32
      %parallel_loop3A_561 = tpu.memref_slice %arg7[%parallel_loop3A_557, %parallel_loop3A_558, %parallel_loop3A_559, %parallel_loop3A_560] : memref<2x80x1x128xf32, #tpu.memory_space<vmem>> -> memref<1x80x1x128xf32, #tpu.memory_space<vmem>>
      %parallel_loop3A_562 = tpu.memref_squeeze %parallel_loop3A_561 : memref<1x80x1x128xf32, #tpu.memory_space<vmem>> -> memref<80x1x128xf32, #tpu.memory_space<vmem>>
      tpu.vector_store_idx %parallel_loop3A_562[%parallel_loop3A_546, %broadcast_in_dim3A_74, %parallel_loop3A_549], %parallel_loop3A_556 {add = true} : memref<80x1x128xf32, #tpu.memory_space<vmem>>[vector<16xi32>, vector<16xi32>, vector<16xi32>], vector<16xf32>,
      %parallel_loop3A_563 = arith.constant 0 : i32
      %parallel_loop3A_564 = arith.constant 1 : i32
      %parallel_loop3A_565 = arith.index_cast %parallel_loop3A_563 : i32 to index
      %parallel_loop3A_566 = arith.index_cast %parallel_loop3A_419 : i32 to index
      %parallel_loop3A_567 = arith.index_cast %parallel_loop3A_564 : i32 to index
      %parallel_loop3A_568 = arith.constant 48 : index
      %parallel_loop3A_569 = tpu.vector_load %arg6[%parallel_loop3A_565, %parallel_loop3A_566, %parallel_loop3A_567, %parallel_loop3A_568] {strides = array<i32>} : memref<2x125x2x128xf32, #tpu.memory_space<vmem>>, vector<16xf32>,
      %parallel_loop3A_570 = arith.constant 1 : i32
      %parallel_loop3A_571 = arith.constant 0 : i32
      %parallel_loop3A_572 = arith.constant 0 : i32
      %parallel_loop3A_573 = arith.constant 0 : i32
      %parallel_loop3A_574 = tpu.memref_slice %arg7[%parallel_loop3A_570, %parallel_loop3A_571, %parallel_loop3A_572, %parallel_loop3A_573] : memref<2x80x1x128xf32, #tpu.memory_space<vmem>> -> memref<1x80x1x128xf32, #tpu.memory_space<vmem>>
      %parallel_loop3A_575 = tpu.memref_squeeze %parallel_loop3A_574 : memref<1x80x1x128xf32, #tpu.memory_space<vmem>> -> memref<80x1x128xf32, #tpu.memory_space<vmem>>
      tpu.vector_store_idx %parallel_loop3A_575[%parallel_loop3A_546, %broadcast_in_dim3A_74, %parallel_loop3A_549], %parallel_loop3A_569 {add = true} : memref<80x1x128xf32, #tpu.memory_space<vmem>>[vector<16xi32>, vector<16xi32>, vector<16xi32>], vector<16xf32>,
      %parallel_loop3A_576 = arith.constant 0 : i32
      %parallel_loop3A_577 = arith.constant 0 : i32
      %parallel_loop3A_578 = arith.index_cast %parallel_loop3A_576 : i32 to index
      %parallel_loop3A_579 = arith.index_cast %parallel_loop3A_419 : i32 to index
      %parallel_loop3A_580 = arith.index_cast %parallel_loop3A_577 : i32 to index
      %parallel_loop3A_581 = arith.constant 64 : index
      %parallel_loop3A_582 = tpu.vector_load %arg5[%parallel_loop3A_578, %parallel_loop3A_579, %parallel_loop3A_580, %parallel_loop3A_581] {strides = array<i32>} : memref<2x125x1x128xi32, #tpu.memory_space<vmem>>, vector<16xi32>,
      %parallel_loop3A_583 = arith.constant 7 : i32
      %parallel_loop3A_584 = vector.broadcast %parallel_loop3A_583 : i32 to vector<16xi32>
      %parallel_loop3A_585 = arith.shrsi %parallel_loop3A_582, %parallel_loop3A_584 : vector<16xi32>
      %parallel_loop3A_586 = arith.constant 127 : i32
      %parallel_loop3A_587 = vector.broadcast %parallel_loop3A_586 : i32 to vector<16xi32>
      %parallel_loop3A_588 = arith.andi %parallel_loop3A_582, %parallel_loop3A_587 : vector<16xi32>
      %parallel_loop3A_589 = arith.constant 0 : i32
      %parallel_loop3A_590 = arith.constant 0 : i32
      %parallel_loop3A_591 = arith.index_cast %parallel_loop3A_589 : i32 to index
      %parallel_loop3A_592 = arith.index_cast %parallel_loop3A_419 : i32 to index
      %parallel_loop3A_593 = arith.index_cast %parallel_loop3A_590 : i32 to index
      %parallel_loop3A_594 = arith.constant 64 : index
      %parallel_loop3A_595 = tpu.vector_load %arg6[%parallel_loop3A_591, %parallel_loop3A_592, %parallel_loop3A_593, %parallel_loop3A_594] {strides = array<i32>} : memref<2x125x2x128xf32, #tpu.memory_space<vmem>>, vector<16xf32>,
      %parallel_loop3A_596 = arith.constant 0 : i32
      %parallel_loop3A_597 = arith.constant 0 : i32
      %parallel_loop3A_598 = arith.constant 0 : i32
      %parallel_loop3A_599 = arith.constant 0 : i32
      %parallel_loop3A_600 = tpu.memref_slice %arg7[%parallel_loop3A_596, %parallel_loop3A_597, %parallel_loop3A_598, %parallel_loop3A_599] : memref<2x80x1x128xf32, #tpu.memory_space<vmem>> -> memref<1x80x1x128xf32, #tpu.memory_space<vmem>>
      %parallel_loop3A_601 = tpu.memref_squeeze %parallel_loop3A_600 : memref<1x80x1x128xf32, #tpu.memory_space<vmem>> -> memref<80x1x128xf32, #tpu.memory_space<vmem>>
      tpu.vector_store_idx %parallel_loop3A_601[%parallel_loop3A_585, %broadcast_in_dim3A_74, %parallel_loop3A_588], %parallel_loop3A_595 {add = true} : memref<80x1x128xf32, #tpu.memory_space<vmem>>[vector<16xi32>, vector<16xi32>, vector<16xi32>], vector<16xf32>,
      %parallel_loop3A_602 = arith.constant 0 : i32
      %parallel_loop3A_603 = arith.constant 1 : i32
      %parallel_loop3A_604 = arith.index_cast %parallel_loop3A_602 : i32 to index
      %parallel_loop3A_605 = arith.index_cast %parallel_loop3A_419 : i32 to index
      %parallel_loop3A_606 = arith.index_cast %parallel_loop3A_603 : i32 to index
      %parallel_loop3A_607 = arith.constant 64 : index
      %parallel_loop3A_608 = tpu.vector_load %arg6[%parallel_loop3A_604, %parallel_loop3A_605, %parallel_loop3A_606, %parallel_loop3A_607] {strides = array<i32>} : memref<2x125x2x128xf32, #tpu.memory_space<vmem>>, vector<16xf32>,
      %parallel_loop3A_609 = arith.constant 1 : i32
      %parallel_loop3A_610 = arith.constant 0 : i32
      %parallel_loop3A_611 = arith.constant 0 : i32
      %parallel_loop3A_612 = arith.constant 0 : i32
      %parallel_loop3A_613 = tpu.memref_slice %arg7[%parallel_loop3A_609, %parallel_loop3A_610, %parallel_loop3A_611, %parallel_loop3A_612] : memref<2x80x1x128xf32, #tpu.memory_space<vmem>> -> memref<1x80x1x128xf32, #tpu.memory_space<vmem>>
      %parallel_loop3A_614 = tpu.memref_squeeze %parallel_loop3A_613 : memref<1x80x1x128xf32, #tpu.memory_space<vmem>> -> memref<80x1x128xf32, #tpu.memory_space<vmem>>
      tpu.vector_store_idx %parallel_loop3A_614[%parallel_loop3A_585, %broadcast_in_dim3A_74, %parallel_loop3A_588], %parallel_loop3A_608 {add = true} : memref<80x1x128xf32, #tpu.memory_space<vmem>>[vector<16xi32>, vector<16xi32>, vector<16xi32>], vector<16xf32>,
      %parallel_loop3A_615 = arith.constant 0 : i32
      %parallel_loop3A_616 = arith.constant 0 : i32
      %parallel_loop3A_617 = arith.index_cast %parallel_loop3A_615 : i32 to index
      %parallel_loop3A_618 = arith.index_cast %parallel_loop3A_419 : i32 to index
      %parallel_loop3A_619 = arith.index_cast %parallel_loop3A_616 : i32 to index
      %parallel_loop3A_620 = arith.constant 80 : index
      %parallel_loop3A_621 = tpu.vector_load %arg5[%parallel_loop3A_617, %parallel_loop3A_618, %parallel_loop3A_619, %parallel_loop3A_620] {strides = array<i32>} : memref<2x125x1x128xi32, #tpu.memory_space<vmem>>, vector<16xi32>,
      %parallel_loop3A_622 = arith.constant 7 : i32
      %parallel_loop3A_623 = vector.broadcast %parallel_loop3A_622 : i32 to vector<16xi32>
      %parallel_loop3A_624 = arith.shrsi %parallel_loop3A_621, %parallel_loop3A_623 : vector<16xi32>
      %parallel_loop3A_625 = arith.constant 127 : i32
      %parallel_loop3A_626 = vector.broadcast %parallel_loop3A_625 : i32 to vector<16xi32>
      %parallel_loop3A_627 = arith.andi %parallel_loop3A_621, %parallel_loop3A_626 : vector<16xi32>
      %parallel_loop3A_628 = arith.constant 0 : i32
      %parallel_loop3A_629 = arith.constant 0 : i32
      %parallel_loop3A_630 = arith.index_cast %parallel_loop3A_628 : i32 to index
      %parallel_loop3A_631 = arith.index_cast %parallel_loop3A_419 : i32 to index
      %parallel_loop3A_632 = arith.index_cast %parallel_loop3A_629 : i32 to index
      %parallel_loop3A_633 = arith.constant 80 : index
      %parallel_loop3A_634 = tpu.vector_load %arg6[%parallel_loop3A_630, %parallel_loop3A_631, %parallel_loop3A_632, %parallel_loop3A_633] {strides = array<i32>} : memref<2x125x2x128xf32, #tpu.memory_space<vmem>>, vector<16xf32>,
      %parallel_loop3A_635 = arith.constant 0 : i32
      %parallel_loop3A_636 = arith.constant 0 : i32
      %parallel_loop3A_637 = arith.constant 0 : i32
      %parallel_loop3A_638 = arith.constant 0 : i32
      %parallel_loop3A_639 = tpu.memref_slice %arg7[%parallel_loop3A_635, %parallel_loop3A_636, %parallel_loop3A_637, %parallel_loop3A_638] : memref<2x80x1x128xf32, #tpu.memory_space<vmem>> -> memref<1x80x1x128xf32, #tpu.memory_space<vmem>>
      %parallel_loop3A_640 = tpu.memref_squeeze %parallel_loop3A_639 : memref<1x80x1x128xf32, #tpu.memory_space<vmem>> -> memref<80x1x128xf32, #tpu.memory_space<vmem>>
      tpu.vector_store_idx %parallel_loop3A_640[%parallel_loop3A_624, %broadcast_in_dim3A_74, %parallel_loop3A_627], %parallel_loop3A_634 {add = true} : memref<80x1x128xf32, #tpu.memory_space<vmem>>[vector<16xi32>, vector<16xi32>, vector<16xi32>], vector<16xf32>,
      %parallel_loop3A_641 = arith.constant 0 : i32
      %parallel_loop3A_642 = arith.constant 1 : i32
      %parallel_loop3A_643 = arith.index_cast %parallel_loop3A_641 : i32 to index
      %parallel_loop3A_644 = arith.index_cast %parallel_loop3A_419 : i32 to index
      %parallel_loop3A_645 = arith.index_cast %parallel_loop3A_642 : i32 to index
      %parallel_loop3A_646 = arith.constant 80 : index
      %parallel_loop3A_647 = tpu.vector_load %arg6[%parallel_loop3A_643, %parallel_loop3A_644, %parallel_loop3A_645, %parallel_loop3A_646] {strides = array<i32>} : memref<2x125x2x128xf32, #tpu.memory_space<vmem>>, vector<16xf32>,
      %parallel_loop3A_648 = arith.constant 1 : i32
      %parallel_loop3A_649 = arith.constant 0 : i32
      %parallel_loop3A_650 = arith.constant 0 : i32
      %parallel_loop3A_651 = arith.constant 0 : i32
      %parallel_loop3A_652 = tpu.memref_slice %arg7[%parallel_loop3A_648, %parallel_loop3A_649, %parallel_loop3A_650, %parallel_loop3A_651] : memref<2x80x1x128xf32, #tpu.memory_space<vmem>> -> memref<1x80x1x128xf32, #tpu.memory_space<vmem>>
      %parallel_loop3A_653 = tpu.memref_squeeze %parallel_loop3A_652 : memref<1x80x1x128xf32, #tpu.memory_space<vmem>> -> memref<80x1x128xf32, #tpu.memory_space<vmem>>
      tpu.vector_store_idx %parallel_loop3A_653[%parallel_loop3A_624, %broadcast_in_dim3A_74, %parallel_loop3A_627], %parallel_loop3A_647 {add = true} : memref<80x1x128xf32, #tpu.memory_space<vmem>>[vector<16xi32>, vector<16xi32>, vector<16xi32>], vector<16xf32>,
      %parallel_loop3A_654 = arith.constant 0 : i32
      %parallel_loop3A_655 = arith.constant 0 : i32
      %parallel_loop3A_656 = arith.index_cast %parallel_loop3A_654 : i32 to index
      %parallel_loop3A_657 = arith.index_cast %parallel_loop3A_419 : i32 to index
      %parallel_loop3A_658 = arith.index_cast %parallel_loop3A_655 : i32 to index
      %parallel_loop3A_659 = arith.constant 96 : index
      %parallel_loop3A_660 = tpu.vector_load %arg5[%parallel_loop3A_656, %parallel_loop3A_657, %parallel_loop3A_658, %parallel_loop3A_659] {strides = array<i32>} : memref<2x125x1x128xi32, #tpu.memory_space<vmem>>, vector<16xi32>,
      %parallel_loop3A_661 = arith.constant 7 : i32
      %parallel_loop3A_662 = vector.broadcast %parallel_loop3A_661 : i32 to vector<16xi32>
      %parallel_loop3A_663 = arith.shrsi %parallel_loop3A_660, %parallel_loop3A_662 : vector<16xi32>
      %parallel_loop3A_664 = arith.constant 127 : i32
      %parallel_loop3A_665 = vector.broadcast %parallel_loop3A_664 : i32 to vector<16xi32>
      %parallel_loop3A_666 = arith.andi %parallel_loop3A_660, %parallel_loop3A_665 : vector<16xi32>
      %parallel_loop3A_667 = arith.constant 0 : i32
      %parallel_loop3A_668 = arith.constant 0 : i32
      %parallel_loop3A_669 = arith.index_cast %parallel_loop3A_667 : i32 to index
      %parallel_loop3A_670 = arith.index_cast %parallel_loop3A_419 : i32 to index
      %parallel_loop3A_671 = arith.index_cast %parallel_loop3A_668 : i32 to index
      %parallel_loop3A_672 = arith.constant 96 : index
      %parallel_loop3A_673 = tpu.vector_load %arg6[%parallel_loop3A_669, %parallel_loop3A_670, %parallel_loop3A_671, %parallel_loop3A_672] {strides = array<i32>} : memref<2x125x2x128xf32, #tpu.memory_space<vmem>>, vector<16xf32>,
      %parallel_loop3A_674 = arith.constant 0 : i32
      %parallel_loop3A_675 = arith.constant 0 : i32
      %parallel_loop3A_676 = arith.constant 0 : i32
      %parallel_loop3A_677 = arith.constant 0 : i32
      %parallel_loop3A_678 = tpu.memref_slice %arg7[%parallel_loop3A_674, %parallel_loop3A_675, %parallel_loop3A_676, %parallel_loop3A_677] : memref<2x80x1x128xf32, #tpu.memory_space<vmem>> -> memref<1x80x1x128xf32, #tpu.memory_space<vmem>>
      %parallel_loop3A_679 = tpu.memref_squeeze %parallel_loop3A_678 : memref<1x80x1x128xf32, #tpu.memory_space<vmem>> -> memref<80x1x128xf32, #tpu.memory_space<vmem>>
      tpu.vector_store_idx %parallel_loop3A_679[%parallel_loop3A_663, %broadcast_in_dim3A_74, %parallel_loop3A_666], %parallel_loop3A_673 {add = true} : memref<80x1x128xf32, #tpu.memory_space<vmem>>[vector<16xi32>, vector<16xi32>, vector<16xi32>], vector<16xf32>,
      %parallel_loop3A_680 = arith.constant 0 : i32
      %parallel_loop3A_681 = arith.constant 1 : i32
      %parallel_loop3A_682 = arith.index_cast %parallel_loop3A_680 : i32 to index
      %parallel_loop3A_683 = arith.index_cast %parallel_loop3A_419 : i32 to index
      %parallel_loop3A_684 = arith.index_cast %parallel_loop3A_681 : i32 to index
      %parallel_loop3A_685 = arith.constant 96 : index
      %parallel_loop3A_686 = tpu.vector_load %arg6[%parallel_loop3A_682, %parallel_loop3A_683, %parallel_loop3A_684, %parallel_loop3A_685] {strides = array<i32>} : memref<2x125x2x128xf32, #tpu.memory_space<vmem>>, vector<16xf32>,
      %parallel_loop3A_687 = arith.constant 1 : i32
      %parallel_loop3A_688 = arith.constant 0 : i32
      %parallel_loop3A_689 = arith.constant 0 : i32
      %parallel_loop3A_690 = arith.constant 0 : i32
      %parallel_loop3A_691 = tpu.memref_slice %arg7[%parallel_loop3A_687, %parallel_loop3A_688, %parallel_loop3A_689, %parallel_loop3A_690] : memref<2x80x1x128xf32, #tpu.memory_space<vmem>> -> memref<1x80x1x128xf32, #tpu.memory_space<vmem>>
      %parallel_loop3A_692 = tpu.memref_squeeze %parallel_loop3A_691 : memref<1x80x1x128xf32, #tpu.memory_space<vmem>> -> memref<80x1x128xf32, #tpu.memory_space<vmem>>
      tpu.vector_store_idx %parallel_loop3A_692[%parallel_loop3A_663, %broadcast_in_dim3A_74, %parallel_loop3A_666], %parallel_loop3A_686 {add = true} : memref<80x1x128xf32, #tpu.memory_space<vmem>>[vector<16xi32>, vector<16xi32>, vector<16xi32>], vector<16xf32>,
      %parallel_loop3A_693 = arith.constant 0 : i32
      %parallel_loop3A_694 = arith.constant 0 : i32
      %parallel_loop3A_695 = arith.index_cast %parallel_loop3A_693 : i32 to index
      %parallel_loop3A_696 = arith.index_cast %parallel_loop3A_419 : i32 to index
      %parallel_loop3A_697 = arith.index_cast %parallel_loop3A_694 : i32 to index
      %parallel_loop3A_698 = arith.constant 112 : index
      %parallel_loop3A_699 = tpu.vector_load %arg5[%parallel_loop3A_695, %parallel_loop3A_696, %parallel_loop3A_697, %parallel_loop3A_698] {strides = array<i32>} : memref<2x125x1x128xi32, #tpu.memory_space<vmem>>, vector<16xi32>,
      %parallel_loop3A_700 = arith.constant 7 : i32
      %parallel_loop3A_701 = vector.broadcast %parallel_loop3A_700 : i32 to vector<16xi32>
      %parallel_loop3A_702 = arith.shrsi %parallel_loop3A_699, %parallel_loop3A_701 : vector<16xi32>
      %parallel_loop3A_703 = arith.constant 127 : i32
      %parallel_loop3A_704 = vector.broadcast %parallel_loop3A_703 : i32 to vector<16xi32>
      %parallel_loop3A_705 = arith.andi %parallel_loop3A_699, %parallel_loop3A_704 : vector<16xi32>
      %parallel_loop3A_706 = arith.constant 0 : i32
      %parallel_loop3A_707 = arith.constant 0 : i32
      %parallel_loop3A_708 = arith.index_cast %parallel_loop3A_706 : i32 to index
      %parallel_loop3A_709 = arith.index_cast %parallel_loop3A_419 : i32 to index
      %parallel_loop3A_710 = arith.index_cast %parallel_loop3A_707 : i32 to index
      %parallel_loop3A_711 = arith.constant 112 : index
      %parallel_loop3A_712 = tpu.vector_load %arg6[%parallel_loop3A_708, %parallel_loop3A_709, %parallel_loop3A_710, %parallel_loop3A_711] {strides = array<i32>} : memref<2x125x2x128xf32, #tpu.memory_space<vmem>>, vector<16xf32>,
      %parallel_loop3A_713 = arith.constant 0 : i32
      %parallel_loop3A_714 = arith.constant 0 : i32
      %parallel_loop3A_715 = arith.constant 0 : i32
      %parallel_loop3A_716 = arith.constant 0 : i32
      %parallel_loop3A_717 = tpu.memref_slice %arg7[%parallel_loop3A_713, %parallel_loop3A_714, %parallel_loop3A_715, %parallel_loop3A_716] : memref<2x80x1x128xf32, #tpu.memory_space<vmem>> -> memref<1x80x1x128xf32, #tpu.memory_space<vmem>>
      %parallel_loop3A_718 = tpu.memref_squeeze %parallel_loop3A_717 : memref<1x80x1x128xf32, #tpu.memory_space<vmem>> -> memref<80x1x128xf32, #tpu.memory_space<vmem>>
      tpu.vector_store_idx %parallel_loop3A_718[%parallel_loop3A_702, %broadcast_in_dim3A_74, %parallel_loop3A_705], %parallel_loop3A_712 {add = true} : memref<80x1x128xf32, #tpu.memory_space<vmem>>[vector<16xi32>, vector<16xi32>, vector<16xi32>], vector<16xf32>,
      %parallel_loop3A_719 = arith.constant 0 : i32
      %parallel_loop3A_720 = arith.constant 1 : i32
      %parallel_loop3A_721 = arith.index_cast %parallel_loop3A_719 : i32 to index
      %parallel_loop3A_722 = arith.index_cast %parallel_loop3A_419 : i32 to index
      %parallel_loop3A_723 = arith.index_cast %parallel_loop3A_720 : i32 to index
      %parallel_loop3A_724 = arith.constant 112 : index
      %parallel_loop3A_725 = tpu.vector_load %arg6[%parallel_loop3A_721, %parallel_loop3A_722, %parallel_loop3A_723, %parallel_loop3A_724] {strides = array<i32>} : memref<2x125x2x128xf32, #tpu.memory_space<vmem>>, vector<16xf32>,
      %parallel_loop3A_726 = arith.constant 1 : i32
      %parallel_loop3A_727 = arith.constant 0 : i32
      %parallel_loop3A_728 = arith.constant 0 : i32
      %parallel_loop3A_729 = arith.constant 0 : i32
      %parallel_loop3A_730 = tpu.memref_slice %arg7[%parallel_loop3A_726, %parallel_loop3A_727, %parallel_loop3A_728, %parallel_loop3A_729] : memref<2x80x1x128xf32, #tpu.memory_space<vmem>> -> memref<1x80x1x128xf32, #tpu.memory_space<vmem>>
      %parallel_loop3A_731 = tpu.memref_squeeze %parallel_loop3A_730 : memref<1x80x1x128xf32, #tpu.memory_space<vmem>> -> memref<80x1x128xf32, #tpu.memory_space<vmem>>
      tpu.vector_store_idx %parallel_loop3A_731[%parallel_loop3A_702, %broadcast_in_dim3A_74, %parallel_loop3A_705], %parallel_loop3A_725 {add = true} : memref<80x1x128xf32, #tpu.memory_space<vmem>>[vector<16xi32>, vector<16xi32>, vector<16xi32>], vector<16xf32>,
    } {sc.loop_unroll_factor = 3 : i64, sc.parallel_access}
    %dma_wait3A_148 = arith.constant 1 : i32
    %dma_wait3A_149 = arith.constant 0 : i32
    %dma_wait3A_150 = arith.constant 0 : i32
    %dma_wait3A_151 = arith.constant 0 : i32
    %dma_wait3A_152 = tpu.memref_slice %arg5[%dma_wait3A_148, %dma_wait3A_149, %dma_wait3A_150, %dma_wait3A_151] : memref<2x125x1x128xi32, #tpu.memory_space<vmem>> -> memref<1x125x1x128xi32, #tpu.memory_space<vmem>>
    %dma_wait3A_153 = tpu.memref_squeeze %dma_wait3A_152 : memref<1x125x1x128xi32, #tpu.memory_space<vmem>> -> memref<125x1x128xi32, #tpu.memory_space<vmem>>
    %dma_wait3A_154 = arith.constant 0 : i32
    %dma_wait3A_155 = arith.constant 0 : i32
    %dma_wait3A_156 = tpu.memref_slice %arg2[%add3A_109, %dma_wait3A_154, %dma_wait3A_155] : memref<2500x2x128xi32, #tpu.memory_space<hbm>> -> memref<125x1x128xi32, #tpu.memory_space<hbm>>
    %dma_wait3A_157 = arith.constant 0 : i32
    %dma_wait3A_158 = arith.constant 0 : i32
    %dma_wait3A_159 = arith.constant 0 : i32
    %dma_wait3A_160 = tpu.memref_slice %arg5[%dma_wait3A_148, %dma_wait3A_157, %dma_wait3A_158, %dma_wait3A_159] : memref<2x125x1x128xi32, #tpu.memory_space<vmem>> -> memref<1x125x1x128xi32, #tpu.memory_space<vmem>>
    %dma_wait3A_161 = tpu.memref_squeeze %dma_wait3A_160 : memref<1x125x1x128xi32, #tpu.memory_space<vmem>> -> memref<125x1x128xi32, #tpu.memory_space<vmem>>
    %dma_wait3A_162 = arith.constant 0 : i32
    %dma_wait3A_163 = arith.constant 0 : i32
    %dma_wait3A_164 = tpu.memref_slice %arg2[%add3A_109, %dma_wait3A_162, %dma_wait3A_163] : memref<2500x2x128xi32, #tpu.memory_space<hbm>> -> memref<125x1x128xi32, #tpu.memory_space<hbm>>
    tpu.wait_dma2 semaphore(%arg9 : memref<!tpu.dma_semaphore, #tpu.memory_space<semaphore_mem>>) src(%dma_wait3A_164 : memref<125x1x128xi32, #tpu.memory_space<hbm>>) dst(%dma_wait3A_161 : memref<125x1x128xi32, #tpu.memory_space<vmem>>)
    %dma_wait3A_165 = arith.constant 1 : i32
    %dma_wait3A_166 = arith.constant 0 : i32
    %dma_wait3A_167 = arith.constant 0 : i32
    %dma_wait3A_168 = arith.constant 0 : i32
    %dma_wait3A_169 = tpu.memref_slice %arg6[%dma_wait3A_165, %dma_wait3A_166, %dma_wait3A_167, %dma_wait3A_168] : memref<2x125x2x128xf32, #tpu.memory_space<vmem>> -> memref<1x125x2x128xf32, #tpu.memory_space<vmem>>
    %dma_wait3A_170 = tpu.memref_squeeze %dma_wait3A_169 : memref<1x125x2x128xf32, #tpu.memory_space<vmem>> -> memref<125x2x128xf32, #tpu.memory_space<vmem>>
    %dma_wait3A_171 = arith.constant 0 : i32
    %dma_wait3A_172 = tpu.memref_slice %arg3[%arg0, %add3A_109, %mul3A_128, %dma_wait3A_171] : memref<2x2500x8x128xf32, #tpu.memory_space<hbm>> -> memref<1x125x2x128xf32, #tpu.memory_space<hbm>>
    %dma_wait3A_173 = tpu.memref_squeeze %dma_wait3A_172 : memref<1x125x2x128xf32, #tpu.memory_space<hbm>> -> memref<125x2x128xf32, #tpu.memory_space<hbm>>
    %dma_wait3A_174 = arith.constant 0 : i32
    %dma_wait3A_175 = arith.constant 0 : i32
    %dma_wait3A_176 = arith.constant 0 : i32
    %dma_wait3A_177 = tpu.memref_slice %arg6[%dma_wait3A_165, %dma_wait3A_174, %dma_wait3A_175, %dma_wait3A_176] : memref<2x125x2x128xf32, #tpu.memory_space<vmem>> -> memref<1x125x2x128xf32, #tpu.memory_space<vmem>>
    %dma_wait3A_178 = tpu.memref_squeeze %dma_wait3A_177 : memref<1x125x2x128xf32, #tpu.memory_space<vmem>> -> memref<125x2x128xf32, #tpu.memory_space<vmem>>
    %dma_wait3A_179 = arith.constant 0 : i32
    %dma_wait3A_180 = tpu.memref_slice %arg3[%arg0, %add3A_109, %mul3A_128, %dma_wait3A_179] : memref<2x2500x8x128xf32, #tpu.memory_space<hbm>> -> memref<1x125x2x128xf32, #tpu.memory_space<hbm>>
    %dma_wait3A_181 = tpu.memref_squeeze %dma_wait3A_180 : memref<1x125x2x128xf32, #tpu.memory_space<hbm>> -> memref<125x2x128xf32, #tpu.memory_space<hbm>>
    tpu.wait_dma2 semaphore(%arg11 : memref<!tpu.dma_semaphore, #tpu.memory_space<semaphore_mem>>) src(%dma_wait3A_181 : memref<125x2x128xf32, #tpu.memory_space<hbm>>) dst(%dma_wait3A_178 : memref<125x2x128xf32, #tpu.memory_space<vmem>>)
    %add3A_182 = arith.constant 250 : i32
    %add3A_183 = arith.addi %mul3A_29, %add3A_182 : i32
    %dma_start3A_184 = arith.constant 0 : i32
    %dma_start3A_185 = arith.constant 0 : i32
    %dma_start3A_186 = arith.constant 0 : i32
    %dma_start3A_187 = arith.constant 0 : i32
    %dma_start3A_188 = tpu.memref_slice %arg5[%dma_start3A_184, %dma_start3A_185, %dma_start3A_186, %dma_start3A_187] : memref<2x125x1x128xi32, #tpu.memory_space<vmem>> -> memref<1x125x1x128xi32, #tpu.memory_space<vmem>>
    %dma_start3A_189 = tpu.memref_squeeze %dma_start3A_188 : memref<1x125x1x128xi32, #tpu.memory_space<vmem>> -> memref<125x1x128xi32, #tpu.memory_space<vmem>>
    %dma_start3A_190 = arith.constant 0 : i32
    %dma_start3A_191 = arith.constant 0 : i32
    %dma_start3A_192 = tpu.memref_slice %arg2[%add3A_183, %dma_start3A_190, %dma_start3A_191] : memref<2500x2x128xi32, #tpu.memory_space<hbm>> -> memref<125x1x128xi32, #tpu.memory_space<hbm>>
    %dma_start3A_193 = arith.constant 0 : i32
    %dma_start3A_194 = arith.constant 0 : i32
    %dma_start3A_195 = arith.constant 0 : i32
    %dma_start3A_196 = tpu.memref_slice %arg5[%dma_start3A_184, %dma_start3A_193, %dma_start3A_194, %dma_start3A_195] : memref<2x125x1x128xi32, #tpu.memory_space<vmem>> -> memref<1x125x1x128xi32, #tpu.memory_space<vmem>>
    %dma_start3A_197 = tpu.memref_squeeze %dma_start3A_196 : memref<1x125x1x128xi32, #tpu.memory_space<vmem>> -> memref<125x1x128xi32, #tpu.memory_space<vmem>>
    %dma_start3A_198 = arith.constant 0 : i32
    %dma_start3A_199 = arith.constant 0 : i32
    %dma_start3A_200 = tpu.memref_slice %arg2[%add3A_183, %dma_start3A_198, %dma_start3A_199] : memref<2500x2x128xi32, #tpu.memory_space<hbm>> -> memref<125x1x128xi32, #tpu.memory_space<hbm>>
    tpu.enqueue_dma source(%dma_start3A_200 : memref<125x1x128xi32, #tpu.memory_space<hbm>>) target(%dma_start3A_197 : memref<125x1x128xi32, #tpu.memory_space<vmem>>) target_semaphore(%arg8 : memref<!tpu.dma_semaphore, #tpu.memory_space<semaphore_mem>>)
    %mul3A_201 = arith.constant 2 : i32
    %mul3A_202 = arith.muli %select_n3A, %mul3A_201 : i32
    %dma_start3A_203 = arith.constant 0 : i32
    %dma_start3A_204 = arith.constant 0 : i32
    %dma_start3A_205 = arith.constant 0 : i32
    %dma_start3A_206 = arith.constant 0 : i32
    %dma_start3A_207 = tpu.memref_slice %arg6[%dma_start3A_203, %dma_start3A_204, %dma_start3A_205, %dma_start3A_206] : memref<2x125x2x128xf32, #tpu.memory_space<vmem>> -> memref<1x125x2x128xf32, #tpu.memory_space<vmem>>
    %dma_start3A_208 = tpu.memref_squeeze %dma_start3A_207 : memref<1x125x2x128xf32, #tpu.memory_space<vmem>> -> memref<125x2x128xf32, #tpu.memory_space<vmem>>
    %dma_start3A_209 = arith.constant 0 : i32
    %dma_start3A_210 = tpu.memref_slice %arg3[%arg0, %add3A_183, %mul3A_202, %dma_start3A_209] : memref<2x2500x8x128xf32, #tpu.memory_space<hbm>> -> memref<1x125x2x128xf32, #tpu.memory_space<hbm>>
    %dma_start3A_211 = tpu.memref_squeeze %dma_start3A_210 : memref<1x125x2x128xf32, #tpu.memory_space<hbm>> -> memref<125x2x128xf32, #tpu.memory_space<hbm>>
    %dma_start3A_212 = arith.constant 0 : i32
    %dma_start3A_213 = arith.constant 0 : i32
    %dma_start3A_214 = arith.constant 0 : i32
    %dma_start3A_215 = tpu.memref_slice %arg6[%dma_start3A_203, %dma_start3A_212, %dma_start3A_213, %dma_start3A_214] : memref<2x125x2x128xf32, #tpu.memory_space<vmem>> -> memref<1x125x2x128xf32, #tpu.memory_space<vmem>>
    %dma_start3A_216 = tpu.memref_squeeze %dma_start3A_215 : memref<1x125x2x128xf32, #tpu.memory_space<vmem>> -> memref<125x2x128xf32, #tpu.memory_space<vmem>>
    %dma_start3A_217 = arith.constant 0 : i32
    %dma_start3A_218 = tpu.memref_slice %arg3[%arg0, %add3A_183, %mul3A_202, %dma_start3A_217] : memref<2x2500x8x128xf32, #tpu.memory_space<hbm>> -> memref<1x125x2x128xf32, #tpu.memory_space<hbm>>
    %dma_start3A_219 = tpu.memref_squeeze %dma_start3A_218 : memref<1x125x2x128xf32, #tpu.memory_space<hbm>> -> memref<125x2x128xf32, #tpu.memory_space<hbm>>
    tpu.enqueue_dma source(%dma_start3A_219 : memref<125x2x128xf32, #tpu.memory_space<hbm>>) target(%dma_start3A_216 : memref<125x2x128xf32, #tpu.memory_space<vmem>>) target_semaphore(%arg10 : memref<!tpu.dma_semaphore, #tpu.memory_space<semaphore_mem>>)
    %parallel_loop3A_220 = arith.constant 0 : i32
    %parallel_loop3A_221 = arith.constant 125 : i32
    %parallel_loop3A_222 = arith.constant 1 : i32
    scf.for %parallel_loop3A_419 = %parallel_loop3A_220 to %parallel_loop3A_221 step %parallel_loop3A_222  : i32 {
      %parallel_loop3A_420 = arith.constant 1 : i32
      %parallel_loop3A_421 = arith.constant 0 : i32
      %parallel_loop3A_422 = arith.index_cast %parallel_loop3A_420 : i32 to index
      %parallel_loop3A_423 = arith.index_cast %parallel_loop3A_419 : i32 to index
      %parallel_loop3A_424 = arith.index_cast %parallel_loop3A_421 : i32 to index
      %parallel_loop3A_425 = arith.constant 0 : index
      %parallel_loop3A_426 = tpu.vector_load %arg5[%parallel_loop3A_422, %parallel_loop3A_423, %parallel_loop3A_424, %parallel_loop3A_425] {strides = array<i32>} : memref<2x125x1x128xi32, #tpu.memory_space<vmem>>, vector<16xi32>,
      %parallel_loop3A_427 = arith.constant 7 : i32
      %parallel_loop3A_428 = vector.broadcast %parallel_loop3A_427 : i32 to vector<16xi32>
      %parallel_loop3A_429 = arith.shrsi %parallel_loop3A_426, %parallel_loop3A_428 : vector<16xi32>
      %parallel_loop3A_430 = arith.constant 127 : i32
      %parallel_loop3A_431 = vector.broadcast %parallel_loop3A_430 : i32 to vector<16xi32>
      %parallel_loop3A_432 = arith.andi %parallel_loop3A_426, %parallel_loop3A_431 : vector<16xi32>
      %parallel_loop3A_433 = arith.constant 1 : i32
      %parallel_loop3A_434 = arith.constant 0 : i32
      %parallel_loop3A_435 = arith.index_cast %parallel_loop3A_433 : i32 to index
      %parallel_loop3A_436 = arith.index_cast %parallel_loop3A_419 : i32 to index
      %parallel_loop3A_437 = arith.index_cast %parallel_loop3A_434 : i32 to index
      %parallel_loop3A_438 = arith.constant 0 : index
      %parallel_loop3A_439 = tpu.vector_load %arg6[%parallel_loop3A_435, %parallel_loop3A_436, %parallel_loop3A_437, %parallel_loop3A_438] {strides = array<i32>} : memref<2x125x2x128xf32, #tpu.memory_space<vmem>>, vector<16xf32>,
      %parallel_loop3A_440 = arith.constant 0 : i32
      %parallel_loop3A_441 = arith.constant 0 : i32
      %parallel_loop3A_442 = arith.constant 0 : i32
      %parallel_loop3A_443 = arith.constant 0 : i32
      %parallel_loop3A_444 = tpu.memref_slice %arg7[%parallel_loop3A_440, %parallel_loop3A_441, %parallel_loop3A_442, %parallel_loop3A_443] : memref<2x80x1x128xf32, #tpu.memory_space<vmem>> -> memref<1x80x1x128xf32, #tpu.memory_space<vmem>>
      %parallel_loop3A_445 = tpu.memref_squeeze %parallel_loop3A_444 : memref<1x80x1x128xf32, #tpu.memory_space<vmem>> -> memref<80x1x128xf32, #tpu.memory_space<vmem>>
      tpu.vector_store_idx %parallel_loop3A_445[%parallel_loop3A_429, %broadcast_in_dim3A_74, %parallel_loop3A_432], %parallel_loop3A_439 {add = true} : memref<80x1x128xf32, #tpu.memory_space<vmem>>[vector<16xi32>, vector<16xi32>, vector<16xi32>], vector<16xf32>,
      %parallel_loop3A_446 = arith.constant 1 : i32
      %parallel_loop3A_447 = arith.constant 1 : i32
      %parallel_loop3A_448 = arith.index_cast %parallel_loop3A_446 : i32 to index
      %parallel_loop3A_449 = arith.index_cast %parallel_loop3A_419 : i32 to index
      %parallel_loop3A_450 = arith.index_cast %parallel_loop3A_447 : i32 to index
      %parallel_loop3A_451 = arith.constant 0 : index
      %parallel_loop3A_452 = tpu.vector_load %arg6[%parallel_loop3A_448, %parallel_loop3A_449, %parallel_loop3A_450, %parallel_loop3A_451] {strides = array<i32>} : memref<2x125x2x128xf32, #tpu.memory_space<vmem>>, vector<16xf32>,
      %parallel_loop3A_453 = arith.constant 1 : i32
      %parallel_loop3A_454 = arith.constant 0 : i32
      %parallel_loop3A_455 = arith.constant 0 : i32
      %parallel_loop3A_456 = arith.constant 0 : i32
      %parallel_loop3A_457 = tpu.memref_slice %arg7[%parallel_loop3A_453, %parallel_loop3A_454, %parallel_loop3A_455, %parallel_loop3A_456] : memref<2x80x1x128xf32, #tpu.memory_space<vmem>> -> memref<1x80x1x128xf32, #tpu.memory_space<vmem>>
      %parallel_loop3A_458 = tpu.memref_squeeze %parallel_loop3A_457 : memref<1x80x1x128xf32, #tpu.memory_space<vmem>> -> memref<80x1x128xf32, #tpu.memory_space<vmem>>
      tpu.vector_store_idx %parallel_loop3A_458[%parallel_loop3A_429, %broadcast_in_dim3A_74, %parallel_loop3A_432], %parallel_loop3A_452 {add = true} : memref<80x1x128xf32, #tpu.memory_space<vmem>>[vector<16xi32>, vector<16xi32>, vector<16xi32>], vector<16xf32>,
      %parallel_loop3A_459 = arith.constant 1 : i32
      %parallel_loop3A_460 = arith.constant 0 : i32
      %parallel_loop3A_461 = arith.index_cast %parallel_loop3A_459 : i32 to index
      %parallel_loop3A_462 = arith.index_cast %parallel_loop3A_419 : i32 to index
      %parallel_loop3A_463 = arith.index_cast %parallel_loop3A_460 : i32 to index
      %parallel_loop3A_464 = arith.constant 16 : index
      %parallel_loop3A_465 = tpu.vector_load %arg5[%parallel_loop3A_461, %parallel_loop3A_462, %parallel_loop3A_463, %parallel_loop3A_464] {strides = array<i32>} : memref<2x125x1x128xi32, #tpu.memory_space<vmem>>, vector<16xi32>,
      %parallel_loop3A_466 = arith.constant 7 : i32
      %parallel_loop3A_467 = vector.broadcast %parallel_loop3A_466 : i32 to vector<16xi32>
      %parallel_loop3A_468 = arith.shrsi %parallel_loop3A_465, %parallel_loop3A_467 : vector<16xi32>
      %parallel_loop3A_469 = arith.constant 127 : i32
      %parallel_loop3A_470 = vector.broadcast %parallel_loop3A_469 : i32 to vector<16xi32>
      %parallel_loop3A_471 = arith.andi %parallel_loop3A_465, %parallel_loop3A_470 : vector<16xi32>
      %parallel_loop3A_472 = arith.constant 1 : i32
      %parallel_loop3A_473 = arith.constant 0 : i32
      %parallel_loop3A_474 = arith.index_cast %parallel_loop3A_472 : i32 to index
      %parallel_loop3A_475 = arith.index_cast %parallel_loop3A_419 : i32 to index
      %parallel_loop3A_476 = arith.index_cast %parallel_loop3A_473 : i32 to index
      %parallel_loop3A_477 = arith.constant 16 : index
      %parallel_loop3A_478 = tpu.vector_load %arg6[%parallel_loop3A_474, %parallel_loop3A_475, %parallel_loop3A_476, %parallel_loop3A_477] {strides = array<i32>} : memref<2x125x2x128xf32, #tpu.memory_space<vmem>>, vector<16xf32>,
      %parallel_loop3A_479 = arith.constant 0 : i32
      %parallel_loop3A_480 = arith.constant 0 : i32
      %parallel_loop3A_481 = arith.constant 0 : i32
      %parallel_loop3A_482 = arith.constant 0 : i32
      %parallel_loop3A_483 = tpu.memref_slice %arg7[%parallel_loop3A_479, %parallel_loop3A_480, %parallel_loop3A_481, %parallel_loop3A_482] : memref<2x80x1x128xf32, #tpu.memory_space<vmem>> -> memref<1x80x1x128xf32, #tpu.memory_space<vmem>>
      %parallel_loop3A_484 = tpu.memref_squeeze %parallel_loop3A_483 : memref<1x80x1x128xf32, #tpu.memory_space<vmem>> -> memref<80x1x128xf32, #tpu.memory_space<vmem>>
      tpu.vector_store_idx %parallel_loop3A_484[%parallel_loop3A_468, %broadcast_in_dim3A_74, %parallel_loop3A_471], %parallel_loop3A_478 {add = true} : memref<80x1x128xf32, #tpu.memory_space<vmem>>[vector<16xi32>, vector<16xi32>, vector<16xi32>], vector<16xf32>,
      %parallel_loop3A_485 = arith.constant 1 : i32
      %parallel_loop3A_486 = arith.constant 1 : i32
      %parallel_loop3A_487 = arith.index_cast %parallel_loop3A_485 : i32 to index
      %parallel_loop3A_488 = arith.index_cast %parallel_loop3A_419 : i32 to index
      %parallel_loop3A_489 = arith.index_cast %parallel_loop3A_486 : i32 to index
      %parallel_loop3A_490 = arith.constant 16 : index
      %parallel_loop3A_491 = tpu.vector_load %arg6[%parallel_loop3A_487, %parallel_loop3A_488, %parallel_loop3A_489, %parallel_loop3A_490] {strides = array<i32>} : memref<2x125x2x128xf32, #tpu.memory_space<vmem>>, vector<16xf32>,
      %parallel_loop3A_492 = arith.constant 1 : i32
      %parallel_loop3A_493 = arith.constant 0 : i32
      %parallel_loop3A_494 = arith.constant 0 : i32
      %parallel_loop3A_495 = arith.constant 0 : i32
      %parallel_loop3A_496 = tpu.memref_slice %arg7[%parallel_loop3A_492, %parallel_loop3A_493, %parallel_loop3A_494, %parallel_loop3A_495] : memref<2x80x1x128xf32, #tpu.memory_space<vmem>> -> memref<1x80x1x128xf32, #tpu.memory_space<vmem>>
      %parallel_loop3A_497 = tpu.memref_squeeze %parallel_loop3A_496 : memref<1x80x1x128xf32, #tpu.memory_space<vmem>> -> memref<80x1x128xf32, #tpu.memory_space<vmem>>
      tpu.vector_store_idx %parallel_loop3A_497[%parallel_loop3A_468, %broadcast_in_dim3A_74, %parallel_loop3A_471], %parallel_loop3A_491 {add = true} : memref<80x1x128xf32, #tpu.memory_space<vmem>>[vector<16xi32>, vector<16xi32>, vector<16xi32>], vector<16xf32>,
      %parallel_loop3A_498 = arith.constant 1 : i32
      %parallel_loop3A_499 = arith.constant 0 : i32
      %parallel_loop3A_500 = arith.index_cast %parallel_loop3A_498 : i32 to index
      %parallel_loop3A_501 = arith.index_cast %parallel_loop3A_419 : i32 to index
      %parallel_loop3A_502 = arith.index_cast %parallel_loop3A_499 : i32 to index
      %parallel_loop3A_503 = arith.constant 32 : index
      %parallel_loop3A_504 = tpu.vector_load %arg5[%parallel_loop3A_500, %parallel_loop3A_501, %parallel_loop3A_502, %parallel_loop3A_503] {strides = array<i32>} : memref<2x125x1x128xi32, #tpu.memory_space<vmem>>, vector<16xi32>,
      %parallel_loop3A_505 = arith.constant 7 : i32
      %parallel_loop3A_506 = vector.broadcast %parallel_loop3A_505 : i32 to vector<16xi32>
      %parallel_loop3A_507 = arith.shrsi %parallel_loop3A_504, %parallel_loop3A_506 : vector<16xi32>
      %parallel_loop3A_508 = arith.constant 127 : i32
      %parallel_loop3A_509 = vector.broadcast %parallel_loop3A_508 : i32 to vector<16xi32>
      %parallel_loop3A_510 = arith.andi %parallel_loop3A_504, %parallel_loop3A_509 : vector<16xi32>
      %parallel_loop3A_511 = arith.constant 1 : i32
      %parallel_loop3A_512 = arith.constant 0 : i32
      %parallel_loop3A_513 = arith.index_cast %parallel_loop3A_511 : i32 to index
      %parallel_loop3A_514 = arith.index_cast %parallel_loop3A_419 : i32 to index
      %parallel_loop3A_515 = arith.index_cast %parallel_loop3A_512 : i32 to index
      %parallel_loop3A_516 = arith.constant 32 : index
      %parallel_loop3A_517 = tpu.vector_load %arg6[%parallel_loop3A_513, %parallel_loop3A_514, %parallel_loop3A_515, %parallel_loop3A_516] {strides = array<i32>} : memref<2x125x2x128xf32, #tpu.memory_space<vmem>>, vector<16xf32>,
      %parallel_loop3A_518 = arith.constant 0 : i32
      %parallel_loop3A_519 = arith.constant 0 : i32
      %parallel_loop3A_520 = arith.constant 0 : i32
      %parallel_loop3A_521 = arith.constant 0 : i32
      %parallel_loop3A_522 = tpu.memref_slice %arg7[%parallel_loop3A_518, %parallel_loop3A_519, %parallel_loop3A_520, %parallel_loop3A_521] : memref<2x80x1x128xf32, #tpu.memory_space<vmem>> -> memref<1x80x1x128xf32, #tpu.memory_space<vmem>>
      %parallel_loop3A_523 = tpu.memref_squeeze %parallel_loop3A_522 : memref<1x80x1x128xf32, #tpu.memory_space<vmem>> -> memref<80x1x128xf32, #tpu.memory_space<vmem>>
      tpu.vector_store_idx %parallel_loop3A_523[%parallel_loop3A_507, %broadcast_in_dim3A_74, %parallel_loop3A_510], %parallel_loop3A_517 {add = true} : memref<80x1x128xf32, #tpu.memory_space<vmem>>[vector<16xi32>, vector<16xi32>, vector<16xi32>], vector<16xf32>,
      %parallel_loop3A_524 = arith.constant 1 : i32
      %parallel_loop3A_525 = arith.constant 1 : i32
      %parallel_loop3A_526 = arith.index_cast %parallel_loop3A_524 : i32 to index
      %parallel_loop3A_527 = arith.index_cast %parallel_loop3A_419 : i32 to index
      %parallel_loop3A_528 = arith.index_cast %parallel_loop3A_525 : i32 to index
      %parallel_loop3A_529 = arith.constant 32 : index
      %parallel_loop3A_530 = tpu.vector_load %arg6[%parallel_loop3A_526, %parallel_loop3A_527, %parallel_loop3A_528, %parallel_loop3A_529] {strides = array<i32>} : memref<2x125x2x128xf32, #tpu.memory_space<vmem>>, vector<16xf32>,
      %parallel_loop3A_531 = arith.constant 1 : i32
      %parallel_loop3A_532 = arith.constant 0 : i32
      %parallel_loop3A_533 = arith.constant 0 : i32
      %parallel_loop3A_534 = arith.constant 0 : i32
      %parallel_loop3A_535 = tpu.memref_slice %arg7[%parallel_loop3A_531, %parallel_loop3A_532, %parallel_loop3A_533, %parallel_loop3A_534] : memref<2x80x1x128xf32, #tpu.memory_space<vmem>> -> memref<1x80x1x128xf32, #tpu.memory_space<vmem>>
      %parallel_loop3A_536 = tpu.memref_squeeze %parallel_loop3A_535 : memref<1x80x1x128xf32, #tpu.memory_space<vmem>> -> memref<80x1x128xf32, #tpu.memory_space<vmem>>
      tpu.vector_store_idx %parallel_loop3A_536[%parallel_loop3A_507, %broadcast_in_dim3A_74, %parallel_loop3A_510], %parallel_loop3A_530 {add = true} : memref<80x1x128xf32, #tpu.memory_space<vmem>>[vector<16xi32>, vector<16xi32>, vector<16xi32>], vector<16xf32>,
      %parallel_loop3A_537 = arith.constant 1 : i32
      %parallel_loop3A_538 = arith.constant 0 : i32
      %parallel_loop3A_539 = arith.index_cast %parallel_loop3A_537 : i32 to index
      %parallel_loop3A_540 = arith.index_cast %parallel_loop3A_419 : i32 to index
      %parallel_loop3A_541 = arith.index_cast %parallel_loop3A_538 : i32 to index
      %parallel_loop3A_542 = arith.constant 48 : index
      %parallel_loop3A_543 = tpu.vector_load %arg5[%parallel_loop3A_539, %parallel_loop3A_540, %parallel_loop3A_541, %parallel_loop3A_542] {strides = array<i32>} : memref<2x125x1x128xi32, #tpu.memory_space<vmem>>, vector<16xi32>,
      %parallel_loop3A_544 = arith.constant 7 : i32
      %parallel_loop3A_545 = vector.broadcast %parallel_loop3A_544 : i32 to vector<16xi32>
      %parallel_loop3A_546 = arith.shrsi %parallel_loop3A_543, %parallel_loop3A_545 : vector<16xi32>
      %parallel_loop3A_547 = arith.constant 127 : i32
      %parallel_loop3A_548 = vector.broadcast %parallel_loop3A_547 : i32 to vector<16xi32>
      %parallel_loop3A_549 = arith.andi %parallel_loop3A_543, %parallel_loop3A_548 : vector<16xi32>
      %parallel_loop3A_550 = arith.constant 1 : i32
      %parallel_loop3A_551 = arith.constant 0 : i32
      %parallel_loop3A_552 = arith.index_cast %parallel_loop3A_550 : i32 to index
      %parallel_loop3A_553 = arith.index_cast %parallel_loop3A_419 : i32 to index
      %parallel_loop3A_554 = arith.index_cast %parallel_loop3A_551 : i32 to index
      %parallel_loop3A_555 = arith.constant 48 : index
      %parallel_loop3A_556 = tpu.vector_load %arg6[%parallel_loop3A_552, %parallel_loop3A_553, %parallel_loop3A_554, %parallel_loop3A_555] {strides = array<i32>} : memref<2x125x2x128xf32, #tpu.memory_space<vmem>>, vector<16xf32>,
      %parallel_loop3A_557 = arith.constant 0 : i32
      %parallel_loop3A_558 = arith.constant 0 : i32
      %parallel_loop3A_559 = arith.constant 0 : i32
      %parallel_loop3A_560 = arith.constant 0 : i32
      %parallel_loop3A_561 = tpu.memref_slice %arg7[%parallel_loop3A_557, %parallel_loop3A_558, %parallel_loop3A_559, %parallel_loop3A_560] : memref<2x80x1x128xf32, #tpu.memory_space<vmem>> -> memref<1x80x1x128xf32, #tpu.memory_space<vmem>>
      %parallel_loop3A_562 = tpu.memref_squeeze %parallel_loop3A_561 : memref<1x80x1x128xf32, #tpu.memory_space<vmem>> -> memref<80x1x128xf32, #tpu.memory_space<vmem>>
      tpu.vector_store_idx %parallel_loop3A_562[%parallel_loop3A_546, %broadcast_in_dim3A_74, %parallel_loop3A_549], %parallel_loop3A_556 {add = true} : memref<80x1x128xf32, #tpu.memory_space<vmem>>[vector<16xi32>, vector<16xi32>, vector<16xi32>], vector<16xf32>,
      %parallel_loop3A_563 = arith.constant 1 : i32
      %parallel_loop3A_564 = arith.constant 1 : i32
      %parallel_loop3A_565 = arith.index_cast %parallel_loop3A_563 : i32 to index
      %parallel_loop3A_566 = arith.index_cast %parallel_loop3A_419 : i32 to index
      %parallel_loop3A_567 = arith.index_cast %parallel_loop3A_564 : i32 to index
      %parallel_loop3A_568 = arith.constant 48 : index
      %parallel_loop3A_569 = tpu.vector_load %arg6[%parallel_loop3A_565, %parallel_loop3A_566, %parallel_loop3A_567, %parallel_loop3A_568] {strides = array<i32>} : memref<2x125x2x128xf32, #tpu.memory_space<vmem>>, vector<16xf32>,
      %parallel_loop3A_570 = arith.constant 1 : i32
      %parallel_loop3A_571 = arith.constant 0 : i32
      %parallel_loop3A_572 = arith.constant 0 : i32
      %parallel_loop3A_573 = arith.constant 0 : i32
      %parallel_loop3A_574 = tpu.memref_slice %arg7[%parallel_loop3A_570, %parallel_loop3A_571, %parallel_loop3A_572, %parallel_loop3A_573] : memref<2x80x1x128xf32, #tpu.memory_space<vmem>> -> memref<1x80x1x128xf32, #tpu.memory_space<vmem>>
      %parallel_loop3A_575 = tpu.memref_squeeze %parallel_loop3A_574 : memref<1x80x1x128xf32, #tpu.memory_space<vmem>> -> memref<80x1x128xf32, #tpu.memory_space<vmem>>
      tpu.vector_store_idx %parallel_loop3A_575[%parallel_loop3A_546, %broadcast_in_dim3A_74, %parallel_loop3A_549], %parallel_loop3A_569 {add = true} : memref<80x1x128xf32, #tpu.memory_space<vmem>>[vector<16xi32>, vector<16xi32>, vector<16xi32>], vector<16xf32>,
      %parallel_loop3A_576 = arith.constant 1 : i32
      %parallel_loop3A_577 = arith.constant 0 : i32
      %parallel_loop3A_578 = arith.index_cast %parallel_loop3A_576 : i32 to index
      %parallel_loop3A_579 = arith.index_cast %parallel_loop3A_419 : i32 to index
      %parallel_loop3A_580 = arith.index_cast %parallel_loop3A_577 : i32 to index
      %parallel_loop3A_581 = arith.constant 64 : index
      %parallel_loop3A_582 = tpu.vector_load %arg5[%parallel_loop3A_578, %parallel_loop3A_579, %parallel_loop3A_580, %parallel_loop3A_581] {strides = array<i32>} : memref<2x125x1x128xi32, #tpu.memory_space<vmem>>, vector<16xi32>,
      %parallel_loop3A_583 = arith.constant 7 : i32
      %parallel_loop3A_584 = vector.broadcast %parallel_loop3A_583 : i32 to vector<16xi32>
      %parallel_loop3A_585 = arith.shrsi %parallel_loop3A_582, %parallel_loop3A_584 : vector<16xi32>
      %parallel_loop3A_586 = arith.constant 127 : i32
      %parallel_loop3A_587 = vector.broadcast %parallel_loop3A_586 : i32 to vector<16xi32>
      %parallel_loop3A_588 = arith.andi %parallel_loop3A_582, %parallel_loop3A_587 : vector<16xi32>
      %parallel_loop3A_589 = arith.constant 1 : i32
      %parallel_loop3A_590 = arith.constant 0 : i32
      %parallel_loop3A_591 = arith.index_cast %parallel_loop3A_589 : i32 to index
      %parallel_loop3A_592 = arith.index_cast %parallel_loop3A_419 : i32 to index
      %parallel_loop3A_593 = arith.index_cast %parallel_loop3A_590 : i32 to index
      %parallel_loop3A_594 = arith.constant 64 : index
      %parallel_loop3A_595 = tpu.vector_load %arg6[%parallel_loop3A_591, %parallel_loop3A_592, %parallel_loop3A_593, %parallel_loop3A_594] {strides = array<i32>} : memref<2x125x2x128xf32, #tpu.memory_space<vmem>>, vector<16xf32>,
      %parallel_loop3A_596 = arith.constant 0 : i32
      %parallel_loop3A_597 = arith.constant 0 : i32
      %parallel_loop3A_598 = arith.constant 0 : i32
      %parallel_loop3A_599 = arith.constant 0 : i32
      %parallel_loop3A_600 = tpu.memref_slice %arg7[%parallel_loop3A_596, %parallel_loop3A_597, %parallel_loop3A_598, %parallel_loop3A_599] : memref<2x80x1x128xf32, #tpu.memory_space<vmem>> -> memref<1x80x1x128xf32, #tpu.memory_space<vmem>>
      %parallel_loop3A_601 = tpu.memref_squeeze %parallel_loop3A_600 : memref<1x80x1x128xf32, #tpu.memory_space<vmem>> -> memref<80x1x128xf32, #tpu.memory_space<vmem>>
      tpu.vector_store_idx %parallel_loop3A_601[%parallel_loop3A_585, %broadcast_in_dim3A_74, %parallel_loop3A_588], %parallel_loop3A_595 {add = true} : memref<80x1x128xf32, #tpu.memory_space<vmem>>[vector<16xi32>, vector<16xi32>, vector<16xi32>], vector<16xf32>,
      %parallel_loop3A_602 = arith.constant 1 : i32
      %parallel_loop3A_603 = arith.constant 1 : i32
      %parallel_loop3A_604 = arith.index_cast %parallel_loop3A_602 : i32 to index
      %parallel_loop3A_605 = arith.index_cast %parallel_loop3A_419 : i32 to index
      %parallel_loop3A_606 = arith.index_cast %parallel_loop3A_603 : i32 to index
      %parallel_loop3A_607 = arith.constant 64 : index
      %parallel_loop3A_608 = tpu.vector_load %arg6[%parallel_loop3A_604, %parallel_loop3A_605, %parallel_loop3A_606, %parallel_loop3A_607] {strides = array<i32>} : memref<2x125x2x128xf32, #tpu.memory_space<vmem>>, vector<16xf32>,
      %parallel_loop3A_609 = arith.constant 1 : i32
      %parallel_loop3A_610 = arith.constant 0 : i32
      %parallel_loop3A_611 = arith.constant 0 : i32
      %parallel_loop3A_612 = arith.constant 0 : i32
      %parallel_loop3A_613 = tpu.memref_slice %arg7[%parallel_loop3A_609, %parallel_loop3A_610, %parallel_loop3A_611, %parallel_loop3A_612] : memref<2x80x1x128xf32, #tpu.memory_space<vmem>> -> memref<1x80x1x128xf32, #tpu.memory_space<vmem>>
      %parallel_loop3A_614 = tpu.memref_squeeze %parallel_loop3A_613 : memref<1x80x1x128xf32, #tpu.memory_space<vmem>> -> memref<80x1x128xf32, #tpu.memory_space<vmem>>
      tpu.vector_store_idx %parallel_loop3A_614[%parallel_loop3A_585, %broadcast_in_dim3A_74, %parallel_loop3A_588], %parallel_loop3A_608 {add = true} : memref<80x1x128xf32, #tpu.memory_space<vmem>>[vector<16xi32>, vector<16xi32>, vector<16xi32>], vector<16xf32>,
      %parallel_loop3A_615 = arith.constant 1 : i32
      %parallel_loop3A_616 = arith.constant 0 : i32
      %parallel_loop3A_617 = arith.index_cast %parallel_loop3A_615 : i32 to index
      %parallel_loop3A_618 = arith.index_cast %parallel_loop3A_419 : i32 to index
      %parallel_loop3A_619 = arith.index_cast %parallel_loop3A_616 : i32 to index
      %parallel_loop3A_620 = arith.constant 80 : index
      %parallel_loop3A_621 = tpu.vector_load %arg5[%parallel_loop3A_617, %parallel_loop3A_618, %parallel_loop3A_619, %parallel_loop3A_620] {strides = array<i32>} : memref<2x125x1x128xi32, #tpu.memory_space<vmem>>, vector<16xi32>,
      %parallel_loop3A_622 = arith.constant 7 : i32
      %parallel_loop3A_623 = vector.broadcast %parallel_loop3A_622 : i32 to vector<16xi32>
      %parallel_loop3A_624 = arith.shrsi %parallel_loop3A_621, %parallel_loop3A_623 : vector<16xi32>
      %parallel_loop3A_625 = arith.constant 127 : i32
      %parallel_loop3A_626 = vector.broadcast %parallel_loop3A_625 : i32 to vector<16xi32>
      %parallel_loop3A_627 = arith.andi %parallel_loop3A_621, %parallel_loop3A_626 : vector<16xi32>
      %parallel_loop3A_628 = arith.constant 1 : i32
      %parallel_loop3A_629 = arith.constant 0 : i32
      %parallel_loop3A_630 = arith.index_cast %parallel_loop3A_628 : i32 to index
      %parallel_loop3A_631 = arith.index_cast %parallel_loop3A_419 : i32 to index
      %parallel_loop3A_632 = arith.index_cast %parallel_loop3A_629 : i32 to index
      %parallel_loop3A_633 = arith.constant 80 : index
      %parallel_loop3A_634 = tpu.vector_load %arg6[%parallel_loop3A_630, %parallel_loop3A_631, %parallel_loop3A_632, %parallel_loop3A_633] {strides = array<i32>} : memref<2x125x2x128xf32, #tpu.memory_space<vmem>>, vector<16xf32>,
      %parallel_loop3A_635 = arith.constant 0 : i32
      %parallel_loop3A_636 = arith.constant 0 : i32
      %parallel_loop3A_637 = arith.constant 0 : i32
      %parallel_loop3A_638 = arith.constant 0 : i32
      %parallel_loop3A_639 = tpu.memref_slice %arg7[%parallel_loop3A_635, %parallel_loop3A_636, %parallel_loop3A_637, %parallel_loop3A_638] : memref<2x80x1x128xf32, #tpu.memory_space<vmem>> -> memref<1x80x1x128xf32, #tpu.memory_space<vmem>>
      %parallel_loop3A_640 = tpu.memref_squeeze %parallel_loop3A_639 : memref<1x80x1x128xf32, #tpu.memory_space<vmem>> -> memref<80x1x128xf32, #tpu.memory_space<vmem>>
      tpu.vector_store_idx %parallel_loop3A_640[%parallel_loop3A_624, %broadcast_in_dim3A_74, %parallel_loop3A_627], %parallel_loop3A_634 {add = true} : memref<80x1x128xf32, #tpu.memory_space<vmem>>[vector<16xi32>, vector<16xi32>, vector<16xi32>], vector<16xf32>,
      %parallel_loop3A_641 = arith.constant 1 : i32
      %parallel_loop3A_642 = arith.constant 1 : i32
      %parallel_loop3A_643 = arith.index_cast %parallel_loop3A_641 : i32 to index
      %parallel_loop3A_644 = arith.index_cast %parallel_loop3A_419 : i32 to index
      %parallel_loop3A_645 = arith.index_cast %parallel_loop3A_642 : i32 to index
      %parallel_loop3A_646 = arith.constant 80 : index
      %parallel_loop3A_647 = tpu.vector_load %arg6[%parallel_loop3A_643, %parallel_loop3A_644, %parallel_loop3A_645, %parallel_loop3A_646] {strides = array<i32>} : memref<2x125x2x128xf32, #tpu.memory_space<vmem>>, vector<16xf32>,
      %parallel_loop3A_648 = arith.constant 1 : i32
      %parallel_loop3A_649 = arith.constant 0 : i32
      %parallel_loop3A_650 = arith.constant 0 : i32
      %parallel_loop3A_651 = arith.constant 0 : i32
      %parallel_loop3A_652 = tpu.memref_slice %arg7[%parallel_loop3A_648, %parallel_loop3A_649, %parallel_loop3A_650, %parallel_loop3A_651] : memref<2x80x1x128xf32, #tpu.memory_space<vmem>> -> memref<1x80x1x128xf32, #tpu.memory_space<vmem>>
      %parallel_loop3A_653 = tpu.memref_squeeze %parallel_loop3A_652 : memref<1x80x1x128xf32, #tpu.memory_space<vmem>> -> memref<80x1x128xf32, #tpu.memory_space<vmem>>
      tpu.vector_store_idx %parallel_loop3A_653[%parallel_loop3A_624, %broadcast_in_dim3A_74, %parallel_loop3A_627], %parallel_loop3A_647 {add = true} : memref<80x1x128xf32, #tpu.memory_space<vmem>>[vector<16xi32>, vector<16xi32>, vector<16xi32>], vector<16xf32>,
      %parallel_loop3A_654 = arith.constant 1 : i32
      %parallel_loop3A_655 = arith.constant 0 : i32
      %parallel_loop3A_656 = arith.index_cast %parallel_loop3A_654 : i32 to index
      %parallel_loop3A_657 = arith.index_cast %parallel_loop3A_419 : i32 to index
      %parallel_loop3A_658 = arith.index_cast %parallel_loop3A_655 : i32 to index
      %parallel_loop3A_659 = arith.constant 96 : index
      %parallel_loop3A_660 = tpu.vector_load %arg5[%parallel_loop3A_656, %parallel_loop3A_657, %parallel_loop3A_658, %parallel_loop3A_659] {strides = array<i32>} : memref<2x125x1x128xi32, #tpu.memory_space<vmem>>, vector<16xi32>,
      %parallel_loop3A_661 = arith.constant 7 : i32
      %parallel_loop3A_662 = vector.broadcast %parallel_loop3A_661 : i32 to vector<16xi32>
      %parallel_loop3A_663 = arith.shrsi %parallel_loop3A_660, %parallel_loop3A_662 : vector<16xi32>
      %parallel_loop3A_664 = arith.constant 127 : i32
      %parallel_loop3A_665 = vector.broadcast %parallel_loop3A_664 : i32 to vector<16xi32>
      %parallel_loop3A_666 = arith.andi %parallel_loop3A_660, %parallel_loop3A_665 : vector<16xi32>
      %parallel_loop3A_667 = arith.constant 1 : i32
      %parallel_loop3A_668 = arith.constant 0 : i32
      %parallel_loop3A_669 = arith.index_cast %parallel_loop3A_667 : i32 to index
      %parallel_loop3A_670 = arith.index_cast %parallel_loop3A_419 : i32 to index
      %parallel_loop3A_671 = arith.index_cast %parallel_loop3A_668 : i32 to index
      %parallel_loop3A_672 = arith.constant 96 : index
      %parallel_loop3A_673 = tpu.vector_load %arg6[%parallel_loop3A_669, %parallel_loop3A_670, %parallel_loop3A_671, %parallel_loop3A_672] {strides = array<i32>} : memref<2x125x2x128xf32, #tpu.memory_space<vmem>>, vector<16xf32>,
      %parallel_loop3A_674 = arith.constant 0 : i32
      %parallel_loop3A_675 = arith.constant 0 : i32
      %parallel_loop3A_676 = arith.constant 0 : i32
      %parallel_loop3A_677 = arith.constant 0 : i32
      %parallel_loop3A_678 = tpu.memref_slice %arg7[%parallel_loop3A_674, %parallel_loop3A_675, %parallel_loop3A_676, %parallel_loop3A_677] : memref<2x80x1x128xf32, #tpu.memory_space<vmem>> -> memref<1x80x1x128xf32, #tpu.memory_space<vmem>>
      %parallel_loop3A_679 = tpu.memref_squeeze %parallel_loop3A_678 : memref<1x80x1x128xf32, #tpu.memory_space<vmem>> -> memref<80x1x128xf32, #tpu.memory_space<vmem>>
      tpu.vector_store_idx %parallel_loop3A_679[%parallel_loop3A_663, %broadcast_in_dim3A_74, %parallel_loop3A_666], %parallel_loop3A_673 {add = true} : memref<80x1x128xf32, #tpu.memory_space<vmem>>[vector<16xi32>, vector<16xi32>, vector<16xi32>], vector<16xf32>,
      %parallel_loop3A_680 = arith.constant 1 : i32
      %parallel_loop3A_681 = arith.constant 1 : i32
      %parallel_loop3A_682 = arith.index_cast %parallel_loop3A_680 : i32 to index
      %parallel_loop3A_683 = arith.index_cast %parallel_loop3A_419 : i32 to index
      %parallel_loop3A_684 = arith.index_cast %parallel_loop3A_681 : i32 to index
      %parallel_loop3A_685 = arith.constant 96 : index
      %parallel_loop3A_686 = tpu.vector_load %arg6[%parallel_loop3A_682, %parallel_loop3A_683, %parallel_loop3A_684, %parallel_loop3A_685] {strides = array<i32>} : memref<2x125x2x128xf32, #tpu.memory_space<vmem>>, vector<16xf32>,
      %parallel_loop3A_687 = arith.constant 1 : i32
      %parallel_loop3A_688 = arith.constant 0 : i32
      %parallel_loop3A_689 = arith.constant 0 : i32
      %parallel_loop3A_690 = arith.constant 0 : i32
      %parallel_loop3A_691 = tpu.memref_slice %arg7[%parallel_loop3A_687, %parallel_loop3A_688, %parallel_loop3A_689, %parallel_loop3A_690] : memref<2x80x1x128xf32, #tpu.memory_space<vmem>> -> memref<1x80x1x128xf32, #tpu.memory_space<vmem>>
      %parallel_loop3A_692 = tpu.memref_squeeze %parallel_loop3A_691 : memref<1x80x1x128xf32, #tpu.memory_space<vmem>> -> memref<80x1x128xf32, #tpu.memory_space<vmem>>
      tpu.vector_store_idx %parallel_loop3A_692[%parallel_loop3A_663, %broadcast_in_dim3A_74, %parallel_loop3A_666], %parallel_loop3A_686 {add = true} : memref<80x1x128xf32, #tpu.memory_space<vmem>>[vector<16xi32>, vector<16xi32>, vector<16xi32>], vector<16xf32>,
      %parallel_loop3A_693 = arith.constant 1 : i32
      %parallel_loop3A_694 = arith.constant 0 : i32
      %parallel_loop3A_695 = arith.index_cast %parallel_loop3A_693 : i32 to index
      %parallel_loop3A_696 = arith.index_cast %parallel_loop3A_419 : i32 to index
      %parallel_loop3A_697 = arith.index_cast %parallel_loop3A_694 : i32 to index
      %parallel_loop3A_698 = arith.constant 112 : index
      %parallel_loop3A_699 = tpu.vector_load %arg5[%parallel_loop3A_695, %parallel_loop3A_696, %parallel_loop3A_697, %parallel_loop3A_698] {strides = array<i32>} : memref<2x125x1x128xi32, #tpu.memory_space<vmem>>, vector<16xi32>,
      %parallel_loop3A_700 = arith.constant 7 : i32
      %parallel_loop3A_701 = vector.broadcast %parallel_loop3A_700 : i32 to vector<16xi32>
      %parallel_loop3A_702 = arith.shrsi %parallel_loop3A_699, %parallel_loop3A_701 : vector<16xi32>
      %parallel_loop3A_703 = arith.constant 127 : i32
      %parallel_loop3A_704 = vector.broadcast %parallel_loop3A_703 : i32 to vector<16xi32>
      %parallel_loop3A_705 = arith.andi %parallel_loop3A_699, %parallel_loop3A_704 : vector<16xi32>
      %parallel_loop3A_706 = arith.constant 1 : i32
      %parallel_loop3A_707 = arith.constant 0 : i32
      %parallel_loop3A_708 = arith.index_cast %parallel_loop3A_706 : i32 to index
      %parallel_loop3A_709 = arith.index_cast %parallel_loop3A_419 : i32 to index
      %parallel_loop3A_710 = arith.index_cast %parallel_loop3A_707 : i32 to index
      %parallel_loop3A_711 = arith.constant 112 : index
      %parallel_loop3A_712 = tpu.vector_load %arg6[%parallel_loop3A_708, %parallel_loop3A_709, %parallel_loop3A_710, %parallel_loop3A_711] {strides = array<i32>} : memref<2x125x2x128xf32, #tpu.memory_space<vmem>>, vector<16xf32>,
      %parallel_loop3A_713 = arith.constant 0 : i32
      %parallel_loop3A_714 = arith.constant 0 : i32
      %parallel_loop3A_715 = arith.constant 0 : i32
      %parallel_loop3A_716 = arith.constant 0 : i32
      %parallel_loop3A_717 = tpu.memref_slice %arg7[%parallel_loop3A_713, %parallel_loop3A_714, %parallel_loop3A_715, %parallel_loop3A_716] : memref<2x80x1x128xf32, #tpu.memory_space<vmem>> -> memref<1x80x1x128xf32, #tpu.memory_space<vmem>>
      %parallel_loop3A_718 = tpu.memref_squeeze %parallel_loop3A_717 : memref<1x80x1x128xf32, #tpu.memory_space<vmem>> -> memref<80x1x128xf32, #tpu.memory_space<vmem>>
      tpu.vector_store_idx %parallel_loop3A_718[%parallel_loop3A_702, %broadcast_in_dim3A_74, %parallel_loop3A_705], %parallel_loop3A_712 {add = true} : memref<80x1x128xf32, #tpu.memory_space<vmem>>[vector<16xi32>, vector<16xi32>, vector<16xi32>], vector<16xf32>,
      %parallel_loop3A_719 = arith.constant 1 : i32
      %parallel_loop3A_720 = arith.constant 1 : i32
      %parallel_loop3A_721 = arith.index_cast %parallel_loop3A_719 : i32 to index
      %parallel_loop3A_722 = arith.index_cast %parallel_loop3A_419 : i32 to index
      %parallel_loop3A_723 = arith.index_cast %parallel_loop3A_720 : i32 to index
      %parallel_loop3A_724 = arith.constant 112 : index
      %parallel_loop3A_725 = tpu.vector_load %arg6[%parallel_loop3A_721, %parallel_loop3A_722, %parallel_loop3A_723, %parallel_loop3A_724] {strides = array<i32>} : memref<2x125x2x128xf32, #tpu.memory_space<vmem>>, vector<16xf32>,
      %parallel_loop3A_726 = arith.constant 1 : i32
      %parallel_loop3A_727 = arith.constant 0 : i32
      %parallel_loop3A_728 = arith.constant 0 : i32
      %parallel_loop3A_729 = arith.constant 0 : i32
      %parallel_loop3A_730 = tpu.memref_slice %arg7[%parallel_loop3A_726, %parallel_loop3A_727, %parallel_loop3A_728, %parallel_loop3A_729] : memref<2x80x1x128xf32, #tpu.memory_space<vmem>> -> memref<1x80x1x128xf32, #tpu.memory_space<vmem>>
      %parallel_loop3A_731 = tpu.memref_squeeze %parallel_loop3A_730 : memref<1x80x1x128xf32, #tpu.memory_space<vmem>> -> memref<80x1x128xf32, #tpu.memory_space<vmem>>
      tpu.vector_store_idx %parallel_loop3A_731[%parallel_loop3A_702, %broadcast_in_dim3A_74, %parallel_loop3A_705], %parallel_loop3A_725 {add = true} : memref<80x1x128xf32, #tpu.memory_space<vmem>>[vector<16xi32>, vector<16xi32>, vector<16xi32>], vector<16xf32>,
    } {sc.loop_unroll_factor = 3 : i64, sc.parallel_access}
    %dma_wait3A_223 = arith.constant 0 : i32
    %dma_wait3A_224 = arith.constant 0 : i32
    %dma_wait3A_225 = arith.constant 0 : i32
    %dma_wait3A_226 = arith.constant 0 : i32
    %dma_wait3A_227 = tpu.memref_slice %arg5[%dma_wait3A_223, %dma_wait3A_224, %dma_wait3A_225, %dma_wait3A_226] : memref<2x125x1x128xi32, #tpu.memory_space<vmem>> -> memref<1x125x1x128xi32, #tpu.memory_space<vmem>>
    %dma_wait3A_228 = tpu.memref_squeeze %dma_wait3A_227 : memref<1x125x1x128xi32, #tpu.memory_space<vmem>> -> memref<125x1x128xi32, #tpu.memory_space<vmem>>
    %dma_wait3A_229 = arith.constant 0 : i32
    %dma_wait3A_230 = arith.constant 0 : i32
    %dma_wait3A_231 = tpu.memref_slice %arg2[%add3A_183, %dma_wait3A_229, %dma_wait3A_230] : memref<2500x2x128xi32, #tpu.memory_space<hbm>> -> memref<125x1x128xi32, #tpu.memory_space<hbm>>
    %dma_wait3A_232 = arith.constant 0 : i32
    %dma_wait3A_233 = arith.constant 0 : i32
    %dma_wait3A_234 = arith.constant 0 : i32
    %dma_wait3A_235 = tpu.memref_slice %arg5[%dma_wait3A_223, %dma_wait3A_232, %dma_wait3A_233, %dma_wait3A_234] : memref<2x125x1x128xi32, #tpu.memory_space<vmem>> -> memref<1x125x1x128xi32, #tpu.memory_space<vmem>>
    %dma_wait3A_236 = tpu.memref_squeeze %dma_wait3A_235 : memref<1x125x1x128xi32, #tpu.memory_space<vmem>> -> memref<125x1x128xi32, #tpu.memory_space<vmem>>
    %dma_wait3A_237 = arith.constant 0 : i32
    %dma_wait3A_238 = arith.constant 0 : i32
    %dma_wait3A_239 = tpu.memref_slice %arg2[%add3A_183, %dma_wait3A_237, %dma_wait3A_238] : memref<2500x2x128xi32, #tpu.memory_space<hbm>> -> memref<125x1x128xi32, #tpu.memory_space<hbm>>
    tpu.wait_dma2 semaphore(%arg8 : memref<!tpu.dma_semaphore, #tpu.memory_space<semaphore_mem>>) src(%dma_wait3A_239 : memref<125x1x128xi32, #tpu.memory_space<hbm>>) dst(%dma_wait3A_236 : memref<125x1x128xi32, #tpu.memory_space<vmem>>)
    %dma_wait3A_240 = arith.constant 0 : i32
    %dma_wait3A_241 = arith.constant 0 : i32
    %dma_wait3A_242 = arith.constant 0 : i32
    %dma_wait3A_243 = arith.constant 0 : i32
    %dma_wait3A_244 = tpu.memref_slice %arg6[%dma_wait3A_240, %dma_wait3A_241, %dma_wait3A_242, %dma_wait3A_243] : memref<2x125x2x128xf32, #tpu.memory_space<vmem>> -> memref<1x125x2x128xf32, #tpu.memory_space<vmem>>
    %dma_wait3A_245 = tpu.memref_squeeze %dma_wait3A_244 : memref<1x125x2x128xf32, #tpu.memory_space<vmem>> -> memref<125x2x128xf32, #tpu.memory_space<vmem>>
    %dma_wait3A_246 = arith.constant 0 : i32
    %dma_wait3A_247 = tpu.memref_slice %arg3[%arg0, %add3A_183, %mul3A_202, %dma_wait3A_246] : memref<2x2500x8x128xf32, #tpu.memory_space<hbm>> -> memref<1x125x2x128xf32, #tpu.memory_space<hbm>>
    %dma_wait3A_248 = tpu.memref_squeeze %dma_wait3A_247 : memref<1x125x2x128xf32, #tpu.memory_space<hbm>> -> memref<125x2x128xf32, #tpu.memory_space<hbm>>
    %dma_wait3A_249 = arith.constant 0 : i32
    %dma_wait3A_250 = arith.constant 0 : i32
    %dma_wait3A_251 = arith.constant 0 : i32
    %dma_wait3A_252 = tpu.memref_slice %arg6[%dma_wait3A_240, %dma_wait3A_249, %dma_wait3A_250, %dma_wait3A_251] : memref<2x125x2x128xf32, #tpu.memory_space<vmem>> -> memref<1x125x2x128xf32, #tpu.memory_space<vmem>>
    %dma_wait3A_253 = tpu.memref_squeeze %dma_wait3A_252 : memref<1x125x2x128xf32, #tpu.memory_space<vmem>> -> memref<125x2x128xf32, #tpu.memory_space<vmem>>
    %dma_wait3A_254 = arith.constant 0 : i32
    %dma_wait3A_255 = tpu.memref_slice %arg3[%arg0, %add3A_183, %mul3A_202, %dma_wait3A_254] : memref<2x2500x8x128xf32, #tpu.memory_space<hbm>> -> memref<1x125x2x128xf32, #tpu.memory_space<hbm>>
    %dma_wait3A_256 = tpu.memref_squeeze %dma_wait3A_255 : memref<1x125x2x128xf32, #tpu.memory_space<hbm>> -> memref<125x2x128xf32, #tpu.memory_space<hbm>>
    tpu.wait_dma2 semaphore(%arg10 : memref<!tpu.dma_semaphore, #tpu.memory_space<semaphore_mem>>) src(%dma_wait3A_256 : memref<125x2x128xf32, #tpu.memory_space<hbm>>) dst(%dma_wait3A_253 : memref<125x2x128xf32, #tpu.memory_space<vmem>>)
    %add3A_257 = arith.constant 375 : i32
    %add3A_258 = arith.addi %mul3A_29, %add3A_257 : i32
    %dma_start3A_259 = arith.constant 1 : i32
    %dma_start3A_260 = arith.constant 0 : i32
    %dma_start3A_261 = arith.constant 0 : i32
    %dma_start3A_262 = arith.constant 0 : i32
    %dma_start3A_263 = tpu.memref_slice %arg5[%dma_start3A_259, %dma_start3A_260, %dma_start3A_261, %dma_start3A_262] : memref<2x125x1x128xi32, #tpu.memory_space<vmem>> -> memref<1x125x1x128xi32, #tpu.memory_space<vmem>>
    %dma_start3A_264 = tpu.memref_squeeze %dma_start3A_263 : memref<1x125x1x128xi32, #tpu.memory_space<vmem>> -> memref<125x1x128xi32, #tpu.memory_space<vmem>>
    %dma_start3A_265 = arith.constant 0 : i32
    %dma_start3A_266 = arith.constant 0 : i32
    %dma_start3A_267 = tpu.memref_slice %arg2[%add3A_258, %dma_start3A_265, %dma_start3A_266] : memref<2500x2x128xi32, #tpu.memory_space<hbm>> -> memref<125x1x128xi32, #tpu.memory_space<hbm>>
    %dma_start3A_268 = arith.constant 0 : i32
    %dma_start3A_269 = arith.constant 0 : i32
    %dma_start3A_270 = arith.constant 0 : i32
    %dma_start3A_271 = tpu.memref_slice %arg5[%dma_start3A_259, %dma_start3A_268, %dma_start3A_269, %dma_start3A_270] : memref<2x125x1x128xi32, #tpu.memory_space<vmem>> -> memref<1x125x1x128xi32, #tpu.memory_space<vmem>>
    %dma_start3A_272 = tpu.memref_squeeze %dma_start3A_271 : memref<1x125x1x128xi32, #tpu.memory_space<vmem>> -> memref<125x1x128xi32, #tpu.memory_space<vmem>>
    %dma_start3A_273 = arith.constant 0 : i32
    %dma_start3A_274 = arith.constant 0 : i32
    %dma_start3A_275 = tpu.memref_slice %arg2[%add3A_258, %dma_start3A_273, %dma_start3A_274] : memref<2500x2x128xi32, #tpu.memory_space<hbm>> -> memref<125x1x128xi32, #tpu.memory_space<hbm>>
    tpu.enqueue_dma source(%dma_start3A_275 : memref<125x1x128xi32, #tpu.memory_space<hbm>>) target(%dma_start3A_272 : memref<125x1x128xi32, #tpu.memory_space<vmem>>) target_semaphore(%arg9 : memref<!tpu.dma_semaphore, #tpu.memory_space<semaphore_mem>>)
    %mul3A_276 = arith.constant 2 : i32
    %mul3A_277 = arith.muli %select_n3A, %mul3A_276 : i32
    %dma_start3A_278 = arith.constant 1 : i32
    %dma_start3A_279 = arith.constant 0 : i32
    %dma_start3A_280 = arith.constant 0 : i32
    %dma_start3A_281 = arith.constant 0 : i32
    %dma_start3A_282 = tpu.memref_slice %arg6[%dma_start3A_278, %dma_start3A_279, %dma_start3A_280, %dma_start3A_281] : memref<2x125x2x128xf32, #tpu.memory_space<vmem>> -> memref<1x125x2x128xf32, #tpu.memory_space<vmem>>
    %dma_start3A_283 = tpu.memref_squeeze %dma_start3A_282 : memref<1x125x2x128xf32, #tpu.memory_space<vmem>> -> memref<125x2x128xf32, #tpu.memory_space<vmem>>
    %dma_start3A_284 = arith.constant 0 : i32
    %dma_start3A_285 = tpu.memref_slice %arg3[%arg0, %add3A_258, %mul3A_277, %dma_start3A_284] : memref<2x2500x8x128xf32, #tpu.memory_space<hbm>> -> memref<1x125x2x128xf32, #tpu.memory_space<hbm>>
    %dma_start3A_286 = tpu.memref_squeeze %dma_start3A_285 : memref<1x125x2x128xf32, #tpu.memory_space<hbm>> -> memref<125x2x128xf32, #tpu.memory_space<hbm>>
    %dma_start3A_287 = arith.constant 0 : i32
    %dma_start3A_288 = arith.constant 0 : i32
    %dma_start3A_289 = arith.constant 0 : i32
    %dma_start3A_290 = tpu.memref_slice %arg6[%dma_start3A_278, %dma_start3A_287, %dma_start3A_288, %dma_start3A_289] : memref<2x125x2x128xf32, #tpu.memory_space<vmem>> -> memref<1x125x2x128xf32, #tpu.memory_space<vmem>>
    %dma_start3A_291 = tpu.memref_squeeze %dma_start3A_290 : memref<1x125x2x128xf32, #tpu.memory_space<vmem>> -> memref<125x2x128xf32, #tpu.memory_space<vmem>>
    %dma_start3A_292 = arith.constant 0 : i32
    %dma_start3A_293 = tpu.memref_slice %arg3[%arg0, %add3A_258, %mul3A_277, %dma_start3A_292] : memref<2x2500x8x128xf32, #tpu.memory_space<hbm>> -> memref<1x125x2x128xf32, #tpu.memory_space<hbm>>
    %dma_start3A_294 = tpu.memref_squeeze %dma_start3A_293 : memref<1x125x2x128xf32, #tpu.memory_space<hbm>> -> memref<125x2x128xf32, #tpu.memory_space<hbm>>
    tpu.enqueue_dma source(%dma_start3A_294 : memref<125x2x128xf32, #tpu.memory_space<hbm>>) target(%dma_start3A_291 : memref<125x2x128xf32, #tpu.memory_space<vmem>>) target_semaphore(%arg11 : memref<!tpu.dma_semaphore, #tpu.memory_space<semaphore_mem>>)
    %parallel_loop3A_295 = arith.constant 0 : i32
    %parallel_loop3A_296 = arith.constant 125 : i32
    %parallel_loop3A_297 = arith.constant 1 : i32
    scf.for %parallel_loop3A_419 = %parallel_loop3A_295 to %parallel_loop3A_296 step %parallel_loop3A_297  : i32 {
      %parallel_loop3A_420 = arith.constant 0 : i32
      %parallel_loop3A_421 = arith.constant 0 : i32
      %parallel_loop3A_422 = arith.index_cast %parallel_loop3A_420 : i32 to index
      %parallel_loop3A_423 = arith.index_cast %parallel_loop3A_419 : i32 to index
      %parallel_loop3A_424 = arith.index_cast %parallel_loop3A_421 : i32 to index
      %parallel_loop3A_425 = arith.constant 0 : index
      %parallel_loop3A_426 = tpu.vector_load %arg5[%parallel_loop3A_422, %parallel_loop3A_423, %parallel_loop3A_424, %parallel_loop3A_425] {strides = array<i32>} : memref<2x125x1x128xi32, #tpu.memory_space<vmem>>, vector<16xi32>,
      %parallel_loop3A_427 = arith.constant 7 : i32
      %parallel_loop3A_428 = vector.broadcast %parallel_loop3A_427 : i32 to vector<16xi32>
      %parallel_loop3A_429 = arith.shrsi %parallel_loop3A_426, %parallel_loop3A_428 : vector<16xi32>
      %parallel_loop3A_430 = arith.constant 127 : i32
      %parallel_loop3A_431 = vector.broadcast %parallel_loop3A_430 : i32 to vector<16xi32>
      %parallel_loop3A_432 = arith.andi %parallel_loop3A_426, %parallel_loop3A_431 : vector<16xi32>
      %parallel_loop3A_433 = arith.constant 0 : i32
      %parallel_loop3A_434 = arith.constant 0 : i32
      %parallel_loop3A_435 = arith.index_cast %parallel_loop3A_433 : i32 to index
      %parallel_loop3A_436 = arith.index_cast %parallel_loop3A_419 : i32 to index
      %parallel_loop3A_437 = arith.index_cast %parallel_loop3A_434 : i32 to index
      %parallel_loop3A_438 = arith.constant 0 : index
      %parallel_loop3A_439 = tpu.vector_load %arg6[%parallel_loop3A_435, %parallel_loop3A_436, %parallel_loop3A_437, %parallel_loop3A_438] {strides = array<i32>} : memref<2x125x2x128xf32, #tpu.memory_space<vmem>>, vector<16xf32>,
      %parallel_loop3A_440 = arith.constant 0 : i32
      %parallel_loop3A_441 = arith.constant 0 : i32
      %parallel_loop3A_442 = arith.constant 0 : i32
      %parallel_loop3A_443 = arith.constant 0 : i32
      %parallel_loop3A_444 = tpu.memref_slice %arg7[%parallel_loop3A_440, %parallel_loop3A_441, %parallel_loop3A_442, %parallel_loop3A_443] : memref<2x80x1x128xf32, #tpu.memory_space<vmem>> -> memref<1x80x1x128xf32, #tpu.memory_space<vmem>>
      %parallel_loop3A_445 = tpu.memref_squeeze %parallel_loop3A_444 : memref<1x80x1x128xf32, #tpu.memory_space<vmem>> -> memref<80x1x128xf32, #tpu.memory_space<vmem>>
      tpu.vector_store_idx %parallel_loop3A_445[%parallel_loop3A_429, %broadcast_in_dim3A_74, %parallel_loop3A_432], %parallel_loop3A_439 {add = true} : memref<80x1x128xf32, #tpu.memory_space<vmem>>[vector<16xi32>, vector<16xi32>, vector<16xi32>], vector<16xf32>,
      %parallel_loop3A_446 = arith.constant 0 : i32
      %parallel_loop3A_447 = arith.constant 1 : i32
      %parallel_loop3A_448 = arith.index_cast %parallel_loop3A_446 : i32 to index
      %parallel_loop3A_449 = arith.index_cast %parallel_loop3A_419 : i32 to index
      %parallel_loop3A_450 = arith.index_cast %parallel_loop3A_447 : i32 to index
      %parallel_loop3A_451 = arith.constant 0 : index
      %parallel_loop3A_452 = tpu.vector_load %arg6[%parallel_loop3A_448, %parallel_loop3A_449, %parallel_loop3A_450, %parallel_loop3A_451] {strides = array<i32>} : memref<2x125x2x128xf32, #tpu.memory_space<vmem>>, vector<16xf32>,
      %parallel_loop3A_453 = arith.constant 1 : i32
      %parallel_loop3A_454 = arith.constant 0 : i32
      %parallel_loop3A_455 = arith.constant 0 : i32
      %parallel_loop3A_456 = arith.constant 0 : i32
      %parallel_loop3A_457 = tpu.memref_slice %arg7[%parallel_loop3A_453, %parallel_loop3A_454, %parallel_loop3A_455, %parallel_loop3A_456] : memref<2x80x1x128xf32, #tpu.memory_space<vmem>> -> memref<1x80x1x128xf32, #tpu.memory_space<vmem>>
      %parallel_loop3A_458 = tpu.memref_squeeze %parallel_loop3A_457 : memref<1x80x1x128xf32, #tpu.memory_space<vmem>> -> memref<80x1x128xf32, #tpu.memory_space<vmem>>
      tpu.vector_store_idx %parallel_loop3A_458[%parallel_loop3A_429, %broadcast_in_dim3A_74, %parallel_loop3A_432], %parallel_loop3A_452 {add = true} : memref<80x1x128xf32, #tpu.memory_space<vmem>>[vector<16xi32>, vector<16xi32>, vector<16xi32>], vector<16xf32>,
      %parallel_loop3A_459 = arith.constant 0 : i32
      %parallel_loop3A_460 = arith.constant 0 : i32
      %parallel_loop3A_461 = arith.index_cast %parallel_loop3A_459 : i32 to index
      %parallel_loop3A_462 = arith.index_cast %parallel_loop3A_419 : i32 to index
      %parallel_loop3A_463 = arith.index_cast %parallel_loop3A_460 : i32 to index
      %parallel_loop3A_464 = arith.constant 16 : index
      %parallel_loop3A_465 = tpu.vector_load %arg5[%parallel_loop3A_461, %parallel_loop3A_462, %parallel_loop3A_463, %parallel_loop3A_464] {strides = array<i32>} : memref<2x125x1x128xi32, #tpu.memory_space<vmem>>, vector<16xi32>,
      %parallel_loop3A_466 = arith.constant 7 : i32
      %parallel_loop3A_467 = vector.broadcast %parallel_loop3A_466 : i32 to vector<16xi32>
      %parallel_loop3A_468 = arith.shrsi %parallel_loop3A_465, %parallel_loop3A_467 : vector<16xi32>
      %parallel_loop3A_469 = arith.constant 127 : i32
      %parallel_loop3A_470 = vector.broadcast %parallel_loop3A_469 : i32 to vector<16xi32>
      %parallel_loop3A_471 = arith.andi %parallel_loop3A_465, %parallel_loop3A_470 : vector<16xi32>
      %parallel_loop3A_472 = arith.constant 0 : i32
      %parallel_loop3A_473 = arith.constant 0 : i32
      %parallel_loop3A_474 = arith.index_cast %parallel_loop3A_472 : i32 to index
      %parallel_loop3A_475 = arith.index_cast %parallel_loop3A_419 : i32 to index
      %parallel_loop3A_476 = arith.index_cast %parallel_loop3A_473 : i32 to index
      %parallel_loop3A_477 = arith.constant 16 : index
      %parallel_loop3A_478 = tpu.vector_load %arg6[%parallel_loop3A_474, %parallel_loop3A_475, %parallel_loop3A_476, %parallel_loop3A_477] {strides = array<i32>} : memref<2x125x2x128xf32, #tpu.memory_space<vmem>>, vector<16xf32>,
      %parallel_loop3A_479 = arith.constant 0 : i32
      %parallel_loop3A_480 = arith.constant 0 : i32
      %parallel_loop3A_481 = arith.constant 0 : i32
      %parallel_loop3A_482 = arith.constant 0 : i32
      %parallel_loop3A_483 = tpu.memref_slice %arg7[%parallel_loop3A_479, %parallel_loop3A_480, %parallel_loop3A_481, %parallel_loop3A_482] : memref<2x80x1x128xf32, #tpu.memory_space<vmem>> -> memref<1x80x1x128xf32, #tpu.memory_space<vmem>>
      %parallel_loop3A_484 = tpu.memref_squeeze %parallel_loop3A_483 : memref<1x80x1x128xf32, #tpu.memory_space<vmem>> -> memref<80x1x128xf32, #tpu.memory_space<vmem>>
      tpu.vector_store_idx %parallel_loop3A_484[%parallel_loop3A_468, %broadcast_in_dim3A_74, %parallel_loop3A_471], %parallel_loop3A_478 {add = true} : memref<80x1x128xf32, #tpu.memory_space<vmem>>[vector<16xi32>, vector<16xi32>, vector<16xi32>], vector<16xf32>,
      %parallel_loop3A_485 = arith.constant 0 : i32
      %parallel_loop3A_486 = arith.constant 1 : i32
      %parallel_loop3A_487 = arith.index_cast %parallel_loop3A_485 : i32 to index
      %parallel_loop3A_488 = arith.index_cast %parallel_loop3A_419 : i32 to index
      %parallel_loop3A_489 = arith.index_cast %parallel_loop3A_486 : i32 to index
      %parallel_loop3A_490 = arith.constant 16 : index
      %parallel_loop3A_491 = tpu.vector_load %arg6[%parallel_loop3A_487, %parallel_loop3A_488, %parallel_loop3A_489, %parallel_loop3A_490] {strides = array<i32>} : memref<2x125x2x128xf32, #tpu.memory_space<vmem>>, vector<16xf32>,
      %parallel_loop3A_492 = arith.constant 1 : i32
      %parallel_loop3A_493 = arith.constant 0 : i32
      %parallel_loop3A_494 = arith.constant 0 : i32
      %parallel_loop3A_495 = arith.constant 0 : i32
      %parallel_loop3A_496 = tpu.memref_slice %arg7[%parallel_loop3A_492, %parallel_loop3A_493, %parallel_loop3A_494, %parallel_loop3A_495] : memref<2x80x1x128xf32, #tpu.memory_space<vmem>> -> memref<1x80x1x128xf32, #tpu.memory_space<vmem>>
      %parallel_loop3A_497 = tpu.memref_squeeze %parallel_loop3A_496 : memref<1x80x1x128xf32, #tpu.memory_space<vmem>> -> memref<80x1x128xf32, #tpu.memory_space<vmem>>
      tpu.vector_store_idx %parallel_loop3A_497[%parallel_loop3A_468, %broadcast_in_dim3A_74, %parallel_loop3A_471], %parallel_loop3A_491 {add = true} : memref<80x1x128xf32, #tpu.memory_space<vmem>>[vector<16xi32>, vector<16xi32>, vector<16xi32>], vector<16xf32>,
      %parallel_loop3A_498 = arith.constant 0 : i32
      %parallel_loop3A_499 = arith.constant 0 : i32
      %parallel_loop3A_500 = arith.index_cast %parallel_loop3A_498 : i32 to index
      %parallel_loop3A_501 = arith.index_cast %parallel_loop3A_419 : i32 to index
      %parallel_loop3A_502 = arith.index_cast %parallel_loop3A_499 : i32 to index
      %parallel_loop3A_503 = arith.constant 32 : index
      %parallel_loop3A_504 = tpu.vector_load %arg5[%parallel_loop3A_500, %parallel_loop3A_501, %parallel_loop3A_502, %parallel_loop3A_503] {strides = array<i32>} : memref<2x125x1x128xi32, #tpu.memory_space<vmem>>, vector<16xi32>,
      %parallel_loop3A_505 = arith.constant 7 : i32
      %parallel_loop3A_506 = vector.broadcast %parallel_loop3A_505 : i32 to vector<16xi32>
      %parallel_loop3A_507 = arith.shrsi %parallel_loop3A_504, %parallel_loop3A_506 : vector<16xi32>
      %parallel_loop3A_508 = arith.constant 127 : i32
      %parallel_loop3A_509 = vector.broadcast %parallel_loop3A_508 : i32 to vector<16xi32>
      %parallel_loop3A_510 = arith.andi %parallel_loop3A_504, %parallel_loop3A_509 : vector<16xi32>
      %parallel_loop3A_511 = arith.constant 0 : i32
      %parallel_loop3A_512 = arith.constant 0 : i32
      %parallel_loop3A_513 = arith.index_cast %parallel_loop3A_511 : i32 to index
      %parallel_loop3A_514 = arith.index_cast %parallel_loop3A_419 : i32 to index
      %parallel_loop3A_515 = arith.index_cast %parallel_loop3A_512 : i32 to index
      %parallel_loop3A_516 = arith.constant 32 : index
      %parallel_loop3A_517 = tpu.vector_load %arg6[%parallel_loop3A_513, %parallel_loop3A_514, %parallel_loop3A_515, %parallel_loop3A_516] {strides = array<i32>} : memref<2x125x2x128xf32, #tpu.memory_space<vmem>>, vector<16xf32>,
      %parallel_loop3A_518 = arith.constant 0 : i32
      %parallel_loop3A_519 = arith.constant 0 : i32
      %parallel_loop3A_520 = arith.constant 0 : i32
      %parallel_loop3A_521 = arith.constant 0 : i32
      %parallel_loop3A_522 = tpu.memref_slice %arg7[%parallel_loop3A_518, %parallel_loop3A_519, %parallel_loop3A_520, %parallel_loop3A_521] : memref<2x80x1x128xf32, #tpu.memory_space<vmem>> -> memref<1x80x1x128xf32, #tpu.memory_space<vmem>>
      %parallel_loop3A_523 = tpu.memref_squeeze %parallel_loop3A_522 : memref<1x80x1x128xf32, #tpu.memory_space<vmem>> -> memref<80x1x128xf32, #tpu.memory_space<vmem>>
      tpu.vector_store_idx %parallel_loop3A_523[%parallel_loop3A_507, %broadcast_in_dim3A_74, %parallel_loop3A_510], %parallel_loop3A_517 {add = true} : memref<80x1x128xf32, #tpu.memory_space<vmem>>[vector<16xi32>, vector<16xi32>, vector<16xi32>], vector<16xf32>,
      %parallel_loop3A_524 = arith.constant 0 : i32
      %parallel_loop3A_525 = arith.constant 1 : i32
      %parallel_loop3A_526 = arith.index_cast %parallel_loop3A_524 : i32 to index
      %parallel_loop3A_527 = arith.index_cast %parallel_loop3A_419 : i32 to index
      %parallel_loop3A_528 = arith.index_cast %parallel_loop3A_525 : i32 to index
      %parallel_loop3A_529 = arith.constant 32 : index
      %parallel_loop3A_530 = tpu.vector_load %arg6[%parallel_loop3A_526, %parallel_loop3A_527, %parallel_loop3A_528, %parallel_loop3A_529] {strides = array<i32>} : memref<2x125x2x128xf32, #tpu.memory_space<vmem>>, vector<16xf32>,
      %parallel_loop3A_531 = arith.constant 1 : i32
      %parallel_loop3A_532 = arith.constant 0 : i32
      %parallel_loop3A_533 = arith.constant 0 : i32
      %parallel_loop3A_534 = arith.constant 0 : i32
      %parallel_loop3A_535 = tpu.memref_slice %arg7[%parallel_loop3A_531, %parallel_loop3A_532, %parallel_loop3A_533, %parallel_loop3A_534] : memref<2x80x1x128xf32, #tpu.memory_space<vmem>> -> memref<1x80x1x128xf32, #tpu.memory_space<vmem>>
      %parallel_loop3A_536 = tpu.memref_squeeze %parallel_loop3A_535 : memref<1x80x1x128xf32, #tpu.memory_space<vmem>> -> memref<80x1x128xf32, #tpu.memory_space<vmem>>
      tpu.vector_store_idx %parallel_loop3A_536[%parallel_loop3A_507, %broadcast_in_dim3A_74, %parallel_loop3A_510], %parallel_loop3A_530 {add = true} : memref<80x1x128xf32, #tpu.memory_space<vmem>>[vector<16xi32>, vector<16xi32>, vector<16xi32>], vector<16xf32>,
      %parallel_loop3A_537 = arith.constant 0 : i32
      %parallel_loop3A_538 = arith.constant 0 : i32
      %parallel_loop3A_539 = arith.index_cast %parallel_loop3A_537 : i32 to index
      %parallel_loop3A_540 = arith.index_cast %parallel_loop3A_419 : i32 to index
      %parallel_loop3A_541 = arith.index_cast %parallel_loop3A_538 : i32 to index
      %parallel_loop3A_542 = arith.constant 48 : index
      %parallel_loop3A_543 = tpu.vector_load %arg5[%parallel_loop3A_539, %parallel_loop3A_540, %parallel_loop3A_541, %parallel_loop3A_542] {strides = array<i32>} : memref<2x125x1x128xi32, #tpu.memory_space<vmem>>, vector<16xi32>,
      %parallel_loop3A_544 = arith.constant 7 : i32
      %parallel_loop3A_545 = vector.broadcast %parallel_loop3A_544 : i32 to vector<16xi32>
      %parallel_loop3A_546 = arith.shrsi %parallel_loop3A_543, %parallel_loop3A_545 : vector<16xi32>
      %parallel_loop3A_547 = arith.constant 127 : i32
      %parallel_loop3A_548 = vector.broadcast %parallel_loop3A_547 : i32 to vector<16xi32>
      %parallel_loop3A_549 = arith.andi %parallel_loop3A_543, %parallel_loop3A_548 : vector<16xi32>
      %parallel_loop3A_550 = arith.constant 0 : i32
      %parallel_loop3A_551 = arith.constant 0 : i32
      %parallel_loop3A_552 = arith.index_cast %parallel_loop3A_550 : i32 to index
      %parallel_loop3A_553 = arith.index_cast %parallel_loop3A_419 : i32 to index
      %parallel_loop3A_554 = arith.index_cast %parallel_loop3A_551 : i32 to index
      %parallel_loop3A_555 = arith.constant 48 : index
      %parallel_loop3A_556 = tpu.vector_load %arg6[%parallel_loop3A_552, %parallel_loop3A_553, %parallel_loop3A_554, %parallel_loop3A_555] {strides = array<i32>} : memref<2x125x2x128xf32, #tpu.memory_space<vmem>>, vector<16xf32>,
      %parallel_loop3A_557 = arith.constant 0 : i32
      %parallel_loop3A_558 = arith.constant 0 : i32
      %parallel_loop3A_559 = arith.constant 0 : i32
      %parallel_loop3A_560 = arith.constant 0 : i32
      %parallel_loop3A_561 = tpu.memref_slice %arg7[%parallel_loop3A_557, %parallel_loop3A_558, %parallel_loop3A_559, %parallel_loop3A_560] : memref<2x80x1x128xf32, #tpu.memory_space<vmem>> -> memref<1x80x1x128xf32, #tpu.memory_space<vmem>>
      %parallel_loop3A_562 = tpu.memref_squeeze %parallel_loop3A_561 : memref<1x80x1x128xf32, #tpu.memory_space<vmem>> -> memref<80x1x128xf32, #tpu.memory_space<vmem>>
      tpu.vector_store_idx %parallel_loop3A_562[%parallel_loop3A_546, %broadcast_in_dim3A_74, %parallel_loop3A_549], %parallel_loop3A_556 {add = true} : memref<80x1x128xf32, #tpu.memory_space<vmem>>[vector<16xi32>, vector<16xi32>, vector<16xi32>], vector<16xf32>,
      %parallel_loop3A_563 = arith.constant 0 : i32
      %parallel_loop3A_564 = arith.constant 1 : i32
      %parallel_loop3A_565 = arith.index_cast %parallel_loop3A_563 : i32 to index
      %parallel_loop3A_566 = arith.index_cast %parallel_loop3A_419 : i32 to index
      %parallel_loop3A_567 = arith.index_cast %parallel_loop3A_564 : i32 to index
      %parallel_loop3A_568 = arith.constant 48 : index
      %parallel_loop3A_569 = tpu.vector_load %arg6[%parallel_loop3A_565, %parallel_loop3A_566, %parallel_loop3A_567, %parallel_loop3A_568] {strides = array<i32>} : memref<2x125x2x128xf32, #tpu.memory_space<vmem>>, vector<16xf32>,
      %parallel_loop3A_570 = arith.constant 1 : i32
      %parallel_loop3A_571 = arith.constant 0 : i32
      %parallel_loop3A_572 = arith.constant 0 : i32
      %parallel_loop3A_573 = arith.constant 0 : i32
      %parallel_loop3A_574 = tpu.memref_slice %arg7[%parallel_loop3A_570, %parallel_loop3A_571, %parallel_loop3A_572, %parallel_loop3A_573] : memref<2x80x1x128xf32, #tpu.memory_space<vmem>> -> memref<1x80x1x128xf32, #tpu.memory_space<vmem>>
      %parallel_loop3A_575 = tpu.memref_squeeze %parallel_loop3A_574 : memref<1x80x1x128xf32, #tpu.memory_space<vmem>> -> memref<80x1x128xf32, #tpu.memory_space<vmem>>
      tpu.vector_store_idx %parallel_loop3A_575[%parallel_loop3A_546, %broadcast_in_dim3A_74, %parallel_loop3A_549], %parallel_loop3A_569 {add = true} : memref<80x1x128xf32, #tpu.memory_space<vmem>>[vector<16xi32>, vector<16xi32>, vector<16xi32>], vector<16xf32>,
      %parallel_loop3A_576 = arith.constant 0 : i32
      %parallel_loop3A_577 = arith.constant 0 : i32
      %parallel_loop3A_578 = arith.index_cast %parallel_loop3A_576 : i32 to index
      %parallel_loop3A_579 = arith.index_cast %parallel_loop3A_419 : i32 to index
      %parallel_loop3A_580 = arith.index_cast %parallel_loop3A_577 : i32 to index
      %parallel_loop3A_581 = arith.constant 64 : index
      %parallel_loop3A_582 = tpu.vector_load %arg5[%parallel_loop3A_578, %parallel_loop3A_579, %parallel_loop3A_580, %parallel_loop3A_581] {strides = array<i32>} : memref<2x125x1x128xi32, #tpu.memory_space<vmem>>, vector<16xi32>,
      %parallel_loop3A_583 = arith.constant 7 : i32
      %parallel_loop3A_584 = vector.broadcast %parallel_loop3A_583 : i32 to vector<16xi32>
      %parallel_loop3A_585 = arith.shrsi %parallel_loop3A_582, %parallel_loop3A_584 : vector<16xi32>
      %parallel_loop3A_586 = arith.constant 127 : i32
      %parallel_loop3A_587 = vector.broadcast %parallel_loop3A_586 : i32 to vector<16xi32>
      %parallel_loop3A_588 = arith.andi %parallel_loop3A_582, %parallel_loop3A_587 : vector<16xi32>
      %parallel_loop3A_589 = arith.constant 0 : i32
      %parallel_loop3A_590 = arith.constant 0 : i32
      %parallel_loop3A_591 = arith.index_cast %parallel_loop3A_589 : i32 to index
      %parallel_loop3A_592 = arith.index_cast %parallel_loop3A_419 : i32 to index
      %parallel_loop3A_593 = arith.index_cast %parallel_loop3A_590 : i32 to index
      %parallel_loop3A_594 = arith.constant 64 : index
      %parallel_loop3A_595 = tpu.vector_load %arg6[%parallel_loop3A_591, %parallel_loop3A_592, %parallel_loop3A_593, %parallel_loop3A_594] {strides = array<i32>} : memref<2x125x2x128xf32, #tpu.memory_space<vmem>>, vector<16xf32>,
      %parallel_loop3A_596 = arith.constant 0 : i32
      %parallel_loop3A_597 = arith.constant 0 : i32
      %parallel_loop3A_598 = arith.constant 0 : i32
      %parallel_loop3A_599 = arith.constant 0 : i32
      %parallel_loop3A_600 = tpu.memref_slice %arg7[%parallel_loop3A_596, %parallel_loop3A_597, %parallel_loop3A_598, %parallel_loop3A_599] : memref<2x80x1x128xf32, #tpu.memory_space<vmem>> -> memref<1x80x1x128xf32, #tpu.memory_space<vmem>>
      %parallel_loop3A_601 = tpu.memref_squeeze %parallel_loop3A_600 : memref<1x80x1x128xf32, #tpu.memory_space<vmem>> -> memref<80x1x128xf32, #tpu.memory_space<vmem>>
      tpu.vector_store_idx %parallel_loop3A_601[%parallel_loop3A_585, %broadcast_in_dim3A_74, %parallel_loop3A_588], %parallel_loop3A_595 {add = true} : memref<80x1x128xf32, #tpu.memory_space<vmem>>[vector<16xi32>, vector<16xi32>, vector<16xi32>], vector<16xf32>,
      %parallel_loop3A_602 = arith.constant 0 : i32
      %parallel_loop3A_603 = arith.constant 1 : i32
      %parallel_loop3A_604 = arith.index_cast %parallel_loop3A_602 : i32 to index
      %parallel_loop3A_605 = arith.index_cast %parallel_loop3A_419 : i32 to index
      %parallel_loop3A_606 = arith.index_cast %parallel_loop3A_603 : i32 to index
      %parallel_loop3A_607 = arith.constant 64 : index
      %parallel_loop3A_608 = tpu.vector_load %arg6[%parallel_loop3A_604, %parallel_loop3A_605, %parallel_loop3A_606, %parallel_loop3A_607] {strides = array<i32>} : memref<2x125x2x128xf32, #tpu.memory_space<vmem>>, vector<16xf32>,
      %parallel_loop3A_609 = arith.constant 1 : i32
      %parallel_loop3A_610 = arith.constant 0 : i32
      %parallel_loop3A_611 = arith.constant 0 : i32
      %parallel_loop3A_612 = arith.constant 0 : i32
      %parallel_loop3A_613 = tpu.memref_slice %arg7[%parallel_loop3A_609, %parallel_loop3A_610, %parallel_loop3A_611, %parallel_loop3A_612] : memref<2x80x1x128xf32, #tpu.memory_space<vmem>> -> memref<1x80x1x128xf32, #tpu.memory_space<vmem>>
      %parallel_loop3A_614 = tpu.memref_squeeze %parallel_loop3A_613 : memref<1x80x1x128xf32, #tpu.memory_space<vmem>> -> memref<80x1x128xf32, #tpu.memory_space<vmem>>
      tpu.vector_store_idx %parallel_loop3A_614[%parallel_loop3A_585, %broadcast_in_dim3A_74, %parallel_loop3A_588], %parallel_loop3A_608 {add = true} : memref<80x1x128xf32, #tpu.memory_space<vmem>>[vector<16xi32>, vector<16xi32>, vector<16xi32>], vector<16xf32>,
      %parallel_loop3A_615 = arith.constant 0 : i32
      %parallel_loop3A_616 = arith.constant 0 : i32
      %parallel_loop3A_617 = arith.index_cast %parallel_loop3A_615 : i32 to index
      %parallel_loop3A_618 = arith.index_cast %parallel_loop3A_419 : i32 to index
      %parallel_loop3A_619 = arith.index_cast %parallel_loop3A_616 : i32 to index
      %parallel_loop3A_620 = arith.constant 80 : index
      %parallel_loop3A_621 = tpu.vector_load %arg5[%parallel_loop3A_617, %parallel_loop3A_618, %parallel_loop3A_619, %parallel_loop3A_620] {strides = array<i32>} : memref<2x125x1x128xi32, #tpu.memory_space<vmem>>, vector<16xi32>,
      %parallel_loop3A_622 = arith.constant 7 : i32
      %parallel_loop3A_623 = vector.broadcast %parallel_loop3A_622 : i32 to vector<16xi32>
      %parallel_loop3A_624 = arith.shrsi %parallel_loop3A_621, %parallel_loop3A_623 : vector<16xi32>
      %parallel_loop3A_625 = arith.constant 127 : i32
      %parallel_loop3A_626 = vector.broadcast %parallel_loop3A_625 : i32 to vector<16xi32>
      %parallel_loop3A_627 = arith.andi %parallel_loop3A_621, %parallel_loop3A_626 : vector<16xi32>
      %parallel_loop3A_628 = arith.constant 0 : i32
      %parallel_loop3A_629 = arith.constant 0 : i32
      %parallel_loop3A_630 = arith.index_cast %parallel_loop3A_628 : i32 to index
      %parallel_loop3A_631 = arith.index_cast %parallel_loop3A_419 : i32 to index
      %parallel_loop3A_632 = arith.index_cast %parallel_loop3A_629 : i32 to index
      %parallel_loop3A_633 = arith.constant 80 : index
      %parallel_loop3A_634 = tpu.vector_load %arg6[%parallel_loop3A_630, %parallel_loop3A_631, %parallel_loop3A_632, %parallel_loop3A_633] {strides = array<i32>} : memref<2x125x2x128xf32, #tpu.memory_space<vmem>>, vector<16xf32>,
      %parallel_loop3A_635 = arith.constant 0 : i32
      %parallel_loop3A_636 = arith.constant 0 : i32
      %parallel_loop3A_637 = arith.constant 0 : i32
      %parallel_loop3A_638 = arith.constant 0 : i32
      %parallel_loop3A_639 = tpu.memref_slice %arg7[%parallel_loop3A_635, %parallel_loop3A_636, %parallel_loop3A_637, %parallel_loop3A_638] : memref<2x80x1x128xf32, #tpu.memory_space<vmem>> -> memref<1x80x1x128xf32, #tpu.memory_space<vmem>>
      %parallel_loop3A_640 = tpu.memref_squeeze %parallel_loop3A_639 : memref<1x80x1x128xf32, #tpu.memory_space<vmem>> -> memref<80x1x128xf32, #tpu.memory_space<vmem>>
      tpu.vector_store_idx %parallel_loop3A_640[%parallel_loop3A_624, %broadcast_in_dim3A_74, %parallel_loop3A_627], %parallel_loop3A_634 {add = true} : memref<80x1x128xf32, #tpu.memory_space<vmem>>[vector<16xi32>, vector<16xi32>, vector<16xi32>], vector<16xf32>,
      %parallel_loop3A_641 = arith.constant 0 : i32
      %parallel_loop3A_642 = arith.constant 1 : i32
      %parallel_loop3A_643 = arith.index_cast %parallel_loop3A_641 : i32 to index
      %parallel_loop3A_644 = arith.index_cast %parallel_loop3A_419 : i32 to index
      %parallel_loop3A_645 = arith.index_cast %parallel_loop3A_642 : i32 to index
      %parallel_loop3A_646 = arith.constant 80 : index
      %parallel_loop3A_647 = tpu.vector_load %arg6[%parallel_loop3A_643, %parallel_loop3A_644, %parallel_loop3A_645, %parallel_loop3A_646] {strides = array<i32>} : memref<2x125x2x128xf32, #tpu.memory_space<vmem>>, vector<16xf32>,
      %parallel_loop3A_648 = arith.constant 1 : i32
      %parallel_loop3A_649 = arith.constant 0 : i32
      %parallel_loop3A_650 = arith.constant 0 : i32
      %parallel_loop3A_651 = arith.constant 0 : i32
      %parallel_loop3A_652 = tpu.memref_slice %arg7[%parallel_loop3A_648, %parallel_loop3A_649, %parallel_loop3A_650, %parallel_loop3A_651] : memref<2x80x1x128xf32, #tpu.memory_space<vmem>> -> memref<1x80x1x128xf32, #tpu.memory_space<vmem>>
      %parallel_loop3A_653 = tpu.memref_squeeze %parallel_loop3A_652 : memref<1x80x1x128xf32, #tpu.memory_space<vmem>> -> memref<80x1x128xf32, #tpu.memory_space<vmem>>
      tpu.vector_store_idx %parallel_loop3A_653[%parallel_loop3A_624, %broadcast_in_dim3A_74, %parallel_loop3A_627], %parallel_loop3A_647 {add = true} : memref<80x1x128xf32, #tpu.memory_space<vmem>>[vector<16xi32>, vector<16xi32>, vector<16xi32>], vector<16xf32>,
      %parallel_loop3A_654 = arith.constant 0 : i32
      %parallel_loop3A_655 = arith.constant 0 : i32
      %parallel_loop3A_656 = arith.index_cast %parallel_loop3A_654 : i32 to index
      %parallel_loop3A_657 = arith.index_cast %parallel_loop3A_419 : i32 to index
      %parallel_loop3A_658 = arith.index_cast %parallel_loop3A_655 : i32 to index
      %parallel_loop3A_659 = arith.constant 96 : index
      %parallel_loop3A_660 = tpu.vector_load %arg5[%parallel_loop3A_656, %parallel_loop3A_657, %parallel_loop3A_658, %parallel_loop3A_659] {strides = array<i32>} : memref<2x125x1x128xi32, #tpu.memory_space<vmem>>, vector<16xi32>,
      %parallel_loop3A_661 = arith.constant 7 : i32
      %parallel_loop3A_662 = vector.broadcast %parallel_loop3A_661 : i32 to vector<16xi32>
      %parallel_loop3A_663 = arith.shrsi %parallel_loop3A_660, %parallel_loop3A_662 : vector<16xi32>
      %parallel_loop3A_664 = arith.constant 127 : i32
      %parallel_loop3A_665 = vector.broadcast %parallel_loop3A_664 : i32 to vector<16xi32>
      %parallel_loop3A_666 = arith.andi %parallel_loop3A_660, %parallel_loop3A_665 : vector<16xi32>
      %parallel_loop3A_667 = arith.constant 0 : i32
      %parallel_loop3A_668 = arith.constant 0 : i32
      %parallel_loop3A_669 = arith.index_cast %parallel_loop3A_667 : i32 to index
      %parallel_loop3A_670 = arith.index_cast %parallel_loop3A_419 : i32 to index
      %parallel_loop3A_671 = arith.index_cast %parallel_loop3A_668 : i32 to index
      %parallel_loop3A_672 = arith.constant 96 : index
      %parallel_loop3A_673 = tpu.vector_load %arg6[%parallel_loop3A_669, %parallel_loop3A_670, %parallel_loop3A_671, %parallel_loop3A_672] {strides = array<i32>} : memref<2x125x2x128xf32, #tpu.memory_space<vmem>>, vector<16xf32>,
      %parallel_loop3A_674 = arith.constant 0 : i32
      %parallel_loop3A_675 = arith.constant 0 : i32
      %parallel_loop3A_676 = arith.constant 0 : i32
      %parallel_loop3A_677 = arith.constant 0 : i32
      %parallel_loop3A_678 = tpu.memref_slice %arg7[%parallel_loop3A_674, %parallel_loop3A_675, %parallel_loop3A_676, %parallel_loop3A_677] : memref<2x80x1x128xf32, #tpu.memory_space<vmem>> -> memref<1x80x1x128xf32, #tpu.memory_space<vmem>>
      %parallel_loop3A_679 = tpu.memref_squeeze %parallel_loop3A_678 : memref<1x80x1x128xf32, #tpu.memory_space<vmem>> -> memref<80x1x128xf32, #tpu.memory_space<vmem>>
      tpu.vector_store_idx %parallel_loop3A_679[%parallel_loop3A_663, %broadcast_in_dim3A_74, %parallel_loop3A_666], %parallel_loop3A_673 {add = true} : memref<80x1x128xf32, #tpu.memory_space<vmem>>[vector<16xi32>, vector<16xi32>, vector<16xi32>], vector<16xf32>,
      %parallel_loop3A_680 = arith.constant 0 : i32
      %parallel_loop3A_681 = arith.constant 1 : i32
      %parallel_loop3A_682 = arith.index_cast %parallel_loop3A_680 : i32 to index
      %parallel_loop3A_683 = arith.index_cast %parallel_loop3A_419 : i32 to index
      %parallel_loop3A_684 = arith.index_cast %parallel_loop3A_681 : i32 to index
      %parallel_loop3A_685 = arith.constant 96 : index
      %parallel_loop3A_686 = tpu.vector_load %arg6[%parallel_loop3A_682, %parallel_loop3A_683, %parallel_loop3A_684, %parallel_loop3A_685] {strides = array<i32>} : memref<2x125x2x128xf32, #tpu.memory_space<vmem>>, vector<16xf32>,
      %parallel_loop3A_687 = arith.constant 1 : i32
      %parallel_loop3A_688 = arith.constant 0 : i32
      %parallel_loop3A_689 = arith.constant 0 : i32
      %parallel_loop3A_690 = arith.constant 0 : i32
      %parallel_loop3A_691 = tpu.memref_slice %arg7[%parallel_loop3A_687, %parallel_loop3A_688, %parallel_loop3A_689, %parallel_loop3A_690] : memref<2x80x1x128xf32, #tpu.memory_space<vmem>> -> memref<1x80x1x128xf32, #tpu.memory_space<vmem>>
      %parallel_loop3A_692 = tpu.memref_squeeze %parallel_loop3A_691 : memref<1x80x1x128xf32, #tpu.memory_space<vmem>> -> memref<80x1x128xf32, #tpu.memory_space<vmem>>
      tpu.vector_store_idx %parallel_loop3A_692[%parallel_loop3A_663, %broadcast_in_dim3A_74, %parallel_loop3A_666], %parallel_loop3A_686 {add = true} : memref<80x1x128xf32, #tpu.memory_space<vmem>>[vector<16xi32>, vector<16xi32>, vector<16xi32>], vector<16xf32>,
      %parallel_loop3A_693 = arith.constant 0 : i32
      %parallel_loop3A_694 = arith.constant 0 : i32
      %parallel_loop3A_695 = arith.index_cast %parallel_loop3A_693 : i32 to index
      %parallel_loop3A_696 = arith.index_cast %parallel_loop3A_419 : i32 to index
      %parallel_loop3A_697 = arith.index_cast %parallel_loop3A_694 : i32 to index
      %parallel_loop3A_698 = arith.constant 112 : index
      %parallel_loop3A_699 = tpu.vector_load %arg5[%parallel_loop3A_695, %parallel_loop3A_696, %parallel_loop3A_697, %parallel_loop3A_698] {strides = array<i32>} : memref<2x125x1x128xi32, #tpu.memory_space<vmem>>, vector<16xi32>,
      %parallel_loop3A_700 = arith.constant 7 : i32
      %parallel_loop3A_701 = vector.broadcast %parallel_loop3A_700 : i32 to vector<16xi32>
      %parallel_loop3A_702 = arith.shrsi %parallel_loop3A_699, %parallel_loop3A_701 : vector<16xi32>
      %parallel_loop3A_703 = arith.constant 127 : i32
      %parallel_loop3A_704 = vector.broadcast %parallel_loop3A_703 : i32 to vector<16xi32>
      %parallel_loop3A_705 = arith.andi %parallel_loop3A_699, %parallel_loop3A_704 : vector<16xi32>
      %parallel_loop3A_706 = arith.constant 0 : i32
      %parallel_loop3A_707 = arith.constant 0 : i32
      %parallel_loop3A_708 = arith.index_cast %parallel_loop3A_706 : i32 to index
      %parallel_loop3A_709 = arith.index_cast %parallel_loop3A_419 : i32 to index
      %parallel_loop3A_710 = arith.index_cast %parallel_loop3A_707 : i32 to index
      %parallel_loop3A_711 = arith.constant 112 : index
      %parallel_loop3A_712 = tpu.vector_load %arg6[%parallel_loop3A_708, %parallel_loop3A_709, %parallel_loop3A_710, %parallel_loop3A_711] {strides = array<i32>} : memref<2x125x2x128xf32, #tpu.memory_space<vmem>>, vector<16xf32>,
      %parallel_loop3A_713 = arith.constant 0 : i32
      %parallel_loop3A_714 = arith.constant 0 : i32
      %parallel_loop3A_715 = arith.constant 0 : i32
      %parallel_loop3A_716 = arith.constant 0 : i32
      %parallel_loop3A_717 = tpu.memref_slice %arg7[%parallel_loop3A_713, %parallel_loop3A_714, %parallel_loop3A_715, %parallel_loop3A_716] : memref<2x80x1x128xf32, #tpu.memory_space<vmem>> -> memref<1x80x1x128xf32, #tpu.memory_space<vmem>>
      %parallel_loop3A_718 = tpu.memref_squeeze %parallel_loop3A_717 : memref<1x80x1x128xf32, #tpu.memory_space<vmem>> -> memref<80x1x128xf32, #tpu.memory_space<vmem>>
      tpu.vector_store_idx %parallel_loop3A_718[%parallel_loop3A_702, %broadcast_in_dim3A_74, %parallel_loop3A_705], %parallel_loop3A_712 {add = true} : memref<80x1x128xf32, #tpu.memory_space<vmem>>[vector<16xi32>, vector<16xi32>, vector<16xi32>], vector<16xf32>,
      %parallel_loop3A_719 = arith.constant 0 : i32
      %parallel_loop3A_720 = arith.constant 1 : i32
      %parallel_loop3A_721 = arith.index_cast %parallel_loop3A_719 : i32 to index
      %parallel_loop3A_722 = arith.index_cast %parallel_loop3A_419 : i32 to index
      %parallel_loop3A_723 = arith.index_cast %parallel_loop3A_720 : i32 to index
      %parallel_loop3A_724 = arith.constant 112 : index
      %parallel_loop3A_725 = tpu.vector_load %arg6[%parallel_loop3A_721, %parallel_loop3A_722, %parallel_loop3A_723, %parallel_loop3A_724] {strides = array<i32>} : memref<2x125x2x128xf32, #tpu.memory_space<vmem>>, vector<16xf32>,
      %parallel_loop3A_726 = arith.constant 1 : i32
      %parallel_loop3A_727 = arith.constant 0 : i32
      %parallel_loop3A_728 = arith.constant 0 : i32
      %parallel_loop3A_729 = arith.constant 0 : i32
      %parallel_loop3A_730 = tpu.memref_slice %arg7[%parallel_loop3A_726, %parallel_loop3A_727, %parallel_loop3A_728, %parallel_loop3A_729] : memref<2x80x1x128xf32, #tpu.memory_space<vmem>> -> memref<1x80x1x128xf32, #tpu.memory_space<vmem>>
      %parallel_loop3A_731 = tpu.memref_squeeze %parallel_loop3A_730 : memref<1x80x1x128xf32, #tpu.memory_space<vmem>> -> memref<80x1x128xf32, #tpu.memory_space<vmem>>
      tpu.vector_store_idx %parallel_loop3A_731[%parallel_loop3A_702, %broadcast_in_dim3A_74, %parallel_loop3A_705], %parallel_loop3A_725 {add = true} : memref<80x1x128xf32, #tpu.memory_space<vmem>>[vector<16xi32>, vector<16xi32>, vector<16xi32>], vector<16xf32>,
    } {sc.loop_unroll_factor = 3 : i64, sc.parallel_access}
    %dma_wait3A_298 = arith.constant 1 : i32
    %dma_wait3A_299 = arith.constant 0 : i32
    %dma_wait3A_300 = arith.constant 0 : i32
    %dma_wait3A_301 = arith.constant 0 : i32
    %dma_wait3A_302 = tpu.memref_slice %arg5[%dma_wait3A_298, %dma_wait3A_299, %dma_wait3A_300, %dma_wait3A_301] : memref<2x125x1x128xi32, #tpu.memory_space<vmem>> -> memref<1x125x1x128xi32, #tpu.memory_space<vmem>>
    %dma_wait3A_303 = tpu.memref_squeeze %dma_wait3A_302 : memref<1x125x1x128xi32, #tpu.memory_space<vmem>> -> memref<125x1x128xi32, #tpu.memory_space<vmem>>
    %dma_wait3A_304 = arith.constant 0 : i32
    %dma_wait3A_305 = arith.constant 0 : i32
    %dma_wait3A_306 = tpu.memref_slice %arg2[%add3A_258, %dma_wait3A_304, %dma_wait3A_305] : memref<2500x2x128xi32, #tpu.memory_space<hbm>> -> memref<125x1x128xi32, #tpu.memory_space<hbm>>
    %dma_wait3A_307 = arith.constant 0 : i32
    %dma_wait3A_308 = arith.constant 0 : i32
    %dma_wait3A_309 = arith.constant 0 : i32
    %dma_wait3A_310 = tpu.memref_slice %arg5[%dma_wait3A_298, %dma_wait3A_307, %dma_wait3A_308, %dma_wait3A_309] : memref<2x125x1x128xi32, #tpu.memory_space<vmem>> -> memref<1x125x1x128xi32, #tpu.memory_space<vmem>>
    %dma_wait3A_311 = tpu.memref_squeeze %dma_wait3A_310 : memref<1x125x1x128xi32, #tpu.memory_space<vmem>> -> memref<125x1x128xi32, #tpu.memory_space<vmem>>
    %dma_wait3A_312 = arith.constant 0 : i32
    %dma_wait3A_313 = arith.constant 0 : i32
    %dma_wait3A_314 = tpu.memref_slice %arg2[%add3A_258, %dma_wait3A_312, %dma_wait3A_313] : memref<2500x2x128xi32, #tpu.memory_space<hbm>> -> memref<125x1x128xi32, #tpu.memory_space<hbm>>
    tpu.wait_dma2 semaphore(%arg9 : memref<!tpu.dma_semaphore, #tpu.memory_space<semaphore_mem>>) src(%dma_wait3A_314 : memref<125x1x128xi32, #tpu.memory_space<hbm>>) dst(%dma_wait3A_311 : memref<125x1x128xi32, #tpu.memory_space<vmem>>)
    %dma_wait3A_315 = arith.constant 1 : i32
    %dma_wait3A_316 = arith.constant 0 : i32
    %dma_wait3A_317 = arith.constant 0 : i32
    %dma_wait3A_318 = arith.constant 0 : i32
    %dma_wait3A_319 = tpu.memref_slice %arg6[%dma_wait3A_315, %dma_wait3A_316, %dma_wait3A_317, %dma_wait3A_318] : memref<2x125x2x128xf32, #tpu.memory_space<vmem>> -> memref<1x125x2x128xf32, #tpu.memory_space<vmem>>
    %dma_wait3A_320 = tpu.memref_squeeze %dma_wait3A_319 : memref<1x125x2x128xf32, #tpu.memory_space<vmem>> -> memref<125x2x128xf32, #tpu.memory_space<vmem>>
    %dma_wait3A_321 = arith.constant 0 : i32
    %dma_wait3A_322 = tpu.memref_slice %arg3[%arg0, %add3A_258, %mul3A_277, %dma_wait3A_321] : memref<2x2500x8x128xf32, #tpu.memory_space<hbm>> -> memref<1x125x2x128xf32, #tpu.memory_space<hbm>>
    %dma_wait3A_323 = tpu.memref_squeeze %dma_wait3A_322 : memref<1x125x2x128xf32, #tpu.memory_space<hbm>> -> memref<125x2x128xf32, #tpu.memory_space<hbm>>
    %dma_wait3A_324 = arith.constant 0 : i32
    %dma_wait3A_325 = arith.constant 0 : i32
    %dma_wait3A_326 = arith.constant 0 : i32
    %dma_wait3A_327 = tpu.memref_slice %arg6[%dma_wait3A_315, %dma_wait3A_324, %dma_wait3A_325, %dma_wait3A_326] : memref<2x125x2x128xf32, #tpu.memory_space<vmem>> -> memref<1x125x2x128xf32, #tpu.memory_space<vmem>>
    %dma_wait3A_328 = tpu.memref_squeeze %dma_wait3A_327 : memref<1x125x2x128xf32, #tpu.memory_space<vmem>> -> memref<125x2x128xf32, #tpu.memory_space<vmem>>
    %dma_wait3A_329 = arith.constant 0 : i32
    %dma_wait3A_330 = tpu.memref_slice %arg3[%arg0, %add3A_258, %mul3A_277, %dma_wait3A_329] : memref<2x2500x8x128xf32, #tpu.memory_space<hbm>> -> memref<1x125x2x128xf32, #tpu.memory_space<hbm>>
    %dma_wait3A_331 = tpu.memref_squeeze %dma_wait3A_330 : memref<1x125x2x128xf32, #tpu.memory_space<hbm>> -> memref<125x2x128xf32, #tpu.memory_space<hbm>>
    tpu.wait_dma2 semaphore(%arg11 : memref<!tpu.dma_semaphore, #tpu.memory_space<semaphore_mem>>) src(%dma_wait3A_331 : memref<125x2x128xf32, #tpu.memory_space<hbm>>) dst(%dma_wait3A_328 : memref<125x2x128xf32, #tpu.memory_space<vmem>>)
    %add3A_332 = arith.constant 500 : i32
    %add3A_333 = arith.addi %mul3A_29, %add3A_332 : i32
    %dma_start3A_334 = arith.constant 0 : i32
    %dma_start3A_335 = arith.constant 0 : i32
    %dma_start3A_336 = arith.constant 0 : i32
    %dma_start3A_337 = arith.constant 0 : i32
    %dma_start3A_338 = tpu.memref_slice %arg5[%dma_start3A_334, %dma_start3A_335, %dma_start3A_336, %dma_start3A_337] : memref<2x125x1x128xi32, #tpu.memory_space<vmem>> -> memref<1x125x1x128xi32, #tpu.memory_space<vmem>>
    %dma_start3A_339 = tpu.memref_squeeze %dma_start3A_338 : memref<1x125x1x128xi32, #tpu.memory_space<vmem>> -> memref<125x1x128xi32, #tpu.memory_space<vmem>>
    %dma_start3A_340 = arith.constant 0 : i32
    %dma_start3A_341 = arith.constant 0 : i32
    %dma_start3A_342 = tpu.memref_slice %arg2[%add3A_333, %dma_start3A_340, %dma_start3A_341] : memref<2500x2x128xi32, #tpu.memory_space<hbm>> -> memref<125x1x128xi32, #tpu.memory_space<hbm>>
    %dma_start3A_343 = arith.constant 0 : i32
    %dma_start3A_344 = arith.constant 0 : i32
    %dma_start3A_345 = arith.constant 0 : i32
    %dma_start3A_346 = tpu.memref_slice %arg5[%dma_start3A_334, %dma_start3A_343, %dma_start3A_344, %dma_start3A_345] : memref<2x125x1x128xi32, #tpu.memory_space<vmem>> -> memref<1x125x1x128xi32, #tpu.memory_space<vmem>>
    %dma_start3A_347 = tpu.memref_squeeze %dma_start3A_346 : memref<1x125x1x128xi32, #tpu.memory_space<vmem>> -> memref<125x1x128xi32, #tpu.memory_space<vmem>>
    %dma_start3A_348 = arith.constant 0 : i32
    %dma_start3A_349 = arith.constant 0 : i32
    %dma_start3A_350 = tpu.memref_slice %arg2[%add3A_333, %dma_start3A_348, %dma_start3A_349] : memref<2500x2x128xi32, #tpu.memory_space<hbm>> -> memref<125x1x128xi32, #tpu.memory_space<hbm>>
    tpu.enqueue_dma source(%dma_start3A_350 : memref<125x1x128xi32, #tpu.memory_space<hbm>>) target(%dma_start3A_347 : memref<125x1x128xi32, #tpu.memory_space<vmem>>) target_semaphore(%arg8 : memref<!tpu.dma_semaphore, #tpu.memory_space<semaphore_mem>>)
    %mul3A_351 = arith.constant 2 : i32
    %mul3A_352 = arith.muli %select_n3A, %mul3A_351 : i32
    %dma_start3A_353 = arith.constant 0 : i32
    %dma_start3A_354 = arith.constant 0 : i32
    %dma_start3A_355 = arith.constant 0 : i32
    %dma_start3A_356 = arith.constant 0 : i32
    %dma_start3A_357 = tpu.memref_slice %arg6[%dma_start3A_353, %dma_start3A_354, %dma_start3A_355, %dma_start3A_356] : memref<2x125x2x128xf32, #tpu.memory_space<vmem>> -> memref<1x125x2x128xf32, #tpu.memory_space<vmem>>
    %dma_start3A_358 = tpu.memref_squeeze %dma_start3A_357 : memref<1x125x2x128xf32, #tpu.memory_space<vmem>> -> memref<125x2x128xf32, #tpu.memory_space<vmem>>
    %dma_start3A_359 = arith.constant 0 : i32
    %dma_start3A_360 = tpu.memref_slice %arg3[%arg0, %add3A_333, %mul3A_352, %dma_start3A_359] : memref<2x2500x8x128xf32, #tpu.memory_space<hbm>> -> memref<1x125x2x128xf32, #tpu.memory_space<hbm>>
    %dma_start3A_361 = tpu.memref_squeeze %dma_start3A_360 : memref<1x125x2x128xf32, #tpu.memory_space<hbm>> -> memref<125x2x128xf32, #tpu.memory_space<hbm>>
    %dma_start3A_362 = arith.constant 0 : i32
    %dma_start3A_363 = arith.constant 0 : i32
    %dma_start3A_364 = arith.constant 0 : i32
    %dma_start3A_365 = tpu.memref_slice %arg6[%dma_start3A_353, %dma_start3A_362, %dma_start3A_363, %dma_start3A_364] : memref<2x125x2x128xf32, #tpu.memory_space<vmem>> -> memref<1x125x2x128xf32, #tpu.memory_space<vmem>>
    %dma_start3A_366 = tpu.memref_squeeze %dma_start3A_365 : memref<1x125x2x128xf32, #tpu.memory_space<vmem>> -> memref<125x2x128xf32, #tpu.memory_space<vmem>>
    %dma_start3A_367 = arith.constant 0 : i32
    %dma_start3A_368 = tpu.memref_slice %arg3[%arg0, %add3A_333, %mul3A_352, %dma_start3A_367] : memref<2x2500x8x128xf32, #tpu.memory_space<hbm>> -> memref<1x125x2x128xf32, #tpu.memory_space<hbm>>
    %dma_start3A_369 = tpu.memref_squeeze %dma_start3A_368 : memref<1x125x2x128xf32, #tpu.memory_space<hbm>> -> memref<125x2x128xf32, #tpu.memory_space<hbm>>
    tpu.enqueue_dma source(%dma_start3A_369 : memref<125x2x128xf32, #tpu.memory_space<hbm>>) target(%dma_start3A_366 : memref<125x2x128xf32, #tpu.memory_space<vmem>>) target_semaphore(%arg10 : memref<!tpu.dma_semaphore, #tpu.memory_space<semaphore_mem>>)
    %parallel_loop3A_370 = arith.constant 0 : i32
    %parallel_loop3A_371 = arith.constant 125 : i32
    %parallel_loop3A_372 = arith.constant 1 : i32
    scf.for %parallel_loop3A_419 = %parallel_loop3A_370 to %parallel_loop3A_371 step %parallel_loop3A_372  : i32 {
      %parallel_loop3A_420 = arith.constant 1 : i32
      %parallel_loop3A_421 = arith.constant 0 : i32
      %parallel_loop3A_422 = arith.index_cast %parallel_loop3A_420 : i32 to index
      %parallel_loop3A_423 = arith.index_cast %parallel_loop3A_419 : i32 to index
      %parallel_loop3A_424 = arith.index_cast %parallel_loop3A_421 : i32 to index
      %parallel_loop3A_425 = arith.constant 0 : index
      %parallel_loop3A_426 = tpu.vector_load %arg5[%parallel_loop3A_422, %parallel_loop3A_423, %parallel_loop3A_424, %parallel_loop3A_425] {strides = array<i32>} : memref<2x125x1x128xi32, #tpu.memory_space<vmem>>, vector<16xi32>,
      %parallel_loop3A_427 = arith.constant 7 : i32
      %parallel_loop3A_428 = vector.broadcast %parallel_loop3A_427 : i32 to vector<16xi32>
      %parallel_loop3A_429 = arith.shrsi %parallel_loop3A_426, %parallel_loop3A_428 : vector<16xi32>
      %parallel_loop3A_430 = arith.constant 127 : i32
      %parallel_loop3A_431 = vector.broadcast %parallel_loop3A_430 : i32 to vector<16xi32>
      %parallel_loop3A_432 = arith.andi %parallel_loop3A_426, %parallel_loop3A_431 : vector<16xi32>
      %parallel_loop3A_433 = arith.constant 1 : i32
      %parallel_loop3A_434 = arith.constant 0 : i32
      %parallel_loop3A_435 = arith.index_cast %parallel_loop3A_433 : i32 to index
      %parallel_loop3A_436 = arith.index_cast %parallel_loop3A_419 : i32 to index
      %parallel_loop3A_437 = arith.index_cast %parallel_loop3A_434 : i32 to index
      %parallel_loop3A_438 = arith.constant 0 : index
      %parallel_loop3A_439 = tpu.vector_load %arg6[%parallel_loop3A_435, %parallel_loop3A_436, %parallel_loop3A_437, %parallel_loop3A_438] {strides = array<i32>} : memref<2x125x2x128xf32, #tpu.memory_space<vmem>>, vector<16xf32>,
      %parallel_loop3A_440 = arith.constant 0 : i32
      %parallel_loop3A_441 = arith.constant 0 : i32
      %parallel_loop3A_442 = arith.constant 0 : i32
      %parallel_loop3A_443 = arith.constant 0 : i32
      %parallel_loop3A_444 = tpu.memref_slice %arg7[%parallel_loop3A_440, %parallel_loop3A_441, %parallel_loop3A_442, %parallel_loop3A_443] : memref<2x80x1x128xf32, #tpu.memory_space<vmem>> -> memref<1x80x1x128xf32, #tpu.memory_space<vmem>>
      %parallel_loop3A_445 = tpu.memref_squeeze %parallel_loop3A_444 : memref<1x80x1x128xf32, #tpu.memory_space<vmem>> -> memref<80x1x128xf32, #tpu.memory_space<vmem>>
      tpu.vector_store_idx %parallel_loop3A_445[%parallel_loop3A_429, %broadcast_in_dim3A_74, %parallel_loop3A_432], %parallel_loop3A_439 {add = true} : memref<80x1x128xf32, #tpu.memory_space<vmem>>[vector<16xi32>, vector<16xi32>, vector<16xi32>], vector<16xf32>,
      %parallel_loop3A_446 = arith.constant 1 : i32
      %parallel_loop3A_447 = arith.constant 1 : i32
      %parallel_loop3A_448 = arith.index_cast %parallel_loop3A_446 : i32 to index
      %parallel_loop3A_449 = arith.index_cast %parallel_loop3A_419 : i32 to index
      %parallel_loop3A_450 = arith.index_cast %parallel_loop3A_447 : i32 to index
      %parallel_loop3A_451 = arith.constant 0 : index
      %parallel_loop3A_452 = tpu.vector_load %arg6[%parallel_loop3A_448, %parallel_loop3A_449, %parallel_loop3A_450, %parallel_loop3A_451] {strides = array<i32>} : memref<2x125x2x128xf32, #tpu.memory_space<vmem>>, vector<16xf32>,
      %parallel_loop3A_453 = arith.constant 1 : i32
      %parallel_loop3A_454 = arith.constant 0 : i32
      %parallel_loop3A_455 = arith.constant 0 : i32
      %parallel_loop3A_456 = arith.constant 0 : i32
      %parallel_loop3A_457 = tpu.memref_slice %arg7[%parallel_loop3A_453, %parallel_loop3A_454, %parallel_loop3A_455, %parallel_loop3A_456] : memref<2x80x1x128xf32, #tpu.memory_space<vmem>> -> memref<1x80x1x128xf32, #tpu.memory_space<vmem>>
      %parallel_loop3A_458 = tpu.memref_squeeze %parallel_loop3A_457 : memref<1x80x1x128xf32, #tpu.memory_space<vmem>> -> memref<80x1x128xf32, #tpu.memory_space<vmem>>
      tpu.vector_store_idx %parallel_loop3A_458[%parallel_loop3A_429, %broadcast_in_dim3A_74, %parallel_loop3A_432], %parallel_loop3A_452 {add = true} : memref<80x1x128xf32, #tpu.memory_space<vmem>>[vector<16xi32>, vector<16xi32>, vector<16xi32>], vector<16xf32>,
      %parallel_loop3A_459 = arith.constant 1 : i32
      %parallel_loop3A_460 = arith.constant 0 : i32
      %parallel_loop3A_461 = arith.index_cast %parallel_loop3A_459 : i32 to index
      %parallel_loop3A_462 = arith.index_cast %parallel_loop3A_419 : i32 to index
      %parallel_loop3A_463 = arith.index_cast %parallel_loop3A_460 : i32 to index
      %parallel_loop3A_464 = arith.constant 16 : index
      %parallel_loop3A_465 = tpu.vector_load %arg5[%parallel_loop3A_461, %parallel_loop3A_462, %parallel_loop3A_463, %parallel_loop3A_464] {strides = array<i32>} : memref<2x125x1x128xi32, #tpu.memory_space<vmem>>, vector<16xi32>,
      %parallel_loop3A_466 = arith.constant 7 : i32
      %parallel_loop3A_467 = vector.broadcast %parallel_loop3A_466 : i32 to vector<16xi32>
      %parallel_loop3A_468 = arith.shrsi %parallel_loop3A_465, %parallel_loop3A_467 : vector<16xi32>
      %parallel_loop3A_469 = arith.constant 127 : i32
      %parallel_loop3A_470 = vector.broadcast %parallel_loop3A_469 : i32 to vector<16xi32>
      %parallel_loop3A_471 = arith.andi %parallel_loop3A_465, %parallel_loop3A_470 : vector<16xi32>
      %parallel_loop3A_472 = arith.constant 1 : i32
      %parallel_loop3A_473 = arith.constant 0 : i32
      %parallel_loop3A_474 = arith.index_cast %parallel_loop3A_472 : i32 to index
      %parallel_loop3A_475 = arith.index_cast %parallel_loop3A_419 : i32 to index
      %parallel_loop3A_476 = arith.index_cast %parallel_loop3A_473 : i32 to index
      %parallel_loop3A_477 = arith.constant 16 : index
      %parallel_loop3A_478 = tpu.vector_load %arg6[%parallel_loop3A_474, %parallel_loop3A_475, %parallel_loop3A_476, %parallel_loop3A_477] {strides = array<i32>} : memref<2x125x2x128xf32, #tpu.memory_space<vmem>>, vector<16xf32>,
      %parallel_loop3A_479 = arith.constant 0 : i32
      %parallel_loop3A_480 = arith.constant 0 : i32
      %parallel_loop3A_481 = arith.constant 0 : i32
      %parallel_loop3A_482 = arith.constant 0 : i32
      %parallel_loop3A_483 = tpu.memref_slice %arg7[%parallel_loop3A_479, %parallel_loop3A_480, %parallel_loop3A_481, %parallel_loop3A_482] : memref<2x80x1x128xf32, #tpu.memory_space<vmem>> -> memref<1x80x1x128xf32, #tpu.memory_space<vmem>>
      %parallel_loop3A_484 = tpu.memref_squeeze %parallel_loop3A_483 : memref<1x80x1x128xf32, #tpu.memory_space<vmem>> -> memref<80x1x128xf32, #tpu.memory_space<vmem>>
      tpu.vector_store_idx %parallel_loop3A_484[%parallel_loop3A_468, %broadcast_in_dim3A_74, %parallel_loop3A_471], %parallel_loop3A_478 {add = true} : memref<80x1x128xf32, #tpu.memory_space<vmem>>[vector<16xi32>, vector<16xi32>, vector<16xi32>], vector<16xf32>,
      %parallel_loop3A_485 = arith.constant 1 : i32
      %parallel_loop3A_486 = arith.constant 1 : i32
      %parallel_loop3A_487 = arith.index_cast %parallel_loop3A_485 : i32 to index
      %parallel_loop3A_488 = arith.index_cast %parallel_loop3A_419 : i32 to index
      %parallel_loop3A_489 = arith.index_cast %parallel_loop3A_486 : i32 to index
      %parallel_loop3A_490 = arith.constant 16 : index
      %parallel_loop3A_491 = tpu.vector_load %arg6[%parallel_loop3A_487, %parallel_loop3A_488, %parallel_loop3A_489, %parallel_loop3A_490] {strides = array<i32>} : memref<2x125x2x128xf32, #tpu.memory_space<vmem>>, vector<16xf32>,
      %parallel_loop3A_492 = arith.constant 1 : i32
      %parallel_loop3A_493 = arith.constant 0 : i32
      %parallel_loop3A_494 = arith.constant 0 : i32
      %parallel_loop3A_495 = arith.constant 0 : i32
      %parallel_loop3A_496 = tpu.memref_slice %arg7[%parallel_loop3A_492, %parallel_loop3A_493, %parallel_loop3A_494, %parallel_loop3A_495] : memref<2x80x1x128xf32, #tpu.memory_space<vmem>> -> memref<1x80x1x128xf32, #tpu.memory_space<vmem>>
      %parallel_loop3A_497 = tpu.memref_squeeze %parallel_loop3A_496 : memref<1x80x1x128xf32, #tpu.memory_space<vmem>> -> memref<80x1x128xf32, #tpu.memory_space<vmem>>
      tpu.vector_store_idx %parallel_loop3A_497[%parallel_loop3A_468, %broadcast_in_dim3A_74, %parallel_loop3A_471], %parallel_loop3A_491 {add = true} : memref<80x1x128xf32, #tpu.memory_space<vmem>>[vector<16xi32>, vector<16xi32>, vector<16xi32>], vector<16xf32>,
      %parallel_loop3A_498 = arith.constant 1 : i32
      %parallel_loop3A_499 = arith.constant 0 : i32
      %parallel_loop3A_500 = arith.index_cast %parallel_loop3A_498 : i32 to index
      %parallel_loop3A_501 = arith.index_cast %parallel_loop3A_419 : i32 to index
      %parallel_loop3A_502 = arith.index_cast %parallel_loop3A_499 : i32 to index
      %parallel_loop3A_503 = arith.constant 32 : index
      %parallel_loop3A_504 = tpu.vector_load %arg5[%parallel_loop3A_500, %parallel_loop3A_501, %parallel_loop3A_502, %parallel_loop3A_503] {strides = array<i32>} : memref<2x125x1x128xi32, #tpu.memory_space<vmem>>, vector<16xi32>,
      %parallel_loop3A_505 = arith.constant 7 : i32
      %parallel_loop3A_506 = vector.broadcast %parallel_loop3A_505 : i32 to vector<16xi32>
      %parallel_loop3A_507 = arith.shrsi %parallel_loop3A_504, %parallel_loop3A_506 : vector<16xi32>
      %parallel_loop3A_508 = arith.constant 127 : i32
      %parallel_loop3A_509 = vector.broadcast %parallel_loop3A_508 : i32 to vector<16xi32>
      %parallel_loop3A_510 = arith.andi %parallel_loop3A_504, %parallel_loop3A_509 : vector<16xi32>
      %parallel_loop3A_511 = arith.constant 1 : i32
      %parallel_loop3A_512 = arith.constant 0 : i32
      %parallel_loop3A_513 = arith.index_cast %parallel_loop3A_511 : i32 to index
      %parallel_loop3A_514 = arith.index_cast %parallel_loop3A_419 : i32 to index
      %parallel_loop3A_515 = arith.index_cast %parallel_loop3A_512 : i32 to index
      %parallel_loop3A_516 = arith.constant 32 : index
      %parallel_loop3A_517 = tpu.vector_load %arg6[%parallel_loop3A_513, %parallel_loop3A_514, %parallel_loop3A_515, %parallel_loop3A_516] {strides = array<i32>} : memref<2x125x2x128xf32, #tpu.memory_space<vmem>>, vector<16xf32>,
      %parallel_loop3A_518 = arith.constant 0 : i32
      %parallel_loop3A_519 = arith.constant 0 : i32
      %parallel_loop3A_520 = arith.constant 0 : i32
      %parallel_loop3A_521 = arith.constant 0 : i32
      %parallel_loop3A_522 = tpu.memref_slice %arg7[%parallel_loop3A_518, %parallel_loop3A_519, %parallel_loop3A_520, %parallel_loop3A_521] : memref<2x80x1x128xf32, #tpu.memory_space<vmem>> -> memref<1x80x1x128xf32, #tpu.memory_space<vmem>>
      %parallel_loop3A_523 = tpu.memref_squeeze %parallel_loop3A_522 : memref<1x80x1x128xf32, #tpu.memory_space<vmem>> -> memref<80x1x128xf32, #tpu.memory_space<vmem>>
      tpu.vector_store_idx %parallel_loop3A_523[%parallel_loop3A_507, %broadcast_in_dim3A_74, %parallel_loop3A_510], %parallel_loop3A_517 {add = true} : memref<80x1x128xf32, #tpu.memory_space<vmem>>[vector<16xi32>, vector<16xi32>, vector<16xi32>], vector<16xf32>,
      %parallel_loop3A_524 = arith.constant 1 : i32
      %parallel_loop3A_525 = arith.constant 1 : i32
      %parallel_loop3A_526 = arith.index_cast %parallel_loop3A_524 : i32 to index
      %parallel_loop3A_527 = arith.index_cast %parallel_loop3A_419 : i32 to index
      %parallel_loop3A_528 = arith.index_cast %parallel_loop3A_525 : i32 to index
      %parallel_loop3A_529 = arith.constant 32 : index
      %parallel_loop3A_530 = tpu.vector_load %arg6[%parallel_loop3A_526, %parallel_loop3A_527, %parallel_loop3A_528, %parallel_loop3A_529] {strides = array<i32>} : memref<2x125x2x128xf32, #tpu.memory_space<vmem>>, vector<16xf32>,
      %parallel_loop3A_531 = arith.constant 1 : i32
      %parallel_loop3A_532 = arith.constant 0 : i32
      %parallel_loop3A_533 = arith.constant 0 : i32
      %parallel_loop3A_534 = arith.constant 0 : i32
      %parallel_loop3A_535 = tpu.memref_slice %arg7[%parallel_loop3A_531, %parallel_loop3A_532, %parallel_loop3A_533, %parallel_loop3A_534] : memref<2x80x1x128xf32, #tpu.memory_space<vmem>> -> memref<1x80x1x128xf32, #tpu.memory_space<vmem>>
      %parallel_loop3A_536 = tpu.memref_squeeze %parallel_loop3A_535 : memref<1x80x1x128xf32, #tpu.memory_space<vmem>> -> memref<80x1x128xf32, #tpu.memory_space<vmem>>
      tpu.vector_store_idx %parallel_loop3A_536[%parallel_loop3A_507, %broadcast_in_dim3A_74, %parallel_loop3A_510], %parallel_loop3A_530 {add = true} : memref<80x1x128xf32, #tpu.memory_space<vmem>>[vector<16xi32>, vector<16xi32>, vector<16xi32>], vector<16xf32>,
      %parallel_loop3A_537 = arith.constant 1 : i32
      %parallel_loop3A_538 = arith.constant 0 : i32
      %parallel_loop3A_539 = arith.index_cast %parallel_loop3A_537 : i32 to index
      %parallel_loop3A_540 = arith.index_cast %parallel_loop3A_419 : i32 to index
      %parallel_loop3A_541 = arith.index_cast %parallel_loop3A_538 : i32 to index
      %parallel_loop3A_542 = arith.constant 48 : index
      %parallel_loop3A_543 = tpu.vector_load %arg5[%parallel_loop3A_539, %parallel_loop3A_540, %parallel_loop3A_541, %parallel_loop3A_542] {strides = array<i32>} : memref<2x125x1x128xi32, #tpu.memory_space<vmem>>, vector<16xi32>,
      %parallel_loop3A_544 = arith.constant 7 : i32
      %parallel_loop3A_545 = vector.broadcast %parallel_loop3A_544 : i32 to vector<16xi32>
      %parallel_loop3A_546 = arith.shrsi %parallel_loop3A_543, %parallel_loop3A_545 : vector<16xi32>
      %parallel_loop3A_547 = arith.constant 127 : i32
      %parallel_loop3A_548 = vector.broadcast %parallel_loop3A_547 : i32 to vector<16xi32>
      %parallel_loop3A_549 = arith.andi %parallel_loop3A_543, %parallel_loop3A_548 : vector<16xi32>
      %parallel_loop3A_550 = arith.constant 1 : i32
      %parallel_loop3A_551 = arith.constant 0 : i32
      %parallel_loop3A_552 = arith.index_cast %parallel_loop3A_550 : i32 to index
      %parallel_loop3A_553 = arith.index_cast %parallel_loop3A_419 : i32 to index
      %parallel_loop3A_554 = arith.index_cast %parallel_loop3A_551 : i32 to index
      %parallel_loop3A_555 = arith.constant 48 : index
      %parallel_loop3A_556 = tpu.vector_load %arg6[%parallel_loop3A_552, %parallel_loop3A_553, %parallel_loop3A_554, %parallel_loop3A_555] {strides = array<i32>} : memref<2x125x2x128xf32, #tpu.memory_space<vmem>>, vector<16xf32>,
      %parallel_loop3A_557 = arith.constant 0 : i32
      %parallel_loop3A_558 = arith.constant 0 : i32
      %parallel_loop3A_559 = arith.constant 0 : i32
      %parallel_loop3A_560 = arith.constant 0 : i32
      %parallel_loop3A_561 = tpu.memref_slice %arg7[%parallel_loop3A_557, %parallel_loop3A_558, %parallel_loop3A_559, %parallel_loop3A_560] : memref<2x80x1x128xf32, #tpu.memory_space<vmem>> -> memref<1x80x1x128xf32, #tpu.memory_space<vmem>>
      %parallel_loop3A_562 = tpu.memref_squeeze %parallel_loop3A_561 : memref<1x80x1x128xf32, #tpu.memory_space<vmem>> -> memref<80x1x128xf32, #tpu.memory_space<vmem>>
      tpu.vector_store_idx %parallel_loop3A_562[%parallel_loop3A_546, %broadcast_in_dim3A_74, %parallel_loop3A_549], %parallel_loop3A_556 {add = true} : memref<80x1x128xf32, #tpu.memory_space<vmem>>[vector<16xi32>, vector<16xi32>, vector<16xi32>], vector<16xf32>,
      %parallel_loop3A_563 = arith.constant 1 : i32
      %parallel_loop3A_564 = arith.constant 1 : i32
      %parallel_loop3A_565 = arith.index_cast %parallel_loop3A_563 : i32 to index
      %parallel_loop3A_566 = arith.index_cast %parallel_loop3A_419 : i32 to index
      %parallel_loop3A_567 = arith.index_cast %parallel_loop3A_564 : i32 to index
      %parallel_loop3A_568 = arith.constant 48 : index
      %parallel_loop3A_569 = tpu.vector_load %arg6[%parallel_loop3A_565, %parallel_loop3A_566, %parallel_loop3A_567, %parallel_loop3A_568] {strides = array<i32>} : memref<2x125x2x128xf32, #tpu.memory_space<vmem>>, vector<16xf32>,
      %parallel_loop3A_570 = arith.constant 1 : i32
      %parallel_loop3A_571 = arith.constant 0 : i32
      %parallel_loop3A_572 = arith.constant 0 : i32
      %parallel_loop3A_573 = arith.constant 0 : i32
      %parallel_loop3A_574 = tpu.memref_slice %arg7[%parallel_loop3A_570, %parallel_loop3A_571, %parallel_loop3A_572, %parallel_loop3A_573] : memref<2x80x1x128xf32, #tpu.memory_space<vmem>> -> memref<1x80x1x128xf32, #tpu.memory_space<vmem>>
      %parallel_loop3A_575 = tpu.memref_squeeze %parallel_loop3A_574 : memref<1x80x1x128xf32, #tpu.memory_space<vmem>> -> memref<80x1x128xf32, #tpu.memory_space<vmem>>
      tpu.vector_store_idx %parallel_loop3A_575[%parallel_loop3A_546, %broadcast_in_dim3A_74, %parallel_loop3A_549], %parallel_loop3A_569 {add = true} : memref<80x1x128xf32, #tpu.memory_space<vmem>>[vector<16xi32>, vector<16xi32>, vector<16xi32>], vector<16xf32>,
      %parallel_loop3A_576 = arith.constant 1 : i32
      %parallel_loop3A_577 = arith.constant 0 : i32
      %parallel_loop3A_578 = arith.index_cast %parallel_loop3A_576 : i32 to index
      %parallel_loop3A_579 = arith.index_cast %parallel_loop3A_419 : i32 to index
      %parallel_loop3A_580 = arith.index_cast %parallel_loop3A_577 : i32 to index
      %parallel_loop3A_581 = arith.constant 64 : index
      %parallel_loop3A_582 = tpu.vector_load %arg5[%parallel_loop3A_578, %parallel_loop3A_579, %parallel_loop3A_580, %parallel_loop3A_581] {strides = array<i32>} : memref<2x125x1x128xi32, #tpu.memory_space<vmem>>, vector<16xi32>,
      %parallel_loop3A_583 = arith.constant 7 : i32
      %parallel_loop3A_584 = vector.broadcast %parallel_loop3A_583 : i32 to vector<16xi32>
      %parallel_loop3A_585 = arith.shrsi %parallel_loop3A_582, %parallel_loop3A_584 : vector<16xi32>
      %parallel_loop3A_586 = arith.constant 127 : i32
      %parallel_loop3A_587 = vector.broadcast %parallel_loop3A_586 : i32 to vector<16xi32>
      %parallel_loop3A_588 = arith.andi %parallel_loop3A_582, %parallel_loop3A_587 : vector<16xi32>
      %parallel_loop3A_589 = arith.constant 1 : i32
      %parallel_loop3A_590 = arith.constant 0 : i32
      %parallel_loop3A_591 = arith.index_cast %parallel_loop3A_589 : i32 to index
      %parallel_loop3A_592 = arith.index_cast %parallel_loop3A_419 : i32 to index
      %parallel_loop3A_593 = arith.index_cast %parallel_loop3A_590 : i32 to index
      %parallel_loop3A_594 = arith.constant 64 : index
      %parallel_loop3A_595 = tpu.vector_load %arg6[%parallel_loop3A_591, %parallel_loop3A_592, %parallel_loop3A_593, %parallel_loop3A_594] {strides = array<i32>} : memref<2x125x2x128xf32, #tpu.memory_space<vmem>>, vector<16xf32>,
      %parallel_loop3A_596 = arith.constant 0 : i32
      %parallel_loop3A_597 = arith.constant 0 : i32
      %parallel_loop3A_598 = arith.constant 0 : i32
      %parallel_loop3A_599 = arith.constant 0 : i32
      %parallel_loop3A_600 = tpu.memref_slice %arg7[%parallel_loop3A_596, %parallel_loop3A_597, %parallel_loop3A_598, %parallel_loop3A_599] : memref<2x80x1x128xf32, #tpu.memory_space<vmem>> -> memref<1x80x1x128xf32, #tpu.memory_space<vmem>>
      %parallel_loop3A_601 = tpu.memref_squeeze %parallel_loop3A_600 : memref<1x80x1x128xf32, #tpu.memory_space<vmem>> -> memref<80x1x128xf32, #tpu.memory_space<vmem>>
      tpu.vector_store_idx %parallel_loop3A_601[%parallel_loop3A_585, %broadcast_in_dim3A_74, %parallel_loop3A_588], %parallel_loop3A_595 {add = true} : memref<80x1x128xf32, #tpu.memory_space<vmem>>[vector<16xi32>, vector<16xi32>, vector<16xi32>], vector<16xf32>,
      %parallel_loop3A_602 = arith.constant 1 : i32
      %parallel_loop3A_603 = arith.constant 1 : i32
      %parallel_loop3A_604 = arith.index_cast %parallel_loop3A_602 : i32 to index
      %parallel_loop3A_605 = arith.index_cast %parallel_loop3A_419 : i32 to index
      %parallel_loop3A_606 = arith.index_cast %parallel_loop3A_603 : i32 to index
      %parallel_loop3A_607 = arith.constant 64 : index
      %parallel_loop3A_608 = tpu.vector_load %arg6[%parallel_loop3A_604, %parallel_loop3A_605, %parallel_loop3A_606, %parallel_loop3A_607] {strides = array<i32>} : memref<2x125x2x128xf32, #tpu.memory_space<vmem>>, vector<16xf32>,
      %parallel_loop3A_609 = arith.constant 1 : i32
      %parallel_loop3A_610 = arith.constant 0 : i32
      %parallel_loop3A_611 = arith.constant 0 : i32
      %parallel_loop3A_612 = arith.constant 0 : i32
      %parallel_loop3A_613 = tpu.memref_slice %arg7[%parallel_loop3A_609, %parallel_loop3A_610, %parallel_loop3A_611, %parallel_loop3A_612] : memref<2x80x1x128xf32, #tpu.memory_space<vmem>> -> memref<1x80x1x128xf32, #tpu.memory_space<vmem>>
      %parallel_loop3A_614 = tpu.memref_squeeze %parallel_loop3A_613 : memref<1x80x1x128xf32, #tpu.memory_space<vmem>> -> memref<80x1x128xf32, #tpu.memory_space<vmem>>
      tpu.vector_store_idx %parallel_loop3A_614[%parallel_loop3A_585, %broadcast_in_dim3A_74, %parallel_loop3A_588], %parallel_loop3A_608 {add = true} : memref<80x1x128xf32, #tpu.memory_space<vmem>>[vector<16xi32>, vector<16xi32>, vector<16xi32>], vector<16xf32>,
      %parallel_loop3A_615 = arith.constant 1 : i32
      %parallel_loop3A_616 = arith.constant 0 : i32
      %parallel_loop3A_617 = arith.index_cast %parallel_loop3A_615 : i32 to index
      %parallel_loop3A_618 = arith.index_cast %parallel_loop3A_419 : i32 to index
      %parallel_loop3A_619 = arith.index_cast %parallel_loop3A_616 : i32 to index
      %parallel_loop3A_620 = arith.constant 80 : index
      %parallel_loop3A_621 = tpu.vector_load %arg5[%parallel_loop3A_617, %parallel_loop3A_618, %parallel_loop3A_619, %parallel_loop3A_620] {strides = array<i32>} : memref<2x125x1x128xi32, #tpu.memory_space<vmem>>, vector<16xi32>,
      %parallel_loop3A_622 = arith.constant 7 : i32
      %parallel_loop3A_623 = vector.broadcast %parallel_loop3A_622 : i32 to vector<16xi32>
      %parallel_loop3A_624 = arith.shrsi %parallel_loop3A_621, %parallel_loop3A_623 : vector<16xi32>
      %parallel_loop3A_625 = arith.constant 127 : i32
      %parallel_loop3A_626 = vector.broadcast %parallel_loop3A_625 : i32 to vector<16xi32>
      %parallel_loop3A_627 = arith.andi %parallel_loop3A_621, %parallel_loop3A_626 : vector<16xi32>
      %parallel_loop3A_628 = arith.constant 1 : i32
      %parallel_loop3A_629 = arith.constant 0 : i32
      %parallel_loop3A_630 = arith.index_cast %parallel_loop3A_628 : i32 to index
      %parallel_loop3A_631 = arith.index_cast %parallel_loop3A_419 : i32 to index
      %parallel_loop3A_632 = arith.index_cast %parallel_loop3A_629 : i32 to index
      %parallel_loop3A_633 = arith.constant 80 : index
      %parallel_loop3A_634 = tpu.vector_load %arg6[%parallel_loop3A_630, %parallel_loop3A_631, %parallel_loop3A_632, %parallel_loop3A_633] {strides = array<i32>} : memref<2x125x2x128xf32, #tpu.memory_space<vmem>>, vector<16xf32>,
      %parallel_loop3A_635 = arith.constant 0 : i32
      %parallel_loop3A_636 = arith.constant 0 : i32
      %parallel_loop3A_637 = arith.constant 0 : i32
      %parallel_loop3A_638 = arith.constant 0 : i32
      %parallel_loop3A_639 = tpu.memref_slice %arg7[%parallel_loop3A_635, %parallel_loop3A_636, %parallel_loop3A_637, %parallel_loop3A_638] : memref<2x80x1x128xf32, #tpu.memory_space<vmem>> -> memref<1x80x1x128xf32, #tpu.memory_space<vmem>>
      %parallel_loop3A_640 = tpu.memref_squeeze %parallel_loop3A_639 : memref<1x80x1x128xf32, #tpu.memory_space<vmem>> -> memref<80x1x128xf32, #tpu.memory_space<vmem>>
      tpu.vector_store_idx %parallel_loop3A_640[%parallel_loop3A_624, %broadcast_in_dim3A_74, %parallel_loop3A_627], %parallel_loop3A_634 {add = true} : memref<80x1x128xf32, #tpu.memory_space<vmem>>[vector<16xi32>, vector<16xi32>, vector<16xi32>], vector<16xf32>,
      %parallel_loop3A_641 = arith.constant 1 : i32
      %parallel_loop3A_642 = arith.constant 1 : i32
      %parallel_loop3A_643 = arith.index_cast %parallel_loop3A_641 : i32 to index
      %parallel_loop3A_644 = arith.index_cast %parallel_loop3A_419 : i32 to index
      %parallel_loop3A_645 = arith.index_cast %parallel_loop3A_642 : i32 to index
      %parallel_loop3A_646 = arith.constant 80 : index
      %parallel_loop3A_647 = tpu.vector_load %arg6[%parallel_loop3A_643, %parallel_loop3A_644, %parallel_loop3A_645, %parallel_loop3A_646] {strides = array<i32>} : memref<2x125x2x128xf32, #tpu.memory_space<vmem>>, vector<16xf32>,
      %parallel_loop3A_648 = arith.constant 1 : i32
      %parallel_loop3A_649 = arith.constant 0 : i32
      %parallel_loop3A_650 = arith.constant 0 : i32
      %parallel_loop3A_651 = arith.constant 0 : i32
      %parallel_loop3A_652 = tpu.memref_slice %arg7[%parallel_loop3A_648, %parallel_loop3A_649, %parallel_loop3A_650, %parallel_loop3A_651] : memref<2x80x1x128xf32, #tpu.memory_space<vmem>> -> memref<1x80x1x128xf32, #tpu.memory_space<vmem>>
      %parallel_loop3A_653 = tpu.memref_squeeze %parallel_loop3A_652 : memref<1x80x1x128xf32, #tpu.memory_space<vmem>> -> memref<80x1x128xf32, #tpu.memory_space<vmem>>
      tpu.vector_store_idx %parallel_loop3A_653[%parallel_loop3A_624, %broadcast_in_dim3A_74, %parallel_loop3A_627], %parallel_loop3A_647 {add = true} : memref<80x1x128xf32, #tpu.memory_space<vmem>>[vector<16xi32>, vector<16xi32>, vector<16xi32>], vector<16xf32>,
      %parallel_loop3A_654 = arith.constant 1 : i32
      %parallel_loop3A_655 = arith.constant 0 : i32
      %parallel_loop3A_656 = arith.index_cast %parallel_loop3A_654 : i32 to index
      %parallel_loop3A_657 = arith.index_cast %parallel_loop3A_419 : i32 to index
      %parallel_loop3A_658 = arith.index_cast %parallel_loop3A_655 : i32 to index
      %parallel_loop3A_659 = arith.constant 96 : index
      %parallel_loop3A_660 = tpu.vector_load %arg5[%parallel_loop3A_656, %parallel_loop3A_657, %parallel_loop3A_658, %parallel_loop3A_659] {strides = array<i32>} : memref<2x125x1x128xi32, #tpu.memory_space<vmem>>, vector<16xi32>,
      %parallel_loop3A_661 = arith.constant 7 : i32
      %parallel_loop3A_662 = vector.broadcast %parallel_loop3A_661 : i32 to vector<16xi32>
      %parallel_loop3A_663 = arith.shrsi %parallel_loop3A_660, %parallel_loop3A_662 : vector<16xi32>
      %parallel_loop3A_664 = arith.constant 127 : i32
      %parallel_loop3A_665 = vector.broadcast %parallel_loop3A_664 : i32 to vector<16xi32>
      %parallel_loop3A_666 = arith.andi %parallel_loop3A_660, %parallel_loop3A_665 : vector<16xi32>
      %parallel_loop3A_667 = arith.constant 1 : i32
      %parallel_loop3A_668 = arith.constant 0 : i32
      %parallel_loop3A_669 = arith.index_cast %parallel_loop3A_667 : i32 to index
      %parallel_loop3A_670 = arith.index_cast %parallel_loop3A_419 : i32 to index
      %parallel_loop3A_671 = arith.index_cast %parallel_loop3A_668 : i32 to index
      %parallel_loop3A_672 = arith.constant 96 : index
      %parallel_loop3A_673 = tpu.vector_load %arg6[%parallel_loop3A_669, %parallel_loop3A_670, %parallel_loop3A_671, %parallel_loop3A_672] {strides = array<i32>} : memref<2x125x2x128xf32, #tpu.memory_space<vmem>>, vector<16xf32>,
      %parallel_loop3A_674 = arith.constant 0 : i32
      %parallel_loop3A_675 = arith.constant 0 : i32
      %parallel_loop3A_676 = arith.constant 0 : i32
      %parallel_loop3A_677 = arith.constant 0 : i32
      %parallel_loop3A_678 = tpu.memref_slice %arg7[%parallel_loop3A_674, %parallel_loop3A_675, %parallel_loop3A_676, %parallel_loop3A_677] : memref<2x80x1x128xf32, #tpu.memory_space<vmem>> -> memref<1x80x1x128xf32, #tpu.memory_space<vmem>>
      %parallel_loop3A_679 = tpu.memref_squeeze %parallel_loop3A_678 : memref<1x80x1x128xf32, #tpu.memory_space<vmem>> -> memref<80x1x128xf32, #tpu.memory_space<vmem>>
      tpu.vector_store_idx %parallel_loop3A_679[%parallel_loop3A_663, %broadcast_in_dim3A_74, %parallel_loop3A_666], %parallel_loop3A_673 {add = true} : memref<80x1x128xf32, #tpu.memory_space<vmem>>[vector<16xi32>, vector<16xi32>, vector<16xi32>], vector<16xf32>,
      %parallel_loop3A_680 = arith.constant 1 : i32
      %parallel_loop3A_681 = arith.constant 1 : i32
      %parallel_loop3A_682 = arith.index_cast %parallel_loop3A_680 : i32 to index
      %parallel_loop3A_683 = arith.index_cast %parallel_loop3A_419 : i32 to index
      %parallel_loop3A_684 = arith.index_cast %parallel_loop3A_681 : i32 to index
      %parallel_loop3A_685 = arith.constant 96 : index
      %parallel_loop3A_686 = tpu.vector_load %arg6[%parallel_loop3A_682, %parallel_loop3A_683, %parallel_loop3A_684, %parallel_loop3A_685] {strides = array<i32>} : memref<2x125x2x128xf32, #tpu.memory_space<vmem>>, vector<16xf32>,
      %parallel_loop3A_687 = arith.constant 1 : i32
      %parallel_loop3A_688 = arith.constant 0 : i32
      %parallel_loop3A_689 = arith.constant 0 : i32
      %parallel_loop3A_690 = arith.constant 0 : i32
      %parallel_loop3A_691 = tpu.memref_slice %arg7[%parallel_loop3A_687, %parallel_loop3A_688, %parallel_loop3A_689, %parallel_loop3A_690] : memref<2x80x1x128xf32, #tpu.memory_space<vmem>> -> memref<1x80x1x128xf32, #tpu.memory_space<vmem>>
      %parallel_loop3A_692 = tpu.memref_squeeze %parallel_loop3A_691 : memref<1x80x1x128xf32, #tpu.memory_space<vmem>> -> memref<80x1x128xf32, #tpu.memory_space<vmem>>
      tpu.vector_store_idx %parallel_loop3A_692[%parallel_loop3A_663, %broadcast_in_dim3A_74, %parallel_loop3A_666], %parallel_loop3A_686 {add = true} : memref<80x1x128xf32, #tpu.memory_space<vmem>>[vector<16xi32>, vector<16xi32>, vector<16xi32>], vector<16xf32>,
      %parallel_loop3A_693 = arith.constant 1 : i32
      %parallel_loop3A_694 = arith.constant 0 : i32
      %parallel_loop3A_695 = arith.index_cast %parallel_loop3A_693 : i32 to index
      %parallel_loop3A_696 = arith.index_cast %parallel_loop3A_419 : i32 to index
      %parallel_loop3A_697 = arith.index_cast %parallel_loop3A_694 : i32 to index
      %parallel_loop3A_698 = arith.constant 112 : index
      %parallel_loop3A_699 = tpu.vector_load %arg5[%parallel_loop3A_695, %parallel_loop3A_696, %parallel_loop3A_697, %parallel_loop3A_698] {strides = array<i32>} : memref<2x125x1x128xi32, #tpu.memory_space<vmem>>, vector<16xi32>,
      %parallel_loop3A_700 = arith.constant 7 : i32
      %parallel_loop3A_701 = vector.broadcast %parallel_loop3A_700 : i32 to vector<16xi32>
      %parallel_loop3A_702 = arith.shrsi %parallel_loop3A_699, %parallel_loop3A_701 : vector<16xi32>
      %parallel_loop3A_703 = arith.constant 127 : i32
      %parallel_loop3A_704 = vector.broadcast %parallel_loop3A_703 : i32 to vector<16xi32>
      %parallel_loop3A_705 = arith.andi %parallel_loop3A_699, %parallel_loop3A_704 : vector<16xi32>
      %parallel_loop3A_706 = arith.constant 1 : i32
      %parallel_loop3A_707 = arith.constant 0 : i32
      %parallel_loop3A_708 = arith.index_cast %parallel_loop3A_706 : i32 to index
      %parallel_loop3A_709 = arith.index_cast %parallel_loop3A_419 : i32 to index
      %parallel_loop3A_710 = arith.index_cast %parallel_loop3A_707 : i32 to index
      %parallel_loop3A_711 = arith.constant 112 : index
      %parallel_loop3A_712 = tpu.vector_load %arg6[%parallel_loop3A_708, %parallel_loop3A_709, %parallel_loop3A_710, %parallel_loop3A_711] {strides = array<i32>} : memref<2x125x2x128xf32, #tpu.memory_space<vmem>>, vector<16xf32>,
      %parallel_loop3A_713 = arith.constant 0 : i32
      %parallel_loop3A_714 = arith.constant 0 : i32
      %parallel_loop3A_715 = arith.constant 0 : i32
      %parallel_loop3A_716 = arith.constant 0 : i32
      %parallel_loop3A_717 = tpu.memref_slice %arg7[%parallel_loop3A_713, %parallel_loop3A_714, %parallel_loop3A_715, %parallel_loop3A_716] : memref<2x80x1x128xf32, #tpu.memory_space<vmem>> -> memref<1x80x1x128xf32, #tpu.memory_space<vmem>>
      %parallel_loop3A_718 = tpu.memref_squeeze %parallel_loop3A_717 : memref<1x80x1x128xf32, #tpu.memory_space<vmem>> -> memref<80x1x128xf32, #tpu.memory_space<vmem>>
      tpu.vector_store_idx %parallel_loop3A_718[%parallel_loop3A_702, %broadcast_in_dim3A_74, %parallel_loop3A_705], %parallel_loop3A_712 {add = true} : memref<80x1x128xf32, #tpu.memory_space<vmem>>[vector<16xi32>, vector<16xi32>, vector<16xi32>], vector<16xf32>,
      %parallel_loop3A_719 = arith.constant 1 : i32
      %parallel_loop3A_720 = arith.constant 1 : i32
      %parallel_loop3A_721 = arith.index_cast %parallel_loop3A_719 : i32 to index
      %parallel_loop3A_722 = arith.index_cast %parallel_loop3A_419 : i32 to index
      %parallel_loop3A_723 = arith.index_cast %parallel_loop3A_720 : i32 to index
      %parallel_loop3A_724 = arith.constant 112 : index
      %parallel_loop3A_725 = tpu.vector_load %arg6[%parallel_loop3A_721, %parallel_loop3A_722, %parallel_loop3A_723, %parallel_loop3A_724] {strides = array<i32>} : memref<2x125x2x128xf32, #tpu.memory_space<vmem>>, vector<16xf32>,
      %parallel_loop3A_726 = arith.constant 1 : i32
      %parallel_loop3A_727 = arith.constant 0 : i32
      %parallel_loop3A_728 = arith.constant 0 : i32
      %parallel_loop3A_729 = arith.constant 0 : i32
      %parallel_loop3A_730 = tpu.memref_slice %arg7[%parallel_loop3A_726, %parallel_loop3A_727, %parallel_loop3A_728, %parallel_loop3A_729] : memref<2x80x1x128xf32, #tpu.memory_space<vmem>> -> memref<1x80x1x128xf32, #tpu.memory_space<vmem>>
      %parallel_loop3A_731 = tpu.memref_squeeze %parallel_loop3A_730 : memref<1x80x1x128xf32, #tpu.memory_space<vmem>> -> memref<80x1x128xf32, #tpu.memory_space<vmem>>
      tpu.vector_store_idx %parallel_loop3A_731[%parallel_loop3A_702, %broadcast_in_dim3A_74, %parallel_loop3A_705], %parallel_loop3A_725 {add = true} : memref<80x1x128xf32, #tpu.memory_space<vmem>>[vector<16xi32>, vector<16xi32>, vector<16xi32>], vector<16xf32>,
    } {sc.loop_unroll_factor = 3 : i64, sc.parallel_access}
    %dma_wait3A_373 = arith.constant 0 : i32
    %dma_wait3A_374 = arith.constant 0 : i32
    %dma_wait3A_375 = arith.constant 0 : i32
    %dma_wait3A_376 = arith.constant 0 : i32
    %dma_wait3A_377 = tpu.memref_slice %arg5[%dma_wait3A_373, %dma_wait3A_374, %dma_wait3A_375, %dma_wait3A_376] : memref<2x125x1x128xi32, #tpu.memory_space<vmem>> -> memref<1x125x1x128xi32, #tpu.memory_space<vmem>>
    %dma_wait3A_378 = tpu.memref_squeeze %dma_wait3A_377 : memref<1x125x1x128xi32, #tpu.memory_space<vmem>> -> memref<125x1x128xi32, #tpu.memory_space<vmem>>
    %dma_wait3A_379 = arith.constant 0 : i32
    %dma_wait3A_380 = arith.constant 0 : i32
    %dma_wait3A_381 = tpu.memref_slice %arg2[%add3A_333, %dma_wait3A_379, %dma_wait3A_380] : memref<2500x2x128xi32, #tpu.memory_space<hbm>> -> memref<125x1x128xi32, #tpu.memory_space<hbm>>
    %dma_wait3A_382 = arith.constant 0 : i32
    %dma_wait3A_383 = arith.constant 0 : i32
    %dma_wait3A_384 = arith.constant 0 : i32
    %dma_wait3A_385 = tpu.memref_slice %arg5[%dma_wait3A_373, %dma_wait3A_382, %dma_wait3A_383, %dma_wait3A_384] : memref<2x125x1x128xi32, #tpu.memory_space<vmem>> -> memref<1x125x1x128xi32, #tpu.memory_space<vmem>>
    %dma_wait3A_386 = tpu.memref_squeeze %dma_wait3A_385 : memref<1x125x1x128xi32, #tpu.memory_space<vmem>> -> memref<125x1x128xi32, #tpu.memory_space<vmem>>
    %dma_wait3A_387 = arith.constant 0 : i32
    %dma_wait3A_388 = arith.constant 0 : i32
    %dma_wait3A_389 = tpu.memref_slice %arg2[%add3A_333, %dma_wait3A_387, %dma_wait3A_388] : memref<2500x2x128xi32, #tpu.memory_space<hbm>> -> memref<125x1x128xi32, #tpu.memory_space<hbm>>
    tpu.wait_dma2 semaphore(%arg8 : memref<!tpu.dma_semaphore, #tpu.memory_space<semaphore_mem>>) src(%dma_wait3A_389 : memref<125x1x128xi32, #tpu.memory_space<hbm>>) dst(%dma_wait3A_386 : memref<125x1x128xi32, #tpu.memory_space<vmem>>)
    %dma_wait3A_390 = arith.constant 0 : i32
    %dma_wait3A_391 = arith.constant 0 : i32
    %dma_wait3A_392 = arith.constant 0 : i32
    %dma_wait3A_393 = arith.constant 0 : i32
    %dma_wait3A_394 = tpu.memref_slice %arg6[%dma_wait3A_390, %dma_wait3A_391, %dma_wait3A_392, %dma_wait3A_393] : memref<2x125x2x128xf32, #tpu.memory_space<vmem>> -> memref<1x125x2x128xf32, #tpu.memory_space<vmem>>
    %dma_wait3A_395 = tpu.memref_squeeze %dma_wait3A_394 : memref<1x125x2x128xf32, #tpu.memory_space<vmem>> -> memref<125x2x128xf32, #tpu.memory_space<vmem>>
    %dma_wait3A_396 = arith.constant 0 : i32
    %dma_wait3A_397 = tpu.memref_slice %arg3[%arg0, %add3A_333, %mul3A_352, %dma_wait3A_396] : memref<2x2500x8x128xf32, #tpu.memory_space<hbm>> -> memref<1x125x2x128xf32, #tpu.memory_space<hbm>>
    %dma_wait3A_398 = tpu.memref_squeeze %dma_wait3A_397 : memref<1x125x2x128xf32, #tpu.memory_space<hbm>> -> memref<125x2x128xf32, #tpu.memory_space<hbm>>
    %dma_wait3A_399 = arith.constant 0 : i32
    %dma_wait3A_400 = arith.constant 0 : i32
    %dma_wait3A_401 = arith.constant 0 : i32
    %dma_wait3A_402 = tpu.memref_slice %arg6[%dma_wait3A_390, %dma_wait3A_399, %dma_wait3A_400, %dma_wait3A_401] : memref<2x125x2x128xf32, #tpu.memory_space<vmem>> -> memref<1x125x2x128xf32, #tpu.memory_space<vmem>>
    %dma_wait3A_403 = tpu.memref_squeeze %dma_wait3A_402 : memref<1x125x2x128xf32, #tpu.memory_space<vmem>> -> memref<125x2x128xf32, #tpu.memory_space<vmem>>
    %dma_wait3A_404 = arith.constant 0 : i32
    %dma_wait3A_405 = tpu.memref_slice %arg3[%arg0, %add3A_333, %mul3A_352, %dma_wait3A_404] : memref<2x2500x8x128xf32, #tpu.memory_space<hbm>> -> memref<1x125x2x128xf32, #tpu.memory_space<hbm>>
    %dma_wait3A_406 = tpu.memref_squeeze %dma_wait3A_405 : memref<1x125x2x128xf32, #tpu.memory_space<hbm>> -> memref<125x2x128xf32, #tpu.memory_space<hbm>>
    tpu.wait_dma2 semaphore(%arg10 : memref<!tpu.dma_semaphore, #tpu.memory_space<semaphore_mem>>) src(%dma_wait3A_406 : memref<125x2x128xf32, #tpu.memory_space<hbm>>) dst(%dma_wait3A_403 : memref<125x2x128xf32, #tpu.memory_space<vmem>>)
    %parallel_loop3A_407 = arith.constant 0 : i32
    %parallel_loop3A_408 = arith.constant 125 : i32
    %parallel_loop3A_409 = arith.constant 1 : i32
    scf.for %parallel_loop3A_419 = %parallel_loop3A_407 to %parallel_loop3A_408 step %parallel_loop3A_409  : i32 {
      %parallel_loop3A_420 = arith.constant 0 : i32
      %parallel_loop3A_421 = arith.constant 0 : i32
      %parallel_loop3A_422 = arith.index_cast %parallel_loop3A_420 : i32 to index
      %parallel_loop3A_423 = arith.index_cast %parallel_loop3A_419 : i32 to index
      %parallel_loop3A_424 = arith.index_cast %parallel_loop3A_421 : i32 to index
      %parallel_loop3A_425 = arith.constant 0 : index
      %parallel_loop3A_426 = tpu.vector_load %arg5[%parallel_loop3A_422, %parallel_loop3A_423, %parallel_loop3A_424, %parallel_loop3A_425] {strides = array<i32>} : memref<2x125x1x128xi32, #tpu.memory_space<vmem>>, vector<16xi32>,
      %parallel_loop3A_427 = arith.constant 7 : i32
      %parallel_loop3A_428 = vector.broadcast %parallel_loop3A_427 : i32 to vector<16xi32>
      %parallel_loop3A_429 = arith.shrsi %parallel_loop3A_426, %parallel_loop3A_428 : vector<16xi32>
      %parallel_loop3A_430 = arith.constant 127 : i32
      %parallel_loop3A_431 = vector.broadcast %parallel_loop3A_430 : i32 to vector<16xi32>
      %parallel_loop3A_432 = arith.andi %parallel_loop3A_426, %parallel_loop3A_431 : vector<16xi32>
      %parallel_loop3A_433 = arith.constant 0 : i32
      %parallel_loop3A_434 = arith.constant 0 : i32
      %parallel_loop3A_435 = arith.index_cast %parallel_loop3A_433 : i32 to index
      %parallel_loop3A_436 = arith.index_cast %parallel_loop3A_419 : i32 to index
      %parallel_loop3A_437 = arith.index_cast %parallel_loop3A_434 : i32 to index
      %parallel_loop3A_438 = arith.constant 0 : index
      %parallel_loop3A_439 = tpu.vector_load %arg6[%parallel_loop3A_435, %parallel_loop3A_436, %parallel_loop3A_437, %parallel_loop3A_438] {strides = array<i32>} : memref<2x125x2x128xf32, #tpu.memory_space<vmem>>, vector<16xf32>,
      %parallel_loop3A_440 = arith.constant 0 : i32
      %parallel_loop3A_441 = arith.constant 0 : i32
      %parallel_loop3A_442 = arith.constant 0 : i32
      %parallel_loop3A_443 = arith.constant 0 : i32
      %parallel_loop3A_444 = tpu.memref_slice %arg7[%parallel_loop3A_440, %parallel_loop3A_441, %parallel_loop3A_442, %parallel_loop3A_443] : memref<2x80x1x128xf32, #tpu.memory_space<vmem>> -> memref<1x80x1x128xf32, #tpu.memory_space<vmem>>
      %parallel_loop3A_445 = tpu.memref_squeeze %parallel_loop3A_444 : memref<1x80x1x128xf32, #tpu.memory_space<vmem>> -> memref<80x1x128xf32, #tpu.memory_space<vmem>>
      tpu.vector_store_idx %parallel_loop3A_445[%parallel_loop3A_429, %broadcast_in_dim3A_74, %parallel_loop3A_432], %parallel_loop3A_439 {add = true} : memref<80x1x128xf32, #tpu.memory_space<vmem>>[vector<16xi32>, vector<16xi32>, vector<16xi32>], vector<16xf32>,
      %parallel_loop3A_446 = arith.constant 0 : i32
      %parallel_loop3A_447 = arith.constant 1 : i32
      %parallel_loop3A_448 = arith.index_cast %parallel_loop3A_446 : i32 to index
      %parallel_loop3A_449 = arith.index_cast %parallel_loop3A_419 : i32 to index
      %parallel_loop3A_450 = arith.index_cast %parallel_loop3A_447 : i32 to index
      %parallel_loop3A_451 = arith.constant 0 : index
      %parallel_loop3A_452 = tpu.vector_load %arg6[%parallel_loop3A_448, %parallel_loop3A_449, %parallel_loop3A_450, %parallel_loop3A_451] {strides = array<i32>} : memref<2x125x2x128xf32, #tpu.memory_space<vmem>>, vector<16xf32>,
      %parallel_loop3A_453 = arith.constant 1 : i32
      %parallel_loop3A_454 = arith.constant 0 : i32
      %parallel_loop3A_455 = arith.constant 0 : i32
      %parallel_loop3A_456 = arith.constant 0 : i32
      %parallel_loop3A_457 = tpu.memref_slice %arg7[%parallel_loop3A_453, %parallel_loop3A_454, %parallel_loop3A_455, %parallel_loop3A_456] : memref<2x80x1x128xf32, #tpu.memory_space<vmem>> -> memref<1x80x1x128xf32, #tpu.memory_space<vmem>>
      %parallel_loop3A_458 = tpu.memref_squeeze %parallel_loop3A_457 : memref<1x80x1x128xf32, #tpu.memory_space<vmem>> -> memref<80x1x128xf32, #tpu.memory_space<vmem>>
      tpu.vector_store_idx %parallel_loop3A_458[%parallel_loop3A_429, %broadcast_in_dim3A_74, %parallel_loop3A_432], %parallel_loop3A_452 {add = true} : memref<80x1x128xf32, #tpu.memory_space<vmem>>[vector<16xi32>, vector<16xi32>, vector<16xi32>], vector<16xf32>,
      %parallel_loop3A_459 = arith.constant 0 : i32
      %parallel_loop3A_460 = arith.constant 0 : i32
      %parallel_loop3A_461 = arith.index_cast %parallel_loop3A_459 : i32 to index
      %parallel_loop3A_462 = arith.index_cast %parallel_loop3A_419 : i32 to index
      %parallel_loop3A_463 = arith.index_cast %parallel_loop3A_460 : i32 to index
      %parallel_loop3A_464 = arith.constant 16 : index
      %parallel_loop3A_465 = tpu.vector_load %arg5[%parallel_loop3A_461, %parallel_loop3A_462, %parallel_loop3A_463, %parallel_loop3A_464] {strides = array<i32>} : memref<2x125x1x128xi32, #tpu.memory_space<vmem>>, vector<16xi32>,
      %parallel_loop3A_466 = arith.constant 7 : i32
      %parallel_loop3A_467 = vector.broadcast %parallel_loop3A_466 : i32 to vector<16xi32>
      %parallel_loop3A_468 = arith.shrsi %parallel_loop3A_465, %parallel_loop3A_467 : vector<16xi32>
      %parallel_loop3A_469 = arith.constant 127 : i32
      %parallel_loop3A_470 = vector.broadcast %parallel_loop3A_469 : i32 to vector<16xi32>
      %parallel_loop3A_471 = arith.andi %parallel_loop3A_465, %parallel_loop3A_470 : vector<16xi32>
      %parallel_loop3A_472 = arith.constant 0 : i32
      %parallel_loop3A_473 = arith.constant 0 : i32
      %parallel_loop3A_474 = arith.index_cast %parallel_loop3A_472 : i32 to index
      %parallel_loop3A_475 = arith.index_cast %parallel_loop3A_419 : i32 to index
      %parallel_loop3A_476 = arith.index_cast %parallel_loop3A_473 : i32 to index
      %parallel_loop3A_477 = arith.constant 16 : index
      %parallel_loop3A_478 = tpu.vector_load %arg6[%parallel_loop3A_474, %parallel_loop3A_475, %parallel_loop3A_476, %parallel_loop3A_477] {strides = array<i32>} : memref<2x125x2x128xf32, #tpu.memory_space<vmem>>, vector<16xf32>,
      %parallel_loop3A_479 = arith.constant 0 : i32
      %parallel_loop3A_480 = arith.constant 0 : i32
      %parallel_loop3A_481 = arith.constant 0 : i32
      %parallel_loop3A_482 = arith.constant 0 : i32
      %parallel_loop3A_483 = tpu.memref_slice %arg7[%parallel_loop3A_479, %parallel_loop3A_480, %parallel_loop3A_481, %parallel_loop3A_482] : memref<2x80x1x128xf32, #tpu.memory_space<vmem>> -> memref<1x80x1x128xf32, #tpu.memory_space<vmem>>
      %parallel_loop3A_484 = tpu.memref_squeeze %parallel_loop3A_483 : memref<1x80x1x128xf32, #tpu.memory_space<vmem>> -> memref<80x1x128xf32, #tpu.memory_space<vmem>>
      tpu.vector_store_idx %parallel_loop3A_484[%parallel_loop3A_468, %broadcast_in_dim3A_74, %parallel_loop3A_471], %parallel_loop3A_478 {add = true} : memref<80x1x128xf32, #tpu.memory_space<vmem>>[vector<16xi32>, vector<16xi32>, vector<16xi32>], vector<16xf32>,
      %parallel_loop3A_485 = arith.constant 0 : i32
      %parallel_loop3A_486 = arith.constant 1 : i32
      %parallel_loop3A_487 = arith.index_cast %parallel_loop3A_485 : i32 to index
      %parallel_loop3A_488 = arith.index_cast %parallel_loop3A_419 : i32 to index
      %parallel_loop3A_489 = arith.index_cast %parallel_loop3A_486 : i32 to index
      %parallel_loop3A_490 = arith.constant 16 : index
      %parallel_loop3A_491 = tpu.vector_load %arg6[%parallel_loop3A_487, %parallel_loop3A_488, %parallel_loop3A_489, %parallel_loop3A_490] {strides = array<i32>} : memref<2x125x2x128xf32, #tpu.memory_space<vmem>>, vector<16xf32>,
      %parallel_loop3A_492 = arith.constant 1 : i32
      %parallel_loop3A_493 = arith.constant 0 : i32
      %parallel_loop3A_494 = arith.constant 0 : i32
      %parallel_loop3A_495 = arith.constant 0 : i32
      %parallel_loop3A_496 = tpu.memref_slice %arg7[%parallel_loop3A_492, %parallel_loop3A_493, %parallel_loop3A_494, %parallel_loop3A_495] : memref<2x80x1x128xf32, #tpu.memory_space<vmem>> -> memref<1x80x1x128xf32, #tpu.memory_space<vmem>>
      %parallel_loop3A_497 = tpu.memref_squeeze %parallel_loop3A_496 : memref<1x80x1x128xf32, #tpu.memory_space<vmem>> -> memref<80x1x128xf32, #tpu.memory_space<vmem>>
      tpu.vector_store_idx %parallel_loop3A_497[%parallel_loop3A_468, %broadcast_in_dim3A_74, %parallel_loop3A_471], %parallel_loop3A_491 {add = true} : memref<80x1x128xf32, #tpu.memory_space<vmem>>[vector<16xi32>, vector<16xi32>, vector<16xi32>], vector<16xf32>,
      %parallel_loop3A_498 = arith.constant 0 : i32
      %parallel_loop3A_499 = arith.constant 0 : i32
      %parallel_loop3A_500 = arith.index_cast %parallel_loop3A_498 : i32 to index
      %parallel_loop3A_501 = arith.index_cast %parallel_loop3A_419 : i32 to index
      %parallel_loop3A_502 = arith.index_cast %parallel_loop3A_499 : i32 to index
      %parallel_loop3A_503 = arith.constant 32 : index
      %parallel_loop3A_504 = tpu.vector_load %arg5[%parallel_loop3A_500, %parallel_loop3A_501, %parallel_loop3A_502, %parallel_loop3A_503] {strides = array<i32>} : memref<2x125x1x128xi32, #tpu.memory_space<vmem>>, vector<16xi32>,
      %parallel_loop3A_505 = arith.constant 7 : i32
      %parallel_loop3A_506 = vector.broadcast %parallel_loop3A_505 : i32 to vector<16xi32>
      %parallel_loop3A_507 = arith.shrsi %parallel_loop3A_504, %parallel_loop3A_506 : vector<16xi32>
      %parallel_loop3A_508 = arith.constant 127 : i32
      %parallel_loop3A_509 = vector.broadcast %parallel_loop3A_508 : i32 to vector<16xi32>
      %parallel_loop3A_510 = arith.andi %parallel_loop3A_504, %parallel_loop3A_509 : vector<16xi32>
      %parallel_loop3A_511 = arith.constant 0 : i32
      %parallel_loop3A_512 = arith.constant 0 : i32
      %parallel_loop3A_513 = arith.index_cast %parallel_loop3A_511 : i32 to index
      %parallel_loop3A_514 = arith.index_cast %parallel_loop3A_419 : i32 to index
      %parallel_loop3A_515 = arith.index_cast %parallel_loop3A_512 : i32 to index
      %parallel_loop3A_516 = arith.constant 32 : index
      %parallel_loop3A_517 = tpu.vector_load %arg6[%parallel_loop3A_513, %parallel_loop3A_514, %parallel_loop3A_515, %parallel_loop3A_516] {strides = array<i32>} : memref<2x125x2x128xf32, #tpu.memory_space<vmem>>, vector<16xf32>,
      %parallel_loop3A_518 = arith.constant 0 : i32
      %parallel_loop3A_519 = arith.constant 0 : i32
      %parallel_loop3A_520 = arith.constant 0 : i32
      %parallel_loop3A_521 = arith.constant 0 : i32
      %parallel_loop3A_522 = tpu.memref_slice %arg7[%parallel_loop3A_518, %parallel_loop3A_519, %parallel_loop3A_520, %parallel_loop3A_521] : memref<2x80x1x128xf32, #tpu.memory_space<vmem>> -> memref<1x80x1x128xf32, #tpu.memory_space<vmem>>
      %parallel_loop3A_523 = tpu.memref_squeeze %parallel_loop3A_522 : memref<1x80x1x128xf32, #tpu.memory_space<vmem>> -> memref<80x1x128xf32, #tpu.memory_space<vmem>>
      tpu.vector_store_idx %parallel_loop3A_523[%parallel_loop3A_507, %broadcast_in_dim3A_74, %parallel_loop3A_510], %parallel_loop3A_517 {add = true} : memref<80x1x128xf32, #tpu.memory_space<vmem>>[vector<16xi32>, vector<16xi32>, vector<16xi32>], vector<16xf32>,
      %parallel_loop3A_524 = arith.constant 0 : i32
      %parallel_loop3A_525 = arith.constant 1 : i32
      %parallel_loop3A_526 = arith.index_cast %parallel_loop3A_524 : i32 to index
      %parallel_loop3A_527 = arith.index_cast %parallel_loop3A_419 : i32 to index
      %parallel_loop3A_528 = arith.index_cast %parallel_loop3A_525 : i32 to index
      %parallel_loop3A_529 = arith.constant 32 : index
      %parallel_loop3A_530 = tpu.vector_load %arg6[%parallel_loop3A_526, %parallel_loop3A_527, %parallel_loop3A_528, %parallel_loop3A_529] {strides = array<i32>} : memref<2x125x2x128xf32, #tpu.memory_space<vmem>>, vector<16xf32>,
      %parallel_loop3A_531 = arith.constant 1 : i32
      %parallel_loop3A_532 = arith.constant 0 : i32
      %parallel_loop3A_533 = arith.constant 0 : i32
      %parallel_loop3A_534 = arith.constant 0 : i32
      %parallel_loop3A_535 = tpu.memref_slice %arg7[%parallel_loop3A_531, %parallel_loop3A_532, %parallel_loop3A_533, %parallel_loop3A_534] : memref<2x80x1x128xf32, #tpu.memory_space<vmem>> -> memref<1x80x1x128xf32, #tpu.memory_space<vmem>>
      %parallel_loop3A_536 = tpu.memref_squeeze %parallel_loop3A_535 : memref<1x80x1x128xf32, #tpu.memory_space<vmem>> -> memref<80x1x128xf32, #tpu.memory_space<vmem>>
      tpu.vector_store_idx %parallel_loop3A_536[%parallel_loop3A_507, %broadcast_in_dim3A_74, %parallel_loop3A_510], %parallel_loop3A_530 {add = true} : memref<80x1x128xf32, #tpu.memory_space<vmem>>[vector<16xi32>, vector<16xi32>, vector<16xi32>], vector<16xf32>,
      %parallel_loop3A_537 = arith.constant 0 : i32
      %parallel_loop3A_538 = arith.constant 0 : i32
      %parallel_loop3A_539 = arith.index_cast %parallel_loop3A_537 : i32 to index
      %parallel_loop3A_540 = arith.index_cast %parallel_loop3A_419 : i32 to index
      %parallel_loop3A_541 = arith.index_cast %parallel_loop3A_538 : i32 to index
      %parallel_loop3A_542 = arith.constant 48 : index
      %parallel_loop3A_543 = tpu.vector_load %arg5[%parallel_loop3A_539, %parallel_loop3A_540, %parallel_loop3A_541, %parallel_loop3A_542] {strides = array<i32>} : memref<2x125x1x128xi32, #tpu.memory_space<vmem>>, vector<16xi32>,
      %parallel_loop3A_544 = arith.constant 7 : i32
      %parallel_loop3A_545 = vector.broadcast %parallel_loop3A_544 : i32 to vector<16xi32>
      %parallel_loop3A_546 = arith.shrsi %parallel_loop3A_543, %parallel_loop3A_545 : vector<16xi32>
      %parallel_loop3A_547 = arith.constant 127 : i32
      %parallel_loop3A_548 = vector.broadcast %parallel_loop3A_547 : i32 to vector<16xi32>
      %parallel_loop3A_549 = arith.andi %parallel_loop3A_543, %parallel_loop3A_548 : vector<16xi32>
      %parallel_loop3A_550 = arith.constant 0 : i32
      %parallel_loop3A_551 = arith.constant 0 : i32
      %parallel_loop3A_552 = arith.index_cast %parallel_loop3A_550 : i32 to index
      %parallel_loop3A_553 = arith.index_cast %parallel_loop3A_419 : i32 to index
      %parallel_loop3A_554 = arith.index_cast %parallel_loop3A_551 : i32 to index
      %parallel_loop3A_555 = arith.constant 48 : index
      %parallel_loop3A_556 = tpu.vector_load %arg6[%parallel_loop3A_552, %parallel_loop3A_553, %parallel_loop3A_554, %parallel_loop3A_555] {strides = array<i32>} : memref<2x125x2x128xf32, #tpu.memory_space<vmem>>, vector<16xf32>,
      %parallel_loop3A_557 = arith.constant 0 : i32
      %parallel_loop3A_558 = arith.constant 0 : i32
      %parallel_loop3A_559 = arith.constant 0 : i32
      %parallel_loop3A_560 = arith.constant 0 : i32
      %parallel_loop3A_561 = tpu.memref_slice %arg7[%parallel_loop3A_557, %parallel_loop3A_558, %parallel_loop3A_559, %parallel_loop3A_560] : memref<2x80x1x128xf32, #tpu.memory_space<vmem>> -> memref<1x80x1x128xf32, #tpu.memory_space<vmem>>
      %parallel_loop3A_562 = tpu.memref_squeeze %parallel_loop3A_561 : memref<1x80x1x128xf32, #tpu.memory_space<vmem>> -> memref<80x1x128xf32, #tpu.memory_space<vmem>>
      tpu.vector_store_idx %parallel_loop3A_562[%parallel_loop3A_546, %broadcast_in_dim3A_74, %parallel_loop3A_549], %parallel_loop3A_556 {add = true} : memref<80x1x128xf32, #tpu.memory_space<vmem>>[vector<16xi32>, vector<16xi32>, vector<16xi32>], vector<16xf32>,
      %parallel_loop3A_563 = arith.constant 0 : i32
      %parallel_loop3A_564 = arith.constant 1 : i32
      %parallel_loop3A_565 = arith.index_cast %parallel_loop3A_563 : i32 to index
      %parallel_loop3A_566 = arith.index_cast %parallel_loop3A_419 : i32 to index
      %parallel_loop3A_567 = arith.index_cast %parallel_loop3A_564 : i32 to index
      %parallel_loop3A_568 = arith.constant 48 : index
      %parallel_loop3A_569 = tpu.vector_load %arg6[%parallel_loop3A_565, %parallel_loop3A_566, %parallel_loop3A_567, %parallel_loop3A_568] {strides = array<i32>} : memref<2x125x2x128xf32, #tpu.memory_space<vmem>>, vector<16xf32>,
      %parallel_loop3A_570 = arith.constant 1 : i32
      %parallel_loop3A_571 = arith.constant 0 : i32
      %parallel_loop3A_572 = arith.constant 0 : i32
      %parallel_loop3A_573 = arith.constant 0 : i32
      %parallel_loop3A_574 = tpu.memref_slice %arg7[%parallel_loop3A_570, %parallel_loop3A_571, %parallel_loop3A_572, %parallel_loop3A_573] : memref<2x80x1x128xf32, #tpu.memory_space<vmem>> -> memref<1x80x1x128xf32, #tpu.memory_space<vmem>>
      %parallel_loop3A_575 = tpu.memref_squeeze %parallel_loop3A_574 : memref<1x80x1x128xf32, #tpu.memory_space<vmem>> -> memref<80x1x128xf32, #tpu.memory_space<vmem>>
      tpu.vector_store_idx %parallel_loop3A_575[%parallel_loop3A_546, %broadcast_in_dim3A_74, %parallel_loop3A_549], %parallel_loop3A_569 {add = true} : memref<80x1x128xf32, #tpu.memory_space<vmem>>[vector<16xi32>, vector<16xi32>, vector<16xi32>], vector<16xf32>,
      %parallel_loop3A_576 = arith.constant 0 : i32
      %parallel_loop3A_577 = arith.constant 0 : i32
      %parallel_loop3A_578 = arith.index_cast %parallel_loop3A_576 : i32 to index
      %parallel_loop3A_579 = arith.index_cast %parallel_loop3A_419 : i32 to index
      %parallel_loop3A_580 = arith.index_cast %parallel_loop3A_577 : i32 to index
      %parallel_loop3A_581 = arith.constant 64 : index
      %parallel_loop3A_582 = tpu.vector_load %arg5[%parallel_loop3A_578, %parallel_loop3A_579, %parallel_loop3A_580, %parallel_loop3A_581] {strides = array<i32>} : memref<2x125x1x128xi32, #tpu.memory_space<vmem>>, vector<16xi32>,
      %parallel_loop3A_583 = arith.constant 7 : i32
      %parallel_loop3A_584 = vector.broadcast %parallel_loop3A_583 : i32 to vector<16xi32>
      %parallel_loop3A_585 = arith.shrsi %parallel_loop3A_582, %parallel_loop3A_584 : vector<16xi32>
      %parallel_loop3A_586 = arith.constant 127 : i32
      %parallel_loop3A_587 = vector.broadcast %parallel_loop3A_586 : i32 to vector<16xi32>
      %parallel_loop3A_588 = arith.andi %parallel_loop3A_582, %parallel_loop3A_587 : vector<16xi32>
      %parallel_loop3A_589 = arith.constant 0 : i32
      %parallel_loop3A_590 = arith.constant 0 : i32
      %parallel_loop3A_591 = arith.index_cast %parallel_loop3A_589 : i32 to index
      %parallel_loop3A_592 = arith.index_cast %parallel_loop3A_419 : i32 to index
      %parallel_loop3A_593 = arith.index_cast %parallel_loop3A_590 : i32 to index
      %parallel_loop3A_594 = arith.constant 64 : index
      %parallel_loop3A_595 = tpu.vector_load %arg6[%parallel_loop3A_591, %parallel_loop3A_592, %parallel_loop3A_593, %parallel_loop3A_594] {strides = array<i32>} : memref<2x125x2x128xf32, #tpu.memory_space<vmem>>, vector<16xf32>,
      %parallel_loop3A_596 = arith.constant 0 : i32
      %parallel_loop3A_597 = arith.constant 0 : i32
      %parallel_loop3A_598 = arith.constant 0 : i32
      %parallel_loop3A_599 = arith.constant 0 : i32
      %parallel_loop3A_600 = tpu.memref_slice %arg7[%parallel_loop3A_596, %parallel_loop3A_597, %parallel_loop3A_598, %parallel_loop3A_599] : memref<2x80x1x128xf32, #tpu.memory_space<vmem>> -> memref<1x80x1x128xf32, #tpu.memory_space<vmem>>
      %parallel_loop3A_601 = tpu.memref_squeeze %parallel_loop3A_600 : memref<1x80x1x128xf32, #tpu.memory_space<vmem>> -> memref<80x1x128xf32, #tpu.memory_space<vmem>>
      tpu.vector_store_idx %parallel_loop3A_601[%parallel_loop3A_585, %broadcast_in_dim3A_74, %parallel_loop3A_588], %parallel_loop3A_595 {add = true} : memref<80x1x128xf32, #tpu.memory_space<vmem>>[vector<16xi32>, vector<16xi32>, vector<16xi32>], vector<16xf32>,
      %parallel_loop3A_602 = arith.constant 0 : i32
      %parallel_loop3A_603 = arith.constant 1 : i32
      %parallel_loop3A_604 = arith.index_cast %parallel_loop3A_602 : i32 to index
      %parallel_loop3A_605 = arith.index_cast %parallel_loop3A_419 : i32 to index
      %parallel_loop3A_606 = arith.index_cast %parallel_loop3A_603 : i32 to index
      %parallel_loop3A_607 = arith.constant 64 : index
      %parallel_loop3A_608 = tpu.vector_load %arg6[%parallel_loop3A_604, %parallel_loop3A_605, %parallel_loop3A_606, %parallel_loop3A_607] {strides = array<i32>} : memref<2x125x2x128xf32, #tpu.memory_space<vmem>>, vector<16xf32>,
      %parallel_loop3A_609 = arith.constant 1 : i32
      %parallel_loop3A_610 = arith.constant 0 : i32
      %parallel_loop3A_611 = arith.constant 0 : i32
      %parallel_loop3A_612 = arith.constant 0 : i32
      %parallel_loop3A_613 = tpu.memref_slice %arg7[%parallel_loop3A_609, %parallel_loop3A_610, %parallel_loop3A_611, %parallel_loop3A_612] : memref<2x80x1x128xf32, #tpu.memory_space<vmem>> -> memref<1x80x1x128xf32, #tpu.memory_space<vmem>>
      %parallel_loop3A_614 = tpu.memref_squeeze %parallel_loop3A_613 : memref<1x80x1x128xf32, #tpu.memory_space<vmem>> -> memref<80x1x128xf32, #tpu.memory_space<vmem>>
      tpu.vector_store_idx %parallel_loop3A_614[%parallel_loop3A_585, %broadcast_in_dim3A_74, %parallel_loop3A_588], %parallel_loop3A_608 {add = true} : memref<80x1x128xf32, #tpu.memory_space<vmem>>[vector<16xi32>, vector<16xi32>, vector<16xi32>], vector<16xf32>,
      %parallel_loop3A_615 = arith.constant 0 : i32
      %parallel_loop3A_616 = arith.constant 0 : i32
      %parallel_loop3A_617 = arith.index_cast %parallel_loop3A_615 : i32 to index
      %parallel_loop3A_618 = arith.index_cast %parallel_loop3A_419 : i32 to index
      %parallel_loop3A_619 = arith.index_cast %parallel_loop3A_616 : i32 to index
      %parallel_loop3A_620 = arith.constant 80 : index
      %parallel_loop3A_621 = tpu.vector_load %arg5[%parallel_loop3A_617, %parallel_loop3A_618, %parallel_loop3A_619, %parallel_loop3A_620] {strides = array<i32>} : memref<2x125x1x128xi32, #tpu.memory_space<vmem>>, vector<16xi32>,
      %parallel_loop3A_622 = arith.constant 7 : i32
      %parallel_loop3A_623 = vector.broadcast %parallel_loop3A_622 : i32 to vector<16xi32>
      %parallel_loop3A_624 = arith.shrsi %parallel_loop3A_621, %parallel_loop3A_623 : vector<16xi32>
      %parallel_loop3A_625 = arith.constant 127 : i32
      %parallel_loop3A_626 = vector.broadcast %parallel_loop3A_625 : i32 to vector<16xi32>
      %parallel_loop3A_627 = arith.andi %parallel_loop3A_621, %parallel_loop3A_626 : vector<16xi32>
      %parallel_loop3A_628 = arith.constant 0 : i32
      %parallel_loop3A_629 = arith.constant 0 : i32
      %parallel_loop3A_630 = arith.index_cast %parallel_loop3A_628 : i32 to index
      %parallel_loop3A_631 = arith.index_cast %parallel_loop3A_419 : i32 to index
      %parallel_loop3A_632 = arith.index_cast %parallel_loop3A_629 : i32 to index
      %parallel_loop3A_633 = arith.constant 80 : index
      %parallel_loop3A_634 = tpu.vector_load %arg6[%parallel_loop3A_630, %parallel_loop3A_631, %parallel_loop3A_632, %parallel_loop3A_633] {strides = array<i32>} : memref<2x125x2x128xf32, #tpu.memory_space<vmem>>, vector<16xf32>,
      %parallel_loop3A_635 = arith.constant 0 : i32
      %parallel_loop3A_636 = arith.constant 0 : i32
      %parallel_loop3A_637 = arith.constant 0 : i32
      %parallel_loop3A_638 = arith.constant 0 : i32
      %parallel_loop3A_639 = tpu.memref_slice %arg7[%parallel_loop3A_635, %parallel_loop3A_636, %parallel_loop3A_637, %parallel_loop3A_638] : memref<2x80x1x128xf32, #tpu.memory_space<vmem>> -> memref<1x80x1x128xf32, #tpu.memory_space<vmem>>
      %parallel_loop3A_640 = tpu.memref_squeeze %parallel_loop3A_639 : memref<1x80x1x128xf32, #tpu.memory_space<vmem>> -> memref<80x1x128xf32, #tpu.memory_space<vmem>>
      tpu.vector_store_idx %parallel_loop3A_640[%parallel_loop3A_624, %broadcast_in_dim3A_74, %parallel_loop3A_627], %parallel_loop3A_634 {add = true} : memref<80x1x128xf32, #tpu.memory_space<vmem>>[vector<16xi32>, vector<16xi32>, vector<16xi32>], vector<16xf32>,
      %parallel_loop3A_641 = arith.constant 0 : i32
      %parallel_loop3A_642 = arith.constant 1 : i32
      %parallel_loop3A_643 = arith.index_cast %parallel_loop3A_641 : i32 to index
      %parallel_loop3A_644 = arith.index_cast %parallel_loop3A_419 : i32 to index
      %parallel_loop3A_645 = arith.index_cast %parallel_loop3A_642 : i32 to index
      %parallel_loop3A_646 = arith.constant 80 : index
      %parallel_loop3A_647 = tpu.vector_load %arg6[%parallel_loop3A_643, %parallel_loop3A_644, %parallel_loop3A_645, %parallel_loop3A_646] {strides = array<i32>} : memref<2x125x2x128xf32, #tpu.memory_space<vmem>>, vector<16xf32>,
      %parallel_loop3A_648 = arith.constant 1 : i32
      %parallel_loop3A_649 = arith.constant 0 : i32
      %parallel_loop3A_650 = arith.constant 0 : i32
      %parallel_loop3A_651 = arith.constant 0 : i32
      %parallel_loop3A_652 = tpu.memref_slice %arg7[%parallel_loop3A_648, %parallel_loop3A_649, %parallel_loop3A_650, %parallel_loop3A_651] : memref<2x80x1x128xf32, #tpu.memory_space<vmem>> -> memref<1x80x1x128xf32, #tpu.memory_space<vmem>>
      %parallel_loop3A_653 = tpu.memref_squeeze %parallel_loop3A_652 : memref<1x80x1x128xf32, #tpu.memory_space<vmem>> -> memref<80x1x128xf32, #tpu.memory_space<vmem>>
      tpu.vector_store_idx %parallel_loop3A_653[%parallel_loop3A_624, %broadcast_in_dim3A_74, %parallel_loop3A_627], %parallel_loop3A_647 {add = true} : memref<80x1x128xf32, #tpu.memory_space<vmem>>[vector<16xi32>, vector<16xi32>, vector<16xi32>], vector<16xf32>,
      %parallel_loop3A_654 = arith.constant 0 : i32
      %parallel_loop3A_655 = arith.constant 0 : i32
      %parallel_loop3A_656 = arith.index_cast %parallel_loop3A_654 : i32 to index
      %parallel_loop3A_657 = arith.index_cast %parallel_loop3A_419 : i32 to index
      %parallel_loop3A_658 = arith.index_cast %parallel_loop3A_655 : i32 to index
      %parallel_loop3A_659 = arith.constant 96 : index
      %parallel_loop3A_660 = tpu.vector_load %arg5[%parallel_loop3A_656, %parallel_loop3A_657, %parallel_loop3A_658, %parallel_loop3A_659] {strides = array<i32>} : memref<2x125x1x128xi32, #tpu.memory_space<vmem>>, vector<16xi32>,
      %parallel_loop3A_661 = arith.constant 7 : i32
      %parallel_loop3A_662 = vector.broadcast %parallel_loop3A_661 : i32 to vector<16xi32>
      %parallel_loop3A_663 = arith.shrsi %parallel_loop3A_660, %parallel_loop3A_662 : vector<16xi32>
      %parallel_loop3A_664 = arith.constant 127 : i32
      %parallel_loop3A_665 = vector.broadcast %parallel_loop3A_664 : i32 to vector<16xi32>
      %parallel_loop3A_666 = arith.andi %parallel_loop3A_660, %parallel_loop3A_665 : vector<16xi32>
      %parallel_loop3A_667 = arith.constant 0 : i32
      %parallel_loop3A_668 = arith.constant 0 : i32
      %parallel_loop3A_669 = arith.index_cast %parallel_loop3A_667 : i32 to index
      %parallel_loop3A_670 = arith.index_cast %parallel_loop3A_419 : i32 to index
      %parallel_loop3A_671 = arith.index_cast %parallel_loop3A_668 : i32 to index
      %parallel_loop3A_672 = arith.constant 96 : index
      %parallel_loop3A_673 = tpu.vector_load %arg6[%parallel_loop3A_669, %parallel_loop3A_670, %parallel_loop3A_671, %parallel_loop3A_672] {strides = array<i32>} : memref<2x125x2x128xf32, #tpu.memory_space<vmem>>, vector<16xf32>,
      %parallel_loop3A_674 = arith.constant 0 : i32
      %parallel_loop3A_675 = arith.constant 0 : i32
      %parallel_loop3A_676 = arith.constant 0 : i32
      %parallel_loop3A_677 = arith.constant 0 : i32
      %parallel_loop3A_678 = tpu.memref_slice %arg7[%parallel_loop3A_674, %parallel_loop3A_675, %parallel_loop3A_676, %parallel_loop3A_677] : memref<2x80x1x128xf32, #tpu.memory_space<vmem>> -> memref<1x80x1x128xf32, #tpu.memory_space<vmem>>
      %parallel_loop3A_679 = tpu.memref_squeeze %parallel_loop3A_678 : memref<1x80x1x128xf32, #tpu.memory_space<vmem>> -> memref<80x1x128xf32, #tpu.memory_space<vmem>>
      tpu.vector_store_idx %parallel_loop3A_679[%parallel_loop3A_663, %broadcast_in_dim3A_74, %parallel_loop3A_666], %parallel_loop3A_673 {add = true} : memref<80x1x128xf32, #tpu.memory_space<vmem>>[vector<16xi32>, vector<16xi32>, vector<16xi32>], vector<16xf32>,
      %parallel_loop3A_680 = arith.constant 0 : i32
      %parallel_loop3A_681 = arith.constant 1 : i32
      %parallel_loop3A_682 = arith.index_cast %parallel_loop3A_680 : i32 to index
      %parallel_loop3A_683 = arith.index_cast %parallel_loop3A_419 : i32 to index
      %parallel_loop3A_684 = arith.index_cast %parallel_loop3A_681 : i32 to index
      %parallel_loop3A_685 = arith.constant 96 : index
      %parallel_loop3A_686 = tpu.vector_load %arg6[%parallel_loop3A_682, %parallel_loop3A_683, %parallel_loop3A_684, %parallel_loop3A_685] {strides = array<i32>} : memref<2x125x2x128xf32, #tpu.memory_space<vmem>>, vector<16xf32>,
      %parallel_loop3A_687 = arith.constant 1 : i32
      %parallel_loop3A_688 = arith.constant 0 : i32
      %parallel_loop3A_689 = arith.constant 0 : i32
      %parallel_loop3A_690 = arith.constant 0 : i32
      %parallel_loop3A_691 = tpu.memref_slice %arg7[%parallel_loop3A_687, %parallel_loop3A_688, %parallel_loop3A_689, %parallel_loop3A_690] : memref<2x80x1x128xf32, #tpu.memory_space<vmem>> -> memref<1x80x1x128xf32, #tpu.memory_space<vmem>>
      %parallel_loop3A_692 = tpu.memref_squeeze %parallel_loop3A_691 : memref<1x80x1x128xf32, #tpu.memory_space<vmem>> -> memref<80x1x128xf32, #tpu.memory_space<vmem>>
      tpu.vector_store_idx %parallel_loop3A_692[%parallel_loop3A_663, %broadcast_in_dim3A_74, %parallel_loop3A_666], %parallel_loop3A_686 {add = true} : memref<80x1x128xf32, #tpu.memory_space<vmem>>[vector<16xi32>, vector<16xi32>, vector<16xi32>], vector<16xf32>,
      %parallel_loop3A_693 = arith.constant 0 : i32
      %parallel_loop3A_694 = arith.constant 0 : i32
      %parallel_loop3A_695 = arith.index_cast %parallel_loop3A_693 : i32 to index
      %parallel_loop3A_696 = arith.index_cast %parallel_loop3A_419 : i32 to index
      %parallel_loop3A_697 = arith.index_cast %parallel_loop3A_694 : i32 to index
      %parallel_loop3A_698 = arith.constant 112 : index
      %parallel_loop3A_699 = tpu.vector_load %arg5[%parallel_loop3A_695, %parallel_loop3A_696, %parallel_loop3A_697, %parallel_loop3A_698] {strides = array<i32>} : memref<2x125x1x128xi32, #tpu.memory_space<vmem>>, vector<16xi32>,
      %parallel_loop3A_700 = arith.constant 7 : i32
      %parallel_loop3A_701 = vector.broadcast %parallel_loop3A_700 : i32 to vector<16xi32>
      %parallel_loop3A_702 = arith.shrsi %parallel_loop3A_699, %parallel_loop3A_701 : vector<16xi32>
      %parallel_loop3A_703 = arith.constant 127 : i32
      %parallel_loop3A_704 = vector.broadcast %parallel_loop3A_703 : i32 to vector<16xi32>
      %parallel_loop3A_705 = arith.andi %parallel_loop3A_699, %parallel_loop3A_704 : vector<16xi32>
      %parallel_loop3A_706 = arith.constant 0 : i32
      %parallel_loop3A_707 = arith.constant 0 : i32
      %parallel_loop3A_708 = arith.index_cast %parallel_loop3A_706 : i32 to index
      %parallel_loop3A_709 = arith.index_cast %parallel_loop3A_419 : i32 to index
      %parallel_loop3A_710 = arith.index_cast %parallel_loop3A_707 : i32 to index
      %parallel_loop3A_711 = arith.constant 112 : index
      %parallel_loop3A_712 = tpu.vector_load %arg6[%parallel_loop3A_708, %parallel_loop3A_709, %parallel_loop3A_710, %parallel_loop3A_711] {strides = array<i32>} : memref<2x125x2x128xf32, #tpu.memory_space<vmem>>, vector<16xf32>,
      %parallel_loop3A_713 = arith.constant 0 : i32
      %parallel_loop3A_714 = arith.constant 0 : i32
      %parallel_loop3A_715 = arith.constant 0 : i32
      %parallel_loop3A_716 = arith.constant 0 : i32
      %parallel_loop3A_717 = tpu.memref_slice %arg7[%parallel_loop3A_713, %parallel_loop3A_714, %parallel_loop3A_715, %parallel_loop3A_716] : memref<2x80x1x128xf32, #tpu.memory_space<vmem>> -> memref<1x80x1x128xf32, #tpu.memory_space<vmem>>
      %parallel_loop3A_718 = tpu.memref_squeeze %parallel_loop3A_717 : memref<1x80x1x128xf32, #tpu.memory_space<vmem>> -> memref<80x1x128xf32, #tpu.memory_space<vmem>>
      tpu.vector_store_idx %parallel_loop3A_718[%parallel_loop3A_702, %broadcast_in_dim3A_74, %parallel_loop3A_705], %parallel_loop3A_712 {add = true} : memref<80x1x128xf32, #tpu.memory_space<vmem>>[vector<16xi32>, vector<16xi32>, vector<16xi32>], vector<16xf32>,
      %parallel_loop3A_719 = arith.constant 0 : i32
      %parallel_loop3A_720 = arith.constant 1 : i32
      %parallel_loop3A_721 = arith.index_cast %parallel_loop3A_719 : i32 to index
      %parallel_loop3A_722 = arith.index_cast %parallel_loop3A_419 : i32 to index
      %parallel_loop3A_723 = arith.index_cast %parallel_loop3A_720 : i32 to index
      %parallel_loop3A_724 = arith.constant 112 : index
      %parallel_loop3A_725 = tpu.vector_load %arg6[%parallel_loop3A_721, %parallel_loop3A_722, %parallel_loop3A_723, %parallel_loop3A_724] {strides = array<i32>} : memref<2x125x2x128xf32, #tpu.memory_space<vmem>>, vector<16xf32>,
      %parallel_loop3A_726 = arith.constant 1 : i32
      %parallel_loop3A_727 = arith.constant 0 : i32
      %parallel_loop3A_728 = arith.constant 0 : i32
      %parallel_loop3A_729 = arith.constant 0 : i32
      %parallel_loop3A_730 = tpu.memref_slice %arg7[%parallel_loop3A_726, %parallel_loop3A_727, %parallel_loop3A_728, %parallel_loop3A_729] : memref<2x80x1x128xf32, #tpu.memory_space<vmem>> -> memref<1x80x1x128xf32, #tpu.memory_space<vmem>>
      %parallel_loop3A_731 = tpu.memref_squeeze %parallel_loop3A_730 : memref<1x80x1x128xf32, #tpu.memory_space<vmem>> -> memref<80x1x128xf32, #tpu.memory_space<vmem>>
      tpu.vector_store_idx %parallel_loop3A_731[%parallel_loop3A_702, %broadcast_in_dim3A_74, %parallel_loop3A_705], %parallel_loop3A_725 {add = true} : memref<80x1x128xf32, #tpu.memory_space<vmem>>[vector<16xi32>, vector<16xi32>, vector<16xi32>], vector<16xf32>,
    } {sc.loop_unroll_factor = 3 : i64, sc.parallel_access}
    %mul3A_410 = arith.constant 2 : i32
    %mul3A_411 = arith.muli %select_n3A, %mul3A_410 : i32
    %add3A_412 = arith.constant 0 : i32
    %add3A_413 = arith.addi %mul3A_411, %add3A_412 : i32
    %run_scoped3A = arith.constant 0 : i32
    "tpu.region"() ({
      %run_scoped3A_419 = tpu.sem_alloc : memref<!tpu.dma_semaphore, #tpu.memory_space<semaphore_mem>>
      %dma_start3A_420 = arith.constant 0 : i32
      %dma_start3A_421 = arith.constant 0 : i32
      %dma_start3A_422 = arith.constant 0 : i32
      %dma_start3A_423 = tpu.memref_slice %arg7[%run_scoped3A, %dma_start3A_420, %dma_start3A_421, %dma_start3A_422] : memref<2x80x1x128xf32, #tpu.memory_space<vmem>> -> memref<1x80x1x128xf32, #tpu.memory_space<vmem>>
      %dma_start3A_424 = tpu.memref_squeeze %dma_start3A_423 : memref<1x80x1x128xf32, #tpu.memory_space<vmem>> -> memref<80x1x128xf32, #tpu.memory_space<vmem>>
      %dma_start3A_425 = arith.constant 0 : i32
      %dma_start3A_426 = arith.constant 0 : i32
      %dma_start3A_427 = tpu.memref_slice %arg4[%select_n3A_28, %arg0, %dma_start3A_425, %add3A_413, %dma_start3A_426] : memref<4x2x80x8x128xf32, #tpu.memory_space<hbm>> -> memref<1x1x80x1x128xf32, #tpu.memory_space<hbm>>
      %dma_start3A_428 = tpu.memref_squeeze %dma_start3A_427 : memref<1x1x80x1x128xf32, #tpu.memory_space<hbm>> -> memref<80x1x128xf32, #tpu.memory_space<hbm>>
      %dma_start3A_429 = arith.constant 0 : i32
      %dma_start3A_430 = arith.constant 0 : i32
      %dma_start3A_431 = tpu.memref_slice %arg4[%select_n3A_28, %arg0, %dma_start3A_429, %add3A_413, %dma_start3A_430] : memref<4x2x80x8x128xf32, #tpu.memory_space<hbm>> -> memref<1x1x80x1x128xf32, #tpu.memory_space<hbm>>
      %dma_start3A_432 = tpu.memref_squeeze %dma_start3A_431 : memref<1x1x80x1x128xf32, #tpu.memory_space<hbm>> -> memref<80x1x128xf32, #tpu.memory_space<hbm>>
      %dma_start3A_433 = arith.constant 0 : i32
      %dma_start3A_434 = arith.constant 0 : i32
      %dma_start3A_435 = arith.constant 0 : i32
      %dma_start3A_436 = tpu.memref_slice %arg7[%run_scoped3A, %dma_start3A_433, %dma_start3A_434, %dma_start3A_435] : memref<2x80x1x128xf32, #tpu.memory_space<vmem>> -> memref<1x80x1x128xf32, #tpu.memory_space<vmem>>
      %dma_start3A_437 = tpu.memref_squeeze %dma_start3A_436 : memref<1x80x1x128xf32, #tpu.memory_space<vmem>> -> memref<80x1x128xf32, #tpu.memory_space<vmem>>
      tpu.enqueue_dma source(%dma_start3A_437 : memref<80x1x128xf32, #tpu.memory_space<vmem>>) target(%dma_start3A_432 : memref<80x1x128xf32, #tpu.memory_space<hbm>>) target_semaphore(%run_scoped3A_419 : memref<!tpu.dma_semaphore, #tpu.memory_space<semaphore_mem>>)
      %dma_wait3A_438 = arith.constant 0 : i32
      %dma_wait3A_439 = arith.constant 0 : i32
      %dma_wait3A_440 = arith.constant 0 : i32
      %dma_wait3A_441 = tpu.memref_slice %arg7[%run_scoped3A, %dma_wait3A_438, %dma_wait3A_439, %dma_wait3A_440] : memref<2x80x1x128xf32, #tpu.memory_space<vmem>> -> memref<1x80x1x128xf32, #tpu.memory_space<vmem>>
      %dma_wait3A_442 = tpu.memref_squeeze %dma_wait3A_441 : memref<1x80x1x128xf32, #tpu.memory_space<vmem>> -> memref<80x1x128xf32, #tpu.memory_space<vmem>>
      %dma_wait3A_443 = arith.constant 0 : i32
      %dma_wait3A_444 = arith.constant 0 : i32
      %dma_wait3A_445 = tpu.memref_slice %arg4[%select_n3A_28, %arg0, %dma_wait3A_443, %add3A_413, %dma_wait3A_444] : memref<4x2x80x8x128xf32, #tpu.memory_space<hbm>> -> memref<1x1x80x1x128xf32, #tpu.memory_space<hbm>>
      %dma_wait3A_446 = tpu.memref_squeeze %dma_wait3A_445 : memref<1x1x80x1x128xf32, #tpu.memory_space<hbm>> -> memref<80x1x128xf32, #tpu.memory_space<hbm>>
      %dma_wait3A_447 = arith.constant 0 : i32
      %dma_wait3A_448 = arith.constant 0 : i32
      %dma_wait3A_449 = tpu.memref_slice %arg4[%select_n3A_28, %arg0, %dma_wait3A_447, %add3A_413, %dma_wait3A_448] : memref<4x2x80x8x128xf32, #tpu.memory_space<hbm>> -> memref<1x1x80x1x128xf32, #tpu.memory_space<hbm>>
      %dma_wait3A_450 = tpu.memref_squeeze %dma_wait3A_449 : memref<1x1x80x1x128xf32, #tpu.memory_space<hbm>> -> memref<80x1x128xf32, #tpu.memory_space<hbm>>
      %dma_wait3A_451 = arith.constant 0 : i32
      %dma_wait3A_452 = arith.constant 0 : i32
      %dma_wait3A_453 = arith.constant 0 : i32
      %dma_wait3A_454 = tpu.memref_slice %arg7[%run_scoped3A, %dma_wait3A_451, %dma_wait3A_452, %dma_wait3A_453] : memref<2x80x1x128xf32, #tpu.memory_space<vmem>> -> memref<1x80x1x128xf32, #tpu.memory_space<vmem>>
      %dma_wait3A_455 = tpu.memref_squeeze %dma_wait3A_454 : memref<1x80x1x128xf32, #tpu.memory_space<vmem>> -> memref<80x1x128xf32, #tpu.memory_space<vmem>>
      tpu.wait_dma2 semaphore(%run_scoped3A_419 : memref<!tpu.dma_semaphore, #tpu.memory_space<semaphore_mem>>) src(%dma_wait3A_455 : memref<80x1x128xf32, #tpu.memory_space<vmem>>) dst(%dma_wait3A_450 : memref<80x1x128xf32, #tpu.memory_space<hbm>>)
      tpu.yield
    }) : () -> ()
    %mul3A_414 = arith.constant 2 : i32
    %mul3A_415 = arith.muli %select_n3A, %mul3A_414 : i32
    %add3A_416 = arith.constant 1 : i32
    %add3A_417 = arith.addi %mul3A_415, %add3A_416 : i32
    %run_scoped3A_418 = arith.constant 1 : i32
    "tpu.region"() ({
      %run_scoped3A_419 = tpu.sem_alloc : memref<!tpu.dma_semaphore, #tpu.memory_space<semaphore_mem>>
      %dma_start3A_420 = arith.constant 0 : i32
      %dma_start3A_421 = arith.constant 0 : i32
      %dma_start3A_422 = arith.constant 0 : i32
      %dma_start3A_423 = tpu.memref_slice %arg7[%run_scoped3A_418, %dma_start3A_420, %dma_start3A_421, %dma_start3A_422] : memref<2x80x1x128xf32, #tpu.memory_space<vmem>> -> memref<1x80x1x128xf32, #tpu.memory_space<vmem>>
      %dma_start3A_424 = tpu.memref_squeeze %dma_start3A_423 : memref<1x80x1x128xf32, #tpu.memory_space<vmem>> -> memref<80x1x128xf32, #tpu.memory_space<vmem>>
      %dma_start3A_425 = arith.constant 0 : i32
      %dma_start3A_426 = arith.constant 0 : i32
      %dma_start3A_427 = tpu.memref_slice %arg4[%select_n3A_28, %arg0, %dma_start3A_425, %add3A_417, %dma_start3A_426] : memref<4x2x80x8x128xf32, #tpu.memory_space<hbm>> -> memref<1x1x80x1x128xf32, #tpu.memory_space<hbm>>
      %dma_start3A_428 = tpu.memref_squeeze %dma_start3A_427 : memref<1x1x80x1x128xf32, #tpu.memory_space<hbm>> -> memref<80x1x128xf32, #tpu.memory_space<hbm>>
      %dma_start3A_429 = arith.constant 0 : i32
      %dma_start3A_430 = arith.constant 0 : i32
      %dma_start3A_431 = tpu.memref_slice %arg4[%select_n3A_28, %arg0, %dma_start3A_429, %add3A_417, %dma_start3A_430] : memref<4x2x80x8x128xf32, #tpu.memory_space<hbm>> -> memref<1x1x80x1x128xf32, #tpu.memory_space<hbm>>
      %dma_start3A_432 = tpu.memref_squeeze %dma_start3A_431 : memref<1x1x80x1x128xf32, #tpu.memory_space<hbm>> -> memref<80x1x128xf32, #tpu.memory_space<hbm>>
      %dma_start3A_433 = arith.constant 0 : i32
      %dma_start3A_434 = arith.constant 0 : i32
      %dma_start3A_435 = arith.constant 0 : i32
      %dma_start3A_436 = tpu.memref_slice %arg7[%run_scoped3A_418, %dma_start3A_433, %dma_start3A_434, %dma_start3A_435] : memref<2x80x1x128xf32, #tpu.memory_space<vmem>> -> memref<1x80x1x128xf32, #tpu.memory_space<vmem>>
      %dma_start3A_437 = tpu.memref_squeeze %dma_start3A_436 : memref<1x80x1x128xf32, #tpu.memory_space<vmem>> -> memref<80x1x128xf32, #tpu.memory_space<vmem>>
      tpu.enqueue_dma source(%dma_start3A_437 : memref<80x1x128xf32, #tpu.memory_space<vmem>>) target(%dma_start3A_432 : memref<80x1x128xf32, #tpu.memory_space<hbm>>) target_semaphore(%run_scoped3A_419 : memref<!tpu.dma_semaphore, #tpu.memory_space<semaphore_mem>>)
      %dma_wait3A_438 = arith.constant 0 : i32
      %dma_wait3A_439 = arith.constant 0 : i32
      %dma_wait3A_440 = arith.constant 0 : i32
      %dma_wait3A_441 = tpu.memref_slice %arg7[%run_scoped3A_418, %dma_wait3A_438, %dma_wait3A_439, %dma_wait3A_440] : memref<2x80x1x128xf32, #tpu.memory_space<vmem>> -> memref<1x80x1x128xf32, #tpu.memory_space<vmem>>
      %dma_wait3A_442 = tpu.memref_squeeze %dma_wait3A_441 : memref<1x80x1x128xf32, #tpu.memory_space<vmem>> -> memref<80x1x128xf32, #tpu.memory_space<vmem>>
      %dma_wait3A_443 = arith.constant 0 : i32
      %dma_wait3A_444 = arith.constant 0 : i32
      %dma_wait3A_445 = tpu.memref_slice %arg4[%select_n3A_28, %arg0, %dma_wait3A_443, %add3A_417, %dma_wait3A_444] : memref<4x2x80x8x128xf32, #tpu.memory_space<hbm>> -> memref<1x1x80x1x128xf32, #tpu.memory_space<hbm>>
      %dma_wait3A_446 = tpu.memref_squeeze %dma_wait3A_445 : memref<1x1x80x1x128xf32, #tpu.memory_space<hbm>> -> memref<80x1x128xf32, #tpu.memory_space<hbm>>
      %dma_wait3A_447 = arith.constant 0 : i32
      %dma_wait3A_448 = arith.constant 0 : i32
      %dma_wait3A_449 = tpu.memref_slice %arg4[%select_n3A_28, %arg0, %dma_wait3A_447, %add3A_417, %dma_wait3A_448] : memref<4x2x80x8x128xf32, #tpu.memory_space<hbm>> -> memref<1x1x80x1x128xf32, #tpu.memory_space<hbm>>
      %dma_wait3A_450 = tpu.memref_squeeze %dma_wait3A_449 : memref<1x1x80x1x128xf32, #tpu.memory_space<hbm>> -> memref<80x1x128xf32, #tpu.memory_space<hbm>>
      %dma_wait3A_451 = arith.constant 0 : i32
      %dma_wait3A_452 = arith.constant 0 : i32
      %dma_wait3A_453 = arith.constant 0 : i32
      %dma_wait3A_454 = tpu.memref_slice %arg7[%run_scoped3A_418, %dma_wait3A_451, %dma_wait3A_452, %dma_wait3A_453] : memref<2x80x1x128xf32, #tpu.memory_space<vmem>> -> memref<1x80x1x128xf32, #tpu.memory_space<vmem>>
      %dma_wait3A_455 = tpu.memref_squeeze %dma_wait3A_454 : memref<1x80x1x128xf32, #tpu.memory_space<vmem>> -> memref<80x1x128xf32, #tpu.memory_space<vmem>>
      tpu.wait_dma2 semaphore(%run_scoped3A_419 : memref<!tpu.dma_semaphore, #tpu.memory_space<semaphore_mem>>) src(%dma_wait3A_455 : memref<80x1x128xf32, #tpu.memory_space<vmem>>) dst(%dma_wait3A_450 : memref<80x1x128xf32, #tpu.memory_space<hbm>>)
      tpu.yield
    }) : () -> ()
    return
  }
}

module attributes {stable_mosaic.version = 14 : i64} {
  func.func @_final_body(%arg0: i32, %arg1: memref<10240x128xbf16, #tpu.memory_space<vmem>>, %arg2: memref<4x16x10240xf32, #tpu.memory_space<vmem>>, %arg3: memref<16x128xf32, #tpu.memory_space<vmem>>, %arg4: memref<128x128xf32, #tpu.memory_space<vmem>>, %arg5: memref<1x128xf32, #tpu.memory_space<vmem>>, %arg6: memref<10240x128xf32, #tpu.memory_space<vmem>>) attributes {dimension_semantics = [#tpu.dimension_semantics<arbitrary>], iteration_bounds = array<i64: 1>, scalar_prefetch = 0 : i64, scratch_operands = 0 : i64, tpu.core_type = #tpu.core_type<tc>, window_params = [{transform_indices = @transform_0, window_bounds = array<i64: 10240, 128>}, {transform_indices = @transform_1, window_bounds = array<i64: 4, 16, 10240>}, {pipeline_mode = #tpu.pipeline_mode<synchronous>, transform_indices = @transform_2, window_bounds = array<i64: 16, 128>}, {pipeline_mode = #tpu.pipeline_mode<synchronous>, transform_indices = @transform_3, window_bounds = array<i64: 128, 128>}, {pipeline_mode = #tpu.pipeline_mode<synchronous>, transform_indices = @transform_4, window_bounds = array<i64: 1, 128>}, {transform_indices = @transform_5, window_bounds = array<i64: 10240, 128>}]} {
    %get3A = arith.constant 0 : index
    %get3A_0 = arith.constant 0 : index
    %get3A_1 = arith.constant 0 : index
    %get3A_2 = vector.load %arg2[%get3A, %get3A_0, %get3A_1] : memref<4x16x10240xf32, #tpu.memory_space<vmem>>, vector<4x16x10240xf32>
    %slice3A = vector.extract_strided_slice %get3A_2 {offsets = [0, 0, 0], sizes = [1, 16, 10240], strides = [1, 1, 1]} : vector<4x16x10240xf32> to vector<1x16x10240xf32>
    %squeeze3A = vector.shape_cast %slice3A : vector<1x16x10240xf32> to vector<16x10240xf32>
    %slice3A_3 = vector.extract_strided_slice %get3A_2 {offsets = [1, 0, 0], sizes = [1, 16, 10240], strides = [1, 1, 1]} : vector<4x16x10240xf32> to vector<1x16x10240xf32>
    %squeeze3A_4 = vector.shape_cast %slice3A_3 : vector<1x16x10240xf32> to vector<16x10240xf32>
    %add3A = arith.addf %squeeze3A, %squeeze3A_4 : vector<16x10240xf32>
    %slice3A_5 = vector.extract_strided_slice %get3A_2 {offsets = [2, 0, 0], sizes = [1, 16, 10240], strides = [1, 1, 1]} : vector<4x16x10240xf32> to vector<1x16x10240xf32>
    %squeeze3A_6 = vector.shape_cast %slice3A_5 : vector<1x16x10240xf32> to vector<16x10240xf32>
    %add3A_7 = arith.addf %add3A, %squeeze3A_6 : vector<16x10240xf32>
    %slice3A_8 = vector.extract_strided_slice %get3A_2 {offsets = [3, 0, 0], sizes = [1, 16, 10240], strides = [1, 1, 1]} : vector<4x16x10240xf32> to vector<1x16x10240xf32>
    %squeeze3A_9 = vector.shape_cast %slice3A_8 : vector<1x16x10240xf32> to vector<16x10240xf32>
    %add3A_10 = arith.addf %add3A_7, %squeeze3A_9 : vector<16x10240xf32>
    %get3A_11 = arith.constant 0 : index
    %get3A_12 = arith.constant 0 : index
    %get3A_13 = vector.load %arg1[%get3A_11, %get3A_12] : memref<10240x128xbf16, #tpu.memory_space<vmem>>, vector<10240x128xbf16>
    %convert_element_type3A = arith.extf %get3A_13 : vector<10240x128xbf16> to vector<10240x128xf32>
    %get3A_14 = arith.constant 0 : index
    %get3A_15 = arith.constant 0 : index
    %get3A_16 = vector.load %arg3[%get3A_14, %get3A_15] : memref<16x128xf32, #tpu.memory_space<vmem>>, vector<16x128xf32>
    %dot_general3A = arith.constant dense<0.000000e+00> : vector<10240x128xf32>
    %dot_general3A_17 = tpu.matmul %add3A_10, %get3A_16, %dot_general3A {dimension_numbers = #tpu.dot_dimension_numbers<[0], [0], [1], [1], [0, 1, 1, 1], [], []>, transpose_lhs_hint = false} : vector<16x10240xf32>, vector<16x128xf32>, vector<10240x128xf32> -> vector<10240x128xf32>
    %add3A_18 = arith.addf %convert_element_type3A, %dot_general3A_17 : vector<10240x128xf32>
    %max3A = arith.constant 0.000000e+00 : f32
    %max3A_19 = vector.broadcast %max3A : f32 to vector<10240x128xf32>
    %max3A_20 = arith.maximumf %add3A_18, %max3A_19 : vector<10240x128xf32>
    %get3A_21 = arith.constant 0 : index
    %get3A_22 = arith.constant 0 : index
    %get3A_23 = vector.load %arg4[%get3A_21, %get3A_22] : memref<128x128xf32, #tpu.memory_space<vmem>>, vector<128x128xf32>
    %dot_general3A_24 = arith.constant dense<0.000000e+00> : vector<10240x128xf32>
    %dot_general3A_25 = tpu.matmul %max3A_20, %get3A_23, %dot_general3A_24 {dimension_numbers = #tpu.dot_dimension_numbers<[1], [0], [0], [1], [0, 0, 1, 1], [], []>, transpose_lhs_hint = false} : vector<10240x128xf32>, vector<128x128xf32>, vector<10240x128xf32> -> vector<10240x128xf32>
    %get3A_26 = arith.constant 0 : index
    %get3A_27 = arith.constant 0 : index
    %get3A_28 = vector.load %arg5[%get3A_26, %get3A_27] : memref<1x128xf32, #tpu.memory_space<vmem>>, vector<1x128xf32>
    %add3A_29 = vector.broadcast %get3A_28 : vector<1x128xf32> to vector<10240x128xf32>
    %add3A_30 = arith.addf %dot_general3A_25, %add3A_29 : vector<10240x128xf32>
    %swap3A = arith.constant 0 : index
    %swap3A_31 = arith.constant 0 : index
    %swap3A_32 = vector.load %arg6[%swap3A, %swap3A_31] : memref<10240x128xf32, #tpu.memory_space<vmem>>, vector<10240x128xf32>
    tpu.vector_store %arg6[%swap3A, %swap3A_31], %add3A_30 {strides = array<i32>} : memref<10240x128xf32, #tpu.memory_space<vmem>>, vector<10240x128xf32>,
    return
  }
  func.func @transform_0(%arg0: i32) -> (i32, i32) {
    %c0_i32 = arith.constant 0 : i32
    %c0_i32_0 = arith.constant 0 : i32
    return %arg0, %c0_i32 : i32, i32
  }
  func.func @transform_1(%arg0: i32) -> (i32, i32, i32) {
    %c0_i32 = arith.constant 0 : i32
    %c0_i32_0 = arith.constant 0 : i32
    %c0_i32_1 = arith.constant 0 : i32
    return %c0_i32, %c0_i32_0, %arg0 : i32, i32, i32
  }
  func.func @transform_2(%arg0: i32) -> (i32, i32) {
    %c0_i32 = arith.constant 0 : i32
    %c0_i32_0 = arith.constant 0 : i32
    %c0_i32_1 = arith.constant 0 : i32
    return %c0_i32, %c0_i32_0 : i32, i32
  }
  func.func @transform_3(%arg0: i32) -> (i32, i32) {
    %c0_i32 = arith.constant 0 : i32
    %c0_i32_0 = arith.constant 0 : i32
    %c0_i32_1 = arith.constant 0 : i32
    return %c0_i32, %c0_i32_0 : i32, i32
  }
  func.func @transform_4(%arg0: i32) -> (i32, i32) {
    %c0_i32 = arith.constant 0 : i32
    %c0_i32_0 = arith.constant 0 : i32
    %c0_i32_1 = arith.constant 0 : i32
    return %c0_i32, %c0_i32_0 : i32, i32
  }
  func.func @transform_5(%arg0: i32) -> (i32, i32) {
    %c0_i32 = arith.constant 0 : i32
    %c0_i32_0 = arith.constant 0 : i32
    return %arg0, %c0_i32 : i32, i32
  }
}

module attributes {stable_mosaic.version = 14 : i64} {
  func.func @_dense_body(%arg0: i32, %arg1: memref<10240x128xf32, #tpu.memory_space<vmem>>, %arg2: memref<10240x128xf32, #tpu.memory_space<vmem>>, %arg3: memref<10240x128xf32, #tpu.memory_space<vmem>>, %arg4: memref<128x128xf32, #tpu.memory_space<vmem>>, %arg5: memref<128x128xf32, #tpu.memory_space<vmem>>, %arg6: memref<128x128xf32, #tpu.memory_space<vmem>>, %arg7: memref<1x128xf32, #tpu.memory_space<vmem>>, %arg8: memref<10240x128xbf16, #tpu.memory_space<vmem>>) attributes {dimension_semantics = [#tpu.dimension_semantics<arbitrary>], iteration_bounds = array<i64: 1>, scalar_prefetch = 0 : i64, scratch_operands = 0 : i64, tpu.core_type = #tpu.core_type<tc>, window_params = [{transform_indices = @transform_0, window_bounds = array<i64: 10240, 128>}, {transform_indices = @transform_1, window_bounds = array<i64: 10240, 128>}, {transform_indices = @transform_2, window_bounds = array<i64: 10240, 128>}, {pipeline_mode = #tpu.pipeline_mode<synchronous>, transform_indices = @transform_3, window_bounds = array<i64: 128, 128>}, {pipeline_mode = #tpu.pipeline_mode<synchronous>, transform_indices = @transform_4, window_bounds = array<i64: 128, 128>}, {pipeline_mode = #tpu.pipeline_mode<synchronous>, transform_indices = @transform_5, window_bounds = array<i64: 128, 128>}, {pipeline_mode = #tpu.pipeline_mode<synchronous>, transform_indices = @transform_6, window_bounds = array<i64: 1, 128>}, {transform_indices = @transform_7, window_bounds = array<i64: 10240, 128>}]} {
    %get3A = arith.constant 0 : index
    %get3A_0 = arith.constant 0 : index
    %get3A_1 = vector.load %arg1[%get3A, %get3A_0] : memref<10240x128xf32, #tpu.memory_space<vmem>>, vector<10240x128xf32>
    %get3A_2 = arith.constant 0 : index
    %get3A_3 = arith.constant 0 : index
    %get3A_4 = vector.load %arg4[%get3A_2, %get3A_3] : memref<128x128xf32, #tpu.memory_space<vmem>>, vector<128x128xf32>
    %dot_general3A = arith.constant dense<0.000000e+00> : vector<10240x128xf32>
    %dot_general3A_5 = tpu.matmul %get3A_1, %get3A_4, %dot_general3A {dimension_numbers = #tpu.dot_dimension_numbers<[1], [0], [0], [1], [0, 0, 1, 1], [], []>, transpose_lhs_hint = false} : vector<10240x128xf32>, vector<128x128xf32>, vector<10240x128xf32> -> vector<10240x128xf32>
    %get3A_6 = arith.constant 0 : index
    %get3A_7 = arith.constant 0 : index
    %get3A_8 = vector.load %arg2[%get3A_6, %get3A_7] : memref<10240x128xf32, #tpu.memory_space<vmem>>, vector<10240x128xf32>
    %get3A_9 = arith.constant 0 : index
    %get3A_10 = arith.constant 0 : index
    %get3A_11 = vector.load %arg5[%get3A_9, %get3A_10] : memref<128x128xf32, #tpu.memory_space<vmem>>, vector<128x128xf32>
    %dot_general3A_12 = arith.constant dense<0.000000e+00> : vector<10240x128xf32>
    %dot_general3A_13 = tpu.matmul %get3A_8, %get3A_11, %dot_general3A_12 {dimension_numbers = #tpu.dot_dimension_numbers<[1], [0], [0], [1], [0, 0, 1, 1], [], []>, transpose_lhs_hint = false} : vector<10240x128xf32>, vector<128x128xf32>, vector<10240x128xf32> -> vector<10240x128xf32>
    %add3A = arith.addf %dot_general3A_5, %dot_general3A_13 : vector<10240x128xf32>
    %get3A_14 = arith.constant 0 : index
    %get3A_15 = arith.constant 0 : index
    %get3A_16 = vector.load %arg3[%get3A_14, %get3A_15] : memref<10240x128xf32, #tpu.memory_space<vmem>>, vector<10240x128xf32>
    %get3A_17 = arith.constant 0 : index
    %get3A_18 = arith.constant 0 : index
    %get3A_19 = vector.load %arg6[%get3A_17, %get3A_18] : memref<128x128xf32, #tpu.memory_space<vmem>>, vector<128x128xf32>
    %dot_general3A_20 = arith.constant dense<0.000000e+00> : vector<10240x128xf32>
    %dot_general3A_21 = tpu.matmul %get3A_16, %get3A_19, %dot_general3A_20 {dimension_numbers = #tpu.dot_dimension_numbers<[1], [0], [0], [1], [0, 0, 1, 1], [], []>, transpose_lhs_hint = false} : vector<10240x128xf32>, vector<128x128xf32>, vector<10240x128xf32> -> vector<10240x128xf32>
    %add3A_22 = arith.addf %add3A, %dot_general3A_21 : vector<10240x128xf32>
    %get3A_23 = arith.constant 0 : index
    %get3A_24 = arith.constant 0 : index
    %get3A_25 = vector.load %arg7[%get3A_23, %get3A_24] : memref<1x128xf32, #tpu.memory_space<vmem>>, vector<1x128xf32>
    %add3A_26 = vector.broadcast %get3A_25 : vector<1x128xf32> to vector<10240x128xf32>
    %add3A_27 = arith.addf %add3A_22, %add3A_26 : vector<10240x128xf32>
    %convert_element_type3A = arith.truncf %add3A_27 : vector<10240x128xf32> to vector<10240x128xbf16>
    %swap3A = arith.constant 0 : index
    %swap3A_28 = arith.constant 0 : index
    %swap3A_29 = vector.load %arg8[%swap3A, %swap3A_28] : memref<10240x128xbf16, #tpu.memory_space<vmem>>, vector<10240x128xbf16>
    tpu.vector_store %arg8[%swap3A, %swap3A_28], %convert_element_type3A {strides = array<i32>} : memref<10240x128xbf16, #tpu.memory_space<vmem>>, vector<10240x128xbf16>,
    return
  }
  func.func @transform_0(%arg0: i32) -> (i32, i32) {
    %c0_i32 = arith.constant 0 : i32
    %c0_i32_0 = arith.constant 0 : i32
    return %arg0, %c0_i32 : i32, i32
  }
  func.func @transform_1(%arg0: i32) -> (i32, i32) {
    %c0_i32 = arith.constant 0 : i32
    %c0_i32_0 = arith.constant 0 : i32
    return %arg0, %c0_i32 : i32, i32
  }
  func.func @transform_2(%arg0: i32) -> (i32, i32) {
    %c0_i32 = arith.constant 0 : i32
    %c0_i32_0 = arith.constant 0 : i32
    return %arg0, %c0_i32 : i32, i32
  }
  func.func @transform_3(%arg0: i32) -> (i32, i32) {
    %c0_i32 = arith.constant 0 : i32
    %c0_i32_0 = arith.constant 0 : i32
    %c0_i32_1 = arith.constant 0 : i32
    return %c0_i32, %c0_i32_0 : i32, i32
  }
  func.func @transform_4(%arg0: i32) -> (i32, i32) {
    %c0_i32 = arith.constant 0 : i32
    %c0_i32_0 = arith.constant 0 : i32
    %c0_i32_1 = arith.constant 0 : i32
    return %c0_i32, %c0_i32_0 : i32, i32
  }
  func.func @transform_5(%arg0: i32) -> (i32, i32) {
    %c0_i32 = arith.constant 0 : i32
    %c0_i32_0 = arith.constant 0 : i32
    %c0_i32_1 = arith.constant 0 : i32
    return %c0_i32, %c0_i32_0 : i32, i32
  }
  func.func @transform_6(%arg0: i32) -> (i32, i32) {
    %c0_i32 = arith.constant 0 : i32
    %c0_i32_0 = arith.constant 0 : i32
    %c0_i32_1 = arith.constant 0 : i32
    return %c0_i32, %c0_i32_0 : i32, i32
  }
  func.func @transform_7(%arg0: i32) -> (i32, i32) {
    %c0_i32 = arith.constant 0 : i32
    %c0_i32_0 = arith.constant 0 : i32
    return %arg0, %c0_i32 : i32, i32
  }
}

</mosaic_0001>

<sc_bundles>
// kernel: kernel.5.cloned.1.call-start
scs
__scs_entry_jumppad:
0x0: {  	(pc) =	sbr.rel $0x88, $3  }
0x1: {  	(tag) =	ssettag $0x0;
	lr =	simm.s32 $0x1  }
0x2: {  	[smem:$0x3F98] =	sst lr;
	_ =	strace $0xD0000000  }
0x3: {  	_ = 	snop  }
0x4: {  	_ = 	snop  }
0x5: {  	_ = 	snop  }
0x6: {  	_ = 	snop  }
0x7: {  	_ = 	snop  }
__scs_overlays_trampoline_lowered:
0x8: {  	[smem:$0x3FA7] =	sst s0  }
0x9: {  	[smem:$0x3FA8] =	sst s1  }
0xa: {  	[smem:$0x3FA9] =	sst s2  }
0xb: {  	[smem:$0x3FAA] =	sst s3  }
0xc: {  	[smem:$0x3FAB] =	sst s4  }
0xd: {  	[smem:$0x3FAC] =	sst s5  }
0xe: {  	[smem:$0x3FAD] =	sst s6  }
0xf: {  	[smem:$0x3FAE] =	sst s7  }
0x10: {  	[smem:$0x3FAF] =	sst s8  }
0x11: {  	[smem:$0x3FB0] =	sst s9;
	s0 =	simm.s32 @!p0 $0x0  }
0x12: {  	s1 =	sld [smem:$0x3F96];
	s0 =	simm.s32 @p0 $0x1  }
0x13: {  	[smem:$0x3FB1] =	sst s0;
	s0 =	simm.s32 @!p1 $0x0  }
0x14: {  	s2 =	sld [smem:$0x3F95];
	s0 =	simm.s32 @p1 $0x1  }
0x15: {  	[smem:$0x3FB2] =	sst s0;
	s0 =	simm.s32 @!p2 $0x0  }
0x16: {  	s3 =	sld [smem:$0x3FDB];
	s0 =	simm.s32 @p2 $0x1  }
0x17: {  	s4 =	simm.s32 $0x1BF5;
	[smem:$0x3FB4] =	sst s0  }
0x18: {  	s0 =	sld [smem:$0x3F97];
	_ =	swait.ge [sflag:s4], $0x0  }
0x19: {  	s7 =	sld [smem:$0x3F98]  }
0x1a: {  	s8 =	sadd.s32 $0xFFFFE003, lr  }
0x1b: {  	s9 =	sadd.s32 $0xFFFFFEF7, lr;
	s5 =	simm.s32 $0xFFFFFFFF;
	p2 =	slt.u32 s8, $0xFFFFF086  }
0x1c: {  	p1 =	slt.u32 s9, $0xF7A;
	s5 =	simm.s32 @!p2 $0x0  }
0x1d: {  	s5 =	simm.s32 @p1 $0x1;
	p0 =	seq.s32 s7, s2  }
0x1e: {  	s7 =	smul.u32 @!p0 $0xF7A, s2;
	p2 =	seq.s32 @!p0 s5, $0x0  }
0x1f: {  	s9 =	smul.u32 $0xF7A, s1;
	s8 =	simm.s32 @!p0 $0x1BF5;
	p2 =	por !p2, p0  }
0x20: {  	[sflag:s8] =	ssyncset.s32 @!p0 $0xFFFFF086;
	s6 =	sadd.s32 @!p0 s3, s7;
	s7 =	simm.s32 @!p0 $0x108  }
0x21: {  	s3 =	sadd.s32 s3, s9;
	s6 =	sadd.s32 @!p0 $0x88, s6;
	s7 =	simm.s32 @p2 $0x1082  }
0x22: {  	[simem:s7], [sflag:s8] =	dma.local @!p0 [hbm:s6], $0xF7A  }
0x23: {  	s9 =	sor.u32 $0xD0000000, s2;
	s6 =	simm.s32 $0x108;
	_ =	swait.ge @!p0 [sflag:s8], $0x0  }
0x24: {  	s3 =	sadd.s32 $0x88, s3;
	s6 =	simm.s32 @!p1 $0x1082;
	[sflag:s4] =	ssyncset.s32 $0xFFFFF086  }
0x25: {  	[simem:s6], [sflag:s4] =	dma.local [hbm:s3], $0xF7A  }
0x26: {  	[smem:$0x3F98] =	sst s1;
	(tag) =	ssettag s2;
	_ =	strace s9  }
0x27: {  	s1 =	sld [smem:$0x3FA8]  }
0x28: {  	s2 =	sld [smem:$0x3FA9]  }
0x29: {  	s4 =	sld [smem:$0x3FAB]  }
0x2a: {  	p0 =	seq.s32 s5, $0x0;
	s5 =	sld [smem:$0x3FAC]  }
0x2b: {  	s6 =	sld [smem:$0x3FAD]  }
0x2c: {  	s7 =	sld [smem:$0x3FAE]  }
0x2d: {  	s3 =	simm.s32 $0x108;
	s8 =	sld [smem:$0x3FAF]  }
0x2e: {  	s3 =	simm.s32 @!p0 $0x1082;
	s9 =	sld [smem:$0x3FB0]  }
0x2f: {  	lr =	sadd.s32 s0, s3;
	s0 =	sld [smem:$0x3FA7]  }
0x30: {  	s3 =	sld [smem:$0x3FAA]  }
0x31: {  	[smem:$0x3FB3] =	sst s10  }
0x32: {  	s10 =	sld [smem:$0x3FB1];
	_ =	sdelay $0x3  }
0x33: {  	p0 =	seq.s32 s10, $0x1;
	s10 =	sld [smem:$0x3FB3];
	_ =	sdelay $0x3  }
0x34: {  	[smem:$0x3FB3] =	sst s10  }
0x35: {  	s10 =	sld [smem:$0x3FB2];
	_ =	sdelay $0x3  }
0x36: {  	p1 =	seq.s32 s10, $0x1;
	s10 =	sld [smem:$0x3FB3];
	_ =	sdelay $0x3  }
0x37: {  	[smem:$0x3FB3] =	sst s10  }
0x38: {  	s10 =	sld [smem:$0x3FB4]  }
0x39: {  	_ = 	snop;
	(pc) =	sbr.ind lr, $3  }
0x3a: {  	_ = 	snop  }
0x3b: {  	_ = 	snop  }
0x3c: {  	p2 =	seq.s32 s10, $0x1;
	s10 =	sld [smem:$0x3FB3]  }
0x3d: {  	_ =	shalt  }
0x3e: {  	_ =	shalt  }
0x3f: {  	_ =	shalt  }
0x40: {  	_ =	shalt  }
0x41: {  	_ =	shalt  }
0x42: {  	_ =	shalt  }
0x43: {  	_ =	shalt  }
0x44: {  	_ =	shalt  }
0x45: {  	_ =	shalt  }
0x46: {  	_ =	shalt  }
0x47: {  	_ =	shalt  }
0x48: {  	_ =	shalt  }
0x49: {  	_ =	shalt  }
0x4a: {  	_ =	shalt  }
0x4b: {  	_ =	shalt  }
0x4c: {  	_ =	shalt  }
0x4d: {  	_ =	shalt  }
0x4e: {  	_ =	shalt  }
0x4f: {  	_ =	shalt  }
0x50: {  	_ =	shalt  }
0x51: {  	_ =	shalt  }
0x52: {  	_ =	shalt  }
0x53: {  	_ =	shalt  }
0x54: {  	_ =	shalt  }
0x55: {  	_ =	shalt  }
0x56: {  	_ =	shalt  }
0x57: {  	_ =	shalt  }
0x58: {  	_ =	shalt  }
0x59: {  	_ =	shalt  }
0x5a: {  	_ =	shalt  }
0x5b: {  	_ =	shalt  }
0x5c: {  	_ =	shalt  }
0x5d: {  	_ =	shalt  }
0x5e: {  	_ =	shalt  }
0x5f: {  	_ =	shalt  }
0x60: {  	_ =	shalt  }
0x61: {  	_ =	shalt  }
0x62: {  	_ =	shalt  }
0x63: {  	_ =	shalt  }
0x64: {  	_ =	shalt  }
0x65: {  	_ =	shalt  }
0x66: {  	_ =	shalt  }
0x67: {  	_ =	shalt  }
0x68: {  	_ =	shalt  }
0x69: {  	_ =	shalt  }
0x6a: {  	_ =	shalt  }
0x6b: {  	_ =	shalt  }
0x6c: {  	_ =	shalt  }
0x6d: {  	_ =	shalt  }
0x6e: {  	_ =	shalt  }
0x6f: {  	_ =	shalt  }
0x70: {  	_ =	shalt  }
0x71: {  	_ =	shalt  }
0x72: {  	_ =	shalt  }
0x73: {  	_ =	shalt  }
0x74: {  	_ =	shalt  }
0x75: {  	_ =	shalt  }
0x76: {  	_ =	shalt  }
0x77: {  	_ =	shalt  }
0x78: {  	_ =	shalt  }
0x79: {  	_ =	shalt  }
0x7a: {  	_ =	shalt  }
0x7b: {  	_ =	shalt  }
0x7c: {  	_ =	shalt  }
0x7d: {  	_ =	shalt  }
0x7e: {  	_ =	shalt  }
0x7f: {  	_ =	shalt  }
0x80: {  	_ =	shalt  }
0x81: {  	_ =	shalt  }
0x82: {  	_ =	shalt  }
0x83: {  	_ =	shalt  }
0x84: {  	_ =	shalt  }
0x85: {  	_ =	shalt  }
0x86: {  	_ =	shalt  }
0x87: {  	_ =	shalt  }
.Lfunc_end0:
.L_simem_size_0:
called_computation_lowered:
.L_overlay_start_0:
0x88: {  	s2 =	sld [smem:$0x3FD9]  }
0x89: {  	s3 =	sld [smem:$0x3FFE];
	_ =	sdelay $0x1  }
0x8a: {  	s1 =	srdreg.scid  }
0x8b: {  	s0 =	sand.u32 $0x1, s1  }
0x8c: {  	s18 =	sshll.u32 s0, $0xA;
	s2 =	sadd.s32 s3, s2  }
0x8d: {  	s2 =	sadd.s32 s2, s18  }
0x8e: {  	[smem:$0x3FBF] =	sst s2  }
0x8f: {  	_ = 	snop  }
0x90: {  	s2 =	sld [smem:$0x3FC6]  }
0x91: {  	s19 =	sld [smem:$0x3FC5]  }
0x92: {  	s4 =	sld [smem:$0x3FD0];
	(tm) =	ssettm $0x1  }
0x93: {  	s5 =	sld [smem:$0x3FFB];
	_ =	sdelay $0x3  }
0x94: {  	_ =	strace s5  }
0x95: {  	s5 =	sld [smem:$0x3FFC];
	_ =	sdelay $0x3  }
0x96: {  	_ =	strace s5  }
0x97: {  	s5 =	sld [smem:$0x3FFD];
	_ =	sdelay $0x3  }
0x98: {  	_ =	strace s5  }
0x99: {  	_ =	strace $0x8FFFFFFF  }
0x9a: {  	s20 =	sld [smem:$0x3FDB];
	_ =	sdelay $0x1  }
0x9b: {  	s6 =	simm.s32 $_scs_section_size  }
0x9c: {  	s7 =	simm.s32 $_size__tile_overlayer_lowered;
	s8 =	simm.s32 $_tile_overlayer_lowered  }
0x9d: {  	s23 =	simm.s32 $0x1BFF;
	s22 =	sshll.u32 s8, $0x1;
	s5 =	sadd.s32 s6, s20  }
0x9e: {  	s9 =	simm.s32 $0x0;
	s21 =	sshll.u32 s7, $0x1;
	s7 =	sadd.s32 s22, s5  }
0x9f: {  	[timem:s9], [sflag:s23] =	dma.local [hbm:s7], s21  }
0xa0: {  	_ =	swait.ge [sflag:s23], s21  }
0xa1: {  	s6 =	ssub.s32 $0x0, s21;
	[sflag:s23] =	ssyncset.done $0x0  }
0xa2: {  	[sflag:s23] =	ssyncadd.s32 s6;
	_ =	sdelay $0x1  }
0xa3: {  	s24 =	simm.s32 $0x1B8B  }
0xa4: {  	_ =	swait.ge [sflag:s24], $0x1  }
0xa5: {  	[sflag:s24] =	ssyncset.done $0x0  }
0xa6: {  	s25 =	simm.s32 $0x1B8E;
	[sflag:s24] =	ssyncadd.s32 $0xFFFFFFFF  }
0xa7: {  	s26 =	simm.s32 $execute0_lowered;
	[smem:$0x3FD2] =	sst s25  }
0xa8: {  	s6 =	sshll.u32 s26, $0x1;
	_ =	strace $0x80000046;
	[dreg:$0x1] =	wrdreg $0xFFFFFFFF  }
0xa9: {  	s28 =	simm.s32 $_size_execute0_lowered;
	s5 =	sadd.s32 s5, s6;
	[dreg:$0x0] =	wrdreg $0x0  }
0xaa: {  	s6 =	sshll.u32 s28, $0x1;
	[dreg:$0x2] =	wrdreg s5  }
0xab: {  	[dreg:$0x3] =	wrdreg s6  }
0xac: {  	[dreg:$0x4] =	wrdreg $0xC0  }
0xad: {  	_ =	task [dreg:s9], $0x5FFFF  }
0xae: {  	[dreg:$0x1] =	wrdreg $0xFFFFFFFF  }
0xaf: {  	[dreg:$0x0] =	wrdreg $0x60  }
0xb0: {  	[dreg:$0x2] =	wrdreg s2  }
0xb1: {  	[dreg:$0x3] =	wrdreg s19  }
0xb2: {  	[dreg:$0x4] =	wrdreg s4  }
0xb3: {  	[dreg:$0x5] =	wrdreg $0x9  }
0xb4: {  	_ =	task.clear_ibuf [dreg:s9], $0x6FFFF;
	_ =	strace $0x90000046  }
0xb5: {  	s29 =	simm.s32 $0x9;
	_ =	strace $0x80000048  }
0xb6: {  	_ =	swait.ge [sflag:s29], $0x1  }
0xb7: {  	[sflag:s29] =	ssyncadd.s32 $0xFFFFFFFF  }
0xb8: {  	_ =	strace $0x90000048  }
0xb9: {  	_ =	sfence  }
0xba: {  	s30 =	sld [smem:$0x0];
	_ =	sdelay $0x2  }
0xbb: {  	s31 =	sshll.u32 s1, $0xD;
	s1 =	sshrl.u32 s1, $0x2  }
0xbc: {  	s3 =	sand.u32 $0x4000, s31;
	s1 =	sadd.s32 s1, s30  }
0xbd: {  	s0 =	sor.u32 s3, s0;
	s1 =	sshll.u32 s1, $0x11  }
0xbe: {  	s0 =	sor.u32 s1, s0  }
0xbf: {  	s0 =	sadd.s32 $0x8F2B, s0  }
0xc0: {  	[sflag:s0] =	ssyncadd.remote.s32 $0x1  }
0xc1: {  	_ =	sfence.sel $0xFFFF  }
0xc2: {  	[dreg:$0x0] =	wrdreg $0xFFFFFFFF;
	(pc) =	sbr.abs _section_cstart, $3  }
0xc3: {  	[dreg:$0x1] =	wrdreg $0xFFFFFFFF  }
0xc4: {  	_ =	task.clear_ibuf [dreg:s9], $0x2FFFF;
	_ =	strace $0x9FFFFFFF  }
0xc5: {  	(tm) =	ssettm $0x7FFFFFFF  }
tec
execute0_lowered:
.L_overlay_start_1:
0x0: {  	(tag) =	ssettag $0x1  }
0x1: {  	s0 =	rddreg [dreg:$0x0];
	s2 =	srdreg.scid  }
0x2: {  	s1 =	rddreg [dreg:$0x1];
	s9 =	stileid.u32;
	s4 =	sand.u32 $0x1, s2  }
0x3: {  	s3 =	rddreg [dreg:$0x2];
	s5 =	sand.u32 $0x3, s9;
	s10 =	smul.u32 $0x271000, s4  }
0x4: {  	s28 =	simm.s32 $0x4;
	s29 =	simm.s32 $0x5;
	s7 =	smul.u32 $0x9C400, s5  }
0x5: {  	s30 =	simm.s32 $0x0;
	s2 =	simm.s32 $0x0;
	s11 =	smul.u32 $0x271, s5  }
0x6: {  	s9 =	sshll.u32 s9, $0x6;
	[smem:$0x7FF] =	sst s2;
	s12 =	smul.u32 $0x4E20, s5  }
0x7: {  	s6 =	ssub.s32 $0x2, s4;
	s13 =	sand.u32 $0x300, s9;
	s5 =	smul.u32 $0x28000, s5  }
0x8: {  	s4 =	smul.u32 $0x14000, s4;
	s8 =	sshrl.u32 s6, $0x1;
	_ =	strace $0x80000047  }
0x9: {  	s7 =	sadd.s32 s10, s7;
	s15 =	ssub.s32 s6, s8;
	s9 =	sadd.s32 s0, s12  }
0xa: {  	s12 =	sadd.s32 $0x7D, s11;
	s16 =	sadd.s32 $0xFA, s11;
	s20 =	sadd.s32 $0x177, s11  }
0xb: {  	s11 =	sadd.s32 $0x1F4, s11;
	s4 =	sadd.s32 s4, s5;
	s8 =	sor.u32 s13, s7  }
0xc: {  	[dreg:$0x4] =	wrdreg s9;
	s14 =	sshll.u32 s12, $0xA;
	s7 =	sshll.u32 s12, $0x5  }
0xd: {  	s17 =	sshll.u32 s16, $0xA;
	s21 =	sshll.u32 s20, $0x5;
	s23 =	sshll.u32 s11, $0xA  }
0xe: {  	s4 =	sor.u32 s13, s4;
	s31 =	sshll.u32 s11, $0x5;
	s15 =	smax.u32 s15, $0x1  }
0xf: {  	s6 =	sshrl.u32 s8, $0x3;
	s7 =	sadd.s32 s0, s7;
	s18 =	sadd.s32 s10, s17  }
0x10: {  	s8 =	sshll.u32 s16, $0x5;
	s25 =	sadd.s32 s10, s23;
	s4 =	sshrl.u32 s4, $0x3  }
0x11: {  	s16 =	simm.s32 $0x80;
	s17 =	simm.s32 $0x400;
	s23 =	simm.s32 $0xFA00  }
0x12: {  	s6 =	sadd.s32 s1, s6;
	[dreg:$0x6] =	wrdreg s7;
	s9 =	sor.u32 s13, s18  }
0x13: {  	s7 =	sadd.s32 s0, s8;
	s26 =	sor.u32 s13, s25;
	s11 =	sadd.s32 s3, s4  }
0x14: {  	s18 =	simm.s32 $0x7D00;
	s25 =	simm.s32 $0x19F00;
	[dreg:$0x5] =	wrdreg s6  }
0x15: {  	s6 =	sadd.s32 s10, s14;
	s19 =	sshrl.u32 s9, $0x3;
	s14 =	sshll.u32 s20, $0xA  }
0x16: {  	s9 =	sadd.s32 s0, s21;
	s5 =	sshrl.u32 s26, $0x3;
	s20 =	simm.s32 $0x3  }
0x17: {  	s21 =	simm.s32 $0x100;
	s26 =	simm.s32 $0x2;
	s6 =	sor.u32 s13, s6  }
0x18: {  	s8 =	sadd.s32 s1, s19;
	s22 =	sadd.s32 s10, s14;
	s14 =	sadd.s32 $0x10, s11  }
0x19: {  	s19 =	simm.s32 $0x1;
	s6 =	sshrl.u32 s6, $0x3;
	s12 =	sor.u32 s13, s22  }
0x1a: {  	s13 =	sadd.s32 s1, s5;
	s6 =	sadd.s32 s1, s6;
	s24 =	sshrl.u32 s12, $0x3  }
0x1b: {  	v0 =	vimm.f32 $0.0e+00;
	s12 =	sadd.s32 s0, s31;
	s10 =	sadd.s32 s1, s24;
	s24 =	simm.s32 $0x17700  }
.LBB2_1:
0x1c: {  	s0 =	rddreg [dreg:$0x4]  }
0x1d: {  	[tilespmem:s2], [sflag:$0x1] =	stream.strided.gather [hbm4b:s0+s16], $0x3E80, s21, s16, $0x38;
	[tilespmem:$0x1C700] =	vst v63  }
0x1e: {  	s31 =	rddreg [dreg:$0x5];
	s1 =	simm.s32 $0x300;
	s0 =	simm.s32 $0x40  }
0x1f: {  	[tilespmem:s18], [sflag:$0x3] =	stream.strided.gather [hbm4b:s31+s21], $0x7D00, s17, s21, $0x38;
	[tilespmem:$0x1C700] =	vst v63  }
.LBB2_2:
0x20: {  	p0 =	sne.s32 s1, $0x9F00;
	[tilespmem:s0+$0x19F30] =	vst v0  }
0x21: {  	[tilespmem:s0+$0x176C0] =	vst v0  }
0x22: {  	[tilespmem:s0+$0x176D0] =	vst v0  }
0x23: {  	[tilespmem:s0+$0x176E0] =	vst v0  }
0x24: {  	[tilespmem:s0+$0x176F0] =	vst v0  }
0x25: {  	[tilespmem:s0+$0x17700] =	vst v0  }
0x26: {  	[tilespmem:s0+$0x17710] =	vst v0  }
0x27: {  	[tilespmem:s0+$0x17720] =	vst v0  }
0x28: {  	[tilespmem:s0+$0x17730] =	vst v0  }
0x29: {  	[tilespmem:s0+$0x19EC0] =	vst v0  }
0x2a: {  	[tilespmem:s0+$0x19ED0] =	vst v0  }
.Ltmp0:
0x2b: {  	[tilespmem:s0+$0x19EE0] =	vst v0;
	(pc) =	sbr.rel @p0 .LBB2_2-.Ltmp0, $4  }
0x2c: {  	[tilespmem:s0+$0x19EF0] =	vst v0  }
0x2d: {  	[tilespmem:s0+$0x19F00] =	vst v0  }
0x2e: {  	[tilespmem:s0+$0x19F10] =	vst v0  }
0x2f: {  	[tilespmem:s0+$0x19F20] =	vst v0;
	s0 =	sshra.s32 s1, $0x2;
	s1 =	sadd.s32 $0x200, s1  }
0x30: {  	[tilespmem:s0+$0x19F30] =	vst v0  }
0x31: {  	[tilespmem:s0+$0x176C0] =	vst v0  }
0x32: {  	[tilespmem:s0+$0x176D0] =	vst v0  }
0x33: {  	[tilespmem:s0+$0x176E0] =	vst v0  }
0x34: {  	[tilespmem:s0+$0x176F0] =	vst v0  }
0x35: {  	[tilespmem:s0+$0x17700] =	vst v0  }
0x36: {  	[tilespmem:s0+$0x17710] =	vst v0  }
0x37: {  	[tilespmem:s0+$0x17720] =	vst v0  }
0x38: {  	[tilespmem:s0+$0x17730] =	vst v0  }
0x39: {  	[tilespmem:s0+$0x19EC0] =	vst v0  }
0x3a: {  	[tilespmem:s0+$0x19ED0] =	vst v0  }
0x3b: {  	[tilespmem:s0+$0x19EE0] =	vst v0  }
0x3c: {  	[tilespmem:s0+$0x19EF0] =	vst v0  }
0x3d: {  	[tilespmem:s0+$0x19F00] =	vst v0  }
0x3e: {  	[tilespmem:s0+$0x19F10] =	vst v0  }
0x3f: {  	[tilespmem:s0+$0x19F20] =	vst v0  }
0x40: {  	_ =	swait.ge [sflag:s19], $0x3E80  }
0x41: {  	[sflag:s19] =	ssyncset.done $0x0  }
0x42: {  	[sflag:s19] =	ssyncadd.s32 $0xFFFFC180  }
0x43: {  	_ =	swait.ge [sflag:s20], $0x7D00  }
0x44: {  	[sflag:s20] =	ssyncset.done $0x0  }
0x45: {  	s1 =	simm.s32 $0x3E80;
	s22 =	rddreg [dreg:$0x6];
	[sflag:s20] =	ssyncadd.s32 $0xFFFF8300  }
0x46: {  	[tilespmem:s1], [sflag:$0x2] =	stream.strided.gather [hbm4b:s22+s16], $0x3E80, s21, s16, $0x38;
	[tilespmem:$0x1C700] =	vst v63  }
0x47: {  	s31 =	simm.s32 $0xC0  }
0x48: {  	[tilespmem:s23], [sflag:$0x4] =	stream.strided.gather [hbm4b:s6+s21], $0x7D00, s17, s21, $0x38;
	[tilespmem:$0x1C700] =	vst v63  }
0x49: {  	v1 =	vld [tilespmem:s31+$0x40];
	_ =	sdelay $0x1  }
0x4a: {  	s0 =	simm.s32 $0x7E80  }
0x4b: {  	v3 =	vld [tilespmem:s0+$0x80]  }
0x4c: {  	v2 =	vld [tilespmem:s31+$0xFFFFFF40];
	_ =	sdelay $0x1  }
0x4d: {  	v4 =	vld [tilespmem:s31+$0xFFFFFFC0]  }
0x4e: {  	v5 =	vld [tilespmem:s0+$0xFFFFFE80]  }
0x4f: {  	[tilespmem:v1+s24+$0x0] =	vst.idx.add.f32.msk $0xffff, v3  }
0x50: {  	v3 =	vld [tilespmem:s0+$0x100];
	_ =	sdelay $0x1  }
0x51: {  	v6 =	vld [tilespmem:s0+$0xFFFFFF80]  }
0x52: {  	[tilespmem:v2+s24+$0x0] =	vst.idx.add.f32.msk $0xffff, v5  }
0x53: {  	v5 =	vld [tilespmem:s0+$0xFFFFFF00]  }
0x54: {  	[tilespmem:v1+s25+$0x0] =	vst.idx.add.f32.msk $0xffff, v3  }
0x55: {  	v1 =	vld [tilespmem:s31+$0x50]  }
0x56: {  	[tilespmem:v4+s24+$0x0] =	vst.idx.add.f32.msk $0xffff, v6  }
0x57: {  	v3 =	vld [tilespmem:s0+$0x0]  }
0x58: {  	v49 =	vld [tilespmem:s0+$0x90];
	_ =	sdelay $0x1  }
0x59: {  	[tilespmem:v2+s25+$0x0] =	vst.idx.add.f32.msk $0xffff, v5  }
0x5a: {  	v2 =	vld [tilespmem:s31+$0xFFFFFF50]  }
0x5b: {  	[tilespmem:v4+s25+$0x0] =	vst.idx.add.f32.msk $0xffff, v3  }
0x5c: {  	[tilespmem:v1+s24+$0x0] =	vst.idx.add.f32.msk $0xffff, v49  }
0x5d: {  	v3 =	vld [tilespmem:s0+$0x110];
	_ =	sdelay $0x1  }
0x5e: {  	v5 =	vld [tilespmem:s0+$0xFFFFFE90];
	_ =	sdelay $0x1  }
0x5f: {  	v4 =	vld [tilespmem:s31+$0xFFFFFFD0]  }
0x60: {  	[tilespmem:v1+s25+$0x0] =	vst.idx.add.f32.msk $0xffff, v3  }
0x61: {  	v1 =	vld [tilespmem:s31+$0x60]  }
0x62: {  	[tilespmem:v2+s24+$0x0] =	vst.idx.add.f32.msk $0xffff, v5  }
0x63: {  	v3 =	vld [tilespmem:s0+$0xFFFFFF10]  }
0x64: {  	v51 =	vld [tilespmem:s0+$0xA0];
	_ =	sdelay $0x1  }
0x65: {  	v50 =	vld [tilespmem:s0+$0xFFFFFF90];
	_ =	sdelay $0x1  }
0x66: {  	[tilespmem:v2+s25+$0x0] =	vst.idx.add.f32.msk $0xffff, v3  }
0x67: {  	[tilespmem:v1+s24+$0x0] =	vst.idx.add.f32.msk $0xffff, v51  }
0x68: {  	v2 =	vld [tilespmem:s0+$0x120]  }
0x69: {  	[tilespmem:v4+s24+$0x0] =	vst.idx.add.f32.msk $0xffff, v50  }
0x6a: {  	v6 =	vld [tilespmem:s0+$0x10];
	_ =	sdelay $0x2  }
0x6b: {  	[tilespmem:v1+s25+$0x0] =	vst.idx.add.f32.msk $0xffff, v2  }
0x6c: {  	v1 =	vld [tilespmem:s31+$0x70]  }
0x6d: {  	[tilespmem:v4+s25+$0x0] =	vst.idx.add.f32.msk $0xffff, v6  }
0x6e: {  	v4 =	vld [tilespmem:s31+$0xFFFFFFE0]  }
0x6f: {  	v53 =	vld [tilespmem:s0+$0xB0]  }
0x70: {  	v3 =	vld [tilespmem:s31+$0xFFFFFF60]  }
0x71: {  	v2 =	vld [tilespmem:s0+$0xFFFFFFA0];
	_ =	sdelay $0x1  }
0x72: {  	v52 =	vld [tilespmem:s0+$0xFFFFFEA0]  }
0x73: {  	[tilespmem:v1+s24+$0x0] =	vst.idx.add.f32.msk $0xffff, v53  }
0x74: {  	v6 =	vld [tilespmem:s0+$0x130]  }
0x75: {  	[tilespmem:v4+s24+$0x0] =	vst.idx.add.f32.msk $0xffff, v2  }
0x76: {  	v2 =	vld [tilespmem:s0+$0x20]  }
0x77: {  	[tilespmem:v3+s24+$0x0] =	vst.idx.add.f32.msk $0xffff, v52  }
0x78: {  	v5 =	vld [tilespmem:s0+$0xFFFFFF20]  }
0x79: {  	[tilespmem:v1+s25+$0x0] =	vst.idx.add.f32.msk $0xffff, v6  }
0x7a: {  	v1 =	vld [tilespmem:s31+$0x80]  }
0x7b: {  	[tilespmem:v4+s25+$0x0] =	vst.idx.add.f32.msk $0xffff, v2  }
0x7c: {  	v2 =	vld [tilespmem:s31+$0xFFFFFFF0]  }
0x7d: {  	v55 =	vld [tilespmem:s0+$0xC0]  }
0x7e: {  	[tilespmem:v3+s25+$0x0] =	vst.idx.add.f32.msk $0xffff, v5  }
0x7f: {  	v3 =	vld [tilespmem:s31+$0xFFFFFF70]  }
0x80: {  	v56 =	vld [tilespmem:s0+$0xFFFFFFB0]  }
0x81: {  	v54 =	vld [tilespmem:s0+$0xFFFFFEB0]  }
0x82: {  	[tilespmem:v1+s24+$0x0] =	vst.idx.add.f32.msk $0xffff, v55  }
0x83: {  	v57 =	vld [tilespmem:s0+$0x140];
	_ =	sdelay $0x1  }
0x84: {  	[tilespmem:v2+s24+$0x0] =	vst.idx.add.f32.msk $0xffff, v56  }
0x85: {  	v6 =	vld [tilespmem:s0+$0x30]  }
0x86: {  	[tilespmem:v3+s24+$0x0] =	vst.idx.add.f32.msk $0xffff, v54  }
0x87: {  	[tilespmem:v1+s25+$0x0] =	vst.idx.add.f32.msk $0xffff, v57  }
0x88: {  	v1 =	vld [tilespmem:s31+$0x90]  }
0x89: {  	v58 =	vld [tilespmem:s0+$0xFFFFFF30]  }
0x8a: {  	[tilespmem:v2+s25+$0x0] =	vst.idx.add.f32.msk $0xffff, v6  }
0x8b: {  	v2 =	vld [tilespmem:s0+$0xD0];
	_ =	sdelay $0x2  }
0x8c: {  	[tilespmem:v3+s25+$0x0] =	vst.idx.add.f32.msk $0xffff, v58  }
0x8d: {  	v3 =	vld [tilespmem:s31+$0xFFFFFF80]  }
0x8e: {  	[tilespmem:v1+s24+$0x0] =	vst.idx.add.f32.msk $0xffff, v2  }
0x8f: {  	v2 =	vld [tilespmem:s0+$0x150]  }
0x90: {  	v5 =	vld [tilespmem:s0+$0xFFFFFEC0]  }
0x91: {  	v59 =	vld [tilespmem:s31+$0x0];
	_ =	sdelay $0x1  }
0x92: {  	v6 =	vld [tilespmem:s0+$0xFFFFFFC0]  }
0x93: {  	[tilespmem:v1+s25+$0x0] =	vst.idx.add.f32.msk $0xffff, v2  }
0x94: {  	v1 =	vld [tilespmem:s31+$0xA0]  }
0x95: {  	[tilespmem:v3+s24+$0x0] =	vst.idx.add.f32.msk $0xffff, v5  }
0x96: {  	v2 =	vld [tilespmem:s0+$0xFFFFFF40]  }
0x97: {  	v61 =	vld [tilespmem:s0+$0xE0]  }
0x98: {  	[tilespmem:v59+s24+$0x0] =	vst.idx.add.f32.msk $0xffff, v6  }
0x99: {  	v60 =	vld [tilespmem:s0+$0x40];
	_ =	sdelay $0x1  }
0x9a: {  	[tilespmem:v3+s25+$0x0] =	vst.idx.add.f32.msk $0xffff, v2  }
0x9b: {  	[tilespmem:v1+s24+$0x0] =	vst.idx.add.f32.msk $0xffff, v61  }
0x9c: {  	v2 =	vld [tilespmem:s0+$0x160]  }
0x9d: {  	[tilespmem:v59+s25+$0x0] =	vst.idx.add.f32.msk $0xffff, v60  }
0x9e: {  	v4 =	vld [tilespmem:s31+$0x10]  }
0x9f: {  	v63 =	vld [tilespmem:s0+$0xFFFFFFD0]  }
0xa0: {  	v3 =	vld [tilespmem:s31+$0xFFFFFF90]  }
0xa1: {  	[tilespmem:v1+s25+$0x0] =	vst.idx.add.f32.msk $0xffff, v2  }
0xa2: {  	v2 =	vld [tilespmem:s31+$0xB0]  }
0xa3: {  	v62 =	vld [tilespmem:s0+$0xFFFFFED0];
	_ =	sdelay $0x1  }
0xa4: {  	v1 =	vld [tilespmem:s0+$0xF0]  }
0xa5: {  	[tilespmem:v4+s24+$0x0] =	vst.idx.add.f32.msk $0xffff, v63  }
0xa6: {  	v6 =	vld [tilespmem:s0+$0x50]  }
0xa7: {  	[tilespmem:v3+s24+$0x0] =	vst.idx.add.f32.msk $0xffff, v62  }
0xa8: {  	v5 =	vld [tilespmem:s0+$0xFFFFFF50]  }
0xa9: {  	[tilespmem:v2+s24+$0x0] =	vst.idx.add.f32.msk $0xffff, v1  }
0xaa: {  	v7 =	vld [tilespmem:s0+$0x170];
	_ =	sdelay $0x1  }
0xab: {  	[tilespmem:v4+s25+$0x0] =	vst.idx.add.f32.msk $0xffff, v6  }
0xac: {  	[tilespmem:v3+s25+$0x0] =	vst.idx.add.f32.msk $0xffff, v5  }
0xad: {  	s4 =	simm.s32 $0x0;
	v1 =	vld [tilespmem:s31+$0xFFFFFFA0]  }
0xae: {  	s5 =	simm.s32 $0x240;
	s3 =	simm.s32 $0x7E80;
	s1 =	simm.s32 $0x3DF0;
	[tilespmem:v2+s25+$0x0] =	vst.idx.add.f32.msk $0xffff, v7  }
.LBB2_4:
0xaf: {  	v2 =	vld [tilespmem:s5+$0x40];
	s4 =	sadd.s32 $0x3, s4  }
0xb0: {  	v3 =	vld [tilespmem:s5+$0xFFFFFFC0];
	p0 =	slt.u32 s4, $0x78  }
0xb1: {  	s0 =	sadd.s32 $0x300, s0;
	v4 =	vld [tilespmem:s5+$0xFFFFFF40]  }
0xb2: {  	v5 =	vld [tilespmem:s0+$0x80]  }
0xb3: {  	v6 =	vld [tilespmem:s0+$0xFFFFFE80]  }
0xb4: {  	v7 =	vld [tilespmem:s0+$0xFFFFFF80]  }
0xb5: {  	v8 =	vld [tilespmem:s31+$0x20]  }
0xb6: {  	v9 =	vld [tilespmem:s3+$0xFFFFFEE0]  }
0xb7: {  	[tilespmem:v2+s24+$0x0] =	vst.idx.add.f32.msk $0xffff, v5  }
0xb8: {  	v5 =	vld [tilespmem:s0+$0x100]  }
0xb9: {  	[tilespmem:v4+s24+$0x0] =	vst.idx.add.f32.msk $0xffff, v6  }
0xba: {  	[tilespmem:v3+s24+$0x0] =	vst.idx.add.f32.msk $0xffff, v7  }
0xbb: {  	v6 =	vld [tilespmem:s0+$0xFFFFFF00]  }
0xbc: {  	v7 =	vld [tilespmem:s0+$0x0]  }
0xbd: {  	[tilespmem:v2+s25+$0x0] =	vst.idx.add.f32.msk $0xffff, v5  }
0xbe: {  	v2 =	vld [tilespmem:s5+$0x50]  }
0xbf: {  	v5 =	vld [tilespmem:s3+$0xFFFFFFE0]  }
0xc0: {  	[tilespmem:v4+s25+$0x0] =	vst.idx.add.f32.msk $0xffff, v6  }
0xc1: {  	v4 =	vld [tilespmem:s0+$0x90]  }
0xc2: {  	[tilespmem:v3+s25+$0x0] =	vst.idx.add.f32.msk $0xffff, v7  }
0xc3: {  	v3 =	vld [tilespmem:s5+$0xFFFFFF50]  }
0xc4: {  	v6 =	vld [tilespmem:s5+$0xFFFFFFD0]  }
0xc5: {  	v7 =	vld [tilespmem:s0+$0xFFFFFE90]  }
0xc6: {  	[tilespmem:v2+s24+$0x0] =	vst.idx.add.f32.msk $0xffff, v4  }
0xc7: {  	v4 =	vld [tilespmem:s0+$0x110]  }
0xc8: {  	v10 =	vld [tilespmem:s0+$0xFFFFFF90]  }
0xc9: {  	[tilespmem:v1+s24+$0x0] =	vst.idx.add.f32.msk $0xffff, v9  }
0xca: {  	[tilespmem:v8+s24+$0x0] =	vst.idx.add.f32.msk $0xffff, v5  }
0xcb: {  	[tilespmem:v3+s24+$0x0] =	vst.idx.add.f32.msk $0xffff, v7  }
0xcc: {  	[tilespmem:v2+s25+$0x0] =	vst.idx.add.f32.msk $0xffff, v4  }
0xcd: {  	v2 =	vld [tilespmem:s5+$0x60]  }
0xce: {  	[tilespmem:v6+s24+$0x0] =	vst.idx.add.f32.msk $0xffff, v10  }
0xcf: {  	v4 =	vld [tilespmem:s0+$0xFFFFFF10]  }
0xd0: {  	v5 =	vld [tilespmem:s0+$0xA0]  }
0xd1: {  	v7 =	vld [tilespmem:s0+$0x10]  }
0xd2: {  	v9 =	vld [tilespmem:s3+$0xFFFFFF60]  }
0xd3: {  	v10 =	vld [tilespmem:s3+$0x60]  }
0xd4: {  	[tilespmem:v3+s25+$0x0] =	vst.idx.add.f32.msk $0xffff, v4  }
0xd5: {  	[tilespmem:v2+s24+$0x0] =	vst.idx.add.f32.msk $0xffff, v5  }
0xd6: {  	v3 =	vld [tilespmem:s0+$0x120]  }
0xd7: {  	[tilespmem:v6+s25+$0x0] =	vst.idx.add.f32.msk $0xffff, v7  }
0xd8: {  	v4 =	vld [tilespmem:s5+$0xFFFFFF60]  }
0xd9: {  	v5 =	vld [tilespmem:s5+$0xFFFFFFE0]  }
0xda: {  	v6 =	vld [tilespmem:s0+$0xFFFFFEA0]  }
0xdb: {  	[tilespmem:v2+s25+$0x0] =	vst.idx.add.f32.msk $0xffff, v3  }
0xdc: {  	v2 =	vld [tilespmem:s5+$0x70]  }
0xdd: {  	v3 =	vld [tilespmem:s0+$0xFFFFFFA0]  }
0xde: {  	[tilespmem:v1+s25+$0x0] =	vst.idx.add.f32.msk $0xffff, v9  }
0xdf: {  	v1 =	vld [tilespmem:s0+$0xB0]  }
0xe0: {  	[tilespmem:v4+s24+$0x0] =	vst.idx.add.f32.msk $0xffff, v6  }
0xe1: {  	v6 =	vld [tilespmem:s0+$0xFFFFFF20]  }
0xe2: {  	[tilespmem:v5+s24+$0x0] =	vst.idx.add.f32.msk $0xffff, v3  }
0xe3: {  	v3 =	vld [tilespmem:s0+$0x20]  }
0xe4: {  	[tilespmem:v2+s24+$0x0] =	vst.idx.add.f32.msk $0xffff, v1  }
0xe5: {  	v1 =	vld [tilespmem:s0+$0x130]  }
0xe6: {  	[tilespmem:v4+s25+$0x0] =	vst.idx.add.f32.msk $0xffff, v6  }
0xe7: {  	v4 =	vld [tilespmem:s5+$0xFFFFFF70]  }
0xe8: {  	[tilespmem:v5+s25+$0x0] =	vst.idx.add.f32.msk $0xffff, v3  }
0xe9: {  	v3 =	vld [tilespmem:s5+$0xFFFFFFF0]  }
0xea: {  	[tilespmem:v2+s25+$0x0] =	vst.idx.add.f32.msk $0xffff, v1  }
0xeb: {  	v1 =	vld [tilespmem:s5+$0x80]  }
0xec: {  	v2 =	vld [tilespmem:s0+$0xFFFFFEB0]  }
0xed: {  	v5 =	vld [tilespmem:s0+$0xFFFFFFB0]  }
0xee: {  	v6 =	vld [tilespmem:s0+$0xC0]  }
0xef: {  	[tilespmem:v8+s25+$0x0] =	vst.idx.add.f32.msk $0xffff, v10  }
0xf0: {  	v7 =	vld [tilespmem:s31+$0xFFFFFFB0]  }
0xf1: {  	[tilespmem:v4+s24+$0x0] =	vst.idx.add.f32.msk $0xffff, v2  }
0xf2: {  	[tilespmem:v3+s24+$0x0] =	vst.idx.add.f32.msk $0xffff, v5  }
0xf3: {  	[tilespmem:v1+s24+$0x0] =	vst.idx.add.f32.msk $0xffff, v6  }
0xf4: {  	v2 =	vld [tilespmem:s0+$0x140]  }
0xf5: {  	v5 =	vld [tilespmem:s0+$0xFFFFFF30]  }
0xf6: {  	v6 =	vld [tilespmem:s0+$0x30]  }
0xf7: {  	v8 =	vld [tilespmem:s31+$0x30];
	s31 =	smov.u32 s5  }
0xf8: {  	v9 =	vld [tilespmem:s3+$0xFFFFFEF0]  }
0xf9: {  	[tilespmem:v1+s25+$0x0] =	vst.idx.add.f32.msk $0xffff, v2  }
0xfa: {  	v1 =	vld [tilespmem:s5+$0x90]  }
0xfb: {  	[tilespmem:v4+s25+$0x0] =	vst.idx.add.f32.msk $0xffff, v5  }
0xfc: {  	[tilespmem:v3+s25+$0x0] =	vst.idx.add.f32.msk $0xffff, v6  }
0xfd: {  	v2 =	vld [tilespmem:s0+$0xD0]  }
0xfe: {  	v3 =	vld [tilespmem:s5+$0xFFFFFF80]  }
0xff: {  	v4 =	vld [tilespmem:s5+$0x0]  }
0x100: {  	v5 =	vld [tilespmem:s0+$0xFFFFFEC0]  }
0x101: {  	v6 =	vld [tilespmem:s0+$0xFFFFFFC0]  }
0x102: {  	[tilespmem:v1+s24+$0x0] =	vst.idx.add.f32.msk $0xffff, v2  }
0x103: {  	v2 =	vld [tilespmem:s0+$0x150]  }
0x104: {  	v10 =	vld [tilespmem:s3+$0xFFFFFFF0]  }
0x105: {  	[tilespmem:v7+s24+$0x0] =	vst.idx.add.f32.msk $0xffff, v9  }
0x106: {  	[tilespmem:v3+s24+$0x0] =	vst.idx.add.f32.msk $0xffff, v5  }
0x107: {  	[tilespmem:v4+s24+$0x0] =	vst.idx.add.f32.msk $0xffff, v6  }
0x108: {  	[tilespmem:v1+s25+$0x0] =	vst.idx.add.f32.msk $0xffff, v2  }
0x109: {  	v1 =	vld [tilespmem:s5+$0xA0]  }
0x10a: {  	v2 =	vld [tilespmem:s0+$0xFFFFFF40]  }
0x10b: {  	v5 =	vld [tilespmem:s0+$0x40]  }
0x10c: {  	v6 =	vld [tilespmem:s0+$0xE0]  }
0x10d: {  	[tilespmem:v8+s24+$0x0] =	vst.idx.add.f32.msk $0xffff, v10  }
0x10e: {  	v9 =	vld [tilespmem:s3+$0xFFFFFF70]  }
0x10f: {  	[tilespmem:v3+s25+$0x0] =	vst.idx.add.f32.msk $0xffff, v2  }
0x110: {  	[tilespmem:v4+s25+$0x0] =	vst.idx.add.f32.msk $0xffff, v5  }
0x111: {  	[tilespmem:v1+s24+$0x0] =	vst.idx.add.f32.msk $0xffff, v6  }
0x112: {  	v2 =	vld [tilespmem:s0+$0x160]  }
0x113: {  	v3 =	vld [tilespmem:s5+$0xFFFFFF90]  }
0x114: {  	v4 =	vld [tilespmem:s5+$0x10]  }
0x115: {  	v5 =	vld [tilespmem:s0+$0xFFFFFED0]  }
0x116: {  	v6 =	vld [tilespmem:s0+$0xFFFFFFD0]  }
0x117: {  	[tilespmem:v1+s25+$0x0] =	vst.idx.add.f32.msk $0xffff, v2  }
0x118: {  	v2 =	vld [tilespmem:s5+$0xB0]  }
0x119: {  	v1 =	vld [tilespmem:s3+$0x70];
	s3 =	smov.u32 s0  }
0x11a: {  	[tilespmem:v7+s25+$0x0] =	vst.idx.add.f32.msk $0xffff, v9  }
0x11b: {  	v7 =	vld [tilespmem:s0+$0xF0]  }
0x11c: {  	[tilespmem:v3+s24+$0x0] =	vst.idx.add.f32.msk $0xffff, v5  }
0x11d: {  	[tilespmem:v4+s24+$0x0] =	vst.idx.add.f32.msk $0xffff, v6  }
0x11e: {  	v5 =	vld [tilespmem:s0+$0xFFFFFF50]  }
0x11f: {  	v6 =	vld [tilespmem:s0+$0x50]  }
0x120: {  	[tilespmem:v2+s24+$0x0] =	vst.idx.add.f32.msk $0xffff, v7  }
0x121: {  	v7 =	vld [tilespmem:s0+$0x170]  }
.Ltmp1:
0x122: {  	[tilespmem:v8+s25+$0x0] =	vst.idx.add.f32.msk $0xffff, v1;
	(pc) =	sbr.rel @p0 .LBB2_4-.Ltmp1, $4  }
0x123: {  	[tilespmem:v3+s25+$0x0] =	vst.idx.add.f32.msk $0xffff, v5  }
0x124: {  	[tilespmem:v4+s25+$0x0] =	vst.idx.add.f32.msk $0xffff, v6  }
0x125: {  	v1 =	vld [tilespmem:s5+$0xFFFFFFA0]  }
0x126: {  	s22 =	simm.s32 $0x0;
	s5 =	sadd.s32 $0x180, s5;
	[tilespmem:v2+s25+$0x0] =	vst.idx.add.f32.msk $0xffff, v7  }
0x127: {  	_ = 	snop  }
0x128: {  	v2 =	vld [tilespmem:s31+$0x20]  }
0x129: {  	v3 =	vld [tilespmem:s3+$0xFFFFFEE0];
	_ =	sdelay $0x1  }
0x12a: {  	v4 =	vld [tilespmem:s3+$0xFFFFFFE0];
	_ =	sdelay $0x2  }
0x12b: {  	[tilespmem:v1+s24+$0x0] =	vst.idx.add.f32.msk $0xffff, v3  }
0x12c: {  	v3 =	vld [tilespmem:s3+$0xFFFFFF60]  }
0x12d: {  	[tilespmem:v2+s24+$0x0] =	vst.idx.add.f32.msk $0xffff, v4  }
0x12e: {  	v4 =	vld [tilespmem:s3+$0x60];
	_ =	sdelay $0x2  }
0x12f: {  	[tilespmem:v1+s25+$0x0] =	vst.idx.add.f32.msk $0xffff, v3  }
0x130: {  	v1 =	vld [tilespmem:s31+$0xFFFFFFB0]  }
0x131: {  	[tilespmem:v2+s25+$0x0] =	vst.idx.add.f32.msk $0xffff, v4  }
0x132: {  	v2 =	vld [tilespmem:s31+$0x30]  }
0x133: {  	v3 =	vld [tilespmem:s3+$0xFFFFFEF0];
	_ =	sdelay $0x1  }
0x134: {  	v4 =	vld [tilespmem:s3+$0xFFFFFFF0];
	_ =	sdelay $0x2  }
0x135: {  	[tilespmem:v1+s24+$0x0] =	vst.idx.add.f32.msk $0xffff, v3  }
0x136: {  	v3 =	vld [tilespmem:s3+$0xFFFFFF70]  }
0x137: {  	[tilespmem:v2+s24+$0x0] =	vst.idx.add.f32.msk $0xffff, v4  }
0x138: {  	v4 =	vld [tilespmem:s3+$0x70];
	_ =	sdelay $0x3  }
0x139: {  	[tilespmem:v1+s25+$0x0] =	vst.idx.add.f32.msk $0xffff, v3  }
0x13a: {  	[tilespmem:v2+s25+$0x0] =	vst.idx.add.f32.msk $0xffff, v4  }
.LBB2_6:
0x13b: {  	v1 =	vld [tilespmem:s1+$0xFFFFFF90];
	_ =	sdelay $0x1  }
0x13c: {  	s0 =	sshra.s32 s22, $0x2  }
0x13d: {  	v2 =	vld [tilespmem:s0+$0xF800];
	_ =	sdelay $0x4  }
0x13e: {  	[tilespmem:v1+s24+$0x0] =	vst.idx.add.f32.msk $0xffff, v2  }
0x13f: {  	v2 =	vld [tilespmem:s0+$0xF880];
	_ =	sdelay $0x4  }
0x140: {  	[tilespmem:v1+s25+$0x0] =	vst.idx.add.f32.msk $0xffff, v2  }
0x141: {  	v1 =	vld [tilespmem:s1+$0xFFFFFFA0];
	_ =	sdelay $0x2  }
0x142: {  	v2 =	vld [tilespmem:s0+$0xF810];
	_ =	sdelay $0x4  }
0x143: {  	[tilespmem:v1+s24+$0x0] =	vst.idx.add.f32.msk $0xffff, v2  }
0x144: {  	v2 =	vld [tilespmem:s0+$0xF890];
	_ =	sdelay $0x4  }
0x145: {  	[tilespmem:v1+s25+$0x0] =	vst.idx.add.f32.msk $0xffff, v2  }
0x146: {  	v1 =	vld [tilespmem:s1+$0xFFFFFFB0];
	_ =	sdelay $0x2  }
0x147: {  	v2 =	vld [tilespmem:s0+$0xF820];
	_ =	sdelay $0x4  }
0x148: {  	[tilespmem:v1+s24+$0x0] =	vst.idx.add.f32.msk $0xffff, v2  }
0x149: {  	v2 =	vld [tilespmem:s0+$0xF8A0];
	_ =	sdelay $0x4  }
0x14a: {  	[tilespmem:v1+s25+$0x0] =	vst.idx.add.f32.msk $0xffff, v2  }
0x14b: {  	v1 =	vld [tilespmem:s1+$0xFFFFFFC0];
	_ =	sdelay $0x2  }
0x14c: {  	v2 =	vld [tilespmem:s0+$0xF830];
	_ =	sdelay $0x4  }
0x14d: {  	[tilespmem:v1+s24+$0x0] =	vst.idx.add.f32.msk $0xffff, v2  }
0x14e: {  	v2 =	vld [tilespmem:s0+$0xF8B0];
	_ =	sdelay $0x4  }
0x14f: {  	[tilespmem:v1+s25+$0x0] =	vst.idx.add.f32.msk $0xffff, v2  }
0x150: {  	v1 =	vld [tilespmem:s1+$0xFFFFFFD0];
	_ =	sdelay $0x2  }
0x151: {  	v2 =	vld [tilespmem:s0+$0xF840];
	_ =	sdelay $0x4  }
0x152: {  	[tilespmem:v1+s24+$0x0] =	vst.idx.add.f32.msk $0xffff, v2  }
0x153: {  	v2 =	vld [tilespmem:s0+$0xF8C0];
	_ =	sdelay $0x4  }
0x154: {  	[tilespmem:v1+s25+$0x0] =	vst.idx.add.f32.msk $0xffff, v2  }
0x155: {  	v1 =	vld [tilespmem:s1+$0xFFFFFFE0];
	_ =	sdelay $0x2  }
0x156: {  	v2 =	vld [tilespmem:s0+$0xF850];
	_ =	sdelay $0x4  }
0x157: {  	[tilespmem:v1+s24+$0x0] =	vst.idx.add.f32.msk $0xffff, v2  }
0x158: {  	v2 =	vld [tilespmem:s0+$0xF8D0];
	_ =	sdelay $0x4  }
0x159: {  	[tilespmem:v1+s25+$0x0] =	vst.idx.add.f32.msk $0xffff, v2  }
0x15a: {  	v1 =	vld [tilespmem:s1+$0xFFFFFFF0];
	_ =	sdelay $0x2  }
0x15b: {  	v2 =	vld [tilespmem:s0+$0xF860];
	_ =	sdelay $0x4  }
0x15c: {  	[tilespmem:v1+s24+$0x0] =	vst.idx.add.f32.msk $0xffff, v2  }
0x15d: {  	v2 =	vld [tilespmem:s0+$0xF8E0];
	_ =	sdelay $0x4  }
0x15e: {  	[tilespmem:v1+s25+$0x0] =	vst.idx.add.f32.msk $0xffff, v2  }
0x15f: {  	v1 =	vld [tilespmem:s1+$0x0];
	_ =	sdelay $0x2  }
0x160: {  	v2 =	vld [tilespmem:s0+$0xF870];
	_ =	sdelay $0x4  }
0x161: {  	[tilespmem:v1+s24+$0x0] =	vst.idx.add.f32.msk $0xffff, v2  }
0x162: {  	p0 =	sne.s32 s22, $0x400;
	v2 =	vld [tilespmem:s0+$0xF8F0]  }
.Ltmp2:
0x163: {  	_ = 	snop;
	(pc) =	sbr.rel @p0 .LBB2_6-.Ltmp2, $2  }
0x164: {  	_ =	sdelay $0x2  }
0x165: {  	s22 =	sadd.s32 $0x400, s22;
	s1 =	sadd.s32 $0x80, s1;
	[tilespmem:v1+s25+$0x0] =	vst.idx.add.f32.msk $0xffff, v2  }
0x166: {  	_ =	swait.ge [sflag:s26], $0x3E80  }
0x167: {  	[sflag:s26] =	ssyncset.done $0x0  }
0x168: {  	[sflag:s26] =	ssyncadd.s32 $0xFFFFC180  }
0x169: {  	_ =	swait.ge [sflag:s28], $0x7D00  }
0x16a: {  	[sflag:s28] =	ssyncset.done $0x0  }
0x16b: {  	[sflag:s28] =	ssyncadd.s32 $0xFFFF8300  }
0x16c: {  	[tilespmem:s2], [sflag:$0x1] =	stream.strided.gather [hbm4b:s7+s16], $0x3E80, s21, s16, $0x38;
	[tilespmem:$0x1C700] =	vst v63  }
0x16d: {  	s31 =	simm.s32 $0x3FF0  }
0x16e: {  	[tilespmem:s18], [sflag:$0x3] =	stream.strided.gather [hbm4b:s8+s21], $0x7D00, s17, s21, $0x38;
	[tilespmem:$0x1C700] =	vst v63  }
0x16f: {  	v1 =	vld [tilespmem:s31+$0xFFFFFF90];
	_ =	sdelay $0x1  }
0x170: {  	s0 =	simm.s32 $0xFCF0  }
0x171: {  	v3 =	vld [tilespmem:s0+$0xFFFFFF10]  }
0x172: {  	v2 =	vld [tilespmem:s31+$0xFFFFFE90];
	_ =	sdelay $0x1  }
0x173: {  	v4 =	vld [tilespmem:s31+$0xFFFFFF10]  }
0x174: {  	v5 =	vld [tilespmem:s0+$0xFFFFFD10]  }
0x175: {  	[tilespmem:v1+s24+$0x0] =	vst.idx.add.f32.msk $0xffff, v3  }
0x176: {  	v3 =	vld [tilespmem:s0+$0xFFFFFF90];
	_ =	sdelay $0x1  }
0x177: {  	v6 =	vld [tilespmem:s0+$0xFFFFFE10]  }
0x178: {  	[tilespmem:v2+s24+$0x0] =	vst.idx.add.f32.msk $0xffff, v5  }
0x179: {  	v5 =	vld [tilespmem:s0+$0xFFFFFD90]  }
0x17a: {  	[tilespmem:v1+s25+$0x0] =	vst.idx.add.f32.msk $0xffff, v3  }
0x17b: {  	v1 =	vld [tilespmem:s31+$0xFFFFFFA0]  }
0x17c: {  	[tilespmem:v4+s24+$0x0] =	vst.idx.add.f32.msk $0xffff, v6  }
0x17d: {  	v3 =	vld [tilespmem:s0+$0xFFFFFE90]  }
0x17e: {  	v49 =	vld [tilespmem:s0+$0xFFFFFF20];
	_ =	sdelay $0x1  }
0x17f: {  	[tilespmem:v2+s25+$0x0] =	vst.idx.add.f32.msk $0xffff, v5  }
0x180: {  	v2 =	vld [tilespmem:s31+$0xFFFFFEA0]  }
0x181: {  	[tilespmem:v4+s25+$0x0] =	vst.idx.add.f32.msk $0xffff, v3  }
0x182: {  	[tilespmem:v1+s24+$0x0] =	vst.idx.add.f32.msk $0xffff, v49  }
0x183: {  	v3 =	vld [tilespmem:s0+$0xFFFFFFA0];
	_ =	sdelay $0x1  }
0x184: {  	v5 =	vld [tilespmem:s0+$0xFFFFFD20];
	_ =	sdelay $0x1  }
0x185: {  	v4 =	vld [tilespmem:s31+$0xFFFFFF20]  }
0x186: {  	[tilespmem:v1+s25+$0x0] =	vst.idx.add.f32.msk $0xffff, v3  }
0x187: {  	v1 =	vld [tilespmem:s31+$0xFFFFFFB0]  }
0x188: {  	[tilespmem:v2+s24+$0x0] =	vst.idx.add.f32.msk $0xffff, v5  }
0x189: {  	v3 =	vld [tilespmem:s0+$0xFFFFFDA0]  }
0x18a: {  	v51 =	vld [tilespmem:s0+$0xFFFFFF30];
	_ =	sdelay $0x1  }
0x18b: {  	v50 =	vld [tilespmem:s0+$0xFFFFFE20];
	_ =	sdelay $0x1  }
0x18c: {  	[tilespmem:v2+s25+$0x0] =	vst.idx.add.f32.msk $0xffff, v3  }
0x18d: {  	[tilespmem:v1+s24+$0x0] =	vst.idx.add.f32.msk $0xffff, v51  }
0x18e: {  	v2 =	vld [tilespmem:s0+$0xFFFFFFB0]  }
0x18f: {  	[tilespmem:v4+s24+$0x0] =	vst.idx.add.f32.msk $0xffff, v50  }
0x190: {  	v6 =	vld [tilespmem:s0+$0xFFFFFEA0];
	_ =	sdelay $0x2  }
0x191: {  	[tilespmem:v1+s25+$0x0] =	vst.idx.add.f32.msk $0xffff, v2  }
0x192: {  	v1 =	vld [tilespmem:s31+$0xFFFFFFC0]  }
0x193: {  	[tilespmem:v4+s25+$0x0] =	vst.idx.add.f32.msk $0xffff, v6  }
0x194: {  	v4 =	vld [tilespmem:s31+$0xFFFFFF30]  }
0x195: {  	v53 =	vld [tilespmem:s0+$0xFFFFFF40]  }
0x196: {  	v3 =	vld [tilespmem:s31+$0xFFFFFEB0]  }
0x197: {  	v2 =	vld [tilespmem:s0+$0xFFFFFE30];
	_ =	sdelay $0x1  }
0x198: {  	v52 =	vld [tilespmem:s0+$0xFFFFFD30]  }
0x199: {  	[tilespmem:v1+s24+$0x0] =	vst.idx.add.f32.msk $0xffff, v53  }
0x19a: {  	v6 =	vld [tilespmem:s0+$0xFFFFFFC0]  }
0x19b: {  	[tilespmem:v4+s24+$0x0] =	vst.idx.add.f32.msk $0xffff, v2  }
0x19c: {  	v2 =	vld [tilespmem:s0+$0xFFFFFEB0]  }
0x19d: {  	[tilespmem:v3+s24+$0x0] =	vst.idx.add.f32.msk $0xffff, v52  }
0x19e: {  	v5 =	vld [tilespmem:s0+$0xFFFFFDB0]  }
0x19f: {  	[tilespmem:v1+s25+$0x0] =	vst.idx.add.f32.msk $0xffff, v6  }
0x1a0: {  	v1 =	vld [tilespmem:s31+$0xFFFFFFD0]  }
0x1a1: {  	[tilespmem:v4+s25+$0x0] =	vst.idx.add.f32.msk $0xffff, v2  }
0x1a2: {  	v2 =	vld [tilespmem:s31+$0xFFFFFF40]  }
0x1a3: {  	v55 =	vld [tilespmem:s0+$0xFFFFFF50]  }
0x1a4: {  	[tilespmem:v3+s25+$0x0] =	vst.idx.add.f32.msk $0xffff, v5  }
0x1a5: {  	v3 =	vld [tilespmem:s31+$0xFFFFFEC0]  }
0x1a6: {  	v56 =	vld [tilespmem:s0+$0xFFFFFE40]  }
0x1a7: {  	v54 =	vld [tilespmem:s0+$0xFFFFFD40]  }
0x1a8: {  	[tilespmem:v1+s24+$0x0] =	vst.idx.add.f32.msk $0xffff, v55  }
0x1a9: {  	v57 =	vld [tilespmem:s0+$0xFFFFFFD0];
	_ =	sdelay $0x1  }
0x1aa: {  	[tilespmem:v2+s24+$0x0] =	vst.idx.add.f32.msk $0xffff, v56  }
0x1ab: {  	v6 =	vld [tilespmem:s0+$0xFFFFFEC0]  }
0x1ac: {  	[tilespmem:v3+s24+$0x0] =	vst.idx.add.f32.msk $0xffff, v54  }
0x1ad: {  	[tilespmem:v1+s25+$0x0] =	vst.idx.add.f32.msk $0xffff, v57  }
0x1ae: {  	v1 =	vld [tilespmem:s31+$0xFFFFFFE0]  }
0x1af: {  	v58 =	vld [tilespmem:s0+$0xFFFFFDC0]  }
0x1b0: {  	[tilespmem:v2+s25+$0x0] =	vst.idx.add.f32.msk $0xffff, v6  }
0x1b1: {  	v2 =	vld [tilespmem:s0+$0xFFFFFF60];
	_ =	sdelay $0x2  }
0x1b2: {  	[tilespmem:v3+s25+$0x0] =	vst.idx.add.f32.msk $0xffff, v58  }
0x1b3: {  	v3 =	vld [tilespmem:s31+$0xFFFFFED0]  }
0x1b4: {  	[tilespmem:v1+s24+$0x0] =	vst.idx.add.f32.msk $0xffff, v2  }
0x1b5: {  	v2 =	vld [tilespmem:s0+$0xFFFFFFE0]  }
0x1b6: {  	v5 =	vld [tilespmem:s0+$0xFFFFFD50]  }
0x1b7: {  	v59 =	vld [tilespmem:s31+$0xFFFFFF50];
	_ =	sdelay $0x1  }
0x1b8: {  	v6 =	vld [tilespmem:s0+$0xFFFFFE50]  }
0x1b9: {  	[tilespmem:v1+s25+$0x0] =	vst.idx.add.f32.msk $0xffff, v2  }
0x1ba: {  	v1 =	vld [tilespmem:s31+$0xFFFFFFF0]  }
0x1bb: {  	[tilespmem:v3+s24+$0x0] =	vst.idx.add.f32.msk $0xffff, v5  }
0x1bc: {  	v2 =	vld [tilespmem:s0+$0xFFFFFDD0]  }
0x1bd: {  	v61 =	vld [tilespmem:s0+$0xFFFFFF70]  }
0x1be: {  	[tilespmem:v59+s24+$0x0] =	vst.idx.add.f32.msk $0xffff, v6  }
0x1bf: {  	v60 =	vld [tilespmem:s0+$0xFFFFFED0];
	_ =	sdelay $0x1  }
0x1c0: {  	[tilespmem:v3+s25+$0x0] =	vst.idx.add.f32.msk $0xffff, v2  }
0x1c1: {  	[tilespmem:v1+s24+$0x0] =	vst.idx.add.f32.msk $0xffff, v61  }
0x1c2: {  	v2 =	vld [tilespmem:s0+$0xFFFFFFF0]  }
0x1c3: {  	[tilespmem:v59+s25+$0x0] =	vst.idx.add.f32.msk $0xffff, v60  }
0x1c4: {  	v4 =	vld [tilespmem:s31+$0xFFFFFF60]  }
0x1c5: {  	v63 =	vld [tilespmem:s0+$0xFFFFFE60]  }
0x1c6: {  	v3 =	vld [tilespmem:s31+$0xFFFFFEE0]  }
0x1c7: {  	[tilespmem:v1+s25+$0x0] =	vst.idx.add.f32.msk $0xffff, v2  }
0x1c8: {  	v2 =	vld [tilespmem:s31+$0x0]  }
0x1c9: {  	v62 =	vld [tilespmem:s0+$0xFFFFFD60];
	_ =	sdelay $0x1  }
0x1ca: {  	v1 =	vld [tilespmem:s0+$0xFFFFFF80]  }
0x1cb: {  	[tilespmem:v4+s24+$0x0] =	vst.idx.add.f32.msk $0xffff, v63  }
0x1cc: {  	v6 =	vld [tilespmem:s0+$0xFFFFFEE0]  }
0x1cd: {  	[tilespmem:v3+s24+$0x0] =	vst.idx.add.f32.msk $0xffff, v62  }
0x1ce: {  	v5 =	vld [tilespmem:s0+$0xFFFFFDE0]  }
0x1cf: {  	[tilespmem:v2+s24+$0x0] =	vst.idx.add.f32.msk $0xffff, v1  }
0x1d0: {  	v7 =	vld [tilespmem:s0+$0x0];
	_ =	sdelay $0x1  }
0x1d1: {  	[tilespmem:v4+s25+$0x0] =	vst.idx.add.f32.msk $0xffff, v6  }
0x1d2: {  	[tilespmem:v3+s25+$0x0] =	vst.idx.add.f32.msk $0xffff, v5  }
0x1d3: {  	s4 =	simm.s32 $0x0;
	v1 =	vld [tilespmem:s31+$0xFFFFFEF0]  }
0x1d4: {  	s5 =	simm.s32 $0x4170;
	s1 =	simm.s32 $0x7C00;
	s3 =	simm.s32 $0xFCF0;
	[tilespmem:v2+s25+$0x0] =	vst.idx.add.f32.msk $0xffff, v7  }
.LBB2_8:
0x1d5: {  	v2 =	vld [tilespmem:s5+$0xFFFFFF90];
	s4 =	sadd.s32 $0x3, s4  }
0x1d6: {  	v3 =	vld [tilespmem:s5+$0xFFFFFF10];
	p0 =	slt.u32 s4, $0x78  }
0x1d7: {  	s0 =	sadd.s32 $0x300, s0;
	v4 =	vld [tilespmem:s5+$0xFFFFFE90]  }
0x1d8: {  	v5 =	vld [tilespmem:s0+$0xFFFFFF10]  }
0x1d9: {  	v6 =	vld [tilespmem:s0+$0xFFFFFD10]  }
0x1da: {  	v7 =	vld [tilespmem:s0+$0xFFFFFE10]  }
0x1db: {  	v8 =	vld [tilespmem:s31+$0xFFFFFF70]  }
0x1dc: {  	v9 =	vld [tilespmem:s3+$0xFFFFFD70]  }
0x1dd: {  	[tilespmem:v2+s24+$0x0] =	vst.idx.add.f32.msk $0xffff, v5  }
0x1de: {  	v5 =	vld [tilespmem:s0+$0xFFFFFF90]  }
0x1df: {  	[tilespmem:v4+s24+$0x0] =	vst.idx.add.f32.msk $0xffff, v6  }
0x1e0: {  	[tilespmem:v3+s24+$0x0] =	vst.idx.add.f32.msk $0xffff, v7  }
0x1e1: {  	v6 =	vld [tilespmem:s0+$0xFFFFFD90]  }
0x1e2: {  	v7 =	vld [tilespmem:s0+$0xFFFFFE90]  }
0x1e3: {  	[tilespmem:v2+s25+$0x0] =	vst.idx.add.f32.msk $0xffff, v5  }
0x1e4: {  	v2 =	vld [tilespmem:s5+$0xFFFFFFA0]  }
0x1e5: {  	v5 =	vld [tilespmem:s3+$0xFFFFFE70]  }
0x1e6: {  	[tilespmem:v4+s25+$0x0] =	vst.idx.add.f32.msk $0xffff, v6  }
0x1e7: {  	v4 =	vld [tilespmem:s0+$0xFFFFFF20]  }
0x1e8: {  	[tilespmem:v3+s25+$0x0] =	vst.idx.add.f32.msk $0xffff, v7  }
0x1e9: {  	v3 =	vld [tilespmem:s5+$0xFFFFFEA0]  }
0x1ea: {  	v6 =	vld [tilespmem:s5+$0xFFFFFF20]  }
0x1eb: {  	v7 =	vld [tilespmem:s0+$0xFFFFFD20]  }
0x1ec: {  	[tilespmem:v2+s24+$0x0] =	vst.idx.add.f32.msk $0xffff, v4  }
0x1ed: {  	v4 =	vld [tilespmem:s0+$0xFFFFFFA0]  }
0x1ee: {  	v10 =	vld [tilespmem:s0+$0xFFFFFE20]  }
0x1ef: {  	[tilespmem:v1+s24+$0x0] =	vst.idx.add.f32.msk $0xffff, v9  }
0x1f0: {  	[tilespmem:v8+s24+$0x0] =	vst.idx.add.f32.msk $0xffff, v5  }
0x1f1: {  	[tilespmem:v3+s24+$0x0] =	vst.idx.add.f32.msk $0xffff, v7  }
0x1f2: {  	[tilespmem:v2+s25+$0x0] =	vst.idx.add.f32.msk $0xffff, v4  }
0x1f3: {  	v2 =	vld [tilespmem:s5+$0xFFFFFFB0]  }
0x1f4: {  	[tilespmem:v6+s24+$0x0] =	vst.idx.add.f32.msk $0xffff, v10  }
0x1f5: {  	v4 =	vld [tilespmem:s0+$0xFFFFFDA0]  }
0x1f6: {  	v5 =	vld [tilespmem:s0+$0xFFFFFF30]  }
0x1f7: {  	v7 =	vld [tilespmem:s0+$0xFFFFFEA0]  }
0x1f8: {  	v9 =	vld [tilespmem:s3+$0xFFFFFDF0]  }
0x1f9: {  	v10 =	vld [tilespmem:s3+$0xFFFFFEF0]  }
0x1fa: {  	[tilespmem:v3+s25+$0x0] =	vst.idx.add.f32.msk $0xffff, v4  }
0x1fb: {  	[tilespmem:v2+s24+$0x0] =	vst.idx.add.f32.msk $0xffff, v5  }
0x1fc: {  	v3 =	vld [tilespmem:s0+$0xFFFFFFB0]  }
0x1fd: {  	[tilespmem:v6+s25+$0x0] =	vst.idx.add.f32.msk $0xffff, v7  }
0x1fe: {  	v4 =	vld [tilespmem:s5+$0xFFFFFEB0]  }
0x1ff: {  	v5 =	vld [tilespmem:s5+$0xFFFFFF30]  }
0x200: {  	v6 =	vld [tilespmem:s0+$0xFFFFFD30]  }
0x201: {  	[tilespmem:v2+s25+$0x0] =	vst.idx.add.f32.msk $0xffff, v3  }
0x202: {  	v2 =	vld [tilespmem:s5+$0xFFFFFFC0]  }
0x203: {  	v3 =	vld [tilespmem:s0+$0xFFFFFE30]  }
0x204: {  	[tilespmem:v1+s25+$0x0] =	vst.idx.add.f32.msk $0xffff, v9  }
0x205: {  	v1 =	vld [tilespmem:s0+$0xFFFFFF40]  }
0x206: {  	[tilespmem:v4+s24+$0x0] =	vst.idx.add.f32.msk $0xffff, v6  }
0x207: {  	v6 =	vld [tilespmem:s0+$0xFFFFFDB0]  }
0x208: {  	[tilespmem:v5+s24+$0x0] =	vst.idx.add.f32.msk $0xffff, v3  }
0x209: {  	v3 =	vld [tilespmem:s0+$0xFFFFFEB0]  }
0x20a: {  	[tilespmem:v2+s24+$0x0] =	vst.idx.add.f32.msk $0xffff, v1  }
0x20b: {  	v1 =	vld [tilespmem:s0+$0xFFFFFFC0]  }
0x20c: {  	[tilespmem:v4+s25+$0x0] =	vst.idx.add.f32.msk $0xffff, v6  }
0x20d: {  	v4 =	vld [tilespmem:s5+$0xFFFFFEC0]  }
0x20e: {  	[tilespmem:v5+s25+$0x0] =	vst.idx.add.f32.msk $0xffff, v3  }
0x20f: {  	v3 =	vld [tilespmem:s5+$0xFFFFFF40]  }
0x210: {  	[tilespmem:v2+s25+$0x0] =	vst.idx.add.f32.msk $0xffff, v1  }
0x211: {  	v1 =	vld [tilespmem:s5+$0xFFFFFFD0]  }
0x212: {  	v2 =	vld [tilespmem:s0+$0xFFFFFD40]  }
0x213: {  	v5 =	vld [tilespmem:s0+$0xFFFFFE40]  }
0x214: {  	v6 =	vld [tilespmem:s0+$0xFFFFFF50]  }
0x215: {  	[tilespmem:v8+s25+$0x0] =	vst.idx.add.f32.msk $0xffff, v10  }
0x216: {  	v7 =	vld [tilespmem:s31+$0xFFFFFF00]  }
0x217: {  	[tilespmem:v4+s24+$0x0] =	vst.idx.add.f32.msk $0xffff, v2  }
0x218: {  	[tilespmem:v3+s24+$0x0] =	vst.idx.add.f32.msk $0xffff, v5  }
0x219: {  	[tilespmem:v1+s24+$0x0] =	vst.idx.add.f32.msk $0xffff, v6  }
0x21a: {  	v2 =	vld [tilespmem:s0+$0xFFFFFFD0]  }
0x21b: {  	v5 =	vld [tilespmem:s0+$0xFFFFFDC0]  }
0x21c: {  	v6 =	vld [tilespmem:s0+$0xFFFFFEC0]  }
0x21d: {  	v8 =	vld [tilespmem:s31+$0xFFFFFF80];
	s31 =	smov.u32 s5  }
0x21e: {  	v9 =	vld [tilespmem:s3+$0xFFFFFD80]  }
0x21f: {  	[tilespmem:v1+s25+$0x0] =	vst.idx.add.f32.msk $0xffff, v2  }
0x220: {  	v1 =	vld [tilespmem:s5+$0xFFFFFFE0]  }
0x221: {  	[tilespmem:v4+s25+$0x0] =	vst.idx.add.f32.msk $0xffff, v5  }
0x222: {  	[tilespmem:v3+s25+$0x0] =	vst.idx.add.f32.msk $0xffff, v6  }
0x223: {  	v2 =	vld [tilespmem:s0+$0xFFFFFF60]  }
0x224: {  	v3 =	vld [tilespmem:s5+$0xFFFFFED0]  }
0x225: {  	v4 =	vld [tilespmem:s5+$0xFFFFFF50]  }
0x226: {  	v5 =	vld [tilespmem:s0+$0xFFFFFD50]  }
0x227: {  	v6 =	vld [tilespmem:s0+$0xFFFFFE50]  }
0x228: {  	[tilespmem:v1+s24+$0x0] =	vst.idx.add.f32.msk $0xffff, v2  }
0x229: {  	v2 =	vld [tilespmem:s0+$0xFFFFFFE0]  }
0x22a: {  	v10 =	vld [tilespmem:s3+$0xFFFFFE80]  }
0x22b: {  	[tilespmem:v7+s24+$0x0] =	vst.idx.add.f32.msk $0xffff, v9  }
0x22c: {  	[tilespmem:v3+s24+$0x0] =	vst.idx.add.f32.msk $0xffff, v5  }
0x22d: {  	[tilespmem:v4+s24+$0x0] =	vst.idx.add.f32.msk $0xffff, v6  }
0x22e: {  	[tilespmem:v1+s25+$0x0] =	vst.idx.add.f32.msk $0xffff, v2  }
0x22f: {  	v1 =	vld [tilespmem:s5+$0xFFFFFFF0]  }
0x230: {  	v2 =	vld [tilespmem:s0+$0xFFFFFDD0]  }
0x231: {  	v5 =	vld [tilespmem:s0+$0xFFFFFED0]  }
0x232: {  	v6 =	vld [tilespmem:s0+$0xFFFFFF70]  }
0x233: {  	[tilespmem:v8+s24+$0x0] =	vst.idx.add.f32.msk $0xffff, v10  }
0x234: {  	v9 =	vld [tilespmem:s3+$0xFFFFFE00]  }
0x235: {  	[tilespmem:v3+s25+$0x0] =	vst.idx.add.f32.msk $0xffff, v2  }
0x236: {  	[tilespmem:v4+s25+$0x0] =	vst.idx.add.f32.msk $0xffff, v5  }
0x237: {  	[tilespmem:v1+s24+$0x0] =	vst.idx.add.f32.msk $0xffff, v6  }
0x238: {  	v2 =	vld [tilespmem:s0+$0xFFFFFFF0]  }
0x239: {  	v3 =	vld [tilespmem:s5+$0xFFFFFEE0]  }
0x23a: {  	v4 =	vld [tilespmem:s5+$0xFFFFFF60]  }
0x23b: {  	v5 =	vld [tilespmem:s0+$0xFFFFFD60]  }
0x23c: {  	v6 =	vld [tilespmem:s0+$0xFFFFFE60]  }
0x23d: {  	[tilespmem:v1+s25+$0x0] =	vst.idx.add.f32.msk $0xffff, v2  }
0x23e: {  	v2 =	vld [tilespmem:s5+$0x0]  }
0x23f: {  	v1 =	vld [tilespmem:s3+$0xFFFFFF00];
	s3 =	smov.u32 s0  }
0x240: {  	[tilespmem:v7+s25+$0x0] =	vst.idx.add.f32.msk $0xffff, v9  }
0x241: {  	v7 =	vld [tilespmem:s0+$0xFFFFFF80]  }
0x242: {  	[tilespmem:v3+s24+$0x0] =	vst.idx.add.f32.msk $0xffff, v5  }
0x243: {  	[tilespmem:v4+s24+$0x0] =	vst.idx.add.f32.msk $0xffff, v6  }
0x244: {  	v5 =	vld [tilespmem:s0+$0xFFFFFDE0]  }
0x245: {  	v6 =	vld [tilespmem:s0+$0xFFFFFEE0]  }
0x246: {  	[tilespmem:v2+s24+$0x0] =	vst.idx.add.f32.msk $0xffff, v7  }
0x247: {  	v7 =	vld [tilespmem:s0+$0x0]  }
.Ltmp3:
0x248: {  	[tilespmem:v8+s25+$0x0] =	vst.idx.add.f32.msk $0xffff, v1;
	(pc) =	sbr.rel @p0 .LBB2_8-.Ltmp3, $4  }
0x249: {  	[tilespmem:v3+s25+$0x0] =	vst.idx.add.f32.msk $0xffff, v5  }
0x24a: {  	[tilespmem:v4+s25+$0x0] =	vst.idx.add.f32.msk $0xffff, v6  }
0x24b: {  	v1 =	vld [tilespmem:s5+$0xFFFFFEF0]  }
0x24c: {  	s22 =	simm.s32 $0x0;
	s5 =	sadd.s32 $0x180, s5;
	[tilespmem:v2+s25+$0x0] =	vst.idx.add.f32.msk $0xffff, v7  }
0x24d: {  	_ = 	snop  }
0x24e: {  	v2 =	vld [tilespmem:s31+$0xFFFFFF70]  }
0x24f: {  	v3 =	vld [tilespmem:s3+$0xFFFFFD70];
	_ =	sdelay $0x1  }
0x250: {  	v4 =	vld [tilespmem:s3+$0xFFFFFE70];
	_ =	sdelay $0x2  }
0x251: {  	[tilespmem:v1+s24+$0x0] =	vst.idx.add.f32.msk $0xffff, v3  }
0x252: {  	v3 =	vld [tilespmem:s3+$0xFFFFFDF0]  }
0x253: {  	[tilespmem:v2+s24+$0x0] =	vst.idx.add.f32.msk $0xffff, v4  }
0x254: {  	v4 =	vld [tilespmem:s3+$0xFFFFFEF0];
	_ =	sdelay $0x2  }
0x255: {  	[tilespmem:v1+s25+$0x0] =	vst.idx.add.f32.msk $0xffff, v3  }
0x256: {  	v1 =	vld [tilespmem:s31+$0xFFFFFF00]  }
0x257: {  	[tilespmem:v2+s25+$0x0] =	vst.idx.add.f32.msk $0xffff, v4  }
0x258: {  	v2 =	vld [tilespmem:s31+$0xFFFFFF80]  }
0x259: {  	v3 =	vld [tilespmem:s3+$0xFFFFFD80];
	_ =	sdelay $0x1  }
0x25a: {  	v4 =	vld [tilespmem:s3+$0xFFFFFE80];
	_ =	sdelay $0x2  }
0x25b: {  	[tilespmem:v1+s24+$0x0] =	vst.idx.add.f32.msk $0xffff, v3  }
0x25c: {  	v3 =	vld [tilespmem:s3+$0xFFFFFE00]  }
0x25d: {  	[tilespmem:v2+s24+$0x0] =	vst.idx.add.f32.msk $0xffff, v4  }
0x25e: {  	v4 =	vld [tilespmem:s3+$0xFFFFFF00];
	_ =	sdelay $0x3  }
0x25f: {  	[tilespmem:v1+s25+$0x0] =	vst.idx.add.f32.msk $0xffff, v3  }
0x260: {  	[tilespmem:v2+s25+$0x0] =	vst.idx.add.f32.msk $0xffff, v4  }
.LBB2_10:
0x261: {  	v1 =	vld [tilespmem:s1+$0x0];
	_ =	sdelay $0x1  }
0x262: {  	s0 =	sshra.s32 s22, $0x2  }
0x263: {  	v2 =	vld [tilespmem:s0+$0x17500];
	_ =	sdelay $0x4  }
0x264: {  	[tilespmem:v1+s24+$0x0] =	vst.idx.add.f32.msk $0xffff, v2  }
0x265: {  	v2 =	vld [tilespmem:s0+$0x17580];
	_ =	sdelay $0x4  }
0x266: {  	[tilespmem:v1+s25+$0x0] =	vst.idx.add.f32.msk $0xffff, v2  }
0x267: {  	v1 =	vld [tilespmem:s1+$0x10];
	_ =	sdelay $0x2  }
0x268: {  	v2 =	vld [tilespmem:s0+$0x17510];
	_ =	sdelay $0x4  }
0x269: {  	[tilespmem:v1+s24+$0x0] =	vst.idx.add.f32.msk $0xffff, v2  }
0x26a: {  	v2 =	vld [tilespmem:s0+$0x17590];
	_ =	sdelay $0x4  }
0x26b: {  	[tilespmem:v1+s25+$0x0] =	vst.idx.add.f32.msk $0xffff, v2  }
0x26c: {  	v1 =	vld [tilespmem:s1+$0x20];
	_ =	sdelay $0x2  }
0x26d: {  	v2 =	vld [tilespmem:s0+$0x17520];
	_ =	sdelay $0x4  }
0x26e: {  	[tilespmem:v1+s24+$0x0] =	vst.idx.add.f32.msk $0xffff, v2  }
0x26f: {  	v2 =	vld [tilespmem:s0+$0x175A0];
	_ =	sdelay $0x4  }
0x270: {  	[tilespmem:v1+s25+$0x0] =	vst.idx.add.f32.msk $0xffff, v2  }
0x271: {  	v1 =	vld [tilespmem:s1+$0x30];
	_ =	sdelay $0x2  }
0x272: {  	v2 =	vld [tilespmem:s0+$0x17530];
	_ =	sdelay $0x4  }
0x273: {  	[tilespmem:v1+s24+$0x0] =	vst.idx.add.f32.msk $0xffff, v2  }
0x274: {  	v2 =	vld [tilespmem:s0+$0x175B0];
	_ =	sdelay $0x4  }
0x275: {  	[tilespmem:v1+s25+$0x0] =	vst.idx.add.f32.msk $0xffff, v2  }
0x276: {  	v1 =	vld [tilespmem:s1+$0x40];
	_ =	sdelay $0x2  }
0x277: {  	v2 =	vld [tilespmem:s0+$0x17540];
	_ =	sdelay $0x4  }
0x278: {  	[tilespmem:v1+s24+$0x0] =	vst.idx.add.f32.msk $0xffff, v2  }
0x279: {  	v2 =	vld [tilespmem:s0+$0x175C0];
	_ =	sdelay $0x4  }
0x27a: {  	[tilespmem:v1+s25+$0x0] =	vst.idx.add.f32.msk $0xffff, v2  }
0x27b: {  	v1 =	vld [tilespmem:s1+$0x50];
	_ =	sdelay $0x2  }
0x27c: {  	v2 =	vld [tilespmem:s0+$0x17550];
	_ =	sdelay $0x4  }
0x27d: {  	[tilespmem:v1+s24+$0x0] =	vst.idx.add.f32.msk $0xffff, v2  }
0x27e: {  	v2 =	vld [tilespmem:s0+$0x175D0];
	_ =	sdelay $0x4  }
0x27f: {  	[tilespmem:v1+s25+$0x0] =	vst.idx.add.f32.msk $0xffff, v2  }
0x280: {  	v1 =	vld [tilespmem:s1+$0x60];
	_ =	sdelay $0x2  }
0x281: {  	v2 =	vld [tilespmem:s0+$0x17560];
	_ =	sdelay $0x4  }
0x282: {  	[tilespmem:v1+s24+$0x0] =	vst.idx.add.f32.msk $0xffff, v2  }
0x283: {  	v2 =	vld [tilespmem:s0+$0x175E0];
	_ =	sdelay $0x4  }
0x284: {  	[tilespmem:v1+s25+$0x0] =	vst.idx.add.f32.msk $0xffff, v2  }
0x285: {  	v1 =	vld [tilespmem:s1+$0x70];
	_ =	sdelay $0x2  }
0x286: {  	v2 =	vld [tilespmem:s0+$0x17570];
	_ =	sdelay $0x4  }
0x287: {  	[tilespmem:v1+s24+$0x0] =	vst.idx.add.f32.msk $0xffff, v2  }
0x288: {  	p0 =	sne.s32 s22, $0x400;
	v2 =	vld [tilespmem:s0+$0x175F0]  }
.Ltmp4:
0x289: {  	_ = 	snop;
	(pc) =	sbr.rel @p0 .LBB2_10-.Ltmp4, $2  }
0x28a: {  	_ =	sdelay $0x2  }
0x28b: {  	s22 =	sadd.s32 $0x400, s22;
	s1 =	sadd.s32 $0x80, s1;
	[tilespmem:v1+s25+$0x0] =	vst.idx.add.f32.msk $0xffff, v2  }
0x28c: {  	_ =	swait.ge [sflag:s19], $0x3E80  }
0x28d: {  	[sflag:s19] =	ssyncset.done $0x0  }
0x28e: {  	[sflag:s19] =	ssyncadd.s32 $0xFFFFC180  }
0x28f: {  	_ =	swait.ge [sflag:s20], $0x7D00  }
0x290: {  	[sflag:s20] =	ssyncset.done $0x0  }
0x291: {  	s0 =	simm.s32 $0x3E80;
	[sflag:s20] =	ssyncadd.s32 $0xFFFF8300  }
0x292: {  	[tilespmem:s0], [sflag:$0x2] =	stream.strided.gather [hbm4b:s9+s16], $0x3E80, s21, s16, $0x38;
	[tilespmem:$0x1C700] =	vst v63  }
0x293: {  	s31 =	simm.s32 $0xC0  }
0x294: {  	[tilespmem:s23], [sflag:$0x4] =	stream.strided.gather [hbm4b:s10+s21], $0x7D00, s17, s21, $0x38;
	[tilespmem:$0x1C700] =	vst v63  }
0x295: {  	v1 =	vld [tilespmem:s31+$0x40];
	_ =	sdelay $0x1  }
0x296: {  	s0 =	simm.s32 $0x7E80  }
0x297: {  	v3 =	vld [tilespmem:s0+$0x80]  }
0x298: {  	v2 =	vld [tilespmem:s31+$0xFFFFFF40];
	_ =	sdelay $0x1  }
0x299: {  	v4 =	vld [tilespmem:s31+$0xFFFFFFC0]  }
0x29a: {  	v5 =	vld [tilespmem:s0+$0xFFFFFE80]  }
0x29b: {  	[tilespmem:v1+s24+$0x0] =	vst.idx.add.f32.msk $0xffff, v3  }
0x29c: {  	v3 =	vld [tilespmem:s0+$0x100];
	_ =	sdelay $0x1  }
0x29d: {  	v6 =	vld [tilespmem:s0+$0xFFFFFF80]  }
0x29e: {  	[tilespmem:v2+s24+$0x0] =	vst.idx.add.f32.msk $0xffff, v5  }
0x29f: {  	v5 =	vld [tilespmem:s0+$0xFFFFFF00]  }
0x2a0: {  	[tilespmem:v1+s25+$0x0] =	vst.idx.add.f32.msk $0xffff, v3  }
0x2a1: {  	v1 =	vld [tilespmem:s31+$0x50]  }
0x2a2: {  	[tilespmem:v4+s24+$0x0] =	vst.idx.add.f32.msk $0xffff, v6  }
0x2a3: {  	v3 =	vld [tilespmem:s0+$0x0]  }
0x2a4: {  	v49 =	vld [tilespmem:s0+$0x90];
	_ =	sdelay $0x1  }
0x2a5: {  	[tilespmem:v2+s25+$0x0] =	vst.idx.add.f32.msk $0xffff, v5  }
0x2a6: {  	v2 =	vld [tilespmem:s31+$0xFFFFFF50]  }
0x2a7: {  	[tilespmem:v4+s25+$0x0] =	vst.idx.add.f32.msk $0xffff, v3  }
0x2a8: {  	[tilespmem:v1+s24+$0x0] =	vst.idx.add.f32.msk $0xffff, v49  }
0x2a9: {  	v3 =	vld [tilespmem:s0+$0x110];
	_ =	sdelay $0x1  }
0x2aa: {  	v5 =	vld [tilespmem:s0+$0xFFFFFE90];
	_ =	sdelay $0x1  }
0x2ab: {  	v4 =	vld [tilespmem:s31+$0xFFFFFFD0]  }
0x2ac: {  	[tilespmem:v1+s25+$0x0] =	vst.idx.add.f32.msk $0xffff, v3  }
0x2ad: {  	v1 =	vld [tilespmem:s31+$0x60]  }
0x2ae: {  	[tilespmem:v2+s24+$0x0] =	vst.idx.add.f32.msk $0xffff, v5  }
0x2af: {  	v3 =	vld [tilespmem:s0+$0xFFFFFF10]  }
0x2b0: {  	v51 =	vld [tilespmem:s0+$0xA0];
	_ =	sdelay $0x1  }
0x2b1: {  	v50 =	vld [tilespmem:s0+$0xFFFFFF90];
	_ =	sdelay $0x1  }
0x2b2: {  	[tilespmem:v2+s25+$0x0] =	vst.idx.add.f32.msk $0xffff, v3  }
0x2b3: {  	[tilespmem:v1+s24+$0x0] =	vst.idx.add.f32.msk $0xffff, v51  }
0x2b4: {  	v2 =	vld [tilespmem:s0+$0x120]  }
0x2b5: {  	[tilespmem:v4+s24+$0x0] =	vst.idx.add.f32.msk $0xffff, v50  }
0x2b6: {  	v6 =	vld [tilespmem:s0+$0x10];
	_ =	sdelay $0x2  }
0x2b7: {  	[tilespmem:v1+s25+$0x0] =	vst.idx.add.f32.msk $0xffff, v2  }
0x2b8: {  	v1 =	vld [tilespmem:s31+$0x70]  }
0x2b9: {  	[tilespmem:v4+s25+$0x0] =	vst.idx.add.f32.msk $0xffff, v6  }
0x2ba: {  	v4 =	vld [tilespmem:s31+$0xFFFFFFE0]  }
0x2bb: {  	v53 =	vld [tilespmem:s0+$0xB0]  }
0x2bc: {  	v3 =	vld [tilespmem:s31+$0xFFFFFF60]  }
0x2bd: {  	v2 =	vld [tilespmem:s0+$0xFFFFFFA0];
	_ =	sdelay $0x1  }
0x2be: {  	v52 =	vld [tilespmem:s0+$0xFFFFFEA0]  }
0x2bf: {  	[tilespmem:v1+s24+$0x0] =	vst.idx.add.f32.msk $0xffff, v53  }
0x2c0: {  	v6 =	vld [tilespmem:s0+$0x130]  }
0x2c1: {  	[tilespmem:v4+s24+$0x0] =	vst.idx.add.f32.msk $0xffff, v2  }
0x2c2: {  	v2 =	vld [tilespmem:s0+$0x20]  }
0x2c3: {  	[tilespmem:v3+s24+$0x0] =	vst.idx.add.f32.msk $0xffff, v52  }
0x2c4: {  	v5 =	vld [tilespmem:s0+$0xFFFFFF20]  }
0x2c5: {  	[tilespmem:v1+s25+$0x0] =	vst.idx.add.f32.msk $0xffff, v6  }
0x2c6: {  	v1 =	vld [tilespmem:s31+$0x80]  }
0x2c7: {  	[tilespmem:v4+s25+$0x0] =	vst.idx.add.f32.msk $0xffff, v2  }
0x2c8: {  	v2 =	vld [tilespmem:s31+$0xFFFFFFF0]  }
0x2c9: {  	v55 =	vld [tilespmem:s0+$0xC0]  }
0x2ca: {  	[tilespmem:v3+s25+$0x0] =	vst.idx.add.f32.msk $0xffff, v5  }
0x2cb: {  	v3 =	vld [tilespmem:s31+$0xFFFFFF70]  }
0x2cc: {  	v56 =	vld [tilespmem:s0+$0xFFFFFFB0]  }
0x2cd: {  	v54 =	vld [tilespmem:s0+$0xFFFFFEB0]  }
0x2ce: {  	[tilespmem:v1+s24+$0x0] =	vst.idx.add.f32.msk $0xffff, v55  }
0x2cf: {  	v57 =	vld [tilespmem:s0+$0x140];
	_ =	sdelay $0x1  }
0x2d0: {  	[tilespmem:v2+s24+$0x0] =	vst.idx.add.f32.msk $0xffff, v56  }
0x2d1: {  	v6 =	vld [tilespmem:s0+$0x30]  }
0x2d2: {  	[tilespmem:v3+s24+$0x0] =	vst.idx.add.f32.msk $0xffff, v54  }
0x2d3: {  	[tilespmem:v1+s25+$0x0] =	vst.idx.add.f32.msk $0xffff, v57  }
0x2d4: {  	v1 =	vld [tilespmem:s31+$0x90]  }
0x2d5: {  	v58 =	vld [tilespmem:s0+$0xFFFFFF30]  }
0x2d6: {  	[tilespmem:v2+s25+$0x0] =	vst.idx.add.f32.msk $0xffff, v6  }
0x2d7: {  	v2 =	vld [tilespmem:s0+$0xD0];
	_ =	sdelay $0x2  }
0x2d8: {  	[tilespmem:v3+s25+$0x0] =	vst.idx.add.f32.msk $0xffff, v58  }
0x2d9: {  	v3 =	vld [tilespmem:s31+$0xFFFFFF80]  }
0x2da: {  	[tilespmem:v1+s24+$0x0] =	vst.idx.add.f32.msk $0xffff, v2  }
0x2db: {  	v2 =	vld [tilespmem:s0+$0x150]  }
0x2dc: {  	v5 =	vld [tilespmem:s0+$0xFFFFFEC0]  }
0x2dd: {  	v59 =	vld [tilespmem:s31+$0x0];
	_ =	sdelay $0x1  }
0x2de: {  	v6 =	vld [tilespmem:s0+$0xFFFFFFC0]  }
0x2df: {  	[tilespmem:v1+s25+$0x0] =	vst.idx.add.f32.msk $0xffff, v2  }
0x2e0: {  	v1 =	vld [tilespmem:s31+$0xA0]  }
0x2e1: {  	[tilespmem:v3+s24+$0x0] =	vst.idx.add.f32.msk $0xffff, v5  }
0x2e2: {  	v2 =	vld [tilespmem:s0+$0xFFFFFF40]  }
0x2e3: {  	v61 =	vld [tilespmem:s0+$0xE0]  }
0x2e4: {  	[tilespmem:v59+s24+$0x0] =	vst.idx.add.f32.msk $0xffff, v6  }
0x2e5: {  	v60 =	vld [tilespmem:s0+$0x40];
	_ =	sdelay $0x1  }
0x2e6: {  	[tilespmem:v3+s25+$0x0] =	vst.idx.add.f32.msk $0xffff, v2  }
0x2e7: {  	[tilespmem:v1+s24+$0x0] =	vst.idx.add.f32.msk $0xffff, v61  }
0x2e8: {  	v2 =	vld [tilespmem:s0+$0x160]  }
0x2e9: {  	[tilespmem:v59+s25+$0x0] =	vst.idx.add.f32.msk $0xffff, v60  }
0x2ea: {  	v4 =	vld [tilespmem:s31+$0x10]  }
0x2eb: {  	v63 =	vld [tilespmem:s0+$0xFFFFFFD0]  }
0x2ec: {  	v3 =	vld [tilespmem:s31+$0xFFFFFF90]  }
0x2ed: {  	[tilespmem:v1+s25+$0x0] =	vst.idx.add.f32.msk $0xffff, v2  }
0x2ee: {  	v2 =	vld [tilespmem:s31+$0xB0]  }
0x2ef: {  	v62 =	vld [tilespmem:s0+$0xFFFFFED0];
	_ =	sdelay $0x1  }
0x2f0: {  	v1 =	vld [tilespmem:s0+$0xF0]  }
0x2f1: {  	[tilespmem:v4+s24+$0x0] =	vst.idx.add.f32.msk $0xffff, v63  }
0x2f2: {  	v6 =	vld [tilespmem:s0+$0x50]  }
0x2f3: {  	[tilespmem:v3+s24+$0x0] =	vst.idx.add.f32.msk $0xffff, v62  }
0x2f4: {  	v5 =	vld [tilespmem:s0+$0xFFFFFF50]  }
0x2f5: {  	[tilespmem:v2+s24+$0x0] =	vst.idx.add.f32.msk $0xffff, v1  }
0x2f6: {  	v7 =	vld [tilespmem:s0+$0x170];
	_ =	sdelay $0x1  }
0x2f7: {  	[tilespmem:v4+s25+$0x0] =	vst.idx.add.f32.msk $0xffff, v6  }
0x2f8: {  	[tilespmem:v3+s25+$0x0] =	vst.idx.add.f32.msk $0xffff, v5  }
0x2f9: {  	v1 =	vld [tilespmem:s31+$0xFFFFFFA0]  }
0x2fa: {  	s3 =	simm.s32 $0x0;
	s4 =	simm.s32 $0x240;
	s1 =	simm.s32 $0x7E80;
	[tilespmem:v2+s25+$0x0] =	vst.idx.add.f32.msk $0xffff, v7  }
.LBB2_12:
0x2fb: {  	v2 =	vld [tilespmem:s4+$0x40];
	s3 =	sadd.s32 $0x3, s3  }
0x2fc: {  	v3 =	vld [tilespmem:s4+$0xFFFFFFC0];
	p0 =	slt.u32 s3, $0x78  }
0x2fd: {  	s0 =	sadd.s32 $0x300, s0;
	v4 =	vld [tilespmem:s4+$0xFFFFFF40]  }
0x2fe: {  	v5 =	vld [tilespmem:s0+$0x80]  }
0x2ff: {  	v6 =	vld [tilespmem:s0+$0xFFFFFE80]  }
0x300: {  	v7 =	vld [tilespmem:s0+$0xFFFFFF80]  }
0x301: {  	v8 =	vld [tilespmem:s31+$0x20]  }
0x302: {  	v9 =	vld [tilespmem:s1+$0xFFFFFEE0]  }
0x303: {  	[tilespmem:v2+s24+$0x0] =	vst.idx.add.f32.msk $0xffff, v5  }
0x304: {  	v5 =	vld [tilespmem:s0+$0x100]  }
0x305: {  	[tilespmem:v4+s24+$0x0] =	vst.idx.add.f32.msk $0xffff, v6  }
0x306: {  	[tilespmem:v3+s24+$0x0] =	vst.idx.add.f32.msk $0xffff, v7  }
0x307: {  	v6 =	vld [tilespmem:s0+$0xFFFFFF00]  }
0x308: {  	v7 =	vld [tilespmem:s0+$0x0]  }
0x309: {  	[tilespmem:v2+s25+$0x0] =	vst.idx.add.f32.msk $0xffff, v5  }
0x30a: {  	v2 =	vld [tilespmem:s4+$0x50]  }
0x30b: {  	v5 =	vld [tilespmem:s1+$0xFFFFFFE0]  }
0x30c: {  	[tilespmem:v4+s25+$0x0] =	vst.idx.add.f32.msk $0xffff, v6  }
0x30d: {  	v4 =	vld [tilespmem:s0+$0x90]  }
0x30e: {  	[tilespmem:v3+s25+$0x0] =	vst.idx.add.f32.msk $0xffff, v7  }
0x30f: {  	v3 =	vld [tilespmem:s4+$0xFFFFFF50]  }
0x310: {  	v6 =	vld [tilespmem:s4+$0xFFFFFFD0]  }
0x311: {  	v7 =	vld [tilespmem:s0+$0xFFFFFE90]  }
0x312: {  	[tilespmem:v2+s24+$0x0] =	vst.idx.add.f32.msk $0xffff, v4  }
0x313: {  	v4 =	vld [tilespmem:s0+$0x110]  }
0x314: {  	v10 =	vld [tilespmem:s0+$0xFFFFFF90]  }
0x315: {  	[tilespmem:v1+s24+$0x0] =	vst.idx.add.f32.msk $0xffff, v9  }
0x316: {  	[tilespmem:v8+s24+$0x0] =	vst.idx.add.f32.msk $0xffff, v5  }
0x317: {  	[tilespmem:v3+s24+$0x0] =	vst.idx.add.f32.msk $0xffff, v7  }
0x318: {  	[tilespmem:v2+s25+$0x0] =	vst.idx.add.f32.msk $0xffff, v4  }
0x319: {  	v2 =	vld [tilespmem:s4+$0x60]  }
0x31a: {  	[tilespmem:v6+s24+$0x0] =	vst.idx.add.f32.msk $0xffff, v10  }
0x31b: {  	v4 =	vld [tilespmem:s0+$0xFFFFFF10]  }
0x31c: {  	v5 =	vld [tilespmem:s0+$0xA0]  }
0x31d: {  	v7 =	vld [tilespmem:s0+$0x10]  }
0x31e: {  	v9 =	vld [tilespmem:s1+$0xFFFFFF60]  }
0x31f: {  	v10 =	vld [tilespmem:s1+$0x60]  }
0x320: {  	[tilespmem:v3+s25+$0x0] =	vst.idx.add.f32.msk $0xffff, v4  }
0x321: {  	[tilespmem:v2+s24+$0x0] =	vst.idx.add.f32.msk $0xffff, v5  }
0x322: {  	v3 =	vld [tilespmem:s0+$0x120]  }
0x323: {  	[tilespmem:v6+s25+$0x0] =	vst.idx.add.f32.msk $0xffff, v7  }
0x324: {  	v4 =	vld [tilespmem:s4+$0xFFFFFF60]  }
0x325: {  	v5 =	vld [tilespmem:s4+$0xFFFFFFE0]  }
0x326: {  	v6 =	vld [tilespmem:s0+$0xFFFFFEA0]  }
0x327: {  	[tilespmem:v2+s25+$0x0] =	vst.idx.add.f32.msk $0xffff, v3  }
0x328: {  	v2 =	vld [tilespmem:s4+$0x70]  }
0x329: {  	v3 =	vld [tilespmem:s0+$0xFFFFFFA0]  }
0x32a: {  	[tilespmem:v1+s25+$0x0] =	vst.idx.add.f32.msk $0xffff, v9  }
0x32b: {  	v1 =	vld [tilespmem:s0+$0xB0]  }
0x32c: {  	[tilespmem:v4+s24+$0x0] =	vst.idx.add.f32.msk $0xffff, v6  }
0x32d: {  	v6 =	vld [tilespmem:s0+$0xFFFFFF20]  }
0x32e: {  	[tilespmem:v5+s24+$0x0] =	vst.idx.add.f32.msk $0xffff, v3  }
0x32f: {  	v3 =	vld [tilespmem:s0+$0x20]  }
0x330: {  	[tilespmem:v2+s24+$0x0] =	vst.idx.add.f32.msk $0xffff, v1  }
0x331: {  	v1 =	vld [tilespmem:s0+$0x130]  }
0x332: {  	[tilespmem:v4+s25+$0x0] =	vst.idx.add.f32.msk $0xffff, v6  }
0x333: {  	v4 =	vld [tilespmem:s4+$0xFFFFFF70]  }
0x334: {  	[tilespmem:v5+s25+$0x0] =	vst.idx.add.f32.msk $0xffff, v3  }
0x335: {  	v3 =	vld [tilespmem:s4+$0xFFFFFFF0]  }
0x336: {  	[tilespmem:v2+s25+$0x0] =	vst.idx.add.f32.msk $0xffff, v1  }
0x337: {  	v1 =	vld [tilespmem:s4+$0x80]  }
0x338: {  	v2 =	vld [tilespmem:s0+$0xFFFFFEB0]  }
0x339: {  	v5 =	vld [tilespmem:s0+$0xFFFFFFB0]  }
0x33a: {  	v6 =	vld [tilespmem:s0+$0xC0]  }
0x33b: {  	[tilespmem:v8+s25+$0x0] =	vst.idx.add.f32.msk $0xffff, v10  }
0x33c: {  	v7 =	vld [tilespmem:s31+$0xFFFFFFB0]  }
0x33d: {  	[tilespmem:v4+s24+$0x0] =	vst.idx.add.f32.msk $0xffff, v2  }
0x33e: {  	[tilespmem:v3+s24+$0x0] =	vst.idx.add.f32.msk $0xffff, v5  }
0x33f: {  	[tilespmem:v1+s24+$0x0] =	vst.idx.add.f32.msk $0xffff, v6  }
0x340: {  	v2 =	vld [tilespmem:s0+$0x140]  }
0x341: {  	v5 =	vld [tilespmem:s0+$0xFFFFFF30]  }
0x342: {  	v6 =	vld [tilespmem:s0+$0x30]  }
0x343: {  	v8 =	vld [tilespmem:s31+$0x30];
	s31 =	smov.u32 s4  }
0x344: {  	v9 =	vld [tilespmem:s1+$0xFFFFFEF0]  }
0x345: {  	[tilespmem:v1+s25+$0x0] =	vst.idx.add.f32.msk $0xffff, v2  }
0x346: {  	v1 =	vld [tilespmem:s4+$0x90]  }
0x347: {  	[tilespmem:v4+s25+$0x0] =	vst.idx.add.f32.msk $0xffff, v5  }
0x348: {  	[tilespmem:v3+s25+$0x0] =	vst.idx.add.f32.msk $0xffff, v6  }
0x349: {  	v2 =	vld [tilespmem:s0+$0xD0]  }
0x34a: {  	v3 =	vld [tilespmem:s4+$0xFFFFFF80]  }
0x34b: {  	v4 =	vld [tilespmem:s4+$0x0]  }
0x34c: {  	v5 =	vld [tilespmem:s0+$0xFFFFFEC0]  }
0x34d: {  	v6 =	vld [tilespmem:s0+$0xFFFFFFC0]  }
0x34e: {  	[tilespmem:v1+s24+$0x0] =	vst.idx.add.f32.msk $0xffff, v2  }
0x34f: {  	v2 =	vld [tilespmem:s0+$0x150]  }
0x350: {  	v10 =	vld [tilespmem:s1+$0xFFFFFFF0]  }
0x351: {  	[tilespmem:v7+s24+$0x0] =	vst.idx.add.f32.msk $0xffff, v9  }
0x352: {  	[tilespmem:v3+s24+$0x0] =	vst.idx.add.f32.msk $0xffff, v5  }
0x353: {  	[tilespmem:v4+s24+$0x0] =	vst.idx.add.f32.msk $0xffff, v6  }
0x354: {  	[tilespmem:v1+s25+$0x0] =	vst.idx.add.f32.msk $0xffff, v2  }
0x355: {  	v1 =	vld [tilespmem:s4+$0xA0]  }
0x356: {  	v2 =	vld [tilespmem:s0+$0xFFFFFF40]  }
0x357: {  	v5 =	vld [tilespmem:s0+$0x40]  }
0x358: {  	v6 =	vld [tilespmem:s0+$0xE0]  }
0x359: {  	[tilespmem:v8+s24+$0x0] =	vst.idx.add.f32.msk $0xffff, v10  }
0x35a: {  	v9 =	vld [tilespmem:s1+$0xFFFFFF70]  }
0x35b: {  	[tilespmem:v3+s25+$0x0] =	vst.idx.add.f32.msk $0xffff, v2  }
0x35c: {  	[tilespmem:v4+s25+$0x0] =	vst.idx.add.f32.msk $0xffff, v5  }
0x35d: {  	[tilespmem:v1+s24+$0x0] =	vst.idx.add.f32.msk $0xffff, v6  }
0x35e: {  	v2 =	vld [tilespmem:s0+$0x160]  }
0x35f: {  	v3 =	vld [tilespmem:s4+$0xFFFFFF90]  }
0x360: {  	v4 =	vld [tilespmem:s4+$0x10]  }
0x361: {  	v5 =	vld [tilespmem:s0+$0xFFFFFED0]  }
0x362: {  	v6 =	vld [tilespmem:s0+$0xFFFFFFD0]  }
0x363: {  	[tilespmem:v1+s25+$0x0] =	vst.idx.add.f32.msk $0xffff, v2  }
0x364: {  	v2 =	vld [tilespmem:s4+$0xB0]  }
0x365: {  	v1 =	vld [tilespmem:s1+$0x70];
	s1 =	smov.u32 s0  }
0x366: {  	[tilespmem:v7+s25+$0x0] =	vst.idx.add.f32.msk $0xffff, v9  }
0x367: {  	v7 =	vld [tilespmem:s0+$0xF0]  }
0x368: {  	[tilespmem:v3+s24+$0x0] =	vst.idx.add.f32.msk $0xffff, v5  }
0x369: {  	[tilespmem:v4+s24+$0x0] =	vst.idx.add.f32.msk $0xffff, v6  }
0x36a: {  	v5 =	vld [tilespmem:s0+$0xFFFFFF50]  }
0x36b: {  	v6 =	vld [tilespmem:s0+$0x50]  }
0x36c: {  	[tilespmem:v2+s24+$0x0] =	vst.idx.add.f32.msk $0xffff, v7  }
0x36d: {  	v7 =	vld [tilespmem:s0+$0x170]  }
.Ltmp5:
0x36e: {  	[tilespmem:v8+s25+$0x0] =	vst.idx.add.f32.msk $0xffff, v1;
	(pc) =	sbr.rel @p0 .LBB2_12-.Ltmp5, $4  }
0x36f: {  	[tilespmem:v3+s25+$0x0] =	vst.idx.add.f32.msk $0xffff, v5  }
0x370: {  	[tilespmem:v4+s25+$0x0] =	vst.idx.add.f32.msk $0xffff, v6  }
0x371: {  	v1 =	vld [tilespmem:s4+$0xFFFFFFA0]  }
0x372: {  	s5 =	simm.s32 $0x0;
	s22 =	simm.s32 $0x3DF0;
	s4 =	sadd.s32 $0x180, s4;
	[tilespmem:v2+s25+$0x0] =	vst.idx.add.f32.msk $0xffff, v7  }
0x373: {  	_ = 	snop  }
0x374: {  	v2 =	vld [tilespmem:s31+$0x20]  }
0x375: {  	v3 =	vld [tilespmem:s1+$0xFFFFFEE0];
	_ =	sdelay $0x1  }
0x376: {  	v4 =	vld [tilespmem:s1+$0xFFFFFFE0];
	_ =	sdelay $0x2  }
0x377: {  	[tilespmem:v1+s24+$0x0] =	vst.idx.add.f32.msk $0xffff, v3  }
0x378: {  	v3 =	vld [tilespmem:s1+$0xFFFFFF60]  }
0x379: {  	[tilespmem:v2+s24+$0x0] =	vst.idx.add.f32.msk $0xffff, v4  }
0x37a: {  	v4 =	vld [tilespmem:s1+$0x60];
	_ =	sdelay $0x2  }
0x37b: {  	[tilespmem:v1+s25+$0x0] =	vst.idx.add.f32.msk $0xffff, v3  }
0x37c: {  	v1 =	vld [tilespmem:s31+$0xFFFFFFB0]  }
0x37d: {  	[tilespmem:v2+s25+$0x0] =	vst.idx.add.f32.msk $0xffff, v4  }
0x37e: {  	v2 =	vld [tilespmem:s31+$0x30]  }
0x37f: {  	v3 =	vld [tilespmem:s1+$0xFFFFFEF0];
	_ =	sdelay $0x1  }
0x380: {  	v4 =	vld [tilespmem:s1+$0xFFFFFFF0];
	_ =	sdelay $0x2  }
0x381: {  	[tilespmem:v1+s24+$0x0] =	vst.idx.add.f32.msk $0xffff, v3  }
0x382: {  	v3 =	vld [tilespmem:s1+$0xFFFFFF70]  }
0x383: {  	[tilespmem:v2+s24+$0x0] =	vst.idx.add.f32.msk $0xffff, v4  }
0x384: {  	v4 =	vld [tilespmem:s1+$0x70];
	_ =	sdelay $0x3  }
0x385: {  	[tilespmem:v1+s25+$0x0] =	vst.idx.add.f32.msk $0xffff, v3  }
0x386: {  	[tilespmem:v2+s25+$0x0] =	vst.idx.add.f32.msk $0xffff, v4  }
.LBB2_14:
0x387: {  	v1 =	vld [tilespmem:s22+$0xFFFFFF90];
	_ =	sdelay $0x1  }
0x388: {  	s0 =	sshra.s32 s5, $0x2  }
0x389: {  	v2 =	vld [tilespmem:s0+$0xF800];
	_ =	sdelay $0x4  }
0x38a: {  	[tilespmem:v1+s24+$0x0] =	vst.idx.add.f32.msk $0xffff, v2  }
0x38b: {  	v2 =	vld [tilespmem:s0+$0xF880];
	_ =	sdelay $0x4  }
0x38c: {  	[tilespmem:v1+s25+$0x0] =	vst.idx.add.f32.msk $0xffff, v2  }
0x38d: {  	v1 =	vld [tilespmem:s22+$0xFFFFFFA0];
	_ =	sdelay $0x2  }
0x38e: {  	v2 =	vld [tilespmem:s0+$0xF810];
	_ =	sdelay $0x4  }
0x38f: {  	[tilespmem:v1+s24+$0x0] =	vst.idx.add.f32.msk $0xffff, v2  }
0x390: {  	v2 =	vld [tilespmem:s0+$0xF890];
	_ =	sdelay $0x4  }
0x391: {  	[tilespmem:v1+s25+$0x0] =	vst.idx.add.f32.msk $0xffff, v2  }
0x392: {  	v1 =	vld [tilespmem:s22+$0xFFFFFFB0];
	_ =	sdelay $0x2  }
0x393: {  	v2 =	vld [tilespmem:s0+$0xF820];
	_ =	sdelay $0x4  }
0x394: {  	[tilespmem:v1+s24+$0x0] =	vst.idx.add.f32.msk $0xffff, v2  }
0x395: {  	v2 =	vld [tilespmem:s0+$0xF8A0];
	_ =	sdelay $0x4  }
0x396: {  	[tilespmem:v1+s25+$0x0] =	vst.idx.add.f32.msk $0xffff, v2  }
0x397: {  	v1 =	vld [tilespmem:s22+$0xFFFFFFC0];
	_ =	sdelay $0x2  }
0x398: {  	v2 =	vld [tilespmem:s0+$0xF830];
	_ =	sdelay $0x4  }
0x399: {  	[tilespmem:v1+s24+$0x0] =	vst.idx.add.f32.msk $0xffff, v2  }
0x39a: {  	v2 =	vld [tilespmem:s0+$0xF8B0];
	_ =	sdelay $0x4  }
0x39b: {  	[tilespmem:v1+s25+$0x0] =	vst.idx.add.f32.msk $0xffff, v2  }
0x39c: {  	v1 =	vld [tilespmem:s22+$0xFFFFFFD0];
	_ =	sdelay $0x2  }
0x39d: {  	v2 =	vld [tilespmem:s0+$0xF840];
	_ =	sdelay $0x4  }
0x39e: {  	[tilespmem:v1+s24+$0x0] =	vst.idx.add.f32.msk $0xffff, v2  }
0x39f: {  	v2 =	vld [tilespmem:s0+$0xF8C0];
	_ =	sdelay $0x4  }
0x3a0: {  	[tilespmem:v1+s25+$0x0] =	vst.idx.add.f32.msk $0xffff, v2  }
0x3a1: {  	v1 =	vld [tilespmem:s22+$0xFFFFFFE0];
	_ =	sdelay $0x2  }
0x3a2: {  	v2 =	vld [tilespmem:s0+$0xF850];
	_ =	sdelay $0x4  }
0x3a3: {  	[tilespmem:v1+s24+$0x0] =	vst.idx.add.f32.msk $0xffff, v2  }
0x3a4: {  	v2 =	vld [tilespmem:s0+$0xF8D0];
	_ =	sdelay $0x4  }
0x3a5: {  	[tilespmem:v1+s25+$0x0] =	vst.idx.add.f32.msk $0xffff, v2  }
0x3a6: {  	v1 =	vld [tilespmem:s22+$0xFFFFFFF0];
	_ =	sdelay $0x2  }
0x3a7: {  	v2 =	vld [tilespmem:s0+$0xF860];
	_ =	sdelay $0x4  }
0x3a8: {  	[tilespmem:v1+s24+$0x0] =	vst.idx.add.f32.msk $0xffff, v2  }
0x3a9: {  	v2 =	vld [tilespmem:s0+$0xF8E0];
	_ =	sdelay $0x4  }
0x3aa: {  	[tilespmem:v1+s25+$0x0] =	vst.idx.add.f32.msk $0xffff, v2  }
0x3ab: {  	v1 =	vld [tilespmem:s22+$0x0];
	_ =	sdelay $0x2  }
0x3ac: {  	v2 =	vld [tilespmem:s0+$0xF870];
	_ =	sdelay $0x4  }
0x3ad: {  	[tilespmem:v1+s24+$0x0] =	vst.idx.add.f32.msk $0xffff, v2  }
0x3ae: {  	p0 =	sne.s32 s5, $0x400;
	v2 =	vld [tilespmem:s0+$0xF8F0]  }
.Ltmp6:
0x3af: {  	_ = 	snop;
	(pc) =	sbr.rel @p0 .LBB2_14-.Ltmp6, $2  }
0x3b0: {  	_ =	sdelay $0x2  }
0x3b1: {  	s5 =	sadd.s32 $0x400, s5;
	s22 =	sadd.s32 $0x80, s22;
	[tilespmem:v1+s25+$0x0] =	vst.idx.add.f32.msk $0xffff, v2  }
0x3b2: {  	_ =	swait.ge [sflag:s26], $0x3E80  }
0x3b3: {  	[sflag:s26] =	ssyncset.done $0x0  }
0x3b4: {  	[sflag:s26] =	ssyncadd.s32 $0xFFFFC180  }
0x3b5: {  	_ =	swait.ge [sflag:s28], $0x7D00  }
0x3b6: {  	[sflag:s28] =	ssyncset.done $0x0  }
0x3b7: {  	[sflag:s28] =	ssyncadd.s32 $0xFFFF8300  }
0x3b8: {  	[tilespmem:s2], [sflag:$0x1] =	stream.strided.gather [hbm4b:s12+s16], $0x3E80, s21, s16, $0x38;
	[tilespmem:$0x1C700] =	vst v63  }
0x3b9: {  	s31 =	simm.s32 $0x3FF0  }
0x3ba: {  	[tilespmem:s18], [sflag:$0x3] =	stream.strided.gather [hbm4b:s13+s21], $0x7D00, s17, s21, $0x38;
	[tilespmem:$0x1C700] =	vst v63  }
0x3bb: {  	v1 =	vld [tilespmem:s31+$0xFFFFFF90];
	_ =	sdelay $0x1  }
0x3bc: {  	s0 =	simm.s32 $0xFCF0  }
0x3bd: {  	v3 =	vld [tilespmem:s0+$0xFFFFFF10]  }
0x3be: {  	v2 =	vld [tilespmem:s31+$0xFFFFFE90];
	_ =	sdelay $0x1  }
0x3bf: {  	v4 =	vld [tilespmem:s31+$0xFFFFFF10]  }
0x3c0: {  	v5 =	vld [tilespmem:s0+$0xFFFFFD10]  }
0x3c1: {  	[tilespmem:v1+s24+$0x0] =	vst.idx.add.f32.msk $0xffff, v3  }
0x3c2: {  	v3 =	vld [tilespmem:s0+$0xFFFFFF90];
	_ =	sdelay $0x1  }
0x3c3: {  	v6 =	vld [tilespmem:s0+$0xFFFFFE10]  }
0x3c4: {  	[tilespmem:v2+s24+$0x0] =	vst.idx.add.f32.msk $0xffff, v5  }
0x3c5: {  	v5 =	vld [tilespmem:s0+$0xFFFFFD90]  }
0x3c6: {  	[tilespmem:v1+s25+$0x0] =	vst.idx.add.f32.msk $0xffff, v3  }
0x3c7: {  	v1 =	vld [tilespmem:s31+$0xFFFFFFA0]  }
0x3c8: {  	[tilespmem:v4+s24+$0x0] =	vst.idx.add.f32.msk $0xffff, v6  }
0x3c9: {  	v3 =	vld [tilespmem:s0+$0xFFFFFE90]  }
0x3ca: {  	v49 =	vld [tilespmem:s0+$0xFFFFFF20];
	_ =	sdelay $0x1  }
0x3cb: {  	[tilespmem:v2+s25+$0x0] =	vst.idx.add.f32.msk $0xffff, v5  }
0x3cc: {  	v2 =	vld [tilespmem:s31+$0xFFFFFEA0]  }
0x3cd: {  	[tilespmem:v4+s25+$0x0] =	vst.idx.add.f32.msk $0xffff, v3  }
0x3ce: {  	[tilespmem:v1+s24+$0x0] =	vst.idx.add.f32.msk $0xffff, v49  }
0x3cf: {  	v3 =	vld [tilespmem:s0+$0xFFFFFFA0];
	_ =	sdelay $0x1  }
0x3d0: {  	v5 =	vld [tilespmem:s0+$0xFFFFFD20];
	_ =	sdelay $0x1  }
0x3d1: {  	v4 =	vld [tilespmem:s31+$0xFFFFFF20]  }
0x3d2: {  	[tilespmem:v1+s25+$0x0] =	vst.idx.add.f32.msk $0xffff, v3  }
0x3d3: {  	v1 =	vld [tilespmem:s31+$0xFFFFFFB0]  }
0x3d4: {  	[tilespmem:v2+s24+$0x0] =	vst.idx.add.f32.msk $0xffff, v5  }
0x3d5: {  	v3 =	vld [tilespmem:s0+$0xFFFFFDA0]  }
0x3d6: {  	v51 =	vld [tilespmem:s0+$0xFFFFFF30];
	_ =	sdelay $0x1  }
0x3d7: {  	v50 =	vld [tilespmem:s0+$0xFFFFFE20];
	_ =	sdelay $0x1  }
0x3d8: {  	[tilespmem:v2+s25+$0x0] =	vst.idx.add.f32.msk $0xffff, v3  }
0x3d9: {  	[tilespmem:v1+s24+$0x0] =	vst.idx.add.f32.msk $0xffff, v51  }
0x3da: {  	v2 =	vld [tilespmem:s0+$0xFFFFFFB0]  }
0x3db: {  	[tilespmem:v4+s24+$0x0] =	vst.idx.add.f32.msk $0xffff, v50  }
0x3dc: {  	v6 =	vld [tilespmem:s0+$0xFFFFFEA0];
	_ =	sdelay $0x2  }
0x3dd: {  	[tilespmem:v1+s25+$0x0] =	vst.idx.add.f32.msk $0xffff, v2  }
0x3de: {  	v1 =	vld [tilespmem:s31+$0xFFFFFFC0]  }
0x3df: {  	[tilespmem:v4+s25+$0x0] =	vst.idx.add.f32.msk $0xffff, v6  }
0x3e0: {  	v4 =	vld [tilespmem:s31+$0xFFFFFF30]  }
0x3e1: {  	v53 =	vld [tilespmem:s0+$0xFFFFFF40]  }
0x3e2: {  	v3 =	vld [tilespmem:s31+$0xFFFFFEB0]  }
0x3e3: {  	v2 =	vld [tilespmem:s0+$0xFFFFFE30];
	_ =	sdelay $0x1  }
0x3e4: {  	v52 =	vld [tilespmem:s0+$0xFFFFFD30]  }
0x3e5: {  	[tilespmem:v1+s24+$0x0] =	vst.idx.add.f32.msk $0xffff, v53  }
0x3e6: {  	v6 =	vld [tilespmem:s0+$0xFFFFFFC0]  }
0x3e7: {  	[tilespmem:v4+s24+$0x0] =	vst.idx.add.f32.msk $0xffff, v2  }
0x3e8: {  	v2 =	vld [tilespmem:s0+$0xFFFFFEB0]  }
0x3e9: {  	[tilespmem:v3+s24+$0x0] =	vst.idx.add.f32.msk $0xffff, v52  }
0x3ea: {  	v5 =	vld [tilespmem:s0+$0xFFFFFDB0]  }
0x3eb: {  	[tilespmem:v1+s25+$0x0] =	vst.idx.add.f32.msk $0xffff, v6  }
0x3ec: {  	v1 =	vld [tilespmem:s31+$0xFFFFFFD0]  }
0x3ed: {  	[tilespmem:v4+s25+$0x0] =	vst.idx.add.f32.msk $0xffff, v2  }
0x3ee: {  	v2 =	vld [tilespmem:s31+$0xFFFFFF40]  }
0x3ef: {  	v55 =	vld [tilespmem:s0+$0xFFFFFF50]  }
0x3f0: {  	[tilespmem:v3+s25+$0x0] =	vst.idx.add.f32.msk $0xffff, v5  }
0x3f1: {  	v3 =	vld [tilespmem:s31+$0xFFFFFEC0]  }
0x3f2: {  	v56 =	vld [tilespmem:s0+$0xFFFFFE40]  }
0x3f3: {  	v54 =	vld [tilespmem:s0+$0xFFFFFD40]  }
0x3f4: {  	[tilespmem:v1+s24+$0x0] =	vst.idx.add.f32.msk $0xffff, v55  }
0x3f5: {  	v57 =	vld [tilespmem:s0+$0xFFFFFFD0];
	_ =	sdelay $0x1  }
0x3f6: {  	[tilespmem:v2+s24+$0x0] =	vst.idx.add.f32.msk $0xffff, v56  }
0x3f7: {  	v6 =	vld [tilespmem:s0+$0xFFFFFEC0]  }
0x3f8: {  	[tilespmem:v3+s24+$0x0] =	vst.idx.add.f32.msk $0xffff, v54  }
0x3f9: {  	[tilespmem:v1+s25+$0x0] =	vst.idx.add.f32.msk $0xffff, v57  }
0x3fa: {  	v1 =	vld [tilespmem:s31+$0xFFFFFFE0]  }
0x3fb: {  	v58 =	vld [tilespmem:s0+$0xFFFFFDC0]  }
0x3fc: {  	[tilespmem:v2+s25+$0x0] =	vst.idx.add.f32.msk $0xffff, v6  }
0x3fd: {  	v2 =	vld [tilespmem:s0+$0xFFFFFF60];
	_ =	sdelay $0x2  }
0x3fe: {  	[tilespmem:v3+s25+$0x0] =	vst.idx.add.f32.msk $0xffff, v58  }
0x3ff: {  	v3 =	vld [tilespmem:s31+$0xFFFFFED0]  }
0x400: {  	[tilespmem:v1+s24+$0x0] =	vst.idx.add.f32.msk $0xffff, v2  }
0x401: {  	v2 =	vld [tilespmem:s0+$0xFFFFFFE0]  }
0x402: {  	v5 =	vld [tilespmem:s0+$0xFFFFFD50]  }
0x403: {  	v59 =	vld [tilespmem:s31+$0xFFFFFF50];
	_ =	sdelay $0x1  }
0x404: {  	v6 =	vld [tilespmem:s0+$0xFFFFFE50]  }
0x405: {  	[tilespmem:v1+s25+$0x0] =	vst.idx.add.f32.msk $0xffff, v2  }
0x406: {  	v1 =	vld [tilespmem:s31+$0xFFFFFFF0]  }
0x407: {  	[tilespmem:v3+s24+$0x0] =	vst.idx.add.f32.msk $0xffff, v5  }
0x408: {  	v2 =	vld [tilespmem:s0+$0xFFFFFDD0]  }
0x409: {  	v61 =	vld [tilespmem:s0+$0xFFFFFF70]  }
0x40a: {  	[tilespmem:v59+s24+$0x0] =	vst.idx.add.f32.msk $0xffff, v6  }
0x40b: {  	v60 =	vld [tilespmem:s0+$0xFFFFFED0];
	_ =	sdelay $0x1  }
0x40c: {  	[tilespmem:v3+s25+$0x0] =	vst.idx.add.f32.msk $0xffff, v2  }
0x40d: {  	[tilespmem:v1+s24+$0x0] =	vst.idx.add.f32.msk $0xffff, v61  }
0x40e: {  	v2 =	vld [tilespmem:s0+$0xFFFFFFF0]  }
0x40f: {  	[tilespmem:v59+s25+$0x0] =	vst.idx.add.f32.msk $0xffff, v60  }
0x410: {  	v4 =	vld [tilespmem:s31+$0xFFFFFF60]  }
0x411: {  	v63 =	vld [tilespmem:s0+$0xFFFFFE60]  }
0x412: {  	v3 =	vld [tilespmem:s31+$0xFFFFFEE0]  }
0x413: {  	[tilespmem:v1+s25+$0x0] =	vst.idx.add.f32.msk $0xffff, v2  }
0x414: {  	v2 =	vld [tilespmem:s31+$0x0]  }
0x415: {  	v62 =	vld [tilespmem:s0+$0xFFFFFD60];
	_ =	sdelay $0x1  }
0x416: {  	v1 =	vld [tilespmem:s0+$0xFFFFFF80]  }
0x417: {  	[tilespmem:v4+s24+$0x0] =	vst.idx.add.f32.msk $0xffff, v63  }
0x418: {  	v6 =	vld [tilespmem:s0+$0xFFFFFEE0]  }
0x419: {  	[tilespmem:v3+s24+$0x0] =	vst.idx.add.f32.msk $0xffff, v62  }
0x41a: {  	v5 =	vld [tilespmem:s0+$0xFFFFFDE0]  }
0x41b: {  	[tilespmem:v2+s24+$0x0] =	vst.idx.add.f32.msk $0xffff, v1  }
0x41c: {  	v7 =	vld [tilespmem:s0+$0x0];
	_ =	sdelay $0x1  }
0x41d: {  	[tilespmem:v4+s25+$0x0] =	vst.idx.add.f32.msk $0xffff, v6  }
0x41e: {  	[tilespmem:v3+s25+$0x0] =	vst.idx.add.f32.msk $0xffff, v5  }
0x41f: {  	v1 =	vld [tilespmem:s31+$0xFFFFFEF0]  }
0x420: {  	s3 =	simm.s32 $0x0;
	s4 =	simm.s32 $0x4170;
	s1 =	simm.s32 $0xFCF0;
	[tilespmem:v2+s25+$0x0] =	vst.idx.add.f32.msk $0xffff, v7  }
.LBB2_16:
0x421: {  	v2 =	vld [tilespmem:s4+$0xFFFFFF90];
	s3 =	sadd.s32 $0x3, s3  }
0x422: {  	v3 =	vld [tilespmem:s4+$0xFFFFFF10];
	p0 =	slt.u32 s3, $0x78  }
0x423: {  	s0 =	sadd.s32 $0x300, s0;
	v4 =	vld [tilespmem:s4+$0xFFFFFE90]  }
0x424: {  	v5 =	vld [tilespmem:s0+$0xFFFFFF10]  }
0x425: {  	v6 =	vld [tilespmem:s0+$0xFFFFFD10]  }
0x426: {  	v7 =	vld [tilespmem:s0+$0xFFFFFE10]  }
0x427: {  	v8 =	vld [tilespmem:s31+$0xFFFFFF70]  }
0x428: {  	v9 =	vld [tilespmem:s1+$0xFFFFFD70]  }
0x429: {  	[tilespmem:v2+s24+$0x0] =	vst.idx.add.f32.msk $0xffff, v5  }
0x42a: {  	v5 =	vld [tilespmem:s0+$0xFFFFFF90]  }
0x42b: {  	[tilespmem:v4+s24+$0x0] =	vst.idx.add.f32.msk $0xffff, v6  }
0x42c: {  	[tilespmem:v3+s24+$0x0] =	vst.idx.add.f32.msk $0xffff, v7  }
0x42d: {  	v6 =	vld [tilespmem:s0+$0xFFFFFD90]  }
0x42e: {  	v7 =	vld [tilespmem:s0+$0xFFFFFE90]  }
0x42f: {  	[tilespmem:v2+s25+$0x0] =	vst.idx.add.f32.msk $0xffff, v5  }
0x430: {  	v2 =	vld [tilespmem:s4+$0xFFFFFFA0]  }
0x431: {  	v5 =	vld [tilespmem:s1+$0xFFFFFE70]  }
0x432: {  	[tilespmem:v4+s25+$0x0] =	vst.idx.add.f32.msk $0xffff, v6  }
0x433: {  	v4 =	vld [tilespmem:s0+$0xFFFFFF20]  }
0x434: {  	[tilespmem:v3+s25+$0x0] =	vst.idx.add.f32.msk $0xffff, v7  }
0x435: {  	v3 =	vld [tilespmem:s4+$0xFFFFFEA0]  }
0x436: {  	v6 =	vld [tilespmem:s4+$0xFFFFFF20]  }
0x437: {  	v7 =	vld [tilespmem:s0+$0xFFFFFD20]  }
0x438: {  	[tilespmem:v2+s24+$0x0] =	vst.idx.add.f32.msk $0xffff, v4  }
0x439: {  	v4 =	vld [tilespmem:s0+$0xFFFFFFA0]  }
0x43a: {  	v10 =	vld [tilespmem:s0+$0xFFFFFE20]  }
0x43b: {  	[tilespmem:v1+s24+$0x0] =	vst.idx.add.f32.msk $0xffff, v9  }
0x43c: {  	[tilespmem:v8+s24+$0x0] =	vst.idx.add.f32.msk $0xffff, v5  }
0x43d: {  	[tilespmem:v3+s24+$0x0] =	vst.idx.add.f32.msk $0xffff, v7  }
0x43e: {  	[tilespmem:v2+s25+$0x0] =	vst.idx.add.f32.msk $0xffff, v4  }
0x43f: {  	v2 =	vld [tilespmem:s4+$0xFFFFFFB0]  }
0x440: {  	[tilespmem:v6+s24+$0x0] =	vst.idx.add.f32.msk $0xffff, v10  }
0x441: {  	v4 =	vld [tilespmem:s0+$0xFFFFFDA0]  }
0x442: {  	v5 =	vld [tilespmem:s0+$0xFFFFFF30]  }
0x443: {  	v7 =	vld [tilespmem:s0+$0xFFFFFEA0]  }
0x444: {  	v9 =	vld [tilespmem:s1+$0xFFFFFDF0]  }
0x445: {  	v10 =	vld [tilespmem:s1+$0xFFFFFEF0]  }
0x446: {  	[tilespmem:v3+s25+$0x0] =	vst.idx.add.f32.msk $0xffff, v4  }
0x447: {  	[tilespmem:v2+s24+$0x0] =	vst.idx.add.f32.msk $0xffff, v5  }
0x448: {  	v3 =	vld [tilespmem:s0+$0xFFFFFFB0]  }
0x449: {  	[tilespmem:v6+s25+$0x0] =	vst.idx.add.f32.msk $0xffff, v7  }
0x44a: {  	v4 =	vld [tilespmem:s4+$0xFFFFFEB0]  }
0x44b: {  	v5 =	vld [tilespmem:s4+$0xFFFFFF30]  }
0x44c: {  	v6 =	vld [tilespmem:s0+$0xFFFFFD30]  }
0x44d: {  	[tilespmem:v2+s25+$0x0] =	vst.idx.add.f32.msk $0xffff, v3  }
0x44e: {  	v2 =	vld [tilespmem:s4+$0xFFFFFFC0]  }
0x44f: {  	v3 =	vld [tilespmem:s0+$0xFFFFFE30]  }
0x450: {  	[tilespmem:v1+s25+$0x0] =	vst.idx.add.f32.msk $0xffff, v9  }
0x451: {  	v1 =	vld [tilespmem:s0+$0xFFFFFF40]  }
0x452: {  	[tilespmem:v4+s24+$0x0] =	vst.idx.add.f32.msk $0xffff, v6  }
0x453: {  	v6 =	vld [tilespmem:s0+$0xFFFFFDB0]  }
0x454: {  	[tilespmem:v5+s24+$0x0] =	vst.idx.add.f32.msk $0xffff, v3  }
0x455: {  	v3 =	vld [tilespmem:s0+$0xFFFFFEB0]  }
0x456: {  	[tilespmem:v2+s24+$0x0] =	vst.idx.add.f32.msk $0xffff, v1  }
0x457: {  	v1 =	vld [tilespmem:s0+$0xFFFFFFC0]  }
0x458: {  	[tilespmem:v4+s25+$0x0] =	vst.idx.add.f32.msk $0xffff, v6  }
0x459: {  	v4 =	vld [tilespmem:s4+$0xFFFFFEC0]  }
0x45a: {  	[tilespmem:v5+s25+$0x0] =	vst.idx.add.f32.msk $0xffff, v3  }
0x45b: {  	v3 =	vld [tilespmem:s4+$0xFFFFFF40]  }
0x45c: {  	[tilespmem:v2+s25+$0x0] =	vst.idx.add.f32.msk $0xffff, v1  }
0x45d: {  	v1 =	vld [tilespmem:s4+$0xFFFFFFD0]  }
0x45e: {  	v2 =	vld [tilespmem:s0+$0xFFFFFD40]  }
0x45f: {  	v5 =	vld [tilespmem:s0+$0xFFFFFE40]  }
0x460: {  	v6 =	vld [tilespmem:s0+$0xFFFFFF50]  }
0x461: {  	[tilespmem:v8+s25+$0x0] =	vst.idx.add.f32.msk $0xffff, v10  }
0x462: {  	v7 =	vld [tilespmem:s31+$0xFFFFFF00]  }
0x463: {  	[tilespmem:v4+s24+$0x0] =	vst.idx.add.f32.msk $0xffff, v2  }
0x464: {  	[tilespmem:v3+s24+$0x0] =	vst.idx.add.f32.msk $0xffff, v5  }
0x465: {  	[tilespmem:v1+s24+$0x0] =	vst.idx.add.f32.msk $0xffff, v6  }
0x466: {  	v2 =	vld [tilespmem:s0+$0xFFFFFFD0]  }
0x467: {  	v5 =	vld [tilespmem:s0+$0xFFFFFDC0]  }
0x468: {  	v6 =	vld [tilespmem:s0+$0xFFFFFEC0]  }
0x469: {  	v8 =	vld [tilespmem:s31+$0xFFFFFF80];
	s31 =	smov.u32 s4  }
0x46a: {  	v9 =	vld [tilespmem:s1+$0xFFFFFD80]  }
0x46b: {  	[tilespmem:v1+s25+$0x0] =	vst.idx.add.f32.msk $0xffff, v2  }
0x46c: {  	v1 =	vld [tilespmem:s4+$0xFFFFFFE0]  }
0x46d: {  	[tilespmem:v4+s25+$0x0] =	vst.idx.add.f32.msk $0xffff, v5  }
0x46e: {  	[tilespmem:v3+s25+$0x0] =	vst.idx.add.f32.msk $0xffff, v6  }
0x46f: {  	v2 =	vld [tilespmem:s0+$0xFFFFFF60]  }
0x470: {  	v3 =	vld [tilespmem:s4+$0xFFFFFED0]  }
0x471: {  	v4 =	vld [tilespmem:s4+$0xFFFFFF50]  }
0x472: {  	v5 =	vld [tilespmem:s0+$0xFFFFFD50]  }
0x473: {  	v6 =	vld [tilespmem:s0+$0xFFFFFE50]  }
0x474: {  	[tilespmem:v1+s24+$0x0] =	vst.idx.add.f32.msk $0xffff, v2  }
0x475: {  	v2 =	vld [tilespmem:s0+$0xFFFFFFE0]  }
0x476: {  	v10 =	vld [tilespmem:s1+$0xFFFFFE80]  }
0x477: {  	[tilespmem:v7+s24+$0x0] =	vst.idx.add.f32.msk $0xffff, v9  }
0x478: {  	[tilespmem:v3+s24+$0x0] =	vst.idx.add.f32.msk $0xffff, v5  }
0x479: {  	[tilespmem:v4+s24+$0x0] =	vst.idx.add.f32.msk $0xffff, v6  }
0x47a: {  	[tilespmem:v1+s25+$0x0] =	vst.idx.add.f32.msk $0xffff, v2  }
0x47b: {  	v1 =	vld [tilespmem:s4+$0xFFFFFFF0]  }
0x47c: {  	v2 =	vld [tilespmem:s0+$0xFFFFFDD0]  }
0x47d: {  	v5 =	vld [tilespmem:s0+$0xFFFFFED0]  }
0x47e: {  	v6 =	vld [tilespmem:s0+$0xFFFFFF70]  }
0x47f: {  	[tilespmem:v8+s24+$0x0] =	vst.idx.add.f32.msk $0xffff, v10  }
0x480: {  	v9 =	vld [tilespmem:s1+$0xFFFFFE00]  }
0x481: {  	[tilespmem:v3+s25+$0x0] =	vst.idx.add.f32.msk $0xffff, v2  }
0x482: {  	[tilespmem:v4+s25+$0x0] =	vst.idx.add.f32.msk $0xffff, v5  }
0x483: {  	[tilespmem:v1+s24+$0x0] =	vst.idx.add.f32.msk $0xffff, v6  }
0x484: {  	v2 =	vld [tilespmem:s0+$0xFFFFFFF0]  }
0x485: {  	v3 =	vld [tilespmem:s4+$0xFFFFFEE0]  }
0x486: {  	v4 =	vld [tilespmem:s4+$0xFFFFFF60]  }
0x487: {  	v5 =	vld [tilespmem:s0+$0xFFFFFD60]  }
0x488: {  	v6 =	vld [tilespmem:s0+$0xFFFFFE60]  }
0x489: {  	[tilespmem:v1+s25+$0x0] =	vst.idx.add.f32.msk $0xffff, v2  }
0x48a: {  	v2 =	vld [tilespmem:s4+$0x0]  }
0x48b: {  	v1 =	vld [tilespmem:s1+$0xFFFFFF00];
	s1 =	smov.u32 s0  }
0x48c: {  	[tilespmem:v7+s25+$0x0] =	vst.idx.add.f32.msk $0xffff, v9  }
0x48d: {  	v7 =	vld [tilespmem:s0+$0xFFFFFF80]  }
0x48e: {  	[tilespmem:v3+s24+$0x0] =	vst.idx.add.f32.msk $0xffff, v5  }
0x48f: {  	[tilespmem:v4+s24+$0x0] =	vst.idx.add.f32.msk $0xffff, v6  }
0x490: {  	v5 =	vld [tilespmem:s0+$0xFFFFFDE0]  }
0x491: {  	v6 =	vld [tilespmem:s0+$0xFFFFFEE0]  }
0x492: {  	[tilespmem:v2+s24+$0x0] =	vst.idx.add.f32.msk $0xffff, v7  }
0x493: {  	v7 =	vld [tilespmem:s0+$0x0]  }
.Ltmp7:
0x494: {  	[tilespmem:v8+s25+$0x0] =	vst.idx.add.f32.msk $0xffff, v1;
	(pc) =	sbr.rel @p0 .LBB2_16-.Ltmp7, $4  }
0x495: {  	[tilespmem:v3+s25+$0x0] =	vst.idx.add.f32.msk $0xffff, v5  }
0x496: {  	[tilespmem:v4+s25+$0x0] =	vst.idx.add.f32.msk $0xffff, v6  }
0x497: {  	v1 =	vld [tilespmem:s4+$0xFFFFFEF0]  }
0x498: {  	s5 =	simm.s32 $0x0;
	s22 =	simm.s32 $0x7C00;
	s4 =	sadd.s32 $0x180, s4;
	[tilespmem:v2+s25+$0x0] =	vst.idx.add.f32.msk $0xffff, v7  }
0x499: {  	_ = 	snop  }
0x49a: {  	v2 =	vld [tilespmem:s31+$0xFFFFFF70]  }
0x49b: {  	v3 =	vld [tilespmem:s1+$0xFFFFFD70];
	_ =	sdelay $0x1  }
0x49c: {  	v4 =	vld [tilespmem:s1+$0xFFFFFE70];
	_ =	sdelay $0x2  }
0x49d: {  	[tilespmem:v1+s24+$0x0] =	vst.idx.add.f32.msk $0xffff, v3  }
0x49e: {  	v3 =	vld [tilespmem:s1+$0xFFFFFDF0]  }
0x49f: {  	[tilespmem:v2+s24+$0x0] =	vst.idx.add.f32.msk $0xffff, v4  }
0x4a0: {  	v4 =	vld [tilespmem:s1+$0xFFFFFEF0];
	_ =	sdelay $0x2  }
0x4a1: {  	[tilespmem:v1+s25+$0x0] =	vst.idx.add.f32.msk $0xffff, v3  }
0x4a2: {  	v1 =	vld [tilespmem:s31+$0xFFFFFF00]  }
0x4a3: {  	[tilespmem:v2+s25+$0x0] =	vst.idx.add.f32.msk $0xffff, v4  }
0x4a4: {  	v2 =	vld [tilespmem:s31+$0xFFFFFF80]  }
0x4a5: {  	v3 =	vld [tilespmem:s1+$0xFFFFFD80];
	_ =	sdelay $0x1  }
0x4a6: {  	v4 =	vld [tilespmem:s1+$0xFFFFFE80];
	_ =	sdelay $0x2  }
0x4a7: {  	[tilespmem:v1+s24+$0x0] =	vst.idx.add.f32.msk $0xffff, v3  }
0x4a8: {  	v3 =	vld [tilespmem:s1+$0xFFFFFE00]  }
0x4a9: {  	[tilespmem:v2+s24+$0x0] =	vst.idx.add.f32.msk $0xffff, v4  }
0x4aa: {  	v4 =	vld [tilespmem:s1+$0xFFFFFF00];
	_ =	sdelay $0x3  }
0x4ab: {  	[tilespmem:v1+s25+$0x0] =	vst.idx.add.f32.msk $0xffff, v3  }
0x4ac: {  	[tilespmem:v2+s25+$0x0] =	vst.idx.add.f32.msk $0xffff, v4  }
.LBB2_18:
0x4ad: {  	v1 =	vld [tilespmem:s22+$0x0];
	_ =	sdelay $0x1  }
0x4ae: {  	s0 =	sshra.s32 s5, $0x2  }
0x4af: {  	v2 =	vld [tilespmem:s0+$0x17500];
	_ =	sdelay $0x4  }
0x4b0: {  	[tilespmem:v1+s24+$0x0] =	vst.idx.add.f32.msk $0xffff, v2  }
0x4b1: {  	v2 =	vld [tilespmem:s0+$0x17580];
	_ =	sdelay $0x4  }
0x4b2: {  	[tilespmem:v1+s25+$0x0] =	vst.idx.add.f32.msk $0xffff, v2  }
0x4b3: {  	v1 =	vld [tilespmem:s22+$0x10];
	_ =	sdelay $0x2  }
0x4b4: {  	v2 =	vld [tilespmem:s0+$0x17510];
	_ =	sdelay $0x4  }
0x4b5: {  	[tilespmem:v1+s24+$0x0] =	vst.idx.add.f32.msk $0xffff, v2  }
0x4b6: {  	v2 =	vld [tilespmem:s0+$0x17590];
	_ =	sdelay $0x4  }
0x4b7: {  	[tilespmem:v1+s25+$0x0] =	vst.idx.add.f32.msk $0xffff, v2  }
0x4b8: {  	v1 =	vld [tilespmem:s22+$0x20];
	_ =	sdelay $0x2  }
0x4b9: {  	v2 =	vld [tilespmem:s0+$0x17520];
	_ =	sdelay $0x4  }
0x4ba: {  	[tilespmem:v1+s24+$0x0] =	vst.idx.add.f32.msk $0xffff, v2  }
0x4bb: {  	v2 =	vld [tilespmem:s0+$0x175A0];
	_ =	sdelay $0x4  }
0x4bc: {  	[tilespmem:v1+s25+$0x0] =	vst.idx.add.f32.msk $0xffff, v2  }
0x4bd: {  	v1 =	vld [tilespmem:s22+$0x30];
	_ =	sdelay $0x2  }
0x4be: {  	v2 =	vld [tilespmem:s0+$0x17530];
	_ =	sdelay $0x4  }
0x4bf: {  	[tilespmem:v1+s24+$0x0] =	vst.idx.add.f32.msk $0xffff, v2  }
0x4c0: {  	v2 =	vld [tilespmem:s0+$0x175B0];
	_ =	sdelay $0x4  }
0x4c1: {  	[tilespmem:v1+s25+$0x0] =	vst.idx.add.f32.msk $0xffff, v2  }
0x4c2: {  	v1 =	vld [tilespmem:s22+$0x40];
	_ =	sdelay $0x2  }
0x4c3: {  	v2 =	vld [tilespmem:s0+$0x17540];
	_ =	sdelay $0x4  }
0x4c4: {  	[tilespmem:v1+s24+$0x0] =	vst.idx.add.f32.msk $0xffff, v2  }
0x4c5: {  	v2 =	vld [tilespmem:s0+$0x175C0];
	_ =	sdelay $0x4  }
0x4c6: {  	[tilespmem:v1+s25+$0x0] =	vst.idx.add.f32.msk $0xffff, v2  }
0x4c7: {  	v1 =	vld [tilespmem:s22+$0x50];
	_ =	sdelay $0x2  }
0x4c8: {  	v2 =	vld [tilespmem:s0+$0x17550];
	_ =	sdelay $0x4  }
0x4c9: {  	[tilespmem:v1+s24+$0x0] =	vst.idx.add.f32.msk $0xffff, v2  }
0x4ca: {  	v2 =	vld [tilespmem:s0+$0x175D0];
	_ =	sdelay $0x4  }
0x4cb: {  	[tilespmem:v1+s25+$0x0] =	vst.idx.add.f32.msk $0xffff, v2  }
0x4cc: {  	v1 =	vld [tilespmem:s22+$0x60];
	_ =	sdelay $0x2  }
0x4cd: {  	v2 =	vld [tilespmem:s0+$0x17560];
	_ =	sdelay $0x4  }
0x4ce: {  	[tilespmem:v1+s24+$0x0] =	vst.idx.add.f32.msk $0xffff, v2  }
0x4cf: {  	v2 =	vld [tilespmem:s0+$0x175E0];
	_ =	sdelay $0x4  }
0x4d0: {  	[tilespmem:v1+s25+$0x0] =	vst.idx.add.f32.msk $0xffff, v2  }
0x4d1: {  	v1 =	vld [tilespmem:s22+$0x70];
	_ =	sdelay $0x2  }
0x4d2: {  	v2 =	vld [tilespmem:s0+$0x17570];
	_ =	sdelay $0x4  }
0x4d3: {  	[tilespmem:v1+s24+$0x0] =	vst.idx.add.f32.msk $0xffff, v2  }
0x4d4: {  	p0 =	sne.s32 s5, $0x400;
	v2 =	vld [tilespmem:s0+$0x175F0]  }
.Ltmp8:
0x4d5: {  	_ = 	snop;
	(pc) =	sbr.rel @p0 .LBB2_18-.Ltmp8, $2  }
0x4d6: {  	_ =	sdelay $0x2  }
0x4d7: {  	s5 =	sadd.s32 $0x400, s5;
	s22 =	sadd.s32 $0x80, s22;
	[tilespmem:v1+s25+$0x0] =	vst.idx.add.f32.msk $0xffff, v2  }
0x4d8: {  	_ =	swait.ge [sflag:s19], $0x3E80  }
0x4d9: {  	[sflag:s19] =	ssyncset.done $0x0  }
0x4da: {  	[sflag:s19] =	ssyncadd.s32 $0xFFFFC180  }
0x4db: {  	_ =	swait.ge [sflag:s20], $0x7D00  }
0x4dc: {  	[sflag:s20] =	ssyncset.done $0x0  }
0x4dd: {  	s31 =	simm.s32 $0xC0;
	[sflag:s20] =	ssyncadd.s32 $0xFFFF8300  }
0x4de: {  	v1 =	vld [tilespmem:s31+$0x40];
	_ =	sdelay $0x1  }
0x4df: {  	s0 =	simm.s32 $0x7E80  }
0x4e0: {  	v3 =	vld [tilespmem:s0+$0x80]  }
0x4e1: {  	v2 =	vld [tilespmem:s31+$0xFFFFFF40];
	_ =	sdelay $0x1  }
0x4e2: {  	v4 =	vld [tilespmem:s31+$0xFFFFFFC0]  }
0x4e3: {  	v5 =	vld [tilespmem:s0+$0xFFFFFE80]  }
0x4e4: {  	[tilespmem:v1+s24+$0x0] =	vst.idx.add.f32.msk $0xffff, v3  }
0x4e5: {  	v3 =	vld [tilespmem:s0+$0x100];
	_ =	sdelay $0x1  }
0x4e6: {  	v6 =	vld [tilespmem:s0+$0xFFFFFF80]  }
0x4e7: {  	[tilespmem:v2+s24+$0x0] =	vst.idx.add.f32.msk $0xffff, v5  }
0x4e8: {  	v5 =	vld [tilespmem:s0+$0xFFFFFF00]  }
0x4e9: {  	[tilespmem:v1+s25+$0x0] =	vst.idx.add.f32.msk $0xffff, v3  }
0x4ea: {  	v1 =	vld [tilespmem:s31+$0x50]  }
0x4eb: {  	[tilespmem:v4+s24+$0x0] =	vst.idx.add.f32.msk $0xffff, v6  }
0x4ec: {  	v3 =	vld [tilespmem:s0+$0x0]  }
0x4ed: {  	v49 =	vld [tilespmem:s0+$0x90];
	_ =	sdelay $0x1  }
0x4ee: {  	[tilespmem:v2+s25+$0x0] =	vst.idx.add.f32.msk $0xffff, v5  }
0x4ef: {  	v2 =	vld [tilespmem:s31+$0xFFFFFF50]  }
0x4f0: {  	[tilespmem:v4+s25+$0x0] =	vst.idx.add.f32.msk $0xffff, v3  }
0x4f1: {  	[tilespmem:v1+s24+$0x0] =	vst.idx.add.f32.msk $0xffff, v49  }
0x4f2: {  	v3 =	vld [tilespmem:s0+$0x110];
	_ =	sdelay $0x1  }
0x4f3: {  	v5 =	vld [tilespmem:s0+$0xFFFFFE90];
	_ =	sdelay $0x1  }
0x4f4: {  	v4 =	vld [tilespmem:s31+$0xFFFFFFD0]  }
0x4f5: {  	[tilespmem:v1+s25+$0x0] =	vst.idx.add.f32.msk $0xffff, v3  }
0x4f6: {  	v1 =	vld [tilespmem:s31+$0x60]  }
0x4f7: {  	[tilespmem:v2+s24+$0x0] =	vst.idx.add.f32.msk $0xffff, v5  }
0x4f8: {  	v3 =	vld [tilespmem:s0+$0xFFFFFF10]  }
0x4f9: {  	v51 =	vld [tilespmem:s0+$0xA0];
	_ =	sdelay $0x1  }
0x4fa: {  	v50 =	vld [tilespmem:s0+$0xFFFFFF90];
	_ =	sdelay $0x1  }
0x4fb: {  	[tilespmem:v2+s25+$0x0] =	vst.idx.add.f32.msk $0xffff, v3  }
0x4fc: {  	[tilespmem:v1+s24+$0x0] =	vst.idx.add.f32.msk $0xffff, v51  }
0x4fd: {  	v2 =	vld [tilespmem:s0+$0x120]  }
0x4fe: {  	[tilespmem:v4+s24+$0x0] =	vst.idx.add.f32.msk $0xffff, v50  }
0x4ff: {  	v6 =	vld [tilespmem:s0+$0x10];
	_ =	sdelay $0x2  }
0x500: {  	[tilespmem:v1+s25+$0x0] =	vst.idx.add.f32.msk $0xffff, v2  }
0x501: {  	v1 =	vld [tilespmem:s31+$0x70]  }
0x502: {  	[tilespmem:v4+s25+$0x0] =	vst.idx.add.f32.msk $0xffff, v6  }
0x503: {  	v4 =	vld [tilespmem:s31+$0xFFFFFFE0]  }
0x504: {  	v53 =	vld [tilespmem:s0+$0xB0]  }
0x505: {  	v3 =	vld [tilespmem:s31+$0xFFFFFF60]  }
0x506: {  	v2 =	vld [tilespmem:s0+$0xFFFFFFA0];
	_ =	sdelay $0x1  }
0x507: {  	v52 =	vld [tilespmem:s0+$0xFFFFFEA0]  }
0x508: {  	[tilespmem:v1+s24+$0x0] =	vst.idx.add.f32.msk $0xffff, v53  }
0x509: {  	v6 =	vld [tilespmem:s0+$0x130]  }
0x50a: {  	[tilespmem:v4+s24+$0x0] =	vst.idx.add.f32.msk $0xffff, v2  }
0x50b: {  	v2 =	vld [tilespmem:s0+$0x20]  }
0x50c: {  	[tilespmem:v3+s24+$0x0] =	vst.idx.add.f32.msk $0xffff, v52  }
0x50d: {  	v5 =	vld [tilespmem:s0+$0xFFFFFF20]  }
0x50e: {  	[tilespmem:v1+s25+$0x0] =	vst.idx.add.f32.msk $0xffff, v6  }
0x50f: {  	v1 =	vld [tilespmem:s31+$0x80]  }
0x510: {  	[tilespmem:v4+s25+$0x0] =	vst.idx.add.f32.msk $0xffff, v2  }
0x511: {  	v2 =	vld [tilespmem:s31+$0xFFFFFFF0]  }
0x512: {  	v55 =	vld [tilespmem:s0+$0xC0]  }
0x513: {  	[tilespmem:v3+s25+$0x0] =	vst.idx.add.f32.msk $0xffff, v5  }
0x514: {  	v3 =	vld [tilespmem:s31+$0xFFFFFF70]  }
0x515: {  	v56 =	vld [tilespmem:s0+$0xFFFFFFB0]  }
0x516: {  	v54 =	vld [tilespmem:s0+$0xFFFFFEB0]  }
0x517: {  	[tilespmem:v1+s24+$0x0] =	vst.idx.add.f32.msk $0xffff, v55  }
0x518: {  	v57 =	vld [tilespmem:s0+$0x140];
	_ =	sdelay $0x1  }
0x519: {  	[tilespmem:v2+s24+$0x0] =	vst.idx.add.f32.msk $0xffff, v56  }
0x51a: {  	v6 =	vld [tilespmem:s0+$0x30]  }
0x51b: {  	[tilespmem:v3+s24+$0x0] =	vst.idx.add.f32.msk $0xffff, v54  }
0x51c: {  	[tilespmem:v1+s25+$0x0] =	vst.idx.add.f32.msk $0xffff, v57  }
0x51d: {  	v1 =	vld [tilespmem:s31+$0x90]  }
0x51e: {  	v58 =	vld [tilespmem:s0+$0xFFFFFF30]  }
0x51f: {  	[tilespmem:v2+s25+$0x0] =	vst.idx.add.f32.msk $0xffff, v6  }
0x520: {  	v2 =	vld [tilespmem:s0+$0xD0];
	_ =	sdelay $0x2  }
0x521: {  	[tilespmem:v3+s25+$0x0] =	vst.idx.add.f32.msk $0xffff, v58  }
0x522: {  	v3 =	vld [tilespmem:s31+$0xFFFFFF80]  }
0x523: {  	[tilespmem:v1+s24+$0x0] =	vst.idx.add.f32.msk $0xffff, v2  }
0x524: {  	v2 =	vld [tilespmem:s0+$0x150]  }
0x525: {  	v5 =	vld [tilespmem:s0+$0xFFFFFEC0]  }
0x526: {  	v59 =	vld [tilespmem:s31+$0x0];
	_ =	sdelay $0x1  }
0x527: {  	v6 =	vld [tilespmem:s0+$0xFFFFFFC0]  }
0x528: {  	[tilespmem:v1+s25+$0x0] =	vst.idx.add.f32.msk $0xffff, v2  }
0x529: {  	v1 =	vld [tilespmem:s31+$0xA0]  }
0x52a: {  	[tilespmem:v3+s24+$0x0] =	vst.idx.add.f32.msk $0xffff, v5  }
0x52b: {  	v2 =	vld [tilespmem:s0+$0xFFFFFF40]  }
0x52c: {  	v61 =	vld [tilespmem:s0+$0xE0]  }
0x52d: {  	[tilespmem:v59+s24+$0x0] =	vst.idx.add.f32.msk $0xffff, v6  }
0x52e: {  	v60 =	vld [tilespmem:s0+$0x40];
	_ =	sdelay $0x1  }
0x52f: {  	[tilespmem:v3+s25+$0x0] =	vst.idx.add.f32.msk $0xffff, v2  }
0x530: {  	[tilespmem:v1+s24+$0x0] =	vst.idx.add.f32.msk $0xffff, v61  }
0x531: {  	v2 =	vld [tilespmem:s0+$0x160]  }
0x532: {  	[tilespmem:v59+s25+$0x0] =	vst.idx.add.f32.msk $0xffff, v60  }
0x533: {  	v4 =	vld [tilespmem:s31+$0x10]  }
0x534: {  	v63 =	vld [tilespmem:s0+$0xFFFFFFD0]  }
0x535: {  	v3 =	vld [tilespmem:s31+$0xFFFFFF90]  }
0x536: {  	[tilespmem:v1+s25+$0x0] =	vst.idx.add.f32.msk $0xffff, v2  }
0x537: {  	v2 =	vld [tilespmem:s31+$0xB0]  }
0x538: {  	v62 =	vld [tilespmem:s0+$0xFFFFFED0];
	_ =	sdelay $0x1  }
0x539: {  	v1 =	vld [tilespmem:s0+$0xF0]  }
0x53a: {  	[tilespmem:v4+s24+$0x0] =	vst.idx.add.f32.msk $0xffff, v63  }
0x53b: {  	v6 =	vld [tilespmem:s0+$0x50]  }
0x53c: {  	[tilespmem:v3+s24+$0x0] =	vst.idx.add.f32.msk $0xffff, v62  }
0x53d: {  	v5 =	vld [tilespmem:s0+$0xFFFFFF50]  }
0x53e: {  	[tilespmem:v2+s24+$0x0] =	vst.idx.add.f32.msk $0xffff, v1  }
0x53f: {  	v7 =	vld [tilespmem:s0+$0x170];
	_ =	sdelay $0x1  }
0x540: {  	[tilespmem:v4+s25+$0x0] =	vst.idx.add.f32.msk $0xffff, v6  }
0x541: {  	[tilespmem:v3+s25+$0x0] =	vst.idx.add.f32.msk $0xffff, v5  }
0x542: {  	v1 =	vld [tilespmem:s31+$0xFFFFFFA0]  }
0x543: {  	s3 =	simm.s32 $0x0;
	s4 =	simm.s32 $0x240;
	s1 =	simm.s32 $0x7E80;
	[tilespmem:v2+s25+$0x0] =	vst.idx.add.f32.msk $0xffff, v7  }
.LBB2_20:
0x544: {  	v2 =	vld [tilespmem:s4+$0x40];
	s3 =	sadd.s32 $0x3, s3  }
0x545: {  	v3 =	vld [tilespmem:s4+$0xFFFFFFC0];
	p0 =	slt.u32 s3, $0x78  }
0x546: {  	s0 =	sadd.s32 $0x300, s0;
	v4 =	vld [tilespmem:s4+$0xFFFFFF40]  }
0x547: {  	v5 =	vld [tilespmem:s0+$0x80]  }
0x548: {  	v6 =	vld [tilespmem:s0+$0xFFFFFE80]  }
0x549: {  	v7 =	vld [tilespmem:s0+$0xFFFFFF80]  }
0x54a: {  	v8 =	vld [tilespmem:s31+$0x20]  }
0x54b: {  	v9 =	vld [tilespmem:s1+$0xFFFFFEE0]  }
0x54c: {  	[tilespmem:v2+s24+$0x0] =	vst.idx.add.f32.msk $0xffff, v5  }
0x54d: {  	v5 =	vld [tilespmem:s0+$0x100]  }
0x54e: {  	[tilespmem:v4+s24+$0x0] =	vst.idx.add.f32.msk $0xffff, v6  }
0x54f: {  	[tilespmem:v3+s24+$0x0] =	vst.idx.add.f32.msk $0xffff, v7  }
0x550: {  	v6 =	vld [tilespmem:s0+$0xFFFFFF00]  }
0x551: {  	v7 =	vld [tilespmem:s0+$0x0]  }
0x552: {  	[tilespmem:v2+s25+$0x0] =	vst.idx.add.f32.msk $0xffff, v5  }
0x553: {  	v2 =	vld [tilespmem:s4+$0x50]  }
0x554: {  	v5 =	vld [tilespmem:s1+$0xFFFFFFE0]  }
0x555: {  	[tilespmem:v4+s25+$0x0] =	vst.idx.add.f32.msk $0xffff, v6  }
0x556: {  	v4 =	vld [tilespmem:s0+$0x90]  }
0x557: {  	[tilespmem:v3+s25+$0x0] =	vst.idx.add.f32.msk $0xffff, v7  }
0x558: {  	v3 =	vld [tilespmem:s4+$0xFFFFFF50]  }
0x559: {  	v6 =	vld [tilespmem:s4+$0xFFFFFFD0]  }
0x55a: {  	v7 =	vld [tilespmem:s0+$0xFFFFFE90]  }
0x55b: {  	[tilespmem:v2+s24+$0x0] =	vst.idx.add.f32.msk $0xffff, v4  }
0x55c: {  	v4 =	vld [tilespmem:s0+$0x110]  }
0x55d: {  	v10 =	vld [tilespmem:s0+$0xFFFFFF90]  }
0x55e: {  	[tilespmem:v1+s24+$0x0] =	vst.idx.add.f32.msk $0xffff, v9  }
0x55f: {  	[tilespmem:v8+s24+$0x0] =	vst.idx.add.f32.msk $0xffff, v5  }
0x560: {  	[tilespmem:v3+s24+$0x0] =	vst.idx.add.f32.msk $0xffff, v7  }
0x561: {  	[tilespmem:v2+s25+$0x0] =	vst.idx.add.f32.msk $0xffff, v4  }
0x562: {  	v2 =	vld [tilespmem:s4+$0x60]  }
0x563: {  	[tilespmem:v6+s24+$0x0] =	vst.idx.add.f32.msk $0xffff, v10  }
0x564: {  	v4 =	vld [tilespmem:s0+$0xFFFFFF10]  }
0x565: {  	v5 =	vld [tilespmem:s0+$0xA0]  }
0x566: {  	v7 =	vld [tilespmem:s0+$0x10]  }
0x567: {  	v9 =	vld [tilespmem:s1+$0xFFFFFF60]  }
0x568: {  	v10 =	vld [tilespmem:s1+$0x60]  }
0x569: {  	[tilespmem:v3+s25+$0x0] =	vst.idx.add.f32.msk $0xffff, v4  }
0x56a: {  	[tilespmem:v2+s24+$0x0] =	vst.idx.add.f32.msk $0xffff, v5  }
0x56b: {  	v3 =	vld [tilespmem:s0+$0x120]  }
0x56c: {  	[tilespmem:v6+s25+$0x0] =	vst.idx.add.f32.msk $0xffff, v7  }
0x56d: {  	v4 =	vld [tilespmem:s4+$0xFFFFFF60]  }
0x56e: {  	v5 =	vld [tilespmem:s4+$0xFFFFFFE0]  }
0x56f: {  	v6 =	vld [tilespmem:s0+$0xFFFFFEA0]  }
0x570: {  	[tilespmem:v2+s25+$0x0] =	vst.idx.add.f32.msk $0xffff, v3  }
0x571: {  	v2 =	vld [tilespmem:s4+$0x70]  }
0x572: {  	v3 =	vld [tilespmem:s0+$0xFFFFFFA0]  }
0x573: {  	[tilespmem:v1+s25+$0x0] =	vst.idx.add.f32.msk $0xffff, v9  }
0x574: {  	v1 =	vld [tilespmem:s0+$0xB0]  }
0x575: {  	[tilespmem:v4+s24+$0x0] =	vst.idx.add.f32.msk $0xffff, v6  }
0x576: {  	v6 =	vld [tilespmem:s0+$0xFFFFFF20]  }
0x577: {  	[tilespmem:v5+s24+$0x0] =	vst.idx.add.f32.msk $0xffff, v3  }
0x578: {  	v3 =	vld [tilespmem:s0+$0x20]  }
0x579: {  	[tilespmem:v2+s24+$0x0] =	vst.idx.add.f32.msk $0xffff, v1  }
0x57a: {  	v1 =	vld [tilespmem:s0+$0x130]  }
0x57b: {  	[tilespmem:v4+s25+$0x0] =	vst.idx.add.f32.msk $0xffff, v6  }
0x57c: {  	v4 =	vld [tilespmem:s4+$0xFFFFFF70]  }
0x57d: {  	[tilespmem:v5+s25+$0x0] =	vst.idx.add.f32.msk $0xffff, v3  }
0x57e: {  	v3 =	vld [tilespmem:s4+$0xFFFFFFF0]  }
0x57f: {  	[tilespmem:v2+s25+$0x0] =	vst.idx.add.f32.msk $0xffff, v1  }
0x580: {  	v1 =	vld [tilespmem:s4+$0x80]  }
0x581: {  	v2 =	vld [tilespmem:s0+$0xFFFFFEB0]  }
0x582: {  	v5 =	vld [tilespmem:s0+$0xFFFFFFB0]  }
0x583: {  	v6 =	vld [tilespmem:s0+$0xC0]  }
0x584: {  	[tilespmem:v8+s25+$0x0] =	vst.idx.add.f32.msk $0xffff, v10  }
0x585: {  	v7 =	vld [tilespmem:s31+$0xFFFFFFB0]  }
0x586: {  	[tilespmem:v4+s24+$0x0] =	vst.idx.add.f32.msk $0xffff, v2  }
0x587: {  	[tilespmem:v3+s24+$0x0] =	vst.idx.add.f32.msk $0xffff, v5  }
0x588: {  	[tilespmem:v1+s24+$0x0] =	vst.idx.add.f32.msk $0xffff, v6  }
0x589: {  	v2 =	vld [tilespmem:s0+$0x140]  }
0x58a: {  	v5 =	vld [tilespmem:s0+$0xFFFFFF30]  }
0x58b: {  	v6 =	vld [tilespmem:s0+$0x30]  }
0x58c: {  	v8 =	vld [tilespmem:s31+$0x30];
	s31 =	smov.u32 s4  }
0x58d: {  	v9 =	vld [tilespmem:s1+$0xFFFFFEF0]  }
0x58e: {  	[tilespmem:v1+s25+$0x0] =	vst.idx.add.f32.msk $0xffff, v2  }
0x58f: {  	v1 =	vld [tilespmem:s4+$0x90]  }
0x590: {  	[tilespmem:v4+s25+$0x0] =	vst.idx.add.f32.msk $0xffff, v5  }
0x591: {  	[tilespmem:v3+s25+$0x0] =	vst.idx.add.f32.msk $0xffff, v6  }
0x592: {  	v2 =	vld [tilespmem:s0+$0xD0]  }
0x593: {  	v3 =	vld [tilespmem:s4+$0xFFFFFF80]  }
0x594: {  	v4 =	vld [tilespmem:s4+$0x0]  }
0x595: {  	v5 =	vld [tilespmem:s0+$0xFFFFFEC0]  }
0x596: {  	v6 =	vld [tilespmem:s0+$0xFFFFFFC0]  }
0x597: {  	[tilespmem:v1+s24+$0x0] =	vst.idx.add.f32.msk $0xffff, v2  }
0x598: {  	v2 =	vld [tilespmem:s0+$0x150]  }
0x599: {  	v10 =	vld [tilespmem:s1+$0xFFFFFFF0]  }
0x59a: {  	[tilespmem:v7+s24+$0x0] =	vst.idx.add.f32.msk $0xffff, v9  }
0x59b: {  	[tilespmem:v3+s24+$0x0] =	vst.idx.add.f32.msk $0xffff, v5  }
0x59c: {  	[tilespmem:v4+s24+$0x0] =	vst.idx.add.f32.msk $0xffff, v6  }
0x59d: {  	[tilespmem:v1+s25+$0x0] =	vst.idx.add.f32.msk $0xffff, v2  }
0x59e: {  	v1 =	vld [tilespmem:s4+$0xA0]  }
0x59f: {  	v2 =	vld [tilespmem:s0+$0xFFFFFF40]  }
0x5a0: {  	v5 =	vld [tilespmem:s0+$0x40]  }
0x5a1: {  	v6 =	vld [tilespmem:s0+$0xE0]  }
0x5a2: {  	[tilespmem:v8+s24+$0x0] =	vst.idx.add.f32.msk $0xffff, v10  }
0x5a3: {  	v9 =	vld [tilespmem:s1+$0xFFFFFF70]  }
0x5a4: {  	[tilespmem:v3+s25+$0x0] =	vst.idx.add.f32.msk $0xffff, v2  }
0x5a5: {  	[tilespmem:v4+s25+$0x0] =	vst.idx.add.f32.msk $0xffff, v5  }
0x5a6: {  	[tilespmem:v1+s24+$0x0] =	vst.idx.add.f32.msk $0xffff, v6  }
0x5a7: {  	v2 =	vld [tilespmem:s0+$0x160]  }
0x5a8: {  	v3 =	vld [tilespmem:s4+$0xFFFFFF90]  }
0x5a9: {  	v4 =	vld [tilespmem:s4+$0x10]  }
0x5aa: {  	v5 =	vld [tilespmem:s0+$0xFFFFFED0]  }
0x5ab: {  	v6 =	vld [tilespmem:s0+$0xFFFFFFD0]  }
0x5ac: {  	[tilespmem:v1+s25+$0x0] =	vst.idx.add.f32.msk $0xffff, v2  }
0x5ad: {  	v2 =	vld [tilespmem:s4+$0xB0]  }
0x5ae: {  	v1 =	vld [tilespmem:s1+$0x70];
	s1 =	smov.u32 s0  }
0x5af: {  	[tilespmem:v7+s25+$0x0] =	vst.idx.add.f32.msk $0xffff, v9  }
0x5b0: {  	v7 =	vld [tilespmem:s0+$0xF0]  }
0x5b1: {  	[tilespmem:v3+s24+$0x0] =	vst.idx.add.f32.msk $0xffff, v5  }
0x5b2: {  	[tilespmem:v4+s24+$0x0] =	vst.idx.add.f32.msk $0xffff, v6  }
0x5b3: {  	v5 =	vld [tilespmem:s0+$0xFFFFFF50]  }
0x5b4: {  	v6 =	vld [tilespmem:s0+$0x50]  }
0x5b5: {  	[tilespmem:v2+s24+$0x0] =	vst.idx.add.f32.msk $0xffff, v7  }
0x5b6: {  	v7 =	vld [tilespmem:s0+$0x170]  }
.Ltmp9:
0x5b7: {  	[tilespmem:v8+s25+$0x0] =	vst.idx.add.f32.msk $0xffff, v1;
	(pc) =	sbr.rel @p0 .LBB2_20-.Ltmp9, $4  }
0x5b8: {  	[tilespmem:v3+s25+$0x0] =	vst.idx.add.f32.msk $0xffff, v5  }
0x5b9: {  	[tilespmem:v4+s25+$0x0] =	vst.idx.add.f32.msk $0xffff, v6  }
0x5ba: {  	v1 =	vld [tilespmem:s4+$0xFFFFFFA0]  }
0x5bb: {  	s5 =	simm.s32 $0x0;
	s22 =	simm.s32 $0x3DF0;
	s4 =	sadd.s32 $0x180, s4;
	[tilespmem:v2+s25+$0x0] =	vst.idx.add.f32.msk $0xffff, v7  }
0x5bc: {  	_ = 	snop  }
0x5bd: {  	v2 =	vld [tilespmem:s31+$0x20]  }
0x5be: {  	v3 =	vld [tilespmem:s1+$0xFFFFFEE0];
	_ =	sdelay $0x1  }
0x5bf: {  	v4 =	vld [tilespmem:s1+$0xFFFFFFE0];
	_ =	sdelay $0x2  }
0x5c0: {  	[tilespmem:v1+s24+$0x0] =	vst.idx.add.f32.msk $0xffff, v3  }
0x5c1: {  	v3 =	vld [tilespmem:s1+$0xFFFFFF60]  }
0x5c2: {  	[tilespmem:v2+s24+$0x0] =	vst.idx.add.f32.msk $0xffff, v4  }
0x5c3: {  	v4 =	vld [tilespmem:s1+$0x60];
	_ =	sdelay $0x2  }
0x5c4: {  	[tilespmem:v1+s25+$0x0] =	vst.idx.add.f32.msk $0xffff, v3  }
0x5c5: {  	v1 =	vld [tilespmem:s31+$0xFFFFFFB0]  }
0x5c6: {  	[tilespmem:v2+s25+$0x0] =	vst.idx.add.f32.msk $0xffff, v4  }
0x5c7: {  	v2 =	vld [tilespmem:s31+$0x30]  }
0x5c8: {  	v3 =	vld [tilespmem:s1+$0xFFFFFEF0];
	_ =	sdelay $0x1  }
0x5c9: {  	v4 =	vld [tilespmem:s1+$0xFFFFFFF0];
	_ =	sdelay $0x2  }
0x5ca: {  	[tilespmem:v1+s24+$0x0] =	vst.idx.add.f32.msk $0xffff, v3  }
0x5cb: {  	v3 =	vld [tilespmem:s1+$0xFFFFFF70]  }
0x5cc: {  	[tilespmem:v2+s24+$0x0] =	vst.idx.add.f32.msk $0xffff, v4  }
0x5cd: {  	v4 =	vld [tilespmem:s1+$0x70];
	_ =	sdelay $0x3  }
0x5ce: {  	[tilespmem:v1+s25+$0x0] =	vst.idx.add.f32.msk $0xffff, v3  }
0x5cf: {  	[tilespmem:v2+s25+$0x0] =	vst.idx.add.f32.msk $0xffff, v4  }
.LBB2_22:
0x5d0: {  	v1 =	vld [tilespmem:s22+$0xFFFFFF90];
	_ =	sdelay $0x1  }
0x5d1: {  	s0 =	sshra.s32 s5, $0x2  }
0x5d2: {  	v2 =	vld [tilespmem:s0+$0xF800];
	_ =	sdelay $0x4  }
0x5d3: {  	[tilespmem:v1+s24+$0x0] =	vst.idx.add.f32.msk $0xffff, v2  }
0x5d4: {  	v2 =	vld [tilespmem:s0+$0xF880];
	_ =	sdelay $0x4  }
0x5d5: {  	[tilespmem:v1+s25+$0x0] =	vst.idx.add.f32.msk $0xffff, v2  }
0x5d6: {  	v1 =	vld [tilespmem:s22+$0xFFFFFFA0];
	_ =	sdelay $0x2  }
0x5d7: {  	v2 =	vld [tilespmem:s0+$0xF810];
	_ =	sdelay $0x4  }
0x5d8: {  	[tilespmem:v1+s24+$0x0] =	vst.idx.add.f32.msk $0xffff, v2  }
0x5d9: {  	v2 =	vld [tilespmem:s0+$0xF890];
	_ =	sdelay $0x4  }
0x5da: {  	[tilespmem:v1+s25+$0x0] =	vst.idx.add.f32.msk $0xffff, v2  }
0x5db: {  	v1 =	vld [tilespmem:s22+$0xFFFFFFB0];
	_ =	sdelay $0x2  }
0x5dc: {  	v2 =	vld [tilespmem:s0+$0xF820];
	_ =	sdelay $0x4  }
0x5dd: {  	[tilespmem:v1+s24+$0x0] =	vst.idx.add.f32.msk $0xffff, v2  }
0x5de: {  	v2 =	vld [tilespmem:s0+$0xF8A0];
	_ =	sdelay $0x4  }
0x5df: {  	[tilespmem:v1+s25+$0x0] =	vst.idx.add.f32.msk $0xffff, v2  }
0x5e0: {  	v1 =	vld [tilespmem:s22+$0xFFFFFFC0];
	_ =	sdelay $0x2  }
0x5e1: {  	v2 =	vld [tilespmem:s0+$0xF830];
	_ =	sdelay $0x4  }
0x5e2: {  	[tilespmem:v1+s24+$0x0] =	vst.idx.add.f32.msk $0xffff, v2  }
0x5e3: {  	v2 =	vld [tilespmem:s0+$0xF8B0];
	_ =	sdelay $0x4  }
0x5e4: {  	[tilespmem:v1+s25+$0x0] =	vst.idx.add.f32.msk $0xffff, v2  }
0x5e5: {  	v1 =	vld [tilespmem:s22+$0xFFFFFFD0];
	_ =	sdelay $0x2  }
0x5e6: {  	v2 =	vld [tilespmem:s0+$0xF840];
	_ =	sdelay $0x4  }
0x5e7: {  	[tilespmem:v1+s24+$0x0] =	vst.idx.add.f32.msk $0xffff, v2  }
0x5e8: {  	v2 =	vld [tilespmem:s0+$0xF8C0];
	_ =	sdelay $0x4  }
0x5e9: {  	[tilespmem:v1+s25+$0x0] =	vst.idx.add.f32.msk $0xffff, v2  }
0x5ea: {  	v1 =	vld [tilespmem:s22+$0xFFFFFFE0];
	_ =	sdelay $0x2  }
0x5eb: {  	v2 =	vld [tilespmem:s0+$0xF850];
	_ =	sdelay $0x4  }
0x5ec: {  	[tilespmem:v1+s24+$0x0] =	vst.idx.add.f32.msk $0xffff, v2  }
0x5ed: {  	v2 =	vld [tilespmem:s0+$0xF8D0];
	_ =	sdelay $0x4  }
0x5ee: {  	[tilespmem:v1+s25+$0x0] =	vst.idx.add.f32.msk $0xffff, v2  }
0x5ef: {  	v1 =	vld [tilespmem:s22+$0xFFFFFFF0];
	_ =	sdelay $0x2  }
0x5f0: {  	v2 =	vld [tilespmem:s0+$0xF860];
	_ =	sdelay $0x4  }
0x5f1: {  	[tilespmem:v1+s24+$0x0] =	vst.idx.add.f32.msk $0xffff, v2  }
0x5f2: {  	v2 =	vld [tilespmem:s0+$0xF8E0];
	_ =	sdelay $0x4  }
0x5f3: {  	[tilespmem:v1+s25+$0x0] =	vst.idx.add.f32.msk $0xffff, v2  }
0x5f4: {  	v1 =	vld [tilespmem:s22+$0x0];
	_ =	sdelay $0x2  }
0x5f5: {  	v2 =	vld [tilespmem:s0+$0xF870];
	_ =	sdelay $0x4  }
0x5f6: {  	[tilespmem:v1+s24+$0x0] =	vst.idx.add.f32.msk $0xffff, v2  }
0x5f7: {  	p0 =	sne.s32 s5, $0x400;
	v2 =	vld [tilespmem:s0+$0xF8F0]  }
.Ltmp10:
0x5f8: {  	_ = 	snop;
	(pc) =	sbr.rel @p0 .LBB2_22-.Ltmp10, $2  }
0x5f9: {  	_ =	sdelay $0x2  }
0x5fa: {  	s5 =	sadd.s32 $0x400, s5;
	s22 =	sadd.s32 $0x80, s22;
	[tilespmem:v1+s25+$0x0] =	vst.idx.add.f32.msk $0xffff, v2  }
0x5fb: {  	[hbm4b:s11+s16] =	stream.strided.scatter [tilespmem:s24], [sflag:$0x5], $0x2800, s17, s16, $0x38;
	[tilespmem:$0x1C700] =	vst v63  }
0x5fc: {  	s30 =	sadd.s32 $0x1, s30;
	_ =	swait.ge [sflag:s29], $0x2800  }
0x5fd: {  	p0 =	sne.s32 s30, s15;
	[sflag:s29] =	ssyncset.done $0x0  }
.Ltmp11:
0x5fe: {  	[sflag:s29] =	ssyncadd.s32 $0xFFFFD800;
	(pc) =	sbr.rel @p0 .LBB2_1-.Ltmp11, $4  }
0x5ff: {  	[hbm4b:s14+s16] =	stream.strided.scatter [tilespmem:s25], [sflag:$0x5], $0x2800, s17, s16, $0x38;
	[tilespmem:$0x1C700] =	vst v63  }
0x600: {  	_ =	swait.ge [sflag:s29], $0x2800  }
0x601: {  	[sflag:s29] =	ssyncset.done $0x0  }
0x602: {  	[sflag:s29] =	ssyncadd.s32 $0xFFFFD800  }
0x603: {  	_ =	sfence.sel $0x180000  }
0x604: {  	[bflag:$0x0] =	sbarrier.arrive $0xFFFF  }
0x605: {  	_ =	strace $0x90000047  }
0x606: {  	s0 =	stileid.u32;
	[bflag:$0x2] =	sbarrier.arrive $0xFFFF  }
0x607: {  	p0 =	sne.s32 s0, $0x0;
	s0 =	rddreg [dreg:$0x3]  }
0x608: {  	s0 =	sadd.s32 @!p0 $0x100000, s0  }
0x609: {  	[sflag:s0] =	ssyncadd.tile.s32 @!p0 $0x1;
	_ =	shalt  }
.Lfunc_end2:
_tile_overlayer_lowered:
.L_overlay_start_2:
0x60a: {  	(tag) =	ssettag $0x2  }
0x60b: {  	s0 =	rddreg [dreg:$0x0];
	s2 =	stileid.u32  }
0x60c: {  	s1 =	rddreg [dreg:$0x1];
	p0 =	sne.s32 s2, $0x0  }
0x60d: {  	s3 =	rddreg [dreg:$0x2];
	[bflag:$0x3] =	sbarrier.arrive $0xFFFF;
	s2 =	simm.s32 @!p0 $0x1C05  }
0x60e: {  	[timem:s3], [sflag:s2] =	dma.local @!p0 [hbm:s0], s1  }
0x60f: {  	s0 =	simm.s32 @!p0 $0x5  }
0x610: {  	_ =	swait.ge @!p0 [sflag:s0], s1  }
0x611: {  	s1 =	ssub.s32 @!p0 $0x0, s1;
	[sflag:s0] =	ssyncset.done @!p0 $0x0  }
0x612: {  	[sflag:s0] =	ssyncadd.s32 @!p0 s1  }
0x613: {  	[bflag:$0x3] =	sbarrier.arrive $0xFFFF  }
0x614: {  	_ =	shalt  }

</sc_bundles>
